<compile_context>
chip_gen: v7x
topology: tpu7x:2x2x1
jax: 0.10.2.dev20260603
libtpu: 0.0.44.dev20260713+nightly
codegen_flags: <defaults>
</compile_context>

<pallas_src>
import functools

import jax
import jax.numpy as jnp
from jax import lax
from jax.experimental import pallas as pl
from jax.experimental.pallas import tpu as pltpu
from jax.experimental.pallas import tpu_sc as plsc

BATCH = 16384
D = 32
NW = 32

U_COLS = 1000001
O_COLS = 100001
U_TAIL = (U_COLS // 128) * 128
O_TAIL = (O_COLS // 128) * 128
U_BLOCKS = U_TAIL // 128
O_BLOCKS = O_TAIL // 128
U_BPW = -(-U_BLOCKS // NW)
O_BPW = -(-O_BLOCKS // NW)
CSZ = 1536
U_CHUNKS = -(-(U_BPW * 128) // CSZ)
O_CHUNKS = -(-(O_BPW * 128) // CSZ)
CAP = 4096
DUMP = 2 * BATCH

_mesh = plsc.VectorSubcoreMesh(core_axis_name="c", subcore_axis_name="s")


def _filter_pass(ids_v, pid_v, ppos_v, lo, hi):

    def row_body(r, n):
        for c in range(8):
            ids = ids_v[r, pl.ds(c * 16, 16)]
            posv = lax.iota(jnp.int32, 16) + (r * 128 + c * 16)
            m = (ids >= lo) & (ids < hi)
            nw = jnp.minimum(n, CAP - 16)
            plsc.store_compressed(pid_v.at[pl.ds(nw, 16)], ids, mask=m)
            plsc.store_compressed(ppos_v.at[pl.ds(nw, 16)], posv, mask=m)
            n = n + plsc.all_reduce_population_count(m)[0]
        return n

    return lax.fori_loop(0, 128, row_body, jnp.int32(0))


def _refilter(pid_v, ppos_v, n_pairs, c_lo, c_hi, cid_v, cpos_v):

    def vec_body(i, n):
        lane = lax.iota(jnp.int32, 16) + i * 16
        ids = pid_v[pl.ds(i * 16, 16)]
        posv = ppos_v[pl.ds(i * 16, 16)]
        m = (lane < n_pairs) & (ids >= c_lo) & (ids < c_hi)
        nw = jnp.minimum(n, CAP - 16)
        plsc.store_compressed(cid_v.at[pl.ds(nw, 16)], ids, mask=m)
        plsc.store_compressed(cpos_v.at[pl.ds(nw, 16)], posv, mask=m)
        return n + plsc.all_reduce_population_count(m)[0]

    return lax.fori_loop(0, (n_pairs + 15) // 16, vec_body, jnp.int32(0))


def _extract_scatter(src_v, transposed, base_col, pos_off,
                     cid_v, cpos_v, nc, rowbuf_v, wpos_v, scr_hbm, sem):

    def wave_body(wv, _):
        wbase = wv * 128

        def grp_body(g, _):
            lane = lax.iota(jnp.int32, 16) + (wbase + g * 16)
            mv = lane < nc
            idx = jnp.minimum(lane, CAP - 1)
            tvec = plsc.load_gather(cid_v, [idx]) - base_col
            pvec = plsc.load_gather(cpos_v, [idx]) + pos_off
            pvec = jnp.where(mv, pvec, -1)
            wpos_v[pl.ds(g * 16, 16)] = pvec
            rows = lax.iota(jnp.int32, 16) + g * 16
            for f in range(D):
                fvec = jnp.full((16,), f, jnp.int32)
                if transposed:
                    vals = plsc.load_gather(src_v, [fvec, tvec], mask=mv)
                else:
                    vals = plsc.load_gather(src_v, [tvec, fvec], mask=mv)
                plsc.store_scatter(rowbuf_v, [rows, fvec], vals, mask=mv)
            return 0

        lax.fori_loop(0, 8, grp_body, 0)
        pltpu.async_copy(
            rowbuf_v,
            scr_hbm.at[plsc.Indices(wpos_v, ignored_value=-1)],
            sem).wait()
        return 0

    lax.fori_loop(0, (nc + 127) // 128, wave_body, 0)


def _table_pipeline(ids2_hbm, tab_hbm, tail_hbm, scr_hbm, pos_off,
                    n_blocks, bpw, n_chunks, tail_lo, wid, rows_v, r128_v,
                    ids_v, pid_v, ppos_v, cid_v, cpos_v,
                    slab_v, rowbuf_v, wpos_v, tail_v, sem):
    lo_blk = jnp.minimum(wid * bpw, n_blocks)
    hi_blk = jnp.minimum(lo_blk + bpw, n_blocks)
    lo = lo_blk * 128
    hi = hi_blk * 128
    hi_f = jnp.where(wid == NW - 1, jnp.int32(1 << 30), hi)

    pltpu.async_copy(ids2_hbm.at[r128_v], ids_v, sem).wait()
    n_pairs = _filter_pass(ids_v, pid_v, ppos_v, lo, hi_f)

    def chunk_body(c, _):
        c_lo = lo + c * CSZ
        c_hi = jnp.minimum(c_lo + CSZ, hi)

        @pl.when(c_lo < c_hi)
        def _():
            dma_lo = pl.multiple_of(jnp.maximum(c_hi - CSZ, 0), 128)
            src = tab_hbm.at[:, pl.ds(dma_lo, CSZ)]
            pltpu.async_copy(src.at[rows_v], slab_v, sem).wait()
            nc = _refilter(pid_v, ppos_v, n_pairs, c_lo, c_hi, cid_v, cpos_v)
            _extract_scatter(slab_v, True, dma_lo, pos_off,
                             cid_v, cpos_v, nc, rowbuf_v, wpos_v,
                             scr_hbm, sem)

        return 0

    lax.fori_loop(0, n_chunks, chunk_body, 0)

    @pl.when(wid == NW - 1)
    def _():
        pltpu.async_copy(tail_hbm.at[r128_v], tail_v, sem).wait()
        nc = _refilter(pid_v, ppos_v, n_pairs, tail_lo, jnp.int32(1 << 30),
                       cid_v, cpos_v)
        _extract_scatter(tail_v, False, tail_lo, pos_off,
                         cid_v, cpos_v, nc, rowbuf_v, wpos_v, scr_hbm, sem)


@functools.partial(
    pl.kernel,
    out_type=jax.ShapeDtypeStruct((2 * BATCH + 1, 128), jnp.float32),
    mesh=_mesh,
    compiler_params=pltpu.CompilerParams(needs_layout_passes=False),
    scratch_types=[
        pltpu.VMEM((D,), jnp.int32),
        pltpu.VMEM((128,), jnp.int32),
        pltpu.VMEM((128, 128), jnp.int32),
        pltpu.VMEM((CAP,), jnp.int32),
        pltpu.VMEM((CAP,), jnp.int32),
        pltpu.VMEM((CAP,), jnp.int32),
        pltpu.VMEM((CAP,), jnp.int32),
        pltpu.VMEM((D, CSZ), jnp.float32),
        pltpu.VMEM((128, 128), jnp.float32),
        pltpu.VMEM((128,), jnp.int32),
        pltpu.VMEM((128, 128), jnp.float32),
        pltpu.SemaphoreType.DMA,
    ],
)
def _sweep(cid2_hbm, oid2_hbm, ut_hbm, ot_hbm, tailu_hbm, tailo_hbm, scr_hbm,
           rows_v, r128_v, ids_v, pid_v, ppos_v, cid_v, cpos_v, slab_v,
           rowbuf_v, wpos_v, tail_v, sem):
    wid = lax.axis_index("s") * 2 + lax.axis_index("c")
    for g in range(2):
        rows_v[pl.ds(g * 16, 16)] = lax.iota(jnp.int32, 16) + g * 16
    for g in range(8):
        r128_v[pl.ds(g * 16, 16)] = lax.iota(jnp.int32, 16) + g * 16

    _table_pipeline(cid2_hbm, ut_hbm, tailu_hbm, scr_hbm, 0,
                    U_BLOCKS, U_BPW, U_CHUNKS, U_TAIL, wid, rows_v, r128_v,
                    ids_v, pid_v, ppos_v, cid_v, cpos_v,
                    slab_v, rowbuf_v, wpos_v, tail_v, sem)

    _table_pipeline(oid2_hbm, ot_hbm, tailo_hbm, scr_hbm, BATCH,
                    O_BLOCKS, O_BPW, O_CHUNKS, O_TAIL, wid, rows_v, r128_v,
                    ids_v, pid_v, ppos_v, cid_v, cpos_v,
                    slab_v, rowbuf_v, wpos_v, tail_v, sem)


B_PER_W = BATCH // NW


def _tc_merge_body(u_ref, o_ref, out_ref):
    out_ref[...] = jnp.concatenate([u_ref[:, :D], o_ref[:, :D]], axis=1)


_tc_merge = pl.pallas_call(
    _tc_merge_body,
    grid=(NW,),
    in_specs=[
        pl.BlockSpec((B_PER_W, 128), lambda i: (i, 0)),
        pl.BlockSpec((B_PER_W, 128), lambda i: (i + NW, 0)),
    ],
    out_specs=pl.BlockSpec((B_PER_W, 2 * D), lambda i: (i, 0)),
    out_shape=jax.ShapeDtypeStruct((BATCH, 2 * D), jnp.float32),
)


def kernel(clientId, organization, user_table, org_table):
    cid2 = clientId.astype(jnp.int32).reshape(128, 128)
    oid2 = organization.astype(jnp.int32).reshape(128, 128)
    ut = user_table.T
    ot = org_table.T
    tail_u = jnp.pad(user_table[U_TAIL:],
                     ((0, 128 - (U_COLS - U_TAIL)), (0, 96)))
    tail_o = jnp.pad(org_table[O_TAIL:],
                     ((0, 128 - (O_COLS - O_TAIL)), (0, 96)))
    scr = _sweep(cid2, oid2, ut, ot, tail_u, tail_o)
    return _tc_merge(scr, scr)

# --- scband reference (transcript-rebuilt; emitter-appended) ---
"""Pipeline reference for scband-user-model-40157944218387 (READ-ONLY COPY).

The authoritative reference and input builder live on the scoring server;
editing this copy changes nothing except your own understanding.
"""

import jax, jax.numpy as jnp
import numpy as np

CLIENT_VOCAB = 1000000
ORG_VOCAB = 100000
EMBED_DIM = 32
BATCH = 16384

def setup_inputs(seed: int = 0) -> dict:
    key = jax.random.key(seed)
    k1, k2, k3, k4 = jax.random.split(key, 4)
    clientId = jax.random.randint(k1, (BATCH,), 0, CLIENT_VOCAB + 1, dtype=jnp.int64 if jax.config.jax_enable_x64 else jnp.int32)
    organization = jax.random.randint(k2, (BATCH,), 0, ORG_VOCAB + 1, dtype=jnp.int64 if jax.config.jax_enable_x64 else jnp.int32)
    # Embedding tables sized len(vocab)+1 as in the keras module (StringLookup OOV slot)
    user_table = jax.random.normal(k3, (CLIENT_VOCAB + 1, EMBED_DIM), dtype=jnp.float32) * 0.05
    org_table = jax.random.normal(k4, (ORG_VOCAB + 1, EMBED_DIM), dtype=jnp.float32) * 0.05
    return {"clientId": clientId, "organization": organization, "user_table": user_table, "org_table": org_table}

def reference(clientId, organization, user_table, org_table):
    # StringLookup is an integerization step; indices here are already integer ids.
    user_emb = jnp.take(user_table, clientId, axis=0)
    org_emb = jnp.take(org_table, organization, axis=0)
    return jnp.concatenate([user_emb, org_emb], axis=1)

if __name__ == "__main__":
    import jax
    _d = setup_inputs()
    print(jax.jit(kernel)(*tuple(_d.values())))

</pallas_src>

<mosaic_0001>
#map = affine_map<(d0, d1) -> (0, 0)>
module attributes {stable_mosaic.version = 14 : i64} {
  func.func @_sweep(%arg0: i32, %arg1: i32, %arg2: memref<128x128xi32, #tpu.memory_space<hbm>>, %arg3: memref<128x128xi32, #tpu.memory_space<hbm>>, %arg4: memref<32x1000001xf32, #tpu.memory_space<hbm>>, %arg5: memref<32x100001xf32, #tpu.memory_space<hbm>>, %arg6: memref<128x128xf32, #tpu.memory_space<hbm>>, %arg7: memref<128x128xf32, #tpu.memory_space<hbm>>, %arg8: memref<32769x128xf32, #tpu.memory_space<hbm>>, %arg9: memref<32xi32, #tpu.memory_space<vmem>>, %arg10: memref<128xi32, #tpu.memory_space<vmem>>, %arg11: memref<128x128xi32, #tpu.memory_space<vmem>>, %arg12: memref<4096xi32, #tpu.memory_space<vmem>>, %arg13: memref<4096xi32, #tpu.memory_space<vmem>>, %arg14: memref<4096xi32, #tpu.memory_space<vmem>>, %arg15: memref<4096xi32, #tpu.memory_space<vmem>>, %arg16: memref<32x1536xf32, #tpu.memory_space<vmem>>, %arg17: memref<128x128xf32, #tpu.memory_space<vmem>>, %arg18: memref<128xi32, #tpu.memory_space<vmem>>, %arg19: memref<128x128xf32, #tpu.memory_space<vmem>>, %arg20: memref<!tpu.dma_semaphore, #tpu.memory_space<semaphore_mem>>) attributes {dimension_semantics = [#tpu.dimension_semantics<core_parallel>, #tpu.dimension_semantics<subcore_parallel>], iteration_bounds = array<i64: 2, 16>, scalar_prefetch = 0 : i64, scratch_operands = 12 : i64, tpu.core_type = #tpu.core_type<sc_vector_subcore>, window_params = [{transform_indices = #map}, {transform_indices = #map}, {transform_indices = #map}, {transform_indices = #map}, {transform_indices = #map}, {transform_indices = #map}, {transform_indices = #map}]} {
    %mul3A = arith.constant 2 : i32
    %mul3A_0 = arith.muli %arg1, %mul3A : i32
    %add3A = arith.addi %mul3A_0, %arg0 : i32
    %iota3A = tpu.iota {dimensions = array<i32: 0>} : vector<16xi32>
    %add3A_1 = arith.constant 0 : i32
    %add3A_2 = vector.broadcast %add3A_1 : i32 to vector<16xi32>
    %add3A_3 = arith.addi %iota3A, %add3A_2 : vector<16xi32>
    %swap3A = arith.constant 0 : index
    %swap3A_4 = tpu.vector_load %arg9[%swap3A] {strides = array<i32>} : memref<32xi32, #tpu.memory_space<vmem>>, vector<16xi32>,
    tpu.vector_store %arg9[%swap3A], %add3A_3 {strides = array<i32>} : memref<32xi32, #tpu.memory_space<vmem>>, vector<16xi32>,
    %iota3A_5 = tpu.iota {dimensions = array<i32: 0>} : vector<16xi32>
    %add3A_6 = arith.constant 16 : i32
    %add3A_7 = vector.broadcast %add3A_6 : i32 to vector<16xi32>
    %add3A_8 = arith.addi %iota3A_5, %add3A_7 : vector<16xi32>
    %swap3A_9 = arith.constant 16 : index
    %swap3A_10 = tpu.vector_load %arg9[%swap3A_9] {strides = array<i32>} : memref<32xi32, #tpu.memory_space<vmem>>, vector<16xi32>,
    tpu.vector_store %arg9[%swap3A_9], %add3A_8 {strides = array<i32>} : memref<32xi32, #tpu.memory_space<vmem>>, vector<16xi32>,
    %iota3A_11 = tpu.iota {dimensions = array<i32: 0>} : vector<16xi32>
    %add3A_12 = arith.constant 0 : i32
    %add3A_13 = vector.broadcast %add3A_12 : i32 to vector<16xi32>
    %add3A_14 = arith.addi %iota3A_11, %add3A_13 : vector<16xi32>
    %swap3A_15 = arith.constant 0 : index
    %swap3A_16 = tpu.vector_load %arg10[%swap3A_15] {strides = array<i32>} : memref<128xi32, #tpu.memory_space<vmem>>, vector<16xi32>,
    tpu.vector_store %arg10[%swap3A_15], %add3A_14 {strides = array<i32>} : memref<128xi32, #tpu.memory_space<vmem>>, vector<16xi32>,
    %iota3A_17 = tpu.iota {dimensions = array<i32: 0>} : vector<16xi32>
    %add3A_18 = arith.constant 16 : i32
    %add3A_19 = vector.broadcast %add3A_18 : i32 to vector<16xi32>
    %add3A_20 = arith.addi %iota3A_17, %add3A_19 : vector<16xi32>
    %swap3A_21 = arith.constant 16 : index
    %swap3A_22 = tpu.vector_load %arg10[%swap3A_21] {strides = array<i32>} : memref<128xi32, #tpu.memory_space<vmem>>, vector<16xi32>,
    tpu.vector_store %arg10[%swap3A_21], %add3A_20 {strides = array<i32>} : memref<128xi32, #tpu.memory_space<vmem>>, vector<16xi32>,
    %iota3A_23 = tpu.iota {dimensions = array<i32: 0>} : vector<16xi32>
    %add3A_24 = arith.constant 32 : i32
    %add3A_25 = vector.broadcast %add3A_24 : i32 to vector<16xi32>
    %add3A_26 = arith.addi %iota3A_23, %add3A_25 : vector<16xi32>
    %swap3A_27 = arith.constant 32 : index
    %swap3A_28 = tpu.vector_load %arg10[%swap3A_27] {strides = array<i32>} : memref<128xi32, #tpu.memory_space<vmem>>, vector<16xi32>,
    tpu.vector_store %arg10[%swap3A_27], %add3A_26 {strides = array<i32>} : memref<128xi32, #tpu.memory_space<vmem>>, vector<16xi32>,
    %iota3A_29 = tpu.iota {dimensions = array<i32: 0>} : vector<16xi32>
    %add3A_30 = arith.constant 48 : i32
    %add3A_31 = vector.broadcast %add3A_30 : i32 to vector<16xi32>
    %add3A_32 = arith.addi %iota3A_29, %add3A_31 : vector<16xi32>
    %swap3A_33 = arith.constant 48 : index
    %swap3A_34 = tpu.vector_load %arg10[%swap3A_33] {strides = array<i32>} : memref<128xi32, #tpu.memory_space<vmem>>, vector<16xi32>,
    tpu.vector_store %arg10[%swap3A_33], %add3A_32 {strides = array<i32>} : memref<128xi32, #tpu.memory_space<vmem>>, vector<16xi32>,
    %iota3A_35 = tpu.iota {dimensions = array<i32: 0>} : vector<16xi32>
    %add3A_36 = arith.constant 64 : i32
    %add3A_37 = vector.broadcast %add3A_36 : i32 to vector<16xi32>
    %add3A_38 = arith.addi %iota3A_35, %add3A_37 : vector<16xi32>
    %swap3A_39 = arith.constant 64 : index
    %swap3A_40 = tpu.vector_load %arg10[%swap3A_39] {strides = array<i32>} : memref<128xi32, #tpu.memory_space<vmem>>, vector<16xi32>,
    tpu.vector_store %arg10[%swap3A_39], %add3A_38 {strides = array<i32>} : memref<128xi32, #tpu.memory_space<vmem>>, vector<16xi32>,
    %iota3A_41 = tpu.iota {dimensions = array<i32: 0>} : vector<16xi32>
    %add3A_42 = arith.constant 80 : i32
    %add3A_43 = vector.broadcast %add3A_42 : i32 to vector<16xi32>
    %add3A_44 = arith.addi %iota3A_41, %add3A_43 : vector<16xi32>
    %swap3A_45 = arith.constant 80 : index
    %swap3A_46 = tpu.vector_load %arg10[%swap3A_45] {strides = array<i32>} : memref<128xi32, #tpu.memory_space<vmem>>, vector<16xi32>,
    tpu.vector_store %arg10[%swap3A_45], %add3A_44 {strides = array<i32>} : memref<128xi32, #tpu.memory_space<vmem>>, vector<16xi32>,
    %iota3A_47 = tpu.iota {dimensions = array<i32: 0>} : vector<16xi32>
    %add3A_48 = arith.constant 96 : i32
    %add3A_49 = vector.broadcast %add3A_48 : i32 to vector<16xi32>
    %add3A_50 = arith.addi %iota3A_47, %add3A_49 : vector<16xi32>
    %swap3A_51 = arith.constant 96 : index
    %swap3A_52 = tpu.vector_load %arg10[%swap3A_51] {strides = array<i32>} : memref<128xi32, #tpu.memory_space<vmem>>, vector<16xi32>,
    tpu.vector_store %arg10[%swap3A_51], %add3A_50 {strides = array<i32>} : memref<128xi32, #tpu.memory_space<vmem>>, vector<16xi32>,
    %iota3A_53 = tpu.iota {dimensions = array<i32: 0>} : vector<16xi32>
    %add3A_54 = arith.constant 112 : i32
    %add3A_55 = vector.broadcast %add3A_54 : i32 to vector<16xi32>
    %add3A_56 = arith.addi %iota3A_53, %add3A_55 : vector<16xi32>
    %swap3A_57 = arith.constant 112 : index
    %swap3A_58 = tpu.vector_load %arg10[%swap3A_57] {strides = array<i32>} : memref<128xi32, #tpu.memory_space<vmem>>, vector<16xi32>,
    tpu.vector_store %arg10[%swap3A_57], %add3A_56 {strides = array<i32>} : memref<128xi32, #tpu.memory_space<vmem>>, vector<16xi32>,
    %mul3A_59 = arith.constant 245 : i32
    %mul3A_60 = arith.muli %add3A, %mul3A_59 : i32
    %min3A = arith.constant 7812 : i32
    %min3A_61 = arith.minsi %mul3A_60, %min3A : i32
    %add3A_62 = arith.constant 245 : i32
    %add3A_63 = arith.addi %min3A_61, %add3A_62 : i32
    %min3A_64 = arith.constant 7812 : i32
    %min3A_65 = arith.minsi %add3A_63, %min3A_64 : i32
    %mul3A_66 = arith.constant 128 : i32
    %mul3A_67 = arith.muli %min3A_61, %mul3A_66 : i32
    %mul3A_68 = arith.constant 128 : i32
    %mul3A_69 = arith.muli %min3A_65, %mul3A_68 : i32
    %eq3A = arith.constant 31 : i32
    %eq3A_70 = arith.cmpi eq, %add3A, %eq3A : i32
    %jit3A = arith.constant 1073741824 : i32
    %select_n3A = arith.select %eq3A_70, %jit3A, %mul3A_69 : i32
    %dma_start3A = arith.constant 0 : i32
    %dma_start3A_71 = arith.constant 0 : i32
    %dma_start3A_72 = tpu.memref_slice %arg2[%dma_start3A, %dma_start3A_71] : memref<128x128xi32, #tpu.memory_space<hbm>> -> memref<128x128xi32, #tpu.memory_space<hbm>>
    tpu.enqueue_indirect_dma source(%dma_start3A_72 : memref<128x128xi32, #tpu.memory_space<hbm>>) target(%arg11 : memref<128x128xi32, #tpu.memory_space<vmem>>) offsets(%arg10 : memref<128xi32, #tpu.memory_space<vmem>>) semaphore(%arg20 : memref<!tpu.dma_semaphore, #tpu.memory_space<semaphore_mem>>)
    %dma_wait3A = arith.constant 0 : i32
    %dma_wait3A_73 = arith.constant 0 : i32
    %dma_wait3A_74 = tpu.memref_slice %arg2[%dma_wait3A, %dma_wait3A_73] : memref<128x128xi32, #tpu.memory_space<hbm>> -> memref<128x128xi32, #tpu.memory_space<hbm>>
    tpu.wait_indirect_dma semaphore(%arg20 : memref<!tpu.dma_semaphore, #tpu.memory_space<semaphore_mem>>) src(%dma_wait3A_74 : memref<128x128xi32, #tpu.memory_space<hbm>>) dst(%arg11 : memref<128x128xi32, #tpu.memory_space<vmem>>)
    %scan3A = arith.constant 0 : i32
    %scan3A_75 = arith.constant 0 : i32
    %scan3A_76 = arith.constant 128 : i32
    %scan3A_77 = arith.addi %scan3A_75, %scan3A_76 : i32
    %scan3A_78 = arith.constant 1 : i32
    %scan3A_79 = scf.for %scan3A_132 = %scan3A_75 to %scan3A_77 step %scan3A_78 iter_args(%scan3A_133 = %scan3A) -> (i32)  : i32 {
      %get3A = arith.index_cast %scan3A_132 : i32 to index
      %get3A_134 = arith.constant 0 : index
      %get3A_135 = tpu.vector_load %arg11[%get3A, %get3A_134] {strides = array<i32>} : memref<128x128xi32, #tpu.memory_space<vmem>>, vector<16xi32>,
      %iota3A_136 = tpu.iota {dimensions = array<i32: 0>} : vector<16xi32>
      %mul3A_137 = arith.constant 128 : i32
      %mul3A_138 = arith.muli %scan3A_132, %mul3A_137 : i32
      %add3A_139 = arith.constant 0 : i32
      %add3A_140 = arith.addi %mul3A_138, %add3A_139 : i32
      %add3A_141 = vector.broadcast %add3A_140 : i32 to vector<16xi32>
      %add3A_142 = arith.addi %iota3A_136, %add3A_141 : vector<16xi32>
      %ge3A = vector.broadcast %mul3A_67 : i32 to vector<16xi32>
      %ge3A_143 = arith.cmpi sge, %get3A_135, %ge3A : vector<16xi32>
      %lt3A = vector.broadcast %select_n3A : i32 to vector<16xi32>
      %lt3A_144 = arith.cmpi slt, %get3A_135, %lt3A : vector<16xi32>
      %and3A = arith.andi %ge3A_143, %lt3A_144 : vector<16xi1>
      %min3A_145 = arith.constant 4080 : i32
      %min3A_146 = arith.minsi %scan3A_133, %min3A_145 : i32
      %swap3A_147 = arith.index_cast %min3A_146 : i32 to index
      %swap3A_148 = tpu.vector_load %arg12[%swap3A_147] masked %and3A {strides = array<i32>} : memref<4096xi32, #tpu.memory_space<vmem>>, vector<16xi32>, vector<16xi1>
      tpu.vector_store %arg12[%swap3A_147], %get3A_135 masked %and3A {strides = array<i32>} : memref<4096xi32, #tpu.memory_space<vmem>>, vector<16xi32>, vector<16xi1>
      %swap3A_149 = arith.index_cast %min3A_146 : i32 to index
      %swap3A_150 = tpu.vector_load %arg13[%swap3A_149] masked %and3A {strides = array<i32>} : memref<4096xi32, #tpu.memory_space<vmem>>, vector<16xi32>, vector<16xi1>
      tpu.vector_store %arg13[%swap3A_149], %add3A_142 masked %and3A {strides = array<i32>} : memref<4096xi32, #tpu.memory_space<vmem>>, vector<16xi32>, vector<16xi1>
      %all_reduce_population_count3A = tpu.all_reduce %and3A {dim = 0 : i64, kind = #tpu.reduction_kind<sum>} : vector<16xi1> -> vector<16xi32>
      %slice3A = vector.extract_strided_slice %all_reduce_population_count3A {offsets = [0], sizes = [1], strides = [1]} : vector<16xi32> to vector<1xi32>
      %squeeze3A = vector.extract %slice3A[0] : i32 from vector<1xi32>
      %add3A_151 = arith.addi %scan3A_133, %squeeze3A : i32
      %get3A_152 = arith.index_cast %scan3A_132 : i32 to index
      %get3A_153 = arith.constant 16 : index
      %get3A_154 = tpu.vector_load %arg11[%get3A_152, %get3A_153] {strides = array<i32>} : memref<128x128xi32, #tpu.memory_space<vmem>>, vector<16xi32>,
      %iota3A_155 = tpu.iota {dimensions = array<i32: 0>} : vector<16xi32>
      %mul3A_156 = arith.constant 128 : i32
      %mul3A_157 = arith.muli %scan3A_132, %mul3A_156 : i32
      %add3A_158 = arith.constant 16 : i32
      %add3A_159 = arith.addi %mul3A_157, %add3A_158 : i32
      %add3A_160 = vector.broadcast %add3A_159 : i32 to vector<16xi32>
      %add3A_161 = arith.addi %iota3A_155, %add3A_160 : vector<16xi32>
      %ge3A_162 = vector.broadcast %mul3A_67 : i32 to vector<16xi32>
      %ge3A_163 = arith.cmpi sge, %get3A_154, %ge3A_162 : vector<16xi32>
      %lt3A_164 = vector.broadcast %select_n3A : i32 to vector<16xi32>
      %lt3A_165 = arith.cmpi slt, %get3A_154, %lt3A_164 : vector<16xi32>
      %and3A_166 = arith.andi %ge3A_163, %lt3A_165 : vector<16xi1>
      %min3A_167 = arith.constant 4080 : i32
      %min3A_168 = arith.minsi %add3A_151, %min3A_167 : i32
      %swap3A_169 = arith.index_cast %min3A_168 : i32 to index
      %swap3A_170 = tpu.vector_load %arg12[%swap3A_169] masked %and3A_166 {strides = array<i32>} : memref<4096xi32, #tpu.memory_space<vmem>>, vector<16xi32>, vector<16xi1>
      tpu.vector_store %arg12[%swap3A_169], %get3A_154 masked %and3A_166 {strides = array<i32>} : memref<4096xi32, #tpu.memory_space<vmem>>, vector<16xi32>, vector<16xi1>
      %swap3A_171 = arith.index_cast %min3A_168 : i32 to index
      %swap3A_172 = tpu.vector_load %arg13[%swap3A_171] masked %and3A_166 {strides = array<i32>} : memref<4096xi32, #tpu.memory_space<vmem>>, vector<16xi32>, vector<16xi1>
      tpu.vector_store %arg13[%swap3A_171], %add3A_161 masked %and3A_166 {strides = array<i32>} : memref<4096xi32, #tpu.memory_space<vmem>>, vector<16xi32>, vector<16xi1>
      %all_reduce_population_count3A_173 = tpu.all_reduce %and3A_166 {dim = 0 : i64, kind = #tpu.reduction_kind<sum>} : vector<16xi1> -> vector<16xi32>
      %slice3A_174 = vector.extract_strided_slice %all_reduce_population_count3A_173 {offsets = [0], sizes = [1], strides = [1]} : vector<16xi32> to vector<1xi32>
      %squeeze3A_175 = vector.extract %slice3A_174[0] : i32 from vector<1xi32>
      %add3A_176 = arith.addi %add3A_151, %squeeze3A_175 : i32
      %get3A_177 = arith.index_cast %scan3A_132 : i32 to index
      %get3A_178 = arith.constant 32 : index
      %get3A_179 = tpu.vector_load %arg11[%get3A_177, %get3A_178] {strides = array<i32>} : memref<128x128xi32, #tpu.memory_space<vmem>>, vector<16xi32>,
      %iota3A_180 = tpu.iota {dimensions = array<i32: 0>} : vector<16xi32>
      %mul3A_181 = arith.constant 128 : i32
      %mul3A_182 = arith.muli %scan3A_132, %mul3A_181 : i32
      %add3A_183 = arith.constant 32 : i32
      %add3A_184 = arith.addi %mul3A_182, %add3A_183 : i32
      %add3A_185 = vector.broadcast %add3A_184 : i32 to vector<16xi32>
      %add3A_186 = arith.addi %iota3A_180, %add3A_185 : vector<16xi32>
      %ge3A_187 = vector.broadcast %mul3A_67 : i32 to vector<16xi32>
      %ge3A_188 = arith.cmpi sge, %get3A_179, %ge3A_187 : vector<16xi32>
      %lt3A_189 = vector.broadcast %select_n3A : i32 to vector<16xi32>
      %lt3A_190 = arith.cmpi slt, %get3A_179, %lt3A_189 : vector<16xi32>
      %and3A_191 = arith.andi %ge3A_188, %lt3A_190 : vector<16xi1>
      %min3A_192 = arith.constant 4080 : i32
      %min3A_193 = arith.minsi %add3A_176, %min3A_192 : i32
      %swap3A_194 = arith.index_cast %min3A_193 : i32 to index
      %swap3A_195 = tpu.vector_load %arg12[%swap3A_194] masked %and3A_191 {strides = array<i32>} : memref<4096xi32, #tpu.memory_space<vmem>>, vector<16xi32>, vector<16xi1>
      tpu.vector_store %arg12[%swap3A_194], %get3A_179 masked %and3A_191 {strides = array<i32>} : memref<4096xi32, #tpu.memory_space<vmem>>, vector<16xi32>, vector<16xi1>
      %swap3A_196 = arith.index_cast %min3A_193 : i32 to index
      %swap3A_197 = tpu.vector_load %arg13[%swap3A_196] masked %and3A_191 {strides = array<i32>} : memref<4096xi32, #tpu.memory_space<vmem>>, vector<16xi32>, vector<16xi1>
      tpu.vector_store %arg13[%swap3A_196], %add3A_186 masked %and3A_191 {strides = array<i32>} : memref<4096xi32, #tpu.memory_space<vmem>>, vector<16xi32>, vector<16xi1>
      %all_reduce_population_count3A_198 = tpu.all_reduce %and3A_191 {dim = 0 : i64, kind = #tpu.reduction_kind<sum>} : vector<16xi1> -> vector<16xi32>
      %slice3A_199 = vector.extract_strided_slice %all_reduce_population_count3A_198 {offsets = [0], sizes = [1], strides = [1]} : vector<16xi32> to vector<1xi32>
      %squeeze3A_200 = vector.extract %slice3A_199[0] : i32 from vector<1xi32>
      %add3A_201 = arith.addi %add3A_176, %squeeze3A_200 : i32
      %get3A_202 = arith.index_cast %scan3A_132 : i32 to index
      %get3A_203 = arith.constant 48 : index
      %get3A_204 = tpu.vector_load %arg11[%get3A_202, %get3A_203] {strides = array<i32>} : memref<128x128xi32, #tpu.memory_space<vmem>>, vector<16xi32>,
      %iota3A_205 = tpu.iota {dimensions = array<i32: 0>} : vector<16xi32>
      %mul3A_206 = arith.constant 128 : i32
      %mul3A_207 = arith.muli %scan3A_132, %mul3A_206 : i32
      %add3A_208 = arith.constant 48 : i32
      %add3A_209 = arith.addi %mul3A_207, %add3A_208 : i32
      %add3A_210 = vector.broadcast %add3A_209 : i32 to vector<16xi32>
      %add3A_211 = arith.addi %iota3A_205, %add3A_210 : vector<16xi32>
      %ge3A_212 = vector.broadcast %mul3A_67 : i32 to vector<16xi32>
      %ge3A_213 = arith.cmpi sge, %get3A_204, %ge3A_212 : vector<16xi32>
      %lt3A_214 = vector.broadcast %select_n3A : i32 to vector<16xi32>
      %lt3A_215 = arith.cmpi slt, %get3A_204, %lt3A_214 : vector<16xi32>
      %and3A_216 = arith.andi %ge3A_213, %lt3A_215 : vector<16xi1>
      %min3A_217 = arith.constant 4080 : i32
      %min3A_218 = arith.minsi %add3A_201, %min3A_217 : i32
      %swap3A_219 = arith.index_cast %min3A_218 : i32 to index
      %swap3A_220 = tpu.vector_load %arg12[%swap3A_219] masked %and3A_216 {strides = array<i32>} : memref<4096xi32, #tpu.memory_space<vmem>>, vector<16xi32>, vector<16xi1>
      tpu.vector_store %arg12[%swap3A_219], %get3A_204 masked %and3A_216 {strides = array<i32>} : memref<4096xi32, #tpu.memory_space<vmem>>, vector<16xi32>, vector<16xi1>
      %swap3A_221 = arith.index_cast %min3A_218 : i32 to index
      %swap3A_222 = tpu.vector_load %arg13[%swap3A_221] masked %and3A_216 {strides = array<i32>} : memref<4096xi32, #tpu.memory_space<vmem>>, vector<16xi32>, vector<16xi1>
      tpu.vector_store %arg13[%swap3A_221], %add3A_211 masked %and3A_216 {strides = array<i32>} : memref<4096xi32, #tpu.memory_space<vmem>>, vector<16xi32>, vector<16xi1>
      %all_reduce_population_count3A_223 = tpu.all_reduce %and3A_216 {dim = 0 : i64, kind = #tpu.reduction_kind<sum>} : vector<16xi1> -> vector<16xi32>
      %slice3A_224 = vector.extract_strided_slice %all_reduce_population_count3A_223 {offsets = [0], sizes = [1], strides = [1]} : vector<16xi32> to vector<1xi32>
      %squeeze3A_225 = vector.extract %slice3A_224[0] : i32 from vector<1xi32>
      %add3A_226 = arith.addi %add3A_201, %squeeze3A_225 : i32
      %get3A_227 = arith.index_cast %scan3A_132 : i32 to index
      %get3A_228 = arith.constant 64 : index
      %get3A_229 = tpu.vector_load %arg11[%get3A_227, %get3A_228] {strides = array<i32>} : memref<128x128xi32, #tpu.memory_space<vmem>>, vector<16xi32>,
      %iota3A_230 = tpu.iota {dimensions = array<i32: 0>} : vector<16xi32>
      %mul3A_231 = arith.constant 128 : i32
      %mul3A_232 = arith.muli %scan3A_132, %mul3A_231 : i32
      %add3A_233 = arith.constant 64 : i32
      %add3A_234 = arith.addi %mul3A_232, %add3A_233 : i32
      %add3A_235 = vector.broadcast %add3A_234 : i32 to vector<16xi32>
      %add3A_236 = arith.addi %iota3A_230, %add3A_235 : vector<16xi32>
      %ge3A_237 = vector.broadcast %mul3A_67 : i32 to vector<16xi32>
      %ge3A_238 = arith.cmpi sge, %get3A_229, %ge3A_237 : vector<16xi32>
      %lt3A_239 = vector.broadcast %select_n3A : i32 to vector<16xi32>
      %lt3A_240 = arith.cmpi slt, %get3A_229, %lt3A_239 : vector<16xi32>
      %and3A_241 = arith.andi %ge3A_238, %lt3A_240 : vector<16xi1>
      %min3A_242 = arith.constant 4080 : i32
      %min3A_243 = arith.minsi %add3A_226, %min3A_242 : i32
      %swap3A_244 = arith.index_cast %min3A_243 : i32 to index
      %swap3A_245 = tpu.vector_load %arg12[%swap3A_244] masked %and3A_241 {strides = array<i32>} : memref<4096xi32, #tpu.memory_space<vmem>>, vector<16xi32>, vector<16xi1>
      tpu.vector_store %arg12[%swap3A_244], %get3A_229 masked %and3A_241 {strides = array<i32>} : memref<4096xi32, #tpu.memory_space<vmem>>, vector<16xi32>, vector<16xi1>
      %swap3A_246 = arith.index_cast %min3A_243 : i32 to index
      %swap3A_247 = tpu.vector_load %arg13[%swap3A_246] masked %and3A_241 {strides = array<i32>} : memref<4096xi32, #tpu.memory_space<vmem>>, vector<16xi32>, vector<16xi1>
      tpu.vector_store %arg13[%swap3A_246], %add3A_236 masked %and3A_241 {strides = array<i32>} : memref<4096xi32, #tpu.memory_space<vmem>>, vector<16xi32>, vector<16xi1>
      %all_reduce_population_count3A_248 = tpu.all_reduce %and3A_241 {dim = 0 : i64, kind = #tpu.reduction_kind<sum>} : vector<16xi1> -> vector<16xi32>
      %slice3A_249 = vector.extract_strided_slice %all_reduce_population_count3A_248 {offsets = [0], sizes = [1], strides = [1]} : vector<16xi32> to vector<1xi32>
      %squeeze3A_250 = vector.extract %slice3A_249[0] : i32 from vector<1xi32>
      %add3A_251 = arith.addi %add3A_226, %squeeze3A_250 : i32
      %get3A_252 = arith.index_cast %scan3A_132 : i32 to index
      %get3A_253 = arith.constant 80 : index
      %get3A_254 = tpu.vector_load %arg11[%get3A_252, %get3A_253] {strides = array<i32>} : memref<128x128xi32, #tpu.memory_space<vmem>>, vector<16xi32>,
      %iota3A_255 = tpu.iota {dimensions = array<i32: 0>} : vector<16xi32>
      %mul3A_256 = arith.constant 128 : i32
      %mul3A_257 = arith.muli %scan3A_132, %mul3A_256 : i32
      %add3A_258 = arith.constant 80 : i32
      %add3A_259 = arith.addi %mul3A_257, %add3A_258 : i32
      %add3A_260 = vector.broadcast %add3A_259 : i32 to vector<16xi32>
      %add3A_261 = arith.addi %iota3A_255, %add3A_260 : vector<16xi32>
      %ge3A_262 = vector.broadcast %mul3A_67 : i32 to vector<16xi32>
      %ge3A_263 = arith.cmpi sge, %get3A_254, %ge3A_262 : vector<16xi32>
      %lt3A_264 = vector.broadcast %select_n3A : i32 to vector<16xi32>
      %lt3A_265 = arith.cmpi slt, %get3A_254, %lt3A_264 : vector<16xi32>
      %and3A_266 = arith.andi %ge3A_263, %lt3A_265 : vector<16xi1>
      %min3A_267 = arith.constant 4080 : i32
      %min3A_268 = arith.minsi %add3A_251, %min3A_267 : i32
      %swap3A_269 = arith.index_cast %min3A_268 : i32 to index
      %swap3A_270 = tpu.vector_load %arg12[%swap3A_269] masked %and3A_266 {strides = array<i32>} : memref<4096xi32, #tpu.memory_space<vmem>>, vector<16xi32>, vector<16xi1>
      tpu.vector_store %arg12[%swap3A_269], %get3A_254 masked %and3A_266 {strides = array<i32>} : memref<4096xi32, #tpu.memory_space<vmem>>, vector<16xi32>, vector<16xi1>
      %swap3A_271 = arith.index_cast %min3A_268 : i32 to index
      %swap3A_272 = tpu.vector_load %arg13[%swap3A_271] masked %and3A_266 {strides = array<i32>} : memref<4096xi32, #tpu.memory_space<vmem>>, vector<16xi32>, vector<16xi1>
      tpu.vector_store %arg13[%swap3A_271], %add3A_261 masked %and3A_266 {strides = array<i32>} : memref<4096xi32, #tpu.memory_space<vmem>>, vector<16xi32>, vector<16xi1>
      %all_reduce_population_count3A_273 = tpu.all_reduce %and3A_266 {dim = 0 : i64, kind = #tpu.reduction_kind<sum>} : vector<16xi1> -> vector<16xi32>
      %slice3A_274 = vector.extract_strided_slice %all_reduce_population_count3A_273 {offsets = [0], sizes = [1], strides = [1]} : vector<16xi32> to vector<1xi32>
      %squeeze3A_275 = vector.extract %slice3A_274[0] : i32 from vector<1xi32>
      %add3A_276 = arith.addi %add3A_251, %squeeze3A_275 : i32
      %get3A_277 = arith.index_cast %scan3A_132 : i32 to index
      %get3A_278 = arith.constant 96 : index
      %get3A_279 = tpu.vector_load %arg11[%get3A_277, %get3A_278] {strides = array<i32>} : memref<128x128xi32, #tpu.memory_space<vmem>>, vector<16xi32>,
      %iota3A_280 = tpu.iota {dimensions = array<i32: 0>} : vector<16xi32>
      %mul3A_281 = arith.constant 128 : i32
      %mul3A_282 = arith.muli %scan3A_132, %mul3A_281 : i32
      %add3A_283 = arith.constant 96 : i32
      %add3A_284 = arith.addi %mul3A_282, %add3A_283 : i32
      %add3A_285 = vector.broadcast %add3A_284 : i32 to vector<16xi32>
      %add3A_286 = arith.addi %iota3A_280, %add3A_285 : vector<16xi32>
      %ge3A_287 = vector.broadcast %mul3A_67 : i32 to vector<16xi32>
      %ge3A_288 = arith.cmpi sge, %get3A_279, %ge3A_287 : vector<16xi32>
      %lt3A_289 = vector.broadcast %select_n3A : i32 to vector<16xi32>
      %lt3A_290 = arith.cmpi slt, %get3A_279, %lt3A_289 : vector<16xi32>
      %and3A_291 = arith.andi %ge3A_288, %lt3A_290 : vector<16xi1>
      %min3A_292 = arith.constant 4080 : i32
      %min3A_293 = arith.minsi %add3A_276, %min3A_292 : i32
      %swap3A_294 = arith.index_cast %min3A_293 : i32 to index
      %swap3A_295 = tpu.vector_load %arg12[%swap3A_294] masked %and3A_291 {strides = array<i32>} : memref<4096xi32, #tpu.memory_space<vmem>>, vector<16xi32>, vector<16xi1>
      tpu.vector_store %arg12[%swap3A_294], %get3A_279 masked %and3A_291 {strides = array<i32>} : memref<4096xi32, #tpu.memory_space<vmem>>, vector<16xi32>, vector<16xi1>
      %swap3A_296 = arith.index_cast %min3A_293 : i32 to index
      %swap3A_297 = tpu.vector_load %arg13[%swap3A_296] masked %and3A_291 {strides = array<i32>} : memref<4096xi32, #tpu.memory_space<vmem>>, vector<16xi32>, vector<16xi1>
      tpu.vector_store %arg13[%swap3A_296], %add3A_286 masked %and3A_291 {strides = array<i32>} : memref<4096xi32, #tpu.memory_space<vmem>>, vector<16xi32>, vector<16xi1>
      %all_reduce_population_count3A_298 = tpu.all_reduce %and3A_291 {dim = 0 : i64, kind = #tpu.reduction_kind<sum>} : vector<16xi1> -> vector<16xi32>
      %slice3A_299 = vector.extract_strided_slice %all_reduce_population_count3A_298 {offsets = [0], sizes = [1], strides = [1]} : vector<16xi32> to vector<1xi32>
      %squeeze3A_300 = vector.extract %slice3A_299[0] : i32 from vector<1xi32>
      %add3A_301 = arith.addi %add3A_276, %squeeze3A_300 : i32
      %get3A_302 = arith.index_cast %scan3A_132 : i32 to index
      %get3A_303 = arith.constant 112 : index
      %get3A_304 = tpu.vector_load %arg11[%get3A_302, %get3A_303] {strides = array<i32>} : memref<128x128xi32, #tpu.memory_space<vmem>>, vector<16xi32>,
      %iota3A_305 = tpu.iota {dimensions = array<i32: 0>} : vector<16xi32>
      %mul3A_306 = arith.constant 128 : i32
      %mul3A_307 = arith.muli %scan3A_132, %mul3A_306 : i32
      %add3A_308 = arith.constant 112 : i32
      %add3A_309 = arith.addi %mul3A_307, %add3A_308 : i32
      %add3A_310 = vector.broadcast %add3A_309 : i32 to vector<16xi32>
      %add3A_311 = arith.addi %iota3A_305, %add3A_310 : vector<16xi32>
      %ge3A_312 = vector.broadcast %mul3A_67 : i32 to vector<16xi32>
      %ge3A_313 = arith.cmpi sge, %get3A_304, %ge3A_312 : vector<16xi32>
      %lt3A_314 = vector.broadcast %select_n3A : i32 to vector<16xi32>
      %lt3A_315 = arith.cmpi slt, %get3A_304, %lt3A_314 : vector<16xi32>
      %and3A_316 = arith.andi %ge3A_313, %lt3A_315 : vector<16xi1>
      %min3A_317 = arith.constant 4080 : i32
      %min3A_318 = arith.minsi %add3A_301, %min3A_317 : i32
      %swap3A_319 = arith.index_cast %min3A_318 : i32 to index
      %swap3A_320 = tpu.vector_load %arg12[%swap3A_319] masked %and3A_316 {strides = array<i32>} : memref<4096xi32, #tpu.memory_space<vmem>>, vector<16xi32>, vector<16xi1>
      tpu.vector_store %arg12[%swap3A_319], %get3A_304 masked %and3A_316 {strides = array<i32>} : memref<4096xi32, #tpu.memory_space<vmem>>, vector<16xi32>, vector<16xi1>
      %swap3A_321 = arith.index_cast %min3A_318 : i32 to index
      %swap3A_322 = tpu.vector_load %arg13[%swap3A_321] masked %and3A_316 {strides = array<i32>} : memref<4096xi32, #tpu.memory_space<vmem>>, vector<16xi32>, vector<16xi1>
      tpu.vector_store %arg13[%swap3A_321], %add3A_311 masked %and3A_316 {strides = array<i32>} : memref<4096xi32, #tpu.memory_space<vmem>>, vector<16xi32>, vector<16xi1>
      %all_reduce_population_count3A_323 = tpu.all_reduce %and3A_316 {dim = 0 : i64, kind = #tpu.reduction_kind<sum>} : vector<16xi1> -> vector<16xi32>
      %slice3A_324 = vector.extract_strided_slice %all_reduce_population_count3A_323 {offsets = [0], sizes = [1], strides = [1]} : vector<16xi32> to vector<1xi32>
      %squeeze3A_325 = vector.extract %slice3A_324[0] : i32 from vector<1xi32>
      %add3A_326 = arith.addi %add3A_301, %squeeze3A_325 : i32
      scf.yield %add3A_326 : i32
    }
    %scan3A_80 = arith.constant 128 : i32
    %scan3A_81 = arith.constant 0 : i32
    %scan3A_82 = arith.constant 0 : i32
    %scan3A_83 = arith.constant 21 : i32
    %scan3A_84 = arith.addi %scan3A_82, %scan3A_83 : i32
    %scan3A_85 = arith.constant 1 : i32
    %scan3A_86 = scf.for %scan3A_132 = %scan3A_82 to %scan3A_84 step %scan3A_85 iter_args(%scan3A_133 = %scan3A_81) -> (i32)  : i32 {
      %mul3A_134 = arith.constant 1536 : i32
      %mul3A_135 = arith.muli %scan3A_132, %mul3A_134 : i32
      %add3A_136 = arith.addi %mul3A_67, %mul3A_135 : i32
      %add3A_137 = arith.constant 1536 : i32
      %add3A_138 = arith.addi %add3A_136, %add3A_137 : i32
      %min3A_139 = arith.minsi %add3A_138, %mul3A_69 : i32
      %lt3A = arith.cmpi slt, %add3A_136, %min3A_139 : i32
      %convert_element_type3A_140 = arith.extui %lt3A : i1 to i32
      %cond3A_141 = arith.constant 0 : i32
      %cond3A_142 = arith.cmpi ne, %convert_element_type3A_140, %cond3A_141 : i32
      scf.if %cond3A_142 {
        %sub3A = arith.constant 1536 : i32
        %sub3A_144 = arith.subi %min3A_139, %sub3A : i32
        %max3A = arith.constant 0 : i32
        %max3A_145 = arith.maxsi %sub3A_144, %max3A : i32
        %multiple_of3A = tpu.assume_multiple %max3A_145, 128 : i32
        %dma_start3A_146 = arith.constant 0 : i32
        %dma_start3A_147 = tpu.memref_slice %arg4[%dma_start3A_146, %multiple_of3A] : memref<32x1000001xf32, #tpu.memory_space<hbm>> -> memref<32x1536xf32, #tpu.memory_space<hbm>>
        %dma_start3A_148 = arith.constant 0 : i32
        %dma_start3A_149 = arith.constant 0 : i32
        %dma_start3A_150 = tpu.memref_slice %dma_start3A_147[%dma_start3A_148, %dma_start3A_149] : memref<32x1536xf32, #tpu.memory_space<hbm>> -> memref<32x1536xf32, #tpu.memory_space<hbm>>
        tpu.enqueue_indirect_dma source(%dma_start3A_150 : memref<32x1536xf32, #tpu.memory_space<hbm>>) target(%arg16 : memref<32x1536xf32, #tpu.memory_space<vmem>>) offsets(%arg9 : memref<32xi32, #tpu.memory_space<vmem>>) semaphore(%arg20 : memref<!tpu.dma_semaphore, #tpu.memory_space<semaphore_mem>>)
        %dma_wait3A_151 = arith.constant 0 : i32
        %dma_wait3A_152 = tpu.memref_slice %arg4[%dma_wait3A_151, %multiple_of3A] : memref<32x1000001xf32, #tpu.memory_space<hbm>> -> memref<32x1536xf32, #tpu.memory_space<hbm>>
        %dma_wait3A_153 = arith.constant 0 : i32
        %dma_wait3A_154 = arith.constant 0 : i32
        %dma_wait3A_155 = tpu.memref_slice %dma_wait3A_152[%dma_wait3A_153, %dma_wait3A_154] : memref<32x1536xf32, #tpu.memory_space<hbm>> -> memref<32x1536xf32, #tpu.memory_space<hbm>>
        tpu.wait_indirect_dma semaphore(%arg20 : memref<!tpu.dma_semaphore, #tpu.memory_space<semaphore_mem>>) src(%dma_wait3A_155 : memref<32x1536xf32, #tpu.memory_space<hbm>>) dst(%arg16 : memref<32x1536xf32, #tpu.memory_space<vmem>>)
        %add3A_156 = arith.constant 15 : i32
        %add3A_157 = arith.addi %scan3A_79, %add3A_156 : i32
        %jit3A_158 = arith.constant 16 : i32
        %div3A = arith.divsi %add3A_157, %jit3A_158 : i32
        %sign3A = arith.constant 0 : i32
        %sign3A_159 = arith.cmpi sgt, %add3A_157, %sign3A : i32
        %sign3A_160 = arith.extui %sign3A_159 : i1 to i32
        %sign3A_161 = arith.constant 0 : i32
        %sign3A_162 = arith.cmpi slt, %add3A_157, %sign3A_161 : i32
        %sign3A_163 = arith.extui %sign3A_162 : i1 to i32
        %sign3A_164 = arith.subi %sign3A_160, %sign3A_163 : i32
        %sign3A_165 = arith.constant 0 : i32
        %sign3A_166 = arith.cmpi sgt, %jit3A_158, %sign3A_165 : i32
        %sign3A_167 = arith.extui %sign3A_166 : i1 to i32
        %sign3A_168 = arith.constant 0 : i32
        %sign3A_169 = arith.cmpi slt, %jit3A_158, %sign3A_168 : i32
        %sign3A_170 = arith.extui %sign3A_169 : i1 to i32
        %sign3A_171 = arith.subi %sign3A_167, %sign3A_170 : i32
        %ne3A = arith.cmpi ne, %sign3A_164, %sign3A_171 : i32
        %rem3A = arith.remsi %add3A_157, %jit3A_158 : i32
        %ne3A_172 = arith.constant 0 : i32
        %ne3A_173 = arith.cmpi ne, %rem3A, %ne3A_172 : i32
        %and3A = arith.andi %ne3A, %ne3A_173 : i1
        %sub3A_174 = arith.constant 1 : i32
        %sub3A_175 = arith.subi %div3A, %sub3A_174 : i32
        %select_n3A_176 = arith.select %and3A, %sub3A_175, %div3A : i32
        %while3A = arith.constant 0 : i32
        %while3A_177 = arith.constant 0 : i32
        %while3A_178 = arith.subi %select_n3A_176, %while3A : i32
        %while3A_179 = arith.addi %while3A, %while3A_178 : i32
        %while3A_180 = arith.constant 1 : i32
        %while3A_181 = arith.divsi %while3A_178, %while3A_180 : i32
        %while3A_182 = arith.muli %while3A_181, %while3A_180 : i32
        %while3A_183 = arith.addi %while3A, %while3A_182 : i32
        %while3A_184 = arith.constant 1 : i32
        %while3A_185 = scf.for %while3A_226 = %while3A to %while3A_183 step %while3A_184 iter_args(%while3A_227 = %while3A_177) -> (i32)  : i32 {
          %iota3A_228 = tpu.iota {dimensions = array<i32: 0>} : vector<16xi32>
          %mul3A_229 = arith.constant 16 : i32
          %mul3A_230 = arith.muli %while3A_226, %mul3A_229 : i32
          %add3A_231 = vector.broadcast %mul3A_230 : i32 to vector<16xi32>
          %add3A_232 = arith.addi %iota3A_228, %add3A_231 : vector<16xi32>
          %mul3A_233 = arith.constant 16 : i32
          %mul3A_234 = arith.muli %while3A_226, %mul3A_233 : i32
          %get3A = arith.index_cast %mul3A_234 : i32 to index
          %get3A_235 = tpu.vector_load %arg12[%get3A] {strides = array<i32>} : memref<4096xi32, #tpu.memory_space<vmem>>, vector<16xi32>,
          %mul3A_236 = arith.constant 16 : i32
          %mul3A_237 = arith.muli %while3A_226, %mul3A_236 : i32
          %get3A_238 = arith.index_cast %mul3A_237 : i32 to index
          %get3A_239 = tpu.vector_load %arg13[%get3A_238] {strides = array<i32>} : memref<4096xi32, #tpu.memory_space<vmem>>, vector<16xi32>,
          %lt3A_240 = vector.broadcast %scan3A_79 : i32 to vector<16xi32>
          %lt3A_241 = arith.cmpi slt, %add3A_232, %lt3A_240 : vector<16xi32>
          %ge3A = vector.broadcast %add3A_136 : i32 to vector<16xi32>
          %ge3A_242 = arith.cmpi sge, %get3A_235, %ge3A : vector<16xi32>
          %and3A_243 = arith.andi %lt3A_241, %ge3A_242 : vector<16xi1>
          %lt3A_244 = vector.broadcast %min3A_139 : i32 to vector<16xi32>
          %lt3A_245 = arith.cmpi slt, %get3A_235, %lt3A_244 : vector<16xi32>
          %and3A_246 = arith.andi %and3A_243, %lt3A_245 : vector<16xi1>
          %min3A_247 = arith.constant 4080 : i32
          %min3A_248 = arith.minsi %while3A_227, %min3A_247 : i32
          %swap3A_249 = arith.index_cast %min3A_248 : i32 to index
          %swap3A_250 = tpu.vector_load %arg14[%swap3A_249] masked %and3A_246 {strides = array<i32>} : memref<4096xi32, #tpu.memory_space<vmem>>, vector<16xi32>, vector<16xi1>
          tpu.vector_store %arg14[%swap3A_249], %get3A_235 masked %and3A_246 {strides = array<i32>} : memref<4096xi32, #tpu.memory_space<vmem>>, vector<16xi32>, vector<16xi1>
          %swap3A_251 = arith.index_cast %min3A_248 : i32 to index
          %swap3A_252 = tpu.vector_load %arg15[%swap3A_251] masked %and3A_246 {strides = array<i32>} : memref<4096xi32, #tpu.memory_space<vmem>>, vector<16xi32>, vector<16xi1>
          tpu.vector_store %arg15[%swap3A_251], %get3A_239 masked %and3A_246 {strides = array<i32>} : memref<4096xi32, #tpu.memory_space<vmem>>, vector<16xi32>, vector<16xi1>
          %all_reduce_population_count3A = tpu.all_reduce %and3A_246 {dim = 0 : i64, kind = #tpu.reduction_kind<sum>} : vector<16xi1> -> vector<16xi32>
          %slice3A = vector.extract_strided_slice %all_reduce_population_count3A {offsets = [0], sizes = [1], strides = [1]} : vector<16xi32> to vector<1xi32>
          %squeeze3A = vector.extract %slice3A[0] : i32 from vector<1xi32>
          %add3A_253 = arith.addi %while3A_227, %squeeze3A : i32
          scf.yield %add3A_253 : i32
        }
        %while3A_186 = arith.constant 1 : i32
        %while3A_187 = scf.for %while3A_226 = %while3A_183 to %while3A_179 step %while3A_186 iter_args(%while3A_227 = %while3A_185) -> (i32)  : i32 {
          %iota3A_228 = tpu.iota {dimensions = array<i32: 0>} : vector<16xi32>
          %mul3A_229 = arith.constant 16 : i32
          %mul3A_230 = arith.muli %while3A_226, %mul3A_229 : i32
          %add3A_231 = vector.broadcast %mul3A_230 : i32 to vector<16xi32>
          %add3A_232 = arith.addi %iota3A_228, %add3A_231 : vector<16xi32>
          %mul3A_233 = arith.constant 16 : i32
          %mul3A_234 = arith.muli %while3A_226, %mul3A_233 : i32
          %get3A = arith.index_cast %mul3A_234 : i32 to index
          %get3A_235 = tpu.vector_load %arg12[%get3A] {strides = array<i32>} : memref<4096xi32, #tpu.memory_space<vmem>>, vector<16xi32>,
          %mul3A_236 = arith.constant 16 : i32
          %mul3A_237 = arith.muli %while3A_226, %mul3A_236 : i32
          %get3A_238 = arith.index_cast %mul3A_237 : i32 to index
          %get3A_239 = tpu.vector_load %arg13[%get3A_238] {strides = array<i32>} : memref<4096xi32, #tpu.memory_space<vmem>>, vector<16xi32>,
          %lt3A_240 = vector.broadcast %scan3A_79 : i32 to vector<16xi32>
          %lt3A_241 = arith.cmpi slt, %add3A_232, %lt3A_240 : vector<16xi32>
          %ge3A = vector.broadcast %add3A_136 : i32 to vector<16xi32>
          %ge3A_242 = arith.cmpi sge, %get3A_235, %ge3A : vector<16xi32>
          %and3A_243 = arith.andi %lt3A_241, %ge3A_242 : vector<16xi1>
          %lt3A_244 = vector.broadcast %min3A_139 : i32 to vector<16xi32>
          %lt3A_245 = arith.cmpi slt, %get3A_235, %lt3A_244 : vector<16xi32>
          %and3A_246 = arith.andi %and3A_243, %lt3A_245 : vector<16xi1>
          %min3A_247 = arith.constant 4080 : i32
          %min3A_248 = arith.minsi %while3A_227, %min3A_247 : i32
          %swap3A_249 = arith.index_cast %min3A_248 : i32 to index
          %swap3A_250 = tpu.vector_load %arg14[%swap3A_249] masked %and3A_246 {strides = array<i32>} : memref<4096xi32, #tpu.memory_space<vmem>>, vector<16xi32>, vector<16xi1>
          tpu.vector_store %arg14[%swap3A_249], %get3A_235 masked %and3A_246 {strides = array<i32>} : memref<4096xi32, #tpu.memory_space<vmem>>, vector<16xi32>, vector<16xi1>
          %swap3A_251 = arith.index_cast %min3A_248 : i32 to index
          %swap3A_252 = tpu.vector_load %arg15[%swap3A_251] masked %and3A_246 {strides = array<i32>} : memref<4096xi32, #tpu.memory_space<vmem>>, vector<16xi32>, vector<16xi1>
          tpu.vector_store %arg15[%swap3A_251], %get3A_239 masked %and3A_246 {strides = array<i32>} : memref<4096xi32, #tpu.memory_space<vmem>>, vector<16xi32>, vector<16xi1>
          %all_reduce_population_count3A = tpu.all_reduce %and3A_246 {dim = 0 : i64, kind = #tpu.reduction_kind<sum>} : vector<16xi1> -> vector<16xi32>
          %slice3A = vector.extract_strided_slice %all_reduce_population_count3A {offsets = [0], sizes = [1], strides = [1]} : vector<16xi32> to vector<1xi32>
          %squeeze3A = vector.extract %slice3A[0] : i32 from vector<1xi32>
          %add3A_253 = arith.addi %while3A_227, %squeeze3A : i32
          scf.yield %add3A_253 : i32
        }
        %add3A_188 = arith.constant 127 : i32
        %add3A_189 = arith.addi %while3A_187, %add3A_188 : i32
        %jit3A_190 = arith.constant 128 : i32
        %div3A_191 = arith.divsi %add3A_189, %jit3A_190 : i32
        %sign3A_192 = arith.constant 0 : i32
        %sign3A_193 = arith.cmpi sgt, %add3A_189, %sign3A_192 : i32
        %sign3A_194 = arith.extui %sign3A_193 : i1 to i32
        %sign3A_195 = arith.constant 0 : i32
        %sign3A_196 = arith.cmpi slt, %add3A_189, %sign3A_195 : i32
        %sign3A_197 = arith.extui %sign3A_196 : i1 to i32
        %sign3A_198 = arith.subi %sign3A_194, %sign3A_197 : i32
        %sign3A_199 = arith.constant 0 : i32
        %sign3A_200 = arith.cmpi sgt, %jit3A_190, %sign3A_199 : i32
        %sign3A_201 = arith.extui %sign3A_200 : i1 to i32
        %sign3A_202 = arith.constant 0 : i32
        %sign3A_203 = arith.cmpi slt, %jit3A_190, %sign3A_202 : i32
        %sign3A_204 = arith.extui %sign3A_203 : i1 to i32
        %sign3A_205 = arith.subi %sign3A_201, %sign3A_204 : i32
        %ne3A_206 = arith.cmpi ne, %sign3A_198, %sign3A_205 : i32
        %rem3A_207 = arith.remsi %add3A_189, %jit3A_190 : i32
        %ne3A_208 = arith.constant 0 : i32
        %ne3A_209 = arith.cmpi ne, %rem3A_207, %ne3A_208 : i32
        %and3A_210 = arith.andi %ne3A_206, %ne3A_209 : i1
        %sub3A_211 = arith.constant 1 : i32
        %sub3A_212 = arith.subi %div3A_191, %sub3A_211 : i32
        %select_n3A_213 = arith.select %and3A_210, %sub3A_212, %div3A_191 : i32
        %while3A_214 = arith.constant 0 : i32
        %while3A_215 = arith.constant 0 : i32
        %while3A_216 = arith.subi %select_n3A_213, %while3A_214 : i32
        %while3A_217 = arith.addi %while3A_214, %while3A_216 : i32
        %while3A_218 = arith.constant 1 : i32
        %while3A_219 = arith.divsi %while3A_216, %while3A_218 : i32
        %while3A_220 = arith.muli %while3A_219, %while3A_218 : i32
        %while3A_221 = arith.addi %while3A_214, %while3A_220 : i32
        %while3A_222 = arith.constant 1 : i32
        %while3A_223 = scf.for %while3A_226 = %while3A_214 to %while3A_221 step %while3A_222 iter_args(%while3A_227 = %while3A_215) -> (i32)  : i32 {
          %mul3A_228 = arith.constant 128 : i32
          %mul3A_229 = arith.muli %while3A_226, %mul3A_228 : i32
          %scan3A_230 = arith.constant 0 : i32
          %scan3A_231 = arith.constant 0 : i32
          %scan3A_232 = arith.constant 8 : i32
          %scan3A_233 = arith.addi %scan3A_231, %scan3A_232 : i32
          %scan3A_234 = arith.constant 1 : i32
          %scan3A_235 = scf.for %scan3A_245 = %scan3A_231 to %scan3A_233 step %scan3A_234 iter_args(%scan3A_246 = %scan3A_230) -> (i32)  : i32 {
            %iota3A_247 = tpu.iota {dimensions = array<i32: 0>} : vector<16xi32>
            %mul3A_248 = arith.constant 16 : i32
            %mul3A_249 = arith.muli %scan3A_245, %mul3A_248 : i32
            %add3A_250 = arith.addi %mul3A_229, %mul3A_249 : i32
            %add3A_251 = vector.broadcast %add3A_250 : i32 to vector<16xi32>
            %add3A_252 = arith.addi %iota3A_247, %add3A_251 : vector<16xi32>
            %lt3A_253 = vector.broadcast %while3A_187 : i32 to vector<16xi32>
            %lt3A_254 = arith.cmpi slt, %add3A_252, %lt3A_253 : vector<16xi32>
            %min3A_255 = arith.constant 4095 : i32
            %min3A_256 = vector.broadcast %min3A_255 : i32 to vector<16xi32>
            %min3A_257 = arith.minsi %add3A_252, %min3A_256 : vector<16xi32>
            %gather3A = tpu.vector_load_idx %arg14[%min3A_257] : memref<4096xi32, #tpu.memory_space<vmem>>[vector<16xi32>], vector<16xi32>,
            %sub3A_258 = vector.broadcast %multiple_of3A : i32 to vector<16xi32>
            %sub3A_259 = arith.subi %gather3A, %sub3A_258 : vector<16xi32>
            %gather3A_260 = tpu.vector_load_idx %arg15[%min3A_257] : memref<4096xi32, #tpu.memory_space<vmem>>[vector<16xi32>], vector<16xi32>,
            %add3A_261 = arith.constant 0 : i32
            %add3A_262 = vector.broadcast %add3A_261 : i32 to vector<16xi32>
            %add3A_263 = arith.addi %gather3A_260, %add3A_262 : vector<16xi32>
            %jit3A_264 = arith.constant -1 : i32
            %broadcast_in_dim3A = vector.broadcast %jit3A_264 : i32 to vector<16xi32>
            %select_n3A_265 = arith.select %lt3A_254, %add3A_263, %broadcast_in_dim3A : vector<16xi1>, vector<16xi32>
            %mul3A_266 = arith.constant 16 : i32
            %mul3A_267 = arith.muli %scan3A_245, %mul3A_266 : i32
            %swap3A_268 = arith.index_cast %mul3A_267 : i32 to index
            %swap3A_269 = tpu.vector_load %arg18[%swap3A_268] {strides = array<i32>} : memref<128xi32, #tpu.memory_space<vmem>>, vector<16xi32>,
            tpu.vector_store %arg18[%swap3A_268], %select_n3A_265 {strides = array<i32>} : memref<128xi32, #tpu.memory_space<vmem>>, vector<16xi32>,
            %iota3A_270 = tpu.iota {dimensions = array<i32: 0>} : vector<16xi32>
            %mul3A_271 = arith.constant 16 : i32
            %mul3A_272 = arith.muli %scan3A_245, %mul3A_271 : i32
            %add3A_273 = vector.broadcast %mul3A_272 : i32 to vector<16xi32>
            %add3A_274 = arith.addi %iota3A_270, %add3A_273 : vector<16xi32>
            %broadcast_in_dim3A_275 = arith.constant 0 : i32
            %broadcast_in_dim3A_276 = vector.broadcast %broadcast_in_dim3A_275 : i32 to vector<16xi32>
            %gather3A_277 = tpu.vector_load_idx %arg16[%broadcast_in_dim3A_276, %sub3A_259] masked %lt3A_254 : memref<32x1536xf32, #tpu.memory_space<vmem>>[vector<16xi32>, vector<16xi32>], vector<16xf32>, vector<16xi1>
            tpu.vector_store_idx %arg17[%add3A_274, %broadcast_in_dim3A_276], %gather3A_277 masked %lt3A_254 : memref<128x128xf32, #tpu.memory_space<vmem>>[vector<16xi32>, vector<16xi32>], vector<16xf32>, vector<16xi1>
            %broadcast_in_dim3A_278 = arith.constant 1 : i32
            %broadcast_in_dim3A_279 = vector.broadcast %broadcast_in_dim3A_278 : i32 to vector<16xi32>
            %gather3A_280 = tpu.vector_load_idx %arg16[%broadcast_in_dim3A_279, %sub3A_259] masked %lt3A_254 : memref<32x1536xf32, #tpu.memory_space<vmem>>[vector<16xi32>, vector<16xi32>], vector<16xf32>, vector<16xi1>
            tpu.vector_store_idx %arg17[%add3A_274, %broadcast_in_dim3A_279], %gather3A_280 masked %lt3A_254 : memref<128x128xf32, #tpu.memory_space<vmem>>[vector<16xi32>, vector<16xi32>], vector<16xf32>, vector<16xi1>
            %broadcast_in_dim3A_281 = arith.constant 2 : i32
            %broadcast_in_dim3A_282 = vector.broadcast %broadcast_in_dim3A_281 : i32 to vector<16xi32>
            %gather3A_283 = tpu.vector_load_idx %arg16[%broadcast_in_dim3A_282, %sub3A_259] masked %lt3A_254 : memref<32x1536xf32, #tpu.memory_space<vmem>>[vector<16xi32>, vector<16xi32>], vector<16xf32>, vector<16xi1>
            tpu.vector_store_idx %arg17[%add3A_274, %broadcast_in_dim3A_282], %gather3A_283 masked %lt3A_254 : memref<128x128xf32, #tpu.memory_space<vmem>>[vector<16xi32>, vector<16xi32>], vector<16xf32>, vector<16xi1>
            %broadcast_in_dim3A_284 = arith.constant 3 : i32
            %broadcast_in_dim3A_285 = vector.broadcast %broadcast_in_dim3A_284 : i32 to vector<16xi32>
            %gather3A_286 = tpu.vector_load_idx %arg16[%broadcast_in_dim3A_285, %sub3A_259] masked %lt3A_254 : memref<32x1536xf32, #tpu.memory_space<vmem>>[vector<16xi32>, vector<16xi32>], vector<16xf32>, vector<16xi1>
            tpu.vector_store_idx %arg17[%add3A_274, %broadcast_in_dim3A_285], %gather3A_286 masked %lt3A_254 : memref<128x128xf32, #tpu.memory_space<vmem>>[vector<16xi32>, vector<16xi32>], vector<16xf32>, vector<16xi1>
            %broadcast_in_dim3A_287 = arith.constant 4 : i32
            %broadcast_in_dim3A_288 = vector.broadcast %broadcast_in_dim3A_287 : i32 to vector<16xi32>
            %gather3A_289 = tpu.vector_load_idx %arg16[%broadcast_in_dim3A_288, %sub3A_259] masked %lt3A_254 : memref<32x1536xf32, #tpu.memory_space<vmem>>[vector<16xi32>, vector<16xi32>], vector<16xf32>, vector<16xi1>
            tpu.vector_store_idx %arg17[%add3A_274, %broadcast_in_dim3A_288], %gather3A_289 masked %lt3A_254 : memref<128x128xf32, #tpu.memory_space<vmem>>[vector<16xi32>, vector<16xi32>], vector<16xf32>, vector<16xi1>
            %broadcast_in_dim3A_290 = arith.constant 5 : i32
            %broadcast_in_dim3A_291 = vector.broadcast %broadcast_in_dim3A_290 : i32 to vector<16xi32>
            %gather3A_292 = tpu.vector_load_idx %arg16[%broadcast_in_dim3A_291, %sub3A_259] masked %lt3A_254 : memref<32x1536xf32, #tpu.memory_space<vmem>>[vector<16xi32>, vector<16xi32>], vector<16xf32>, vector<16xi1>
            tpu.vector_store_idx %arg17[%add3A_274, %broadcast_in_dim3A_291], %gather3A_292 masked %lt3A_254 : memref<128x128xf32, #tpu.memory_space<vmem>>[vector<16xi32>, vector<16xi32>], vector<16xf32>, vector<16xi1>
            %broadcast_in_dim3A_293 = arith.constant 6 : i32
            %broadcast_in_dim3A_294 = vector.broadcast %broadcast_in_dim3A_293 : i32 to vector<16xi32>
            %gather3A_295 = tpu.vector_load_idx %arg16[%broadcast_in_dim3A_294, %sub3A_259] masked %lt3A_254 : memref<32x1536xf32, #tpu.memory_space<vmem>>[vector<16xi32>, vector<16xi32>], vector<16xf32>, vector<16xi1>
            tpu.vector_store_idx %arg17[%add3A_274, %broadcast_in_dim3A_294], %gather3A_295 masked %lt3A_254 : memref<128x128xf32, #tpu.memory_space<vmem>>[vector<16xi32>, vector<16xi32>], vector<16xf32>, vector<16xi1>
            %broadcast_in_dim3A_296 = arith.constant 7 : i32
            %broadcast_in_dim3A_297 = vector.broadcast %broadcast_in_dim3A_296 : i32 to vector<16xi32>
            %gather3A_298 = tpu.vector_load_idx %arg16[%broadcast_in_dim3A_297, %sub3A_259] masked %lt3A_254 : memref<32x1536xf32, #tpu.memory_space<vmem>>[vector<16xi32>, vector<16xi32>], vector<16xf32>, vector<16xi1>
            tpu.vector_store_idx %arg17[%add3A_274, %broadcast_in_dim3A_297], %gather3A_298 masked %lt3A_254 : memref<128x128xf32, #tpu.memory_space<vmem>>[vector<16xi32>, vector<16xi32>], vector<16xf32>, vector<16xi1>
            %broadcast_in_dim3A_299 = arith.constant 8 : i32
            %broadcast_in_dim3A_300 = vector.broadcast %broadcast_in_dim3A_299 : i32 to vector<16xi32>
            %gather3A_301 = tpu.vector_load_idx %arg16[%broadcast_in_dim3A_300, %sub3A_259] masked %lt3A_254 : memref<32x1536xf32, #tpu.memory_space<vmem>>[vector<16xi32>, vector<16xi32>], vector<16xf32>, vector<16xi1>
            tpu.vector_store_idx %arg17[%add3A_274, %broadcast_in_dim3A_300], %gather3A_301 masked %lt3A_254 : memref<128x128xf32, #tpu.memory_space<vmem>>[vector<16xi32>, vector<16xi32>], vector<16xf32>, vector<16xi1>
            %broadcast_in_dim3A_302 = arith.constant 9 : i32
            %broadcast_in_dim3A_303 = vector.broadcast %broadcast_in_dim3A_302 : i32 to vector<16xi32>
            %gather3A_304 = tpu.vector_load_idx %arg16[%broadcast_in_dim3A_303, %sub3A_259] masked %lt3A_254 : memref<32x1536xf32, #tpu.memory_space<vmem>>[vector<16xi32>, vector<16xi32>], vector<16xf32>, vector<16xi1>
            tpu.vector_store_idx %arg17[%add3A_274, %broadcast_in_dim3A_303], %gather3A_304 masked %lt3A_254 : memref<128x128xf32, #tpu.memory_space<vmem>>[vector<16xi32>, vector<16xi32>], vector<16xf32>, vector<16xi1>
            %broadcast_in_dim3A_305 = arith.constant 10 : i32
            %broadcast_in_dim3A_306 = vector.broadcast %broadcast_in_dim3A_305 : i32 to vector<16xi32>
            %gather3A_307 = tpu.vector_load_idx %arg16[%broadcast_in_dim3A_306, %sub3A_259] masked %lt3A_254 : memref<32x1536xf32, #tpu.memory_space<vmem>>[vector<16xi32>, vector<16xi32>], vector<16xf32>, vector<16xi1>
            tpu.vector_store_idx %arg17[%add3A_274, %broadcast_in_dim3A_306], %gather3A_307 masked %lt3A_254 : memref<128x128xf32, #tpu.memory_space<vmem>>[vector<16xi32>, vector<16xi32>], vector<16xf32>, vector<16xi1>
            %broadcast_in_dim3A_308 = arith.constant 11 : i32
            %broadcast_in_dim3A_309 = vector.broadcast %broadcast_in_dim3A_308 : i32 to vector<16xi32>
            %gather3A_310 = tpu.vector_load_idx %arg16[%broadcast_in_dim3A_309, %sub3A_259] masked %lt3A_254 : memref<32x1536xf32, #tpu.memory_space<vmem>>[vector<16xi32>, vector<16xi32>], vector<16xf32>, vector<16xi1>
            tpu.vector_store_idx %arg17[%add3A_274, %broadcast_in_dim3A_309], %gather3A_310 masked %lt3A_254 : memref<128x128xf32, #tpu.memory_space<vmem>>[vector<16xi32>, vector<16xi32>], vector<16xf32>, vector<16xi1>
            %broadcast_in_dim3A_311 = arith.constant 12 : i32
            %broadcast_in_dim3A_312 = vector.broadcast %broadcast_in_dim3A_311 : i32 to vector<16xi32>
            %gather3A_313 = tpu.vector_load_idx %arg16[%broadcast_in_dim3A_312, %sub3A_259] masked %lt3A_254 : memref<32x1536xf32, #tpu.memory_space<vmem>>[vector<16xi32>, vector<16xi32>], vector<16xf32>, vector<16xi1>
            tpu.vector_store_idx %arg17[%add3A_274, %broadcast_in_dim3A_312], %gather3A_313 masked %lt3A_254 : memref<128x128xf32, #tpu.memory_space<vmem>>[vector<16xi32>, vector<16xi32>], vector<16xf32>, vector<16xi1>
            %broadcast_in_dim3A_314 = arith.constant 13 : i32
            %broadcast_in_dim3A_315 = vector.broadcast %broadcast_in_dim3A_314 : i32 to vector<16xi32>
            %gather3A_316 = tpu.vector_load_idx %arg16[%broadcast_in_dim3A_315, %sub3A_259] masked %lt3A_254 : memref<32x1536xf32, #tpu.memory_space<vmem>>[vector<16xi32>, vector<16xi32>], vector<16xf32>, vector<16xi1>
            tpu.vector_store_idx %arg17[%add3A_274, %broadcast_in_dim3A_315], %gather3A_316 masked %lt3A_254 : memref<128x128xf32, #tpu.memory_space<vmem>>[vector<16xi32>, vector<16xi32>], vector<16xf32>, vector<16xi1>
            %broadcast_in_dim3A_317 = arith.constant 14 : i32
            %broadcast_in_dim3A_318 = vector.broadcast %broadcast_in_dim3A_317 : i32 to vector<16xi32>
            %gather3A_319 = tpu.vector_load_idx %arg16[%broadcast_in_dim3A_318, %sub3A_259] masked %lt3A_254 : memref<32x1536xf32, #tpu.memory_space<vmem>>[vector<16xi32>, vector<16xi32>], vector<16xf32>, vector<16xi1>
            tpu.vector_store_idx %arg17[%add3A_274, %broadcast_in_dim3A_318], %gather3A_319 masked %lt3A_254 : memref<128x128xf32, #tpu.memory_space<vmem>>[vector<16xi32>, vector<16xi32>], vector<16xf32>, vector<16xi1>
            %broadcast_in_dim3A_320 = arith.constant 15 : i32
            %broadcast_in_dim3A_321 = vector.broadcast %broadcast_in_dim3A_320 : i32 to vector<16xi32>
            %gather3A_322 = tpu.vector_load_idx %arg16[%broadcast_in_dim3A_321, %sub3A_259] masked %lt3A_254 : memref<32x1536xf32, #tpu.memory_space<vmem>>[vector<16xi32>, vector<16xi32>], vector<16xf32>, vector<16xi1>
            tpu.vector_store_idx %arg17[%add3A_274, %broadcast_in_dim3A_321], %gather3A_322 masked %lt3A_254 : memref<128x128xf32, #tpu.memory_space<vmem>>[vector<16xi32>, vector<16xi32>], vector<16xf32>, vector<16xi1>
            %broadcast_in_dim3A_323 = arith.constant 16 : i32
            %broadcast_in_dim3A_324 = vector.broadcast %broadcast_in_dim3A_323 : i32 to vector<16xi32>
            %gather3A_325 = tpu.vector_load_idx %arg16[%broadcast_in_dim3A_324, %sub3A_259] masked %lt3A_254 : memref<32x1536xf32, #tpu.memory_space<vmem>>[vector<16xi32>, vector<16xi32>], vector<16xf32>, vector<16xi1>
            tpu.vector_store_idx %arg17[%add3A_274, %broadcast_in_dim3A_324], %gather3A_325 masked %lt3A_254 : memref<128x128xf32, #tpu.memory_space<vmem>>[vector<16xi32>, vector<16xi32>], vector<16xf32>, vector<16xi1>
            %broadcast_in_dim3A_326 = arith.constant 17 : i32
            %broadcast_in_dim3A_327 = vector.broadcast %broadcast_in_dim3A_326 : i32 to vector<16xi32>
            %gather3A_328 = tpu.vector_load_idx %arg16[%broadcast_in_dim3A_327, %sub3A_259] masked %lt3A_254 : memref<32x1536xf32, #tpu.memory_space<vmem>>[vector<16xi32>, vector<16xi32>], vector<16xf32>, vector<16xi1>
            tpu.vector_store_idx %arg17[%add3A_274, %broadcast_in_dim3A_327], %gather3A_328 masked %lt3A_254 : memref<128x128xf32, #tpu.memory_space<vmem>>[vector<16xi32>, vector<16xi32>], vector<16xf32>, vector<16xi1>
            %broadcast_in_dim3A_329 = arith.constant 18 : i32
            %broadcast_in_dim3A_330 = vector.broadcast %broadcast_in_dim3A_329 : i32 to vector<16xi32>
            %gather3A_331 = tpu.vector_load_idx %arg16[%broadcast_in_dim3A_330, %sub3A_259] masked %lt3A_254 : memref<32x1536xf32, #tpu.memory_space<vmem>>[vector<16xi32>, vector<16xi32>], vector<16xf32>, vector<16xi1>
            tpu.vector_store_idx %arg17[%add3A_274, %broadcast_in_dim3A_330], %gather3A_331 masked %lt3A_254 : memref<128x128xf32, #tpu.memory_space<vmem>>[vector<16xi32>, vector<16xi32>], vector<16xf32>, vector<16xi1>
            %broadcast_in_dim3A_332 = arith.constant 19 : i32
            %broadcast_in_dim3A_333 = vector.broadcast %broadcast_in_dim3A_332 : i32 to vector<16xi32>
            %gather3A_334 = tpu.vector_load_idx %arg16[%broadcast_in_dim3A_333, %sub3A_259] masked %lt3A_254 : memref<32x1536xf32, #tpu.memory_space<vmem>>[vector<16xi32>, vector<16xi32>], vector<16xf32>, vector<16xi1>
            tpu.vector_store_idx %arg17[%add3A_274, %broadcast_in_dim3A_333], %gather3A_334 masked %lt3A_254 : memref<128x128xf32, #tpu.memory_space<vmem>>[vector<16xi32>, vector<16xi32>], vector<16xf32>, vector<16xi1>
            %broadcast_in_dim3A_335 = arith.constant 20 : i32
            %broadcast_in_dim3A_336 = vector.broadcast %broadcast_in_dim3A_335 : i32 to vector<16xi32>
            %gather3A_337 = tpu.vector_load_idx %arg16[%broadcast_in_dim3A_336, %sub3A_259] masked %lt3A_254 : memref<32x1536xf32, #tpu.memory_space<vmem>>[vector<16xi32>, vector<16xi32>], vector<16xf32>, vector<16xi1>
            tpu.vector_store_idx %arg17[%add3A_274, %broadcast_in_dim3A_336], %gather3A_337 masked %lt3A_254 : memref<128x128xf32, #tpu.memory_space<vmem>>[vector<16xi32>, vector<16xi32>], vector<16xf32>, vector<16xi1>
            %broadcast_in_dim3A_338 = arith.constant 21 : i32
            %broadcast_in_dim3A_339 = vector.broadcast %broadcast_in_dim3A_338 : i32 to vector<16xi32>
            %gather3A_340 = tpu.vector_load_idx %arg16[%broadcast_in_dim3A_339, %sub3A_259] masked %lt3A_254 : memref<32x1536xf32, #tpu.memory_space<vmem>>[vector<16xi32>, vector<16xi32>], vector<16xf32>, vector<16xi1>
            tpu.vector_store_idx %arg17[%add3A_274, %broadcast_in_dim3A_339], %gather3A_340 masked %lt3A_254 : memref<128x128xf32, #tpu.memory_space<vmem>>[vector<16xi32>, vector<16xi32>], vector<16xf32>, vector<16xi1>
            %broadcast_in_dim3A_341 = arith.constant 22 : i32
            %broadcast_in_dim3A_342 = vector.broadcast %broadcast_in_dim3A_341 : i32 to vector<16xi32>
            %gather3A_343 = tpu.vector_load_idx %arg16[%broadcast_in_dim3A_342, %sub3A_259] masked %lt3A_254 : memref<32x1536xf32, #tpu.memory_space<vmem>>[vector<16xi32>, vector<16xi32>], vector<16xf32>, vector<16xi1>
            tpu.vector_store_idx %arg17[%add3A_274, %broadcast_in_dim3A_342], %gather3A_343 masked %lt3A_254 : memref<128x128xf32, #tpu.memory_space<vmem>>[vector<16xi32>, vector<16xi32>], vector<16xf32>, vector<16xi1>
            %broadcast_in_dim3A_344 = arith.constant 23 : i32
            %broadcast_in_dim3A_345 = vector.broadcast %broadcast_in_dim3A_344 : i32 to vector<16xi32>
            %gather3A_346 = tpu.vector_load_idx %arg16[%broadcast_in_dim3A_345, %sub3A_259] masked %lt3A_254 : memref<32x1536xf32, #tpu.memory_space<vmem>>[vector<16xi32>, vector<16xi32>], vector<16xf32>, vector<16xi1>
            tpu.vector_store_idx %arg17[%add3A_274, %broadcast_in_dim3A_345], %gather3A_346 masked %lt3A_254 : memref<128x128xf32, #tpu.memory_space<vmem>>[vector<16xi32>, vector<16xi32>], vector<16xf32>, vector<16xi1>
            %broadcast_in_dim3A_347 = arith.constant 24 : i32
            %broadcast_in_dim3A_348 = vector.broadcast %broadcast_in_dim3A_347 : i32 to vector<16xi32>
            %gather3A_349 = tpu.vector_load_idx %arg16[%broadcast_in_dim3A_348, %sub3A_259] masked %lt3A_254 : memref<32x1536xf32, #tpu.memory_space<vmem>>[vector<16xi32>, vector<16xi32>], vector<16xf32>, vector<16xi1>
            tpu.vector_store_idx %arg17[%add3A_274, %broadcast_in_dim3A_348], %gather3A_349 masked %lt3A_254 : memref<128x128xf32, #tpu.memory_space<vmem>>[vector<16xi32>, vector<16xi32>], vector<16xf32>, vector<16xi1>
            %broadcast_in_dim3A_350 = arith.constant 25 : i32
            %broadcast_in_dim3A_351 = vector.broadcast %broadcast_in_dim3A_350 : i32 to vector<16xi32>
            %gather3A_352 = tpu.vector_load_idx %arg16[%broadcast_in_dim3A_351, %sub3A_259] masked %lt3A_254 : memref<32x1536xf32, #tpu.memory_space<vmem>>[vector<16xi32>, vector<16xi32>], vector<16xf32>, vector<16xi1>
            tpu.vector_store_idx %arg17[%add3A_274, %broadcast_in_dim3A_351], %gather3A_352 masked %lt3A_254 : memref<128x128xf32, #tpu.memory_space<vmem>>[vector<16xi32>, vector<16xi32>], vector<16xf32>, vector<16xi1>
            %broadcast_in_dim3A_353 = arith.constant 26 : i32
            %broadcast_in_dim3A_354 = vector.broadcast %broadcast_in_dim3A_353 : i32 to vector<16xi32>
            %gather3A_355 = tpu.vector_load_idx %arg16[%broadcast_in_dim3A_354, %sub3A_259] masked %lt3A_254 : memref<32x1536xf32, #tpu.memory_space<vmem>>[vector<16xi32>, vector<16xi32>], vector<16xf32>, vector<16xi1>
            tpu.vector_store_idx %arg17[%add3A_274, %broadcast_in_dim3A_354], %gather3A_355 masked %lt3A_254 : memref<128x128xf32, #tpu.memory_space<vmem>>[vector<16xi32>, vector<16xi32>], vector<16xf32>, vector<16xi1>
            %broadcast_in_dim3A_356 = arith.constant 27 : i32
            %broadcast_in_dim3A_357 = vector.broadcast %broadcast_in_dim3A_356 : i32 to vector<16xi32>
            %gather3A_358 = tpu.vector_load_idx %arg16[%broadcast_in_dim3A_357, %sub3A_259] masked %lt3A_254 : memref<32x1536xf32, #tpu.memory_space<vmem>>[vector<16xi32>, vector<16xi32>], vector<16xf32>, vector<16xi1>
            tpu.vector_store_idx %arg17[%add3A_274, %broadcast_in_dim3A_357], %gather3A_358 masked %lt3A_254 : memref<128x128xf32, #tpu.memory_space<vmem>>[vector<16xi32>, vector<16xi32>], vector<16xf32>, vector<16xi1>
            %broadcast_in_dim3A_359 = arith.constant 28 : i32
            %broadcast_in_dim3A_360 = vector.broadcast %broadcast_in_dim3A_359 : i32 to vector<16xi32>
            %gather3A_361 = tpu.vector_load_idx %arg16[%broadcast_in_dim3A_360, %sub3A_259] masked %lt3A_254 : memref<32x1536xf32, #tpu.memory_space<vmem>>[vector<16xi32>, vector<16xi32>], vector<16xf32>, vector<16xi1>
            tpu.vector_store_idx %arg17[%add3A_274, %broadcast_in_dim3A_360], %gather3A_361 masked %lt3A_254 : memref<128x128xf32, #tpu.memory_space<vmem>>[vector<16xi32>, vector<16xi32>], vector<16xf32>, vector<16xi1>
            %broadcast_in_dim3A_362 = arith.constant 29 : i32
            %broadcast_in_dim3A_363 = vector.broadcast %broadcast_in_dim3A_362 : i32 to vector<16xi32>
            %gather3A_364 = tpu.vector_load_idx %arg16[%broadcast_in_dim3A_363, %sub3A_259] masked %lt3A_254 : memref<32x1536xf32, #tpu.memory_space<vmem>>[vector<16xi32>, vector<16xi32>], vector<16xf32>, vector<16xi1>
            tpu.vector_store_idx %arg17[%add3A_274, %broadcast_in_dim3A_363], %gather3A_364 masked %lt3A_254 : memref<128x128xf32, #tpu.memory_space<vmem>>[vector<16xi32>, vector<16xi32>], vector<16xf32>, vector<16xi1>
            %broadcast_in_dim3A_365 = arith.constant 30 : i32
            %broadcast_in_dim3A_366 = vector.broadcast %broadcast_in_dim3A_365 : i32 to vector<16xi32>
            %gather3A_367 = tpu.vector_load_idx %arg16[%broadcast_in_dim3A_366, %sub3A_259] masked %lt3A_254 : memref<32x1536xf32, #tpu.memory_space<vmem>>[vector<16xi32>, vector<16xi32>], vector<16xf32>, vector<16xi1>
            tpu.vector_store_idx %arg17[%add3A_274, %broadcast_in_dim3A_366], %gather3A_367 masked %lt3A_254 : memref<128x128xf32, #tpu.memory_space<vmem>>[vector<16xi32>, vector<16xi32>], vector<16xf32>, vector<16xi1>
            %broadcast_in_dim3A_368 = arith.constant 31 : i32
            %broadcast_in_dim3A_369 = vector.broadcast %broadcast_in_dim3A_368 : i32 to vector<16xi32>
            %gather3A_370 = tpu.vector_load_idx %arg16[%broadcast_in_dim3A_369, %sub3A_259] masked %lt3A_254 : memref<32x1536xf32, #tpu.memory_space<vmem>>[vector<16xi32>, vector<16xi32>], vector<16xf32>, vector<16xi1>
            tpu.vector_store_idx %arg17[%add3A_274, %broadcast_in_dim3A_369], %gather3A_370 masked %lt3A_254 : memref<128x128xf32, #tpu.memory_space<vmem>>[vector<16xi32>, vector<16xi32>], vector<16xf32>, vector<16xi1>
            %scan3A_371 = arith.constant 0 : i32
            scf.yield %scan3A_371 : i32
          }
          %scan3A_236 = arith.constant 8 : i32
          %dma_start3A_237 = arith.constant 0 : i32
          %dma_start3A_238 = arith.constant 0 : i32
          %dma_start3A_239 = tpu.memref_slice %arg8[%dma_start3A_237, %dma_start3A_238] : memref<32769x128xf32, #tpu.memory_space<hbm>> -> memref<32769x128xf32, #tpu.memory_space<hbm>>
          %dma_start3A_240 = arith.constant -1 : i32
          tpu.enqueue_indirect_dma source(%arg17 : memref<128x128xf32, #tpu.memory_space<vmem>>) target(%dma_start3A_239 : memref<32769x128xf32, #tpu.memory_space<hbm>>) offsets(%arg18 : memref<128xi32, #tpu.memory_space<vmem>>) offset_filter(%dma_start3A_240) semaphore(%arg20 : memref<!tpu.dma_semaphore, #tpu.memory_space<semaphore_mem>>)
          %dma_wait3A_241 = arith.constant 0 : i32
          %dma_wait3A_242 = arith.constant 0 : i32
          %dma_wait3A_243 = tpu.memref_slice %arg8[%dma_wait3A_241, %dma_wait3A_242] : memref<32769x128xf32, #tpu.memory_space<hbm>> -> memref<32769x128xf32, #tpu.memory_space<hbm>>
          tpu.wait_indirect_dma semaphore(%arg20 : memref<!tpu.dma_semaphore, #tpu.memory_space<semaphore_mem>>) src(%arg17 : memref<128x128xf32, #tpu.memory_space<vmem>>) dst(%dma_wait3A_243 : memref<32769x128xf32, #tpu.memory_space<hbm>>)
          %while3A_244 = arith.constant 0 : i32
          scf.yield %while3A_244 : i32
        }
        %while3A_224 = arith.constant 1 : i32
        %while3A_225 = scf.for %while3A_226 = %while3A_221 to %while3A_217 step %while3A_224 iter_args(%while3A_227 = %while3A_223) -> (i32)  : i32 {
          %mul3A_228 = arith.constant 128 : i32
          %mul3A_229 = arith.muli %while3A_226, %mul3A_228 : i32
          %scan3A_230 = arith.constant 0 : i32
          %scan3A_231 = arith.constant 0 : i32
          %scan3A_232 = arith.constant 8 : i32
          %scan3A_233 = arith.addi %scan3A_231, %scan3A_232 : i32
          %scan3A_234 = arith.constant 1 : i32
          %scan3A_235 = scf.for %scan3A_245 = %scan3A_231 to %scan3A_233 step %scan3A_234 iter_args(%scan3A_246 = %scan3A_230) -> (i32)  : i32 {
            %iota3A_247 = tpu.iota {dimensions = array<i32: 0>} : vector<16xi32>
            %mul3A_248 = arith.constant 16 : i32
            %mul3A_249 = arith.muli %scan3A_245, %mul3A_248 : i32
            %add3A_250 = arith.addi %mul3A_229, %mul3A_249 : i32
            %add3A_251 = vector.broadcast %add3A_250 : i32 to vector<16xi32>
            %add3A_252 = arith.addi %iota3A_247, %add3A_251 : vector<16xi32>
            %lt3A_253 = vector.broadcast %while3A_187 : i32 to vector<16xi32>
            %lt3A_254 = arith.cmpi slt, %add3A_252, %lt3A_253 : vector<16xi32>
            %min3A_255 = arith.constant 4095 : i32
            %min3A_256 = vector.broadcast %min3A_255 : i32 to vector<16xi32>
            %min3A_257 = arith.minsi %add3A_252, %min3A_256 : vector<16xi32>
            %gather3A = tpu.vector_load_idx %arg14[%min3A_257] : memref<4096xi32, #tpu.memory_space<vmem>>[vector<16xi32>], vector<16xi32>,
            %sub3A_258 = vector.broadcast %multiple_of3A : i32 to vector<16xi32>
            %sub3A_259 = arith.subi %gather3A, %sub3A_258 : vector<16xi32>
            %gather3A_260 = tpu.vector_load_idx %arg15[%min3A_257] : memref<4096xi32, #tpu.memory_space<vmem>>[vector<16xi32>], vector<16xi32>,
            %add3A_261 = arith.constant 0 : i32
            %add3A_262 = vector.broadcast %add3A_261 : i32 to vector<16xi32>
            %add3A_263 = arith.addi %gather3A_260, %add3A_262 : vector<16xi32>
            %jit3A_264 = arith.constant -1 : i32
            %broadcast_in_dim3A = vector.broadcast %jit3A_264 : i32 to vector<16xi32>
            %select_n3A_265 = arith.select %lt3A_254, %add3A_263, %broadcast_in_dim3A : vector<16xi1>, vector<16xi32>
            %mul3A_266 = arith.constant 16 : i32
            %mul3A_267 = arith.muli %scan3A_245, %mul3A_266 : i32
            %swap3A_268 = arith.index_cast %mul3A_267 : i32 to index
            %swap3A_269 = tpu.vector_load %arg18[%swap3A_268] {strides = array<i32>} : memref<128xi32, #tpu.memory_space<vmem>>, vector<16xi32>,
            tpu.vector_store %arg18[%swap3A_268], %select_n3A_265 {strides = array<i32>} : memref<128xi32, #tpu.memory_space<vmem>>, vector<16xi32>,
            %iota3A_270 = tpu.iota {dimensions = array<i32: 0>} : vector<16xi32>
            %mul3A_271 = arith.constant 16 : i32
            %mul3A_272 = arith.muli %scan3A_245, %mul3A_271 : i32
            %add3A_273 = vector.broadcast %mul3A_272 : i32 to vector<16xi32>
            %add3A_274 = arith.addi %iota3A_270, %add3A_273 : vector<16xi32>
            %broadcast_in_dim3A_275 = arith.constant 0 : i32
            %broadcast_in_dim3A_276 = vector.broadcast %broadcast_in_dim3A_275 : i32 to vector<16xi32>
            %gather3A_277 = tpu.vector_load_idx %arg16[%broadcast_in_dim3A_276, %sub3A_259] masked %lt3A_254 : memref<32x1536xf32, #tpu.memory_space<vmem>>[vector<16xi32>, vector<16xi32>], vector<16xf32>, vector<16xi1>
            tpu.vector_store_idx %arg17[%add3A_274, %broadcast_in_dim3A_276], %gather3A_277 masked %lt3A_254 : memref<128x128xf32, #tpu.memory_space<vmem>>[vector<16xi32>, vector<16xi32>], vector<16xf32>, vector<16xi1>
            %broadcast_in_dim3A_278 = arith.constant 1 : i32
            %broadcast_in_dim3A_279 = vector.broadcast %broadcast_in_dim3A_278 : i32 to vector<16xi32>
            %gather3A_280 = tpu.vector_load_idx %arg16[%broadcast_in_dim3A_279, %sub3A_259] masked %lt3A_254 : memref<32x1536xf32, #tpu.memory_space<vmem>>[vector<16xi32>, vector<16xi32>], vector<16xf32>, vector<16xi1>
            tpu.vector_store_idx %arg17[%add3A_274, %broadcast_in_dim3A_279], %gather3A_280 masked %lt3A_254 : memref<128x128xf32, #tpu.memory_space<vmem>>[vector<16xi32>, vector<16xi32>], vector<16xf32>, vector<16xi1>
            %broadcast_in_dim3A_281 = arith.constant 2 : i32
            %broadcast_in_dim3A_282 = vector.broadcast %broadcast_in_dim3A_281 : i32 to vector<16xi32>
            %gather3A_283 = tpu.vector_load_idx %arg16[%broadcast_in_dim3A_282, %sub3A_259] masked %lt3A_254 : memref<32x1536xf32, #tpu.memory_space<vmem>>[vector<16xi32>, vector<16xi32>], vector<16xf32>, vector<16xi1>
            tpu.vector_store_idx %arg17[%add3A_274, %broadcast_in_dim3A_282], %gather3A_283 masked %lt3A_254 : memref<128x128xf32, #tpu.memory_space<vmem>>[vector<16xi32>, vector<16xi32>], vector<16xf32>, vector<16xi1>
            %broadcast_in_dim3A_284 = arith.constant 3 : i32
            %broadcast_in_dim3A_285 = vector.broadcast %broadcast_in_dim3A_284 : i32 to vector<16xi32>
            %gather3A_286 = tpu.vector_load_idx %arg16[%broadcast_in_dim3A_285, %sub3A_259] masked %lt3A_254 : memref<32x1536xf32, #tpu.memory_space<vmem>>[vector<16xi32>, vector<16xi32>], vector<16xf32>, vector<16xi1>
            tpu.vector_store_idx %arg17[%add3A_274, %broadcast_in_dim3A_285], %gather3A_286 masked %lt3A_254 : memref<128x128xf32, #tpu.memory_space<vmem>>[vector<16xi32>, vector<16xi32>], vector<16xf32>, vector<16xi1>
            %broadcast_in_dim3A_287 = arith.constant 4 : i32
            %broadcast_in_dim3A_288 = vector.broadcast %broadcast_in_dim3A_287 : i32 to vector<16xi32>
            %gather3A_289 = tpu.vector_load_idx %arg16[%broadcast_in_dim3A_288, %sub3A_259] masked %lt3A_254 : memref<32x1536xf32, #tpu.memory_space<vmem>>[vector<16xi32>, vector<16xi32>], vector<16xf32>, vector<16xi1>
            tpu.vector_store_idx %arg17[%add3A_274, %broadcast_in_dim3A_288], %gather3A_289 masked %lt3A_254 : memref<128x128xf32, #tpu.memory_space<vmem>>[vector<16xi32>, vector<16xi32>], vector<16xf32>, vector<16xi1>
            %broadcast_in_dim3A_290 = arith.constant 5 : i32
            %broadcast_in_dim3A_291 = vector.broadcast %broadcast_in_dim3A_290 : i32 to vector<16xi32>
            %gather3A_292 = tpu.vector_load_idx %arg16[%broadcast_in_dim3A_291, %sub3A_259] masked %lt3A_254 : memref<32x1536xf32, #tpu.memory_space<vmem>>[vector<16xi32>, vector<16xi32>], vector<16xf32>, vector<16xi1>
            tpu.vector_store_idx %arg17[%add3A_274, %broadcast_in_dim3A_291], %gather3A_292 masked %lt3A_254 : memref<128x128xf32, #tpu.memory_space<vmem>>[vector<16xi32>, vector<16xi32>], vector<16xf32>, vector<16xi1>
            %broadcast_in_dim3A_293 = arith.constant 6 : i32
            %broadcast_in_dim3A_294 = vector.broadcast %broadcast_in_dim3A_293 : i32 to vector<16xi32>
            %gather3A_295 = tpu.vector_load_idx %arg16[%broadcast_in_dim3A_294, %sub3A_259] masked %lt3A_254 : memref<32x1536xf32, #tpu.memory_space<vmem>>[vector<16xi32>, vector<16xi32>], vector<16xf32>, vector<16xi1>
            tpu.vector_store_idx %arg17[%add3A_274, %broadcast_in_dim3A_294], %gather3A_295 masked %lt3A_254 : memref<128x128xf32, #tpu.memory_space<vmem>>[vector<16xi32>, vector<16xi32>], vector<16xf32>, vector<16xi1>
            %broadcast_in_dim3A_296 = arith.constant 7 : i32
            %broadcast_in_dim3A_297 = vector.broadcast %broadcast_in_dim3A_296 : i32 to vector<16xi32>
            %gather3A_298 = tpu.vector_load_idx %arg16[%broadcast_in_dim3A_297, %sub3A_259] masked %lt3A_254 : memref<32x1536xf32, #tpu.memory_space<vmem>>[vector<16xi32>, vector<16xi32>], vector<16xf32>, vector<16xi1>
            tpu.vector_store_idx %arg17[%add3A_274, %broadcast_in_dim3A_297], %gather3A_298 masked %lt3A_254 : memref<128x128xf32, #tpu.memory_space<vmem>>[vector<16xi32>, vector<16xi32>], vector<16xf32>, vector<16xi1>
            %broadcast_in_dim3A_299 = arith.constant 8 : i32
            %broadcast_in_dim3A_300 = vector.broadcast %broadcast_in_dim3A_299 : i32 to vector<16xi32>
            %gather3A_301 = tpu.vector_load_idx %arg16[%broadcast_in_dim3A_300, %sub3A_259] masked %lt3A_254 : memref<32x1536xf32, #tpu.memory_space<vmem>>[vector<16xi32>, vector<16xi32>], vector<16xf32>, vector<16xi1>
            tpu.vector_store_idx %arg17[%add3A_274, %broadcast_in_dim3A_300], %gather3A_301 masked %lt3A_254 : memref<128x128xf32, #tpu.memory_space<vmem>>[vector<16xi32>, vector<16xi32>], vector<16xf32>, vector<16xi1>
            %broadcast_in_dim3A_302 = arith.constant 9 : i32
            %broadcast_in_dim3A_303 = vector.broadcast %broadcast_in_dim3A_302 : i32 to vector<16xi32>
            %gather3A_304 = tpu.vector_load_idx %arg16[%broadcast_in_dim3A_303, %sub3A_259] masked %lt3A_254 : memref<32x1536xf32, #tpu.memory_space<vmem>>[vector<16xi32>, vector<16xi32>], vector<16xf32>, vector<16xi1>
            tpu.vector_store_idx %arg17[%add3A_274, %broadcast_in_dim3A_303], %gather3A_304 masked %lt3A_254 : memref<128x128xf32, #tpu.memory_space<vmem>>[vector<16xi32>, vector<16xi32>], vector<16xf32>, vector<16xi1>
            %broadcast_in_dim3A_305 = arith.constant 10 : i32
            %broadcast_in_dim3A_306 = vector.broadcast %broadcast_in_dim3A_305 : i32 to vector<16xi32>
            %gather3A_307 = tpu.vector_load_idx %arg16[%broadcast_in_dim3A_306, %sub3A_259] masked %lt3A_254 : memref<32x1536xf32, #tpu.memory_space<vmem>>[vector<16xi32>, vector<16xi32>], vector<16xf32>, vector<16xi1>
            tpu.vector_store_idx %arg17[%add3A_274, %broadcast_in_dim3A_306], %gather3A_307 masked %lt3A_254 : memref<128x128xf32, #tpu.memory_space<vmem>>[vector<16xi32>, vector<16xi32>], vector<16xf32>, vector<16xi1>
            %broadcast_in_dim3A_308 = arith.constant 11 : i32
            %broadcast_in_dim3A_309 = vector.broadcast %broadcast_in_dim3A_308 : i32 to vector<16xi32>
            %gather3A_310 = tpu.vector_load_idx %arg16[%broadcast_in_dim3A_309, %sub3A_259] masked %lt3A_254 : memref<32x1536xf32, #tpu.memory_space<vmem>>[vector<16xi32>, vector<16xi32>], vector<16xf32>, vector<16xi1>
            tpu.vector_store_idx %arg17[%add3A_274, %broadcast_in_dim3A_309], %gather3A_310 masked %lt3A_254 : memref<128x128xf32, #tpu.memory_space<vmem>>[vector<16xi32>, vector<16xi32>], vector<16xf32>, vector<16xi1>
            %broadcast_in_dim3A_311 = arith.constant 12 : i32
            %broadcast_in_dim3A_312 = vector.broadcast %broadcast_in_dim3A_311 : i32 to vector<16xi32>
            %gather3A_313 = tpu.vector_load_idx %arg16[%broadcast_in_dim3A_312, %sub3A_259] masked %lt3A_254 : memref<32x1536xf32, #tpu.memory_space<vmem>>[vector<16xi32>, vector<16xi32>], vector<16xf32>, vector<16xi1>
            tpu.vector_store_idx %arg17[%add3A_274, %broadcast_in_dim3A_312], %gather3A_313 masked %lt3A_254 : memref<128x128xf32, #tpu.memory_space<vmem>>[vector<16xi32>, vector<16xi32>], vector<16xf32>, vector<16xi1>
            %broadcast_in_dim3A_314 = arith.constant 13 : i32
            %broadcast_in_dim3A_315 = vector.broadcast %broadcast_in_dim3A_314 : i32 to vector<16xi32>
            %gather3A_316 = tpu.vector_load_idx %arg16[%broadcast_in_dim3A_315, %sub3A_259] masked %lt3A_254 : memref<32x1536xf32, #tpu.memory_space<vmem>>[vector<16xi32>, vector<16xi32>], vector<16xf32>, vector<16xi1>
            tpu.vector_store_idx %arg17[%add3A_274, %broadcast_in_dim3A_315], %gather3A_316 masked %lt3A_254 : memref<128x128xf32, #tpu.memory_space<vmem>>[vector<16xi32>, vector<16xi32>], vector<16xf32>, vector<16xi1>
            %broadcast_in_dim3A_317 = arith.constant 14 : i32
            %broadcast_in_dim3A_318 = vector.broadcast %broadcast_in_dim3A_317 : i32 to vector<16xi32>
            %gather3A_319 = tpu.vector_load_idx %arg16[%broadcast_in_dim3A_318, %sub3A_259] masked %lt3A_254 : memref<32x1536xf32, #tpu.memory_space<vmem>>[vector<16xi32>, vector<16xi32>], vector<16xf32>, vector<16xi1>
            tpu.vector_store_idx %arg17[%add3A_274, %broadcast_in_dim3A_318], %gather3A_319 masked %lt3A_254 : memref<128x128xf32, #tpu.memory_space<vmem>>[vector<16xi32>, vector<16xi32>], vector<16xf32>, vector<16xi1>
            %broadcast_in_dim3A_320 = arith.constant 15 : i32
            %broadcast_in_dim3A_321 = vector.broadcast %broadcast_in_dim3A_320 : i32 to vector<16xi32>
            %gather3A_322 = tpu.vector_load_idx %arg16[%broadcast_in_dim3A_321, %sub3A_259] masked %lt3A_254 : memref<32x1536xf32, #tpu.memory_space<vmem>>[vector<16xi32>, vector<16xi32>], vector<16xf32>, vector<16xi1>
            tpu.vector_store_idx %arg17[%add3A_274, %broadcast_in_dim3A_321], %gather3A_322 masked %lt3A_254 : memref<128x128xf32, #tpu.memory_space<vmem>>[vector<16xi32>, vector<16xi32>], vector<16xf32>, vector<16xi1>
            %broadcast_in_dim3A_323 = arith.constant 16 : i32
            %broadcast_in_dim3A_324 = vector.broadcast %broadcast_in_dim3A_323 : i32 to vector<16xi32>
            %gather3A_325 = tpu.vector_load_idx %arg16[%broadcast_in_dim3A_324, %sub3A_259] masked %lt3A_254 : memref<32x1536xf32, #tpu.memory_space<vmem>>[vector<16xi32>, vector<16xi32>], vector<16xf32>, vector<16xi1>
            tpu.vector_store_idx %arg17[%add3A_274, %broadcast_in_dim3A_324], %gather3A_325 masked %lt3A_254 : memref<128x128xf32, #tpu.memory_space<vmem>>[vector<16xi32>, vector<16xi32>], vector<16xf32>, vector<16xi1>
            %broadcast_in_dim3A_326 = arith.constant 17 : i32
            %broadcast_in_dim3A_327 = vector.broadcast %broadcast_in_dim3A_326 : i32 to vector<16xi32>
            %gather3A_328 = tpu.vector_load_idx %arg16[%broadcast_in_dim3A_327, %sub3A_259] masked %lt3A_254 : memref<32x1536xf32, #tpu.memory_space<vmem>>[vector<16xi32>, vector<16xi32>], vector<16xf32>, vector<16xi1>
            tpu.vector_store_idx %arg17[%add3A_274, %broadcast_in_dim3A_327], %gather3A_328 masked %lt3A_254 : memref<128x128xf32, #tpu.memory_space<vmem>>[vector<16xi32>, vector<16xi32>], vector<16xf32>, vector<16xi1>
            %broadcast_in_dim3A_329 = arith.constant 18 : i32
            %broadcast_in_dim3A_330 = vector.broadcast %broadcast_in_dim3A_329 : i32 to vector<16xi32>
            %gather3A_331 = tpu.vector_load_idx %arg16[%broadcast_in_dim3A_330, %sub3A_259] masked %lt3A_254 : memref<32x1536xf32, #tpu.memory_space<vmem>>[vector<16xi32>, vector<16xi32>], vector<16xf32>, vector<16xi1>
            tpu.vector_store_idx %arg17[%add3A_274, %broadcast_in_dim3A_330], %gather3A_331 masked %lt3A_254 : memref<128x128xf32, #tpu.memory_space<vmem>>[vector<16xi32>, vector<16xi32>], vector<16xf32>, vector<16xi1>
            %broadcast_in_dim3A_332 = arith.constant 19 : i32
            %broadcast_in_dim3A_333 = vector.broadcast %broadcast_in_dim3A_332 : i32 to vector<16xi32>
            %gather3A_334 = tpu.vector_load_idx %arg16[%broadcast_in_dim3A_333, %sub3A_259] masked %lt3A_254 : memref<32x1536xf32, #tpu.memory_space<vmem>>[vector<16xi32>, vector<16xi32>], vector<16xf32>, vector<16xi1>
            tpu.vector_store_idx %arg17[%add3A_274, %broadcast_in_dim3A_333], %gather3A_334 masked %lt3A_254 : memref<128x128xf32, #tpu.memory_space<vmem>>[vector<16xi32>, vector<16xi32>], vector<16xf32>, vector<16xi1>
            %broadcast_in_dim3A_335 = arith.constant 20 : i32
            %broadcast_in_dim3A_336 = vector.broadcast %broadcast_in_dim3A_335 : i32 to vector<16xi32>
            %gather3A_337 = tpu.vector_load_idx %arg16[%broadcast_in_dim3A_336, %sub3A_259] masked %lt3A_254 : memref<32x1536xf32, #tpu.memory_space<vmem>>[vector<16xi32>, vector<16xi32>], vector<16xf32>, vector<16xi1>
            tpu.vector_store_idx %arg17[%add3A_274, %broadcast_in_dim3A_336], %gather3A_337 masked %lt3A_254 : memref<128x128xf32, #tpu.memory_space<vmem>>[vector<16xi32>, vector<16xi32>], vector<16xf32>, vector<16xi1>
            %broadcast_in_dim3A_338 = arith.constant 21 : i32
            %broadcast_in_dim3A_339 = vector.broadcast %broadcast_in_dim3A_338 : i32 to vector<16xi32>
            %gather3A_340 = tpu.vector_load_idx %arg16[%broadcast_in_dim3A_339, %sub3A_259] masked %lt3A_254 : memref<32x1536xf32, #tpu.memory_space<vmem>>[vector<16xi32>, vector<16xi32>], vector<16xf32>, vector<16xi1>
            tpu.vector_store_idx %arg17[%add3A_274, %broadcast_in_dim3A_339], %gather3A_340 masked %lt3A_254 : memref<128x128xf32, #tpu.memory_space<vmem>>[vector<16xi32>, vector<16xi32>], vector<16xf32>, vector<16xi1>
            %broadcast_in_dim3A_341 = arith.constant 22 : i32
            %broadcast_in_dim3A_342 = vector.broadcast %broadcast_in_dim3A_341 : i32 to vector<16xi32>
            %gather3A_343 = tpu.vector_load_idx %arg16[%broadcast_in_dim3A_342, %sub3A_259] masked %lt3A_254 : memref<32x1536xf32, #tpu.memory_space<vmem>>[vector<16xi32>, vector<16xi32>], vector<16xf32>, vector<16xi1>
            tpu.vector_store_idx %arg17[%add3A_274, %broadcast_in_dim3A_342], %gather3A_343 masked %lt3A_254 : memref<128x128xf32, #tpu.memory_space<vmem>>[vector<16xi32>, vector<16xi32>], vector<16xf32>, vector<16xi1>
            %broadcast_in_dim3A_344 = arith.constant 23 : i32
            %broadcast_in_dim3A_345 = vector.broadcast %broadcast_in_dim3A_344 : i32 to vector<16xi32>
            %gather3A_346 = tpu.vector_load_idx %arg16[%broadcast_in_dim3A_345, %sub3A_259] masked %lt3A_254 : memref<32x1536xf32, #tpu.memory_space<vmem>>[vector<16xi32>, vector<16xi32>], vector<16xf32>, vector<16xi1>
            tpu.vector_store_idx %arg17[%add3A_274, %broadcast_in_dim3A_345], %gather3A_346 masked %lt3A_254 : memref<128x128xf32, #tpu.memory_space<vmem>>[vector<16xi32>, vector<16xi32>], vector<16xf32>, vector<16xi1>
            %broadcast_in_dim3A_347 = arith.constant 24 : i32
            %broadcast_in_dim3A_348 = vector.broadcast %broadcast_in_dim3A_347 : i32 to vector<16xi32>
            %gather3A_349 = tpu.vector_load_idx %arg16[%broadcast_in_dim3A_348, %sub3A_259] masked %lt3A_254 : memref<32x1536xf32, #tpu.memory_space<vmem>>[vector<16xi32>, vector<16xi32>], vector<16xf32>, vector<16xi1>
            tpu.vector_store_idx %arg17[%add3A_274, %broadcast_in_dim3A_348], %gather3A_349 masked %lt3A_254 : memref<128x128xf32, #tpu.memory_space<vmem>>[vector<16xi32>, vector<16xi32>], vector<16xf32>, vector<16xi1>
            %broadcast_in_dim3A_350 = arith.constant 25 : i32
            %broadcast_in_dim3A_351 = vector.broadcast %broadcast_in_dim3A_350 : i32 to vector<16xi32>
            %gather3A_352 = tpu.vector_load_idx %arg16[%broadcast_in_dim3A_351, %sub3A_259] masked %lt3A_254 : memref<32x1536xf32, #tpu.memory_space<vmem>>[vector<16xi32>, vector<16xi32>], vector<16xf32>, vector<16xi1>
            tpu.vector_store_idx %arg17[%add3A_274, %broadcast_in_dim3A_351], %gather3A_352 masked %lt3A_254 : memref<128x128xf32, #tpu.memory_space<vmem>>[vector<16xi32>, vector<16xi32>], vector<16xf32>, vector<16xi1>
            %broadcast_in_dim3A_353 = arith.constant 26 : i32
            %broadcast_in_dim3A_354 = vector.broadcast %broadcast_in_dim3A_353 : i32 to vector<16xi32>
            %gather3A_355 = tpu.vector_load_idx %arg16[%broadcast_in_dim3A_354, %sub3A_259] masked %lt3A_254 : memref<32x1536xf32, #tpu.memory_space<vmem>>[vector<16xi32>, vector<16xi32>], vector<16xf32>, vector<16xi1>
            tpu.vector_store_idx %arg17[%add3A_274, %broadcast_in_dim3A_354], %gather3A_355 masked %lt3A_254 : memref<128x128xf32, #tpu.memory_space<vmem>>[vector<16xi32>, vector<16xi32>], vector<16xf32>, vector<16xi1>
            %broadcast_in_dim3A_356 = arith.constant 27 : i32
            %broadcast_in_dim3A_357 = vector.broadcast %broadcast_in_dim3A_356 : i32 to vector<16xi32>
            %gather3A_358 = tpu.vector_load_idx %arg16[%broadcast_in_dim3A_357, %sub3A_259] masked %lt3A_254 : memref<32x1536xf32, #tpu.memory_space<vmem>>[vector<16xi32>, vector<16xi32>], vector<16xf32>, vector<16xi1>
            tpu.vector_store_idx %arg17[%add3A_274, %broadcast_in_dim3A_357], %gather3A_358 masked %lt3A_254 : memref<128x128xf32, #tpu.memory_space<vmem>>[vector<16xi32>, vector<16xi32>], vector<16xf32>, vector<16xi1>
            %broadcast_in_dim3A_359 = arith.constant 28 : i32
            %broadcast_in_dim3A_360 = vector.broadcast %broadcast_in_dim3A_359 : i32 to vector<16xi32>
            %gather3A_361 = tpu.vector_load_idx %arg16[%broadcast_in_dim3A_360, %sub3A_259] masked %lt3A_254 : memref<32x1536xf32, #tpu.memory_space<vmem>>[vector<16xi32>, vector<16xi32>], vector<16xf32>, vector<16xi1>
            tpu.vector_store_idx %arg17[%add3A_274, %broadcast_in_dim3A_360], %gather3A_361 masked %lt3A_254 : memref<128x128xf32, #tpu.memory_space<vmem>>[vector<16xi32>, vector<16xi32>], vector<16xf32>, vector<16xi1>
            %broadcast_in_dim3A_362 = arith.constant 29 : i32
            %broadcast_in_dim3A_363 = vector.broadcast %broadcast_in_dim3A_362 : i32 to vector<16xi32>
            %gather3A_364 = tpu.vector_load_idx %arg16[%broadcast_in_dim3A_363, %sub3A_259] masked %lt3A_254 : memref<32x1536xf32, #tpu.memory_space<vmem>>[vector<16xi32>, vector<16xi32>], vector<16xf32>, vector<16xi1>
            tpu.vector_store_idx %arg17[%add3A_274, %broadcast_in_dim3A_363], %gather3A_364 masked %lt3A_254 : memref<128x128xf32, #tpu.memory_space<vmem>>[vector<16xi32>, vector<16xi32>], vector<16xf32>, vector<16xi1>
            %broadcast_in_dim3A_365 = arith.constant 30 : i32
            %broadcast_in_dim3A_366 = vector.broadcast %broadcast_in_dim3A_365 : i32 to vector<16xi32>
            %gather3A_367 = tpu.vector_load_idx %arg16[%broadcast_in_dim3A_366, %sub3A_259] masked %lt3A_254 : memref<32x1536xf32, #tpu.memory_space<vmem>>[vector<16xi32>, vector<16xi32>], vector<16xf32>, vector<16xi1>
            tpu.vector_store_idx %arg17[%add3A_274, %broadcast_in_dim3A_366], %gather3A_367 masked %lt3A_254 : memref<128x128xf32, #tpu.memory_space<vmem>>[vector<16xi32>, vector<16xi32>], vector<16xf32>, vector<16xi1>
            %broadcast_in_dim3A_368 = arith.constant 31 : i32
            %broadcast_in_dim3A_369 = vector.broadcast %broadcast_in_dim3A_368 : i32 to vector<16xi32>
            %gather3A_370 = tpu.vector_load_idx %arg16[%broadcast_in_dim3A_369, %sub3A_259] masked %lt3A_254 : memref<32x1536xf32, #tpu.memory_space<vmem>>[vector<16xi32>, vector<16xi32>], vector<16xf32>, vector<16xi1>
            tpu.vector_store_idx %arg17[%add3A_274, %broadcast_in_dim3A_369], %gather3A_370 masked %lt3A_254 : memref<128x128xf32, #tpu.memory_space<vmem>>[vector<16xi32>, vector<16xi32>], vector<16xf32>, vector<16xi1>
            %scan3A_371 = arith.constant 0 : i32
            scf.yield %scan3A_371 : i32
          }
          %scan3A_236 = arith.constant 8 : i32
          %dma_start3A_237 = arith.constant 0 : i32
          %dma_start3A_238 = arith.constant 0 : i32
          %dma_start3A_239 = tpu.memref_slice %arg8[%dma_start3A_237, %dma_start3A_238] : memref<32769x128xf32, #tpu.memory_space<hbm>> -> memref<32769x128xf32, #tpu.memory_space<hbm>>
          %dma_start3A_240 = arith.constant -1 : i32
          tpu.enqueue_indirect_dma source(%arg17 : memref<128x128xf32, #tpu.memory_space<vmem>>) target(%dma_start3A_239 : memref<32769x128xf32, #tpu.memory_space<hbm>>) offsets(%arg18 : memref<128xi32, #tpu.memory_space<vmem>>) offset_filter(%dma_start3A_240) semaphore(%arg20 : memref<!tpu.dma_semaphore, #tpu.memory_space<semaphore_mem>>)
          %dma_wait3A_241 = arith.constant 0 : i32
          %dma_wait3A_242 = arith.constant 0 : i32
          %dma_wait3A_243 = tpu.memref_slice %arg8[%dma_wait3A_241, %dma_wait3A_242] : memref<32769x128xf32, #tpu.memory_space<hbm>> -> memref<32769x128xf32, #tpu.memory_space<hbm>>
          tpu.wait_indirect_dma semaphore(%arg20 : memref<!tpu.dma_semaphore, #tpu.memory_space<semaphore_mem>>) src(%arg17 : memref<128x128xf32, #tpu.memory_space<vmem>>) dst(%dma_wait3A_243 : memref<32769x128xf32, #tpu.memory_space<hbm>>)
          %while3A_244 = arith.constant 0 : i32
          scf.yield %while3A_244 : i32
        }
      } else {
      }
      %scan3A_143 = arith.constant 0 : i32
      scf.yield %scan3A_143 : i32
    }
    %scan3A_87 = arith.constant 21 : i32
    %eq3A_88 = arith.constant 31 : i32
    %eq3A_89 = arith.cmpi eq, %add3A, %eq3A_88 : i32
    %convert_element_type3A = arith.extui %eq3A_89 : i1 to i32
    %cond3A = arith.constant 0 : i32
    %cond3A_90 = arith.cmpi ne, %convert_element_type3A, %cond3A : i32
    scf.if %cond3A_90 {
      %dma_start3A_132 = arith.constant 0 : i32
      %dma_start3A_133 = arith.constant 0 : i32
      %dma_start3A_134 = tpu.memref_slice %arg6[%dma_start3A_132, %dma_start3A_133] : memref<128x128xf32, #tpu.memory_space<hbm>> -> memref<128x128xf32, #tpu.memory_space<hbm>>
      tpu.enqueue_indirect_dma source(%dma_start3A_134 : memref<128x128xf32, #tpu.memory_space<hbm>>) target(%arg19 : memref<128x128xf32, #tpu.memory_space<vmem>>) offsets(%arg10 : memref<128xi32, #tpu.memory_space<vmem>>) semaphore(%arg20 : memref<!tpu.dma_semaphore, #tpu.memory_space<semaphore_mem>>)
      %dma_wait3A_135 = arith.constant 0 : i32
      %dma_wait3A_136 = arith.constant 0 : i32
      %dma_wait3A_137 = tpu.memref_slice %arg6[%dma_wait3A_135, %dma_wait3A_136] : memref<128x128xf32, #tpu.memory_space<hbm>> -> memref<128x128xf32, #tpu.memory_space<hbm>>
      tpu.wait_indirect_dma semaphore(%arg20 : memref<!tpu.dma_semaphore, #tpu.memory_space<semaphore_mem>>) src(%dma_wait3A_137 : memref<128x128xf32, #tpu.memory_space<hbm>>) dst(%arg19 : memref<128x128xf32, #tpu.memory_space<vmem>>)
      %add3A_138 = arith.constant 15 : i32
      %add3A_139 = arith.addi %scan3A_79, %add3A_138 : i32
      %jit3A_140 = arith.constant 16 : i32
      %div3A = arith.divsi %add3A_139, %jit3A_140 : i32
      %sign3A = arith.constant 0 : i32
      %sign3A_141 = arith.cmpi sgt, %add3A_139, %sign3A : i32
      %sign3A_142 = arith.extui %sign3A_141 : i1 to i32
      %sign3A_143 = arith.constant 0 : i32
      %sign3A_144 = arith.cmpi slt, %add3A_139, %sign3A_143 : i32
      %sign3A_145 = arith.extui %sign3A_144 : i1 to i32
      %sign3A_146 = arith.subi %sign3A_142, %sign3A_145 : i32
      %sign3A_147 = arith.constant 0 : i32
      %sign3A_148 = arith.cmpi sgt, %jit3A_140, %sign3A_147 : i32
      %sign3A_149 = arith.extui %sign3A_148 : i1 to i32
      %sign3A_150 = arith.constant 0 : i32
      %sign3A_151 = arith.cmpi slt, %jit3A_140, %sign3A_150 : i32
      %sign3A_152 = arith.extui %sign3A_151 : i1 to i32
      %sign3A_153 = arith.subi %sign3A_149, %sign3A_152 : i32
      %ne3A = arith.cmpi ne, %sign3A_146, %sign3A_153 : i32
      %rem3A = arith.remsi %add3A_139, %jit3A_140 : i32
      %ne3A_154 = arith.constant 0 : i32
      %ne3A_155 = arith.cmpi ne, %rem3A, %ne3A_154 : i32
      %and3A = arith.andi %ne3A, %ne3A_155 : i1
      %sub3A = arith.constant 1 : i32
      %sub3A_156 = arith.subi %div3A, %sub3A : i32
      %select_n3A_157 = arith.select %and3A, %sub3A_156, %div3A : i32
      %while3A = arith.constant 1073741824 : i32
      %while3A_158 = arith.constant 0 : i32
      %while3A_159 = arith.constant 0 : i32
      %while3A_160 = arith.subi %select_n3A_157, %while3A_158 : i32
      %while3A_161 = arith.addi %while3A_158, %while3A_160 : i32
      %while3A_162 = arith.constant 1 : i32
      %while3A_163 = arith.divsi %while3A_160, %while3A_162 : i32
      %while3A_164 = arith.muli %while3A_163, %while3A_162 : i32
      %while3A_165 = arith.addi %while3A_158, %while3A_164 : i32
      %while3A_166 = arith.constant 1 : i32
      %while3A_167 = scf.for %while3A_208 = %while3A_158 to %while3A_165 step %while3A_166 iter_args(%while3A_209 = %while3A_159) -> (i32)  : i32 {
        %iota3A_210 = tpu.iota {dimensions = array<i32: 0>} : vector<16xi32>
        %mul3A_211 = arith.constant 16 : i32
        %mul3A_212 = arith.muli %while3A_208, %mul3A_211 : i32
        %add3A_213 = vector.broadcast %mul3A_212 : i32 to vector<16xi32>
        %add3A_214 = arith.addi %iota3A_210, %add3A_213 : vector<16xi32>
        %mul3A_215 = arith.constant 16 : i32
        %mul3A_216 = arith.muli %while3A_208, %mul3A_215 : i32
        %get3A = arith.index_cast %mul3A_216 : i32 to index
        %get3A_217 = tpu.vector_load %arg12[%get3A] {strides = array<i32>} : memref<4096xi32, #tpu.memory_space<vmem>>, vector<16xi32>,
        %mul3A_218 = arith.constant 16 : i32
        %mul3A_219 = arith.muli %while3A_208, %mul3A_218 : i32
        %get3A_220 = arith.index_cast %mul3A_219 : i32 to index
        %get3A_221 = tpu.vector_load %arg13[%get3A_220] {strides = array<i32>} : memref<4096xi32, #tpu.memory_space<vmem>>, vector<16xi32>,
        %lt3A = vector.broadcast %scan3A_79 : i32 to vector<16xi32>
        %lt3A_222 = arith.cmpi slt, %add3A_214, %lt3A : vector<16xi32>
        %ge3A = arith.constant 999936 : i32
        %ge3A_223 = vector.broadcast %ge3A : i32 to vector<16xi32>
        %ge3A_224 = arith.cmpi sge, %get3A_217, %ge3A_223 : vector<16xi32>
        %and3A_225 = arith.andi %lt3A_222, %ge3A_224 : vector<16xi1>
        %lt3A_226 = vector.broadcast %while3A : i32 to vector<16xi32>
        %lt3A_227 = arith.cmpi slt, %get3A_217, %lt3A_226 : vector<16xi32>
        %and3A_228 = arith.andi %and3A_225, %lt3A_227 : vector<16xi1>
        %min3A_229 = arith.constant 4080 : i32
        %min3A_230 = arith.minsi %while3A_209, %min3A_229 : i32
        %swap3A_231 = arith.index_cast %min3A_230 : i32 to index
        %swap3A_232 = tpu.vector_load %arg14[%swap3A_231] masked %and3A_228 {strides = array<i32>} : memref<4096xi32, #tpu.memory_space<vmem>>, vector<16xi32>, vector<16xi1>
        tpu.vector_store %arg14[%swap3A_231], %get3A_217 masked %and3A_228 {strides = array<i32>} : memref<4096xi32, #tpu.memory_space<vmem>>, vector<16xi32>, vector<16xi1>
        %swap3A_233 = arith.index_cast %min3A_230 : i32 to index
        %swap3A_234 = tpu.vector_load %arg15[%swap3A_233] masked %and3A_228 {strides = array<i32>} : memref<4096xi32, #tpu.memory_space<vmem>>, vector<16xi32>, vector<16xi1>
        tpu.vector_store %arg15[%swap3A_233], %get3A_221 masked %and3A_228 {strides = array<i32>} : memref<4096xi32, #tpu.memory_space<vmem>>, vector<16xi32>, vector<16xi1>
        %all_reduce_population_count3A = tpu.all_reduce %and3A_228 {dim = 0 : i64, kind = #tpu.reduction_kind<sum>} : vector<16xi1> -> vector<16xi32>
        %slice3A = vector.extract_strided_slice %all_reduce_population_count3A {offsets = [0], sizes = [1], strides = [1]} : vector<16xi32> to vector<1xi32>
        %squeeze3A = vector.extract %slice3A[0] : i32 from vector<1xi32>
        %add3A_235 = arith.addi %while3A_209, %squeeze3A : i32
        scf.yield %add3A_235 : i32
      }
      %while3A_168 = arith.constant 1 : i32
      %while3A_169 = scf.for %while3A_208 = %while3A_165 to %while3A_161 step %while3A_168 iter_args(%while3A_209 = %while3A_167) -> (i32)  : i32 {
        %iota3A_210 = tpu.iota {dimensions = array<i32: 0>} : vector<16xi32>
        %mul3A_211 = arith.constant 16 : i32
        %mul3A_212 = arith.muli %while3A_208, %mul3A_211 : i32
        %add3A_213 = vector.broadcast %mul3A_212 : i32 to vector<16xi32>
        %add3A_214 = arith.addi %iota3A_210, %add3A_213 : vector<16xi32>
        %mul3A_215 = arith.constant 16 : i32
        %mul3A_216 = arith.muli %while3A_208, %mul3A_215 : i32
        %get3A = arith.index_cast %mul3A_216 : i32 to index
        %get3A_217 = tpu.vector_load %arg12[%get3A] {strides = array<i32>} : memref<4096xi32, #tpu.memory_space<vmem>>, vector<16xi32>,
        %mul3A_218 = arith.constant 16 : i32
        %mul3A_219 = arith.muli %while3A_208, %mul3A_218 : i32
        %get3A_220 = arith.index_cast %mul3A_219 : i32 to index
        %get3A_221 = tpu.vector_load %arg13[%get3A_220] {strides = array<i32>} : memref<4096xi32, #tpu.memory_space<vmem>>, vector<16xi32>,
        %lt3A = vector.broadcast %scan3A_79 : i32 to vector<16xi32>
        %lt3A_222 = arith.cmpi slt, %add3A_214, %lt3A : vector<16xi32>
        %ge3A = arith.constant 999936 : i32
        %ge3A_223 = vector.broadcast %ge3A : i32 to vector<16xi32>
        %ge3A_224 = arith.cmpi sge, %get3A_217, %ge3A_223 : vector<16xi32>
        %and3A_225 = arith.andi %lt3A_222, %ge3A_224 : vector<16xi1>
        %lt3A_226 = vector.broadcast %while3A : i32 to vector<16xi32>
        %lt3A_227 = arith.cmpi slt, %get3A_217, %lt3A_226 : vector<16xi32>
        %and3A_228 = arith.andi %and3A_225, %lt3A_227 : vector<16xi1>
        %min3A_229 = arith.constant 4080 : i32
        %min3A_230 = arith.minsi %while3A_209, %min3A_229 : i32
        %swap3A_231 = arith.index_cast %min3A_230 : i32 to index
        %swap3A_232 = tpu.vector_load %arg14[%swap3A_231] masked %and3A_228 {strides = array<i32>} : memref<4096xi32, #tpu.memory_space<vmem>>, vector<16xi32>, vector<16xi1>
        tpu.vector_store %arg14[%swap3A_231], %get3A_217 masked %and3A_228 {strides = array<i32>} : memref<4096xi32, #tpu.memory_space<vmem>>, vector<16xi32>, vector<16xi1>
        %swap3A_233 = arith.index_cast %min3A_230 : i32 to index
        %swap3A_234 = tpu.vector_load %arg15[%swap3A_233] masked %and3A_228 {strides = array<i32>} : memref<4096xi32, #tpu.memory_space<vmem>>, vector<16xi32>, vector<16xi1>
        tpu.vector_store %arg15[%swap3A_233], %get3A_221 masked %and3A_228 {strides = array<i32>} : memref<4096xi32, #tpu.memory_space<vmem>>, vector<16xi32>, vector<16xi1>
        %all_reduce_population_count3A = tpu.all_reduce %and3A_228 {dim = 0 : i64, kind = #tpu.reduction_kind<sum>} : vector<16xi1> -> vector<16xi32>
        %slice3A = vector.extract_strided_slice %all_reduce_population_count3A {offsets = [0], sizes = [1], strides = [1]} : vector<16xi32> to vector<1xi32>
        %squeeze3A = vector.extract %slice3A[0] : i32 from vector<1xi32>
        %add3A_235 = arith.addi %while3A_209, %squeeze3A : i32
        scf.yield %add3A_235 : i32
      }
      %add3A_170 = arith.constant 127 : i32
      %add3A_171 = arith.addi %while3A_169, %add3A_170 : i32
      %jit3A_172 = arith.constant 128 : i32
      %div3A_173 = arith.divsi %add3A_171, %jit3A_172 : i32
      %sign3A_174 = arith.constant 0 : i32
      %sign3A_175 = arith.cmpi sgt, %add3A_171, %sign3A_174 : i32
      %sign3A_176 = arith.extui %sign3A_175 : i1 to i32
      %sign3A_177 = arith.constant 0 : i32
      %sign3A_178 = arith.cmpi slt, %add3A_171, %sign3A_177 : i32
      %sign3A_179 = arith.extui %sign3A_178 : i1 to i32
      %sign3A_180 = arith.subi %sign3A_176, %sign3A_179 : i32
      %sign3A_181 = arith.constant 0 : i32
      %sign3A_182 = arith.cmpi sgt, %jit3A_172, %sign3A_181 : i32
      %sign3A_183 = arith.extui %sign3A_182 : i1 to i32
      %sign3A_184 = arith.constant 0 : i32
      %sign3A_185 = arith.cmpi slt, %jit3A_172, %sign3A_184 : i32
      %sign3A_186 = arith.extui %sign3A_185 : i1 to i32
      %sign3A_187 = arith.subi %sign3A_183, %sign3A_186 : i32
      %ne3A_188 = arith.cmpi ne, %sign3A_180, %sign3A_187 : i32
      %rem3A_189 = arith.remsi %add3A_171, %jit3A_172 : i32
      %ne3A_190 = arith.constant 0 : i32
      %ne3A_191 = arith.cmpi ne, %rem3A_189, %ne3A_190 : i32
      %and3A_192 = arith.andi %ne3A_188, %ne3A_191 : i1
      %sub3A_193 = arith.constant 1 : i32
      %sub3A_194 = arith.subi %div3A_173, %sub3A_193 : i32
      %select_n3A_195 = arith.select %and3A_192, %sub3A_194, %div3A_173 : i32
      %while3A_196 = arith.constant 0 : i32
      %while3A_197 = arith.constant 0 : i32
      %while3A_198 = arith.subi %select_n3A_195, %while3A_196 : i32
      %while3A_199 = arith.addi %while3A_196, %while3A_198 : i32
      %while3A_200 = arith.constant 1 : i32
      %while3A_201 = arith.divsi %while3A_198, %while3A_200 : i32
      %while3A_202 = arith.muli %while3A_201, %while3A_200 : i32
      %while3A_203 = arith.addi %while3A_196, %while3A_202 : i32
      %while3A_204 = arith.constant 1 : i32
      %while3A_205 = scf.for %while3A_208 = %while3A_196 to %while3A_203 step %while3A_204 iter_args(%while3A_209 = %while3A_197) -> (i32)  : i32 {
        %mul3A_210 = arith.constant 128 : i32
        %mul3A_211 = arith.muli %while3A_208, %mul3A_210 : i32
        %scan3A_212 = arith.constant 0 : i32
        %scan3A_213 = arith.constant 0 : i32
        %scan3A_214 = arith.constant 8 : i32
        %scan3A_215 = arith.addi %scan3A_213, %scan3A_214 : i32
        %scan3A_216 = arith.constant 1 : i32
        %scan3A_217 = scf.for %scan3A_227 = %scan3A_213 to %scan3A_215 step %scan3A_216 iter_args(%scan3A_228 = %scan3A_212) -> (i32)  : i32 {
          %iota3A_229 = tpu.iota {dimensions = array<i32: 0>} : vector<16xi32>
          %mul3A_230 = arith.constant 16 : i32
          %mul3A_231 = arith.muli %scan3A_227, %mul3A_230 : i32
          %add3A_232 = arith.addi %mul3A_211, %mul3A_231 : i32
          %add3A_233 = vector.broadcast %add3A_232 : i32 to vector<16xi32>
          %add3A_234 = arith.addi %iota3A_229, %add3A_233 : vector<16xi32>
          %lt3A = vector.broadcast %while3A_169 : i32 to vector<16xi32>
          %lt3A_235 = arith.cmpi slt, %add3A_234, %lt3A : vector<16xi32>
          %min3A_236 = arith.constant 4095 : i32
          %min3A_237 = vector.broadcast %min3A_236 : i32 to vector<16xi32>
          %min3A_238 = arith.minsi %add3A_234, %min3A_237 : vector<16xi32>
          %gather3A = tpu.vector_load_idx %arg14[%min3A_238] : memref<4096xi32, #tpu.memory_space<vmem>>[vector<16xi32>], vector<16xi32>,
          %sub3A_239 = arith.constant 999936 : i32
          %sub3A_240 = vector.broadcast %sub3A_239 : i32 to vector<16xi32>
          %sub3A_241 = arith.subi %gather3A, %sub3A_240 : vector<16xi32>
          %gather3A_242 = tpu.vector_load_idx %arg15[%min3A_238] : memref<4096xi32, #tpu.memory_space<vmem>>[vector<16xi32>], vector<16xi32>,
          %add3A_243 = arith.constant 0 : i32
          %add3A_244 = vector.broadcast %add3A_243 : i32 to vector<16xi32>
          %add3A_245 = arith.addi %gather3A_242, %add3A_244 : vector<16xi32>
          %jit3A_246 = arith.constant -1 : i32
          %broadcast_in_dim3A = vector.broadcast %jit3A_246 : i32 to vector<16xi32>
          %select_n3A_247 = arith.select %lt3A_235, %add3A_245, %broadcast_in_dim3A : vector<16xi1>, vector<16xi32>
          %mul3A_248 = arith.constant 16 : i32
          %mul3A_249 = arith.muli %scan3A_227, %mul3A_248 : i32
          %swap3A_250 = arith.index_cast %mul3A_249 : i32 to index
          %swap3A_251 = tpu.vector_load %arg18[%swap3A_250] {strides = array<i32>} : memref<128xi32, #tpu.memory_space<vmem>>, vector<16xi32>,
          tpu.vector_store %arg18[%swap3A_250], %select_n3A_247 {strides = array<i32>} : memref<128xi32, #tpu.memory_space<vmem>>, vector<16xi32>,
          %iota3A_252 = tpu.iota {dimensions = array<i32: 0>} : vector<16xi32>
          %mul3A_253 = arith.constant 16 : i32
          %mul3A_254 = arith.muli %scan3A_227, %mul3A_253 : i32
          %add3A_255 = vector.broadcast %mul3A_254 : i32 to vector<16xi32>
          %add3A_256 = arith.addi %iota3A_252, %add3A_255 : vector<16xi32>
          %broadcast_in_dim3A_257 = arith.constant 0 : i32
          %broadcast_in_dim3A_258 = vector.broadcast %broadcast_in_dim3A_257 : i32 to vector<16xi32>
          %gather3A_259 = tpu.vector_load_idx %arg19[%sub3A_241, %broadcast_in_dim3A_258] masked %lt3A_235 : memref<128x128xf32, #tpu.memory_space<vmem>>[vector<16xi32>, vector<16xi32>], vector<16xf32>, vector<16xi1>
          tpu.vector_store_idx %arg17[%add3A_256, %broadcast_in_dim3A_258], %gather3A_259 masked %lt3A_235 : memref<128x128xf32, #tpu.memory_space<vmem>>[vector<16xi32>, vector<16xi32>], vector<16xf32>, vector<16xi1>
          %broadcast_in_dim3A_260 = arith.constant 1 : i32
          %broadcast_in_dim3A_261 = vector.broadcast %broadcast_in_dim3A_260 : i32 to vector<16xi32>
          %gather3A_262 = tpu.vector_load_idx %arg19[%sub3A_241, %broadcast_in_dim3A_261] masked %lt3A_235 : memref<128x128xf32, #tpu.memory_space<vmem>>[vector<16xi32>, vector<16xi32>], vector<16xf32>, vector<16xi1>
          tpu.vector_store_idx %arg17[%add3A_256, %broadcast_in_dim3A_261], %gather3A_262 masked %lt3A_235 : memref<128x128xf32, #tpu.memory_space<vmem>>[vector<16xi32>, vector<16xi32>], vector<16xf32>, vector<16xi1>
          %broadcast_in_dim3A_263 = arith.constant 2 : i32
          %broadcast_in_dim3A_264 = vector.broadcast %broadcast_in_dim3A_263 : i32 to vector<16xi32>
          %gather3A_265 = tpu.vector_load_idx %arg19[%sub3A_241, %broadcast_in_dim3A_264] masked %lt3A_235 : memref<128x128xf32, #tpu.memory_space<vmem>>[vector<16xi32>, vector<16xi32>], vector<16xf32>, vector<16xi1>
          tpu.vector_store_idx %arg17[%add3A_256, %broadcast_in_dim3A_264], %gather3A_265 masked %lt3A_235 : memref<128x128xf32, #tpu.memory_space<vmem>>[vector<16xi32>, vector<16xi32>], vector<16xf32>, vector<16xi1>
          %broadcast_in_dim3A_266 = arith.constant 3 : i32
          %broadcast_in_dim3A_267 = vector.broadcast %broadcast_in_dim3A_266 : i32 to vector<16xi32>
          %gather3A_268 = tpu.vector_load_idx %arg19[%sub3A_241, %broadcast_in_dim3A_267] masked %lt3A_235 : memref<128x128xf32, #tpu.memory_space<vmem>>[vector<16xi32>, vector<16xi32>], vector<16xf32>, vector<16xi1>
          tpu.vector_store_idx %arg17[%add3A_256, %broadcast_in_dim3A_267], %gather3A_268 masked %lt3A_235 : memref<128x128xf32, #tpu.memory_space<vmem>>[vector<16xi32>, vector<16xi32>], vector<16xf32>, vector<16xi1>
          %broadcast_in_dim3A_269 = arith.constant 4 : i32
          %broadcast_in_dim3A_270 = vector.broadcast %broadcast_in_dim3A_269 : i32 to vector<16xi32>
          %gather3A_271 = tpu.vector_load_idx %arg19[%sub3A_241, %broadcast_in_dim3A_270] masked %lt3A_235 : memref<128x128xf32, #tpu.memory_space<vmem>>[vector<16xi32>, vector<16xi32>], vector<16xf32>, vector<16xi1>
          tpu.vector_store_idx %arg17[%add3A_256, %broadcast_in_dim3A_270], %gather3A_271 masked %lt3A_235 : memref<128x128xf32, #tpu.memory_space<vmem>>[vector<16xi32>, vector<16xi32>], vector<16xf32>, vector<16xi1>
          %broadcast_in_dim3A_272 = arith.constant 5 : i32
          %broadcast_in_dim3A_273 = vector.broadcast %broadcast_in_dim3A_272 : i32 to vector<16xi32>
          %gather3A_274 = tpu.vector_load_idx %arg19[%sub3A_241, %broadcast_in_dim3A_273] masked %lt3A_235 : memref<128x128xf32, #tpu.memory_space<vmem>>[vector<16xi32>, vector<16xi32>], vector<16xf32>, vector<16xi1>
          tpu.vector_store_idx %arg17[%add3A_256, %broadcast_in_dim3A_273], %gather3A_274 masked %lt3A_235 : memref<128x128xf32, #tpu.memory_space<vmem>>[vector<16xi32>, vector<16xi32>], vector<16xf32>, vector<16xi1>
          %broadcast_in_dim3A_275 = arith.constant 6 : i32
          %broadcast_in_dim3A_276 = vector.broadcast %broadcast_in_dim3A_275 : i32 to vector<16xi32>
          %gather3A_277 = tpu.vector_load_idx %arg19[%sub3A_241, %broadcast_in_dim3A_276] masked %lt3A_235 : memref<128x128xf32, #tpu.memory_space<vmem>>[vector<16xi32>, vector<16xi32>], vector<16xf32>, vector<16xi1>
          tpu.vector_store_idx %arg17[%add3A_256, %broadcast_in_dim3A_276], %gather3A_277 masked %lt3A_235 : memref<128x128xf32, #tpu.memory_space<vmem>>[vector<16xi32>, vector<16xi32>], vector<16xf32>, vector<16xi1>
          %broadcast_in_dim3A_278 = arith.constant 7 : i32
          %broadcast_in_dim3A_279 = vector.broadcast %broadcast_in_dim3A_278 : i32 to vector<16xi32>
          %gather3A_280 = tpu.vector_load_idx %arg19[%sub3A_241, %broadcast_in_dim3A_279] masked %lt3A_235 : memref<128x128xf32, #tpu.memory_space<vmem>>[vector<16xi32>, vector<16xi32>], vector<16xf32>, vector<16xi1>
          tpu.vector_store_idx %arg17[%add3A_256, %broadcast_in_dim3A_279], %gather3A_280 masked %lt3A_235 : memref<128x128xf32, #tpu.memory_space<vmem>>[vector<16xi32>, vector<16xi32>], vector<16xf32>, vector<16xi1>
          %broadcast_in_dim3A_281 = arith.constant 8 : i32
          %broadcast_in_dim3A_282 = vector.broadcast %broadcast_in_dim3A_281 : i32 to vector<16xi32>
          %gather3A_283 = tpu.vector_load_idx %arg19[%sub3A_241, %broadcast_in_dim3A_282] masked %lt3A_235 : memref<128x128xf32, #tpu.memory_space<vmem>>[vector<16xi32>, vector<16xi32>], vector<16xf32>, vector<16xi1>
          tpu.vector_store_idx %arg17[%add3A_256, %broadcast_in_dim3A_282], %gather3A_283 masked %lt3A_235 : memref<128x128xf32, #tpu.memory_space<vmem>>[vector<16xi32>, vector<16xi32>], vector<16xf32>, vector<16xi1>
          %broadcast_in_dim3A_284 = arith.constant 9 : i32
          %broadcast_in_dim3A_285 = vector.broadcast %broadcast_in_dim3A_284 : i32 to vector<16xi32>
          %gather3A_286 = tpu.vector_load_idx %arg19[%sub3A_241, %broadcast_in_dim3A_285] masked %lt3A_235 : memref<128x128xf32, #tpu.memory_space<vmem>>[vector<16xi32>, vector<16xi32>], vector<16xf32>, vector<16xi1>
          tpu.vector_store_idx %arg17[%add3A_256, %broadcast_in_dim3A_285], %gather3A_286 masked %lt3A_235 : memref<128x128xf32, #tpu.memory_space<vmem>>[vector<16xi32>, vector<16xi32>], vector<16xf32>, vector<16xi1>
          %broadcast_in_dim3A_287 = arith.constant 10 : i32
          %broadcast_in_dim3A_288 = vector.broadcast %broadcast_in_dim3A_287 : i32 to vector<16xi32>
          %gather3A_289 = tpu.vector_load_idx %arg19[%sub3A_241, %broadcast_in_dim3A_288] masked %lt3A_235 : memref<128x128xf32, #tpu.memory_space<vmem>>[vector<16xi32>, vector<16xi32>], vector<16xf32>, vector<16xi1>
          tpu.vector_store_idx %arg17[%add3A_256, %broadcast_in_dim3A_288], %gather3A_289 masked %lt3A_235 : memref<128x128xf32, #tpu.memory_space<vmem>>[vector<16xi32>, vector<16xi32>], vector<16xf32>, vector<16xi1>
          %broadcast_in_dim3A_290 = arith.constant 11 : i32
          %broadcast_in_dim3A_291 = vector.broadcast %broadcast_in_dim3A_290 : i32 to vector<16xi32>
          %gather3A_292 = tpu.vector_load_idx %arg19[%sub3A_241, %broadcast_in_dim3A_291] masked %lt3A_235 : memref<128x128xf32, #tpu.memory_space<vmem>>[vector<16xi32>, vector<16xi32>], vector<16xf32>, vector<16xi1>
          tpu.vector_store_idx %arg17[%add3A_256, %broadcast_in_dim3A_291], %gather3A_292 masked %lt3A_235 : memref<128x128xf32, #tpu.memory_space<vmem>>[vector<16xi32>, vector<16xi32>], vector<16xf32>, vector<16xi1>
          %broadcast_in_dim3A_293 = arith.constant 12 : i32
          %broadcast_in_dim3A_294 = vector.broadcast %broadcast_in_dim3A_293 : i32 to vector<16xi32>
          %gather3A_295 = tpu.vector_load_idx %arg19[%sub3A_241, %broadcast_in_dim3A_294] masked %lt3A_235 : memref<128x128xf32, #tpu.memory_space<vmem>>[vector<16xi32>, vector<16xi32>], vector<16xf32>, vector<16xi1>
          tpu.vector_store_idx %arg17[%add3A_256, %broadcast_in_dim3A_294], %gather3A_295 masked %lt3A_235 : memref<128x128xf32, #tpu.memory_space<vmem>>[vector<16xi32>, vector<16xi32>], vector<16xf32>, vector<16xi1>
          %broadcast_in_dim3A_296 = arith.constant 13 : i32
          %broadcast_in_dim3A_297 = vector.broadcast %broadcast_in_dim3A_296 : i32 to vector<16xi32>
          %gather3A_298 = tpu.vector_load_idx %arg19[%sub3A_241, %broadcast_in_dim3A_297] masked %lt3A_235 : memref<128x128xf32, #tpu.memory_space<vmem>>[vector<16xi32>, vector<16xi32>], vector<16xf32>, vector<16xi1>
          tpu.vector_store_idx %arg17[%add3A_256, %broadcast_in_dim3A_297], %gather3A_298 masked %lt3A_235 : memref<128x128xf32, #tpu.memory_space<vmem>>[vector<16xi32>, vector<16xi32>], vector<16xf32>, vector<16xi1>
          %broadcast_in_dim3A_299 = arith.constant 14 : i32
          %broadcast_in_dim3A_300 = vector.broadcast %broadcast_in_dim3A_299 : i32 to vector<16xi32>
          %gather3A_301 = tpu.vector_load_idx %arg19[%sub3A_241, %broadcast_in_dim3A_300] masked %lt3A_235 : memref<128x128xf32, #tpu.memory_space<vmem>>[vector<16xi32>, vector<16xi32>], vector<16xf32>, vector<16xi1>
          tpu.vector_store_idx %arg17[%add3A_256, %broadcast_in_dim3A_300], %gather3A_301 masked %lt3A_235 : memref<128x128xf32, #tpu.memory_space<vmem>>[vector<16xi32>, vector<16xi32>], vector<16xf32>, vector<16xi1>
          %broadcast_in_dim3A_302 = arith.constant 15 : i32
          %broadcast_in_dim3A_303 = vector.broadcast %broadcast_in_dim3A_302 : i32 to vector<16xi32>
          %gather3A_304 = tpu.vector_load_idx %arg19[%sub3A_241, %broadcast_in_dim3A_303] masked %lt3A_235 : memref<128x128xf32, #tpu.memory_space<vmem>>[vector<16xi32>, vector<16xi32>], vector<16xf32>, vector<16xi1>
          tpu.vector_store_idx %arg17[%add3A_256, %broadcast_in_dim3A_303], %gather3A_304 masked %lt3A_235 : memref<128x128xf32, #tpu.memory_space<vmem>>[vector<16xi32>, vector<16xi32>], vector<16xf32>, vector<16xi1>
          %broadcast_in_dim3A_305 = arith.constant 16 : i32
          %broadcast_in_dim3A_306 = vector.broadcast %broadcast_in_dim3A_305 : i32 to vector<16xi32>
          %gather3A_307 = tpu.vector_load_idx %arg19[%sub3A_241, %broadcast_in_dim3A_306] masked %lt3A_235 : memref<128x128xf32, #tpu.memory_space<vmem>>[vector<16xi32>, vector<16xi32>], vector<16xf32>, vector<16xi1>
          tpu.vector_store_idx %arg17[%add3A_256, %broadcast_in_dim3A_306], %gather3A_307 masked %lt3A_235 : memref<128x128xf32, #tpu.memory_space<vmem>>[vector<16xi32>, vector<16xi32>], vector<16xf32>, vector<16xi1>
          %broadcast_in_dim3A_308 = arith.constant 17 : i32
          %broadcast_in_dim3A_309 = vector.broadcast %broadcast_in_dim3A_308 : i32 to vector<16xi32>
          %gather3A_310 = tpu.vector_load_idx %arg19[%sub3A_241, %broadcast_in_dim3A_309] masked %lt3A_235 : memref<128x128xf32, #tpu.memory_space<vmem>>[vector<16xi32>, vector<16xi32>], vector<16xf32>, vector<16xi1>
          tpu.vector_store_idx %arg17[%add3A_256, %broadcast_in_dim3A_309], %gather3A_310 masked %lt3A_235 : memref<128x128xf32, #tpu.memory_space<vmem>>[vector<16xi32>, vector<16xi32>], vector<16xf32>, vector<16xi1>
          %broadcast_in_dim3A_311 = arith.constant 18 : i32
          %broadcast_in_dim3A_312 = vector.broadcast %broadcast_in_dim3A_311 : i32 to vector<16xi32>
          %gather3A_313 = tpu.vector_load_idx %arg19[%sub3A_241, %broadcast_in_dim3A_312] masked %lt3A_235 : memref<128x128xf32, #tpu.memory_space<vmem>>[vector<16xi32>, vector<16xi32>], vector<16xf32>, vector<16xi1>
          tpu.vector_store_idx %arg17[%add3A_256, %broadcast_in_dim3A_312], %gather3A_313 masked %lt3A_235 : memref<128x128xf32, #tpu.memory_space<vmem>>[vector<16xi32>, vector<16xi32>], vector<16xf32>, vector<16xi1>
          %broadcast_in_dim3A_314 = arith.constant 19 : i32
          %broadcast_in_dim3A_315 = vector.broadcast %broadcast_in_dim3A_314 : i32 to vector<16xi32>
          %gather3A_316 = tpu.vector_load_idx %arg19[%sub3A_241, %broadcast_in_dim3A_315] masked %lt3A_235 : memref<128x128xf32, #tpu.memory_space<vmem>>[vector<16xi32>, vector<16xi32>], vector<16xf32>, vector<16xi1>
          tpu.vector_store_idx %arg17[%add3A_256, %broadcast_in_dim3A_315], %gather3A_316 masked %lt3A_235 : memref<128x128xf32, #tpu.memory_space<vmem>>[vector<16xi32>, vector<16xi32>], vector<16xf32>, vector<16xi1>
          %broadcast_in_dim3A_317 = arith.constant 20 : i32
          %broadcast_in_dim3A_318 = vector.broadcast %broadcast_in_dim3A_317 : i32 to vector<16xi32>
          %gather3A_319 = tpu.vector_load_idx %arg19[%sub3A_241, %broadcast_in_dim3A_318] masked %lt3A_235 : memref<128x128xf32, #tpu.memory_space<vmem>>[vector<16xi32>, vector<16xi32>], vector<16xf32>, vector<16xi1>
          tpu.vector_store_idx %arg17[%add3A_256, %broadcast_in_dim3A_318], %gather3A_319 masked %lt3A_235 : memref<128x128xf32, #tpu.memory_space<vmem>>[vector<16xi32>, vector<16xi32>], vector<16xf32>, vector<16xi1>
          %broadcast_in_dim3A_320 = arith.constant 21 : i32
          %broadcast_in_dim3A_321 = vector.broadcast %broadcast_in_dim3A_320 : i32 to vector<16xi32>
          %gather3A_322 = tpu.vector_load_idx %arg19[%sub3A_241, %broadcast_in_dim3A_321] masked %lt3A_235 : memref<128x128xf32, #tpu.memory_space<vmem>>[vector<16xi32>, vector<16xi32>], vector<16xf32>, vector<16xi1>
          tpu.vector_store_idx %arg17[%add3A_256, %broadcast_in_dim3A_321], %gather3A_322 masked %lt3A_235 : memref<128x128xf32, #tpu.memory_space<vmem>>[vector<16xi32>, vector<16xi32>], vector<16xf32>, vector<16xi1>
          %broadcast_in_dim3A_323 = arith.constant 22 : i32
          %broadcast_in_dim3A_324 = vector.broadcast %broadcast_in_dim3A_323 : i32 to vector<16xi32>
          %gather3A_325 = tpu.vector_load_idx %arg19[%sub3A_241, %broadcast_in_dim3A_324] masked %lt3A_235 : memref<128x128xf32, #tpu.memory_space<vmem>>[vector<16xi32>, vector<16xi32>], vector<16xf32>, vector<16xi1>
          tpu.vector_store_idx %arg17[%add3A_256, %broadcast_in_dim3A_324], %gather3A_325 masked %lt3A_235 : memref<128x128xf32, #tpu.memory_space<vmem>>[vector<16xi32>, vector<16xi32>], vector<16xf32>, vector<16xi1>
          %broadcast_in_dim3A_326 = arith.constant 23 : i32
          %broadcast_in_dim3A_327 = vector.broadcast %broadcast_in_dim3A_326 : i32 to vector<16xi32>
          %gather3A_328 = tpu.vector_load_idx %arg19[%sub3A_241, %broadcast_in_dim3A_327] masked %lt3A_235 : memref<128x128xf32, #tpu.memory_space<vmem>>[vector<16xi32>, vector<16xi32>], vector<16xf32>, vector<16xi1>
          tpu.vector_store_idx %arg17[%add3A_256, %broadcast_in_dim3A_327], %gather3A_328 masked %lt3A_235 : memref<128x128xf32, #tpu.memory_space<vmem>>[vector<16xi32>, vector<16xi32>], vector<16xf32>, vector<16xi1>
          %broadcast_in_dim3A_329 = arith.constant 24 : i32
          %broadcast_in_dim3A_330 = vector.broadcast %broadcast_in_dim3A_329 : i32 to vector<16xi32>
          %gather3A_331 = tpu.vector_load_idx %arg19[%sub3A_241, %broadcast_in_dim3A_330] masked %lt3A_235 : memref<128x128xf32, #tpu.memory_space<vmem>>[vector<16xi32>, vector<16xi32>], vector<16xf32>, vector<16xi1>
          tpu.vector_store_idx %arg17[%add3A_256, %broadcast_in_dim3A_330], %gather3A_331 masked %lt3A_235 : memref<128x128xf32, #tpu.memory_space<vmem>>[vector<16xi32>, vector<16xi32>], vector<16xf32>, vector<16xi1>
          %broadcast_in_dim3A_332 = arith.constant 25 : i32
          %broadcast_in_dim3A_333 = vector.broadcast %broadcast_in_dim3A_332 : i32 to vector<16xi32>
          %gather3A_334 = tpu.vector_load_idx %arg19[%sub3A_241, %broadcast_in_dim3A_333] masked %lt3A_235 : memref<128x128xf32, #tpu.memory_space<vmem>>[vector<16xi32>, vector<16xi32>], vector<16xf32>, vector<16xi1>
          tpu.vector_store_idx %arg17[%add3A_256, %broadcast_in_dim3A_333], %gather3A_334 masked %lt3A_235 : memref<128x128xf32, #tpu.memory_space<vmem>>[vector<16xi32>, vector<16xi32>], vector<16xf32>, vector<16xi1>
          %broadcast_in_dim3A_335 = arith.constant 26 : i32
          %broadcast_in_dim3A_336 = vector.broadcast %broadcast_in_dim3A_335 : i32 to vector<16xi32>
          %gather3A_337 = tpu.vector_load_idx %arg19[%sub3A_241, %broadcast_in_dim3A_336] masked %lt3A_235 : memref<128x128xf32, #tpu.memory_space<vmem>>[vector<16xi32>, vector<16xi32>], vector<16xf32>, vector<16xi1>
          tpu.vector_store_idx %arg17[%add3A_256, %broadcast_in_dim3A_336], %gather3A_337 masked %lt3A_235 : memref<128x128xf32, #tpu.memory_space<vmem>>[vector<16xi32>, vector<16xi32>], vector<16xf32>, vector<16xi1>
          %broadcast_in_dim3A_338 = arith.constant 27 : i32
          %broadcast_in_dim3A_339 = vector.broadcast %broadcast_in_dim3A_338 : i32 to vector<16xi32>
          %gather3A_340 = tpu.vector_load_idx %arg19[%sub3A_241, %broadcast_in_dim3A_339] masked %lt3A_235 : memref<128x128xf32, #tpu.memory_space<vmem>>[vector<16xi32>, vector<16xi32>], vector<16xf32>, vector<16xi1>
          tpu.vector_store_idx %arg17[%add3A_256, %broadcast_in_dim3A_339], %gather3A_340 masked %lt3A_235 : memref<128x128xf32, #tpu.memory_space<vmem>>[vector<16xi32>, vector<16xi32>], vector<16xf32>, vector<16xi1>
          %broadcast_in_dim3A_341 = arith.constant 28 : i32
          %broadcast_in_dim3A_342 = vector.broadcast %broadcast_in_dim3A_341 : i32 to vector<16xi32>
          %gather3A_343 = tpu.vector_load_idx %arg19[%sub3A_241, %broadcast_in_dim3A_342] masked %lt3A_235 : memref<128x128xf32, #tpu.memory_space<vmem>>[vector<16xi32>, vector<16xi32>], vector<16xf32>, vector<16xi1>
          tpu.vector_store_idx %arg17[%add3A_256, %broadcast_in_dim3A_342], %gather3A_343 masked %lt3A_235 : memref<128x128xf32, #tpu.memory_space<vmem>>[vector<16xi32>, vector<16xi32>], vector<16xf32>, vector<16xi1>
          %broadcast_in_dim3A_344 = arith.constant 29 : i32
          %broadcast_in_dim3A_345 = vector.broadcast %broadcast_in_dim3A_344 : i32 to vector<16xi32>
          %gather3A_346 = tpu.vector_load_idx %arg19[%sub3A_241, %broadcast_in_dim3A_345] masked %lt3A_235 : memref<128x128xf32, #tpu.memory_space<vmem>>[vector<16xi32>, vector<16xi32>], vector<16xf32>, vector<16xi1>
          tpu.vector_store_idx %arg17[%add3A_256, %broadcast_in_dim3A_345], %gather3A_346 masked %lt3A_235 : memref<128x128xf32, #tpu.memory_space<vmem>>[vector<16xi32>, vector<16xi32>], vector<16xf32>, vector<16xi1>
          %broadcast_in_dim3A_347 = arith.constant 30 : i32
          %broadcast_in_dim3A_348 = vector.broadcast %broadcast_in_dim3A_347 : i32 to vector<16xi32>
          %gather3A_349 = tpu.vector_load_idx %arg19[%sub3A_241, %broadcast_in_dim3A_348] masked %lt3A_235 : memref<128x128xf32, #tpu.memory_space<vmem>>[vector<16xi32>, vector<16xi32>], vector<16xf32>, vector<16xi1>
          tpu.vector_store_idx %arg17[%add3A_256, %broadcast_in_dim3A_348], %gather3A_349 masked %lt3A_235 : memref<128x128xf32, #tpu.memory_space<vmem>>[vector<16xi32>, vector<16xi32>], vector<16xf32>, vector<16xi1>
          %broadcast_in_dim3A_350 = arith.constant 31 : i32
          %broadcast_in_dim3A_351 = vector.broadcast %broadcast_in_dim3A_350 : i32 to vector<16xi32>
          %gather3A_352 = tpu.vector_load_idx %arg19[%sub3A_241, %broadcast_in_dim3A_351] masked %lt3A_235 : memref<128x128xf32, #tpu.memory_space<vmem>>[vector<16xi32>, vector<16xi32>], vector<16xf32>, vector<16xi1>
          tpu.vector_store_idx %arg17[%add3A_256, %broadcast_in_dim3A_351], %gather3A_352 masked %lt3A_235 : memref<128x128xf32, #tpu.memory_space<vmem>>[vector<16xi32>, vector<16xi32>], vector<16xf32>, vector<16xi1>
          %scan3A_353 = arith.constant 0 : i32
          scf.yield %scan3A_353 : i32
        }
        %scan3A_218 = arith.constant 8 : i32
        %dma_start3A_219 = arith.constant 0 : i32
        %dma_start3A_220 = arith.constant 0 : i32
        %dma_start3A_221 = tpu.memref_slice %arg8[%dma_start3A_219, %dma_start3A_220] : memref<32769x128xf32, #tpu.memory_space<hbm>> -> memref<32769x128xf32, #tpu.memory_space<hbm>>
        %dma_start3A_222 = arith.constant -1 : i32
        tpu.enqueue_indirect_dma source(%arg17 : memref<128x128xf32, #tpu.memory_space<vmem>>) target(%dma_start3A_221 : memref<32769x128xf32, #tpu.memory_space<hbm>>) offsets(%arg18 : memref<128xi32, #tpu.memory_space<vmem>>) offset_filter(%dma_start3A_222) semaphore(%arg20 : memref<!tpu.dma_semaphore, #tpu.memory_space<semaphore_mem>>)
        %dma_wait3A_223 = arith.constant 0 : i32
        %dma_wait3A_224 = arith.constant 0 : i32
        %dma_wait3A_225 = tpu.memref_slice %arg8[%dma_wait3A_223, %dma_wait3A_224] : memref<32769x128xf32, #tpu.memory_space<hbm>> -> memref<32769x128xf32, #tpu.memory_space<hbm>>
        tpu.wait_indirect_dma semaphore(%arg20 : memref<!tpu.dma_semaphore, #tpu.memory_space<semaphore_mem>>) src(%arg17 : memref<128x128xf32, #tpu.memory_space<vmem>>) dst(%dma_wait3A_225 : memref<32769x128xf32, #tpu.memory_space<hbm>>)
        %while3A_226 = arith.constant 0 : i32
        scf.yield %while3A_226 : i32
      }
      %while3A_206 = arith.constant 1 : i32
      %while3A_207 = scf.for %while3A_208 = %while3A_203 to %while3A_199 step %while3A_206 iter_args(%while3A_209 = %while3A_205) -> (i32)  : i32 {
        %mul3A_210 = arith.constant 128 : i32
        %mul3A_211 = arith.muli %while3A_208, %mul3A_210 : i32
        %scan3A_212 = arith.constant 0 : i32
        %scan3A_213 = arith.constant 0 : i32
        %scan3A_214 = arith.constant 8 : i32
        %scan3A_215 = arith.addi %scan3A_213, %scan3A_214 : i32
        %scan3A_216 = arith.constant 1 : i32
        %scan3A_217 = scf.for %scan3A_227 = %scan3A_213 to %scan3A_215 step %scan3A_216 iter_args(%scan3A_228 = %scan3A_212) -> (i32)  : i32 {
          %iota3A_229 = tpu.iota {dimensions = array<i32: 0>} : vector<16xi32>
          %mul3A_230 = arith.constant 16 : i32
          %mul3A_231 = arith.muli %scan3A_227, %mul3A_230 : i32
          %add3A_232 = arith.addi %mul3A_211, %mul3A_231 : i32
          %add3A_233 = vector.broadcast %add3A_232 : i32 to vector<16xi32>
          %add3A_234 = arith.addi %iota3A_229, %add3A_233 : vector<16xi32>
          %lt3A = vector.broadcast %while3A_169 : i32 to vector<16xi32>
          %lt3A_235 = arith.cmpi slt, %add3A_234, %lt3A : vector<16xi32>
          %min3A_236 = arith.constant 4095 : i32
          %min3A_237 = vector.broadcast %min3A_236 : i32 to vector<16xi32>
          %min3A_238 = arith.minsi %add3A_234, %min3A_237 : vector<16xi32>
          %gather3A = tpu.vector_load_idx %arg14[%min3A_238] : memref<4096xi32, #tpu.memory_space<vmem>>[vector<16xi32>], vector<16xi32>,
          %sub3A_239 = arith.constant 999936 : i32
          %sub3A_240 = vector.broadcast %sub3A_239 : i32 to vector<16xi32>
          %sub3A_241 = arith.subi %gather3A, %sub3A_240 : vector<16xi32>
          %gather3A_242 = tpu.vector_load_idx %arg15[%min3A_238] : memref<4096xi32, #tpu.memory_space<vmem>>[vector<16xi32>], vector<16xi32>,
          %add3A_243 = arith.constant 0 : i32
          %add3A_244 = vector.broadcast %add3A_243 : i32 to vector<16xi32>
          %add3A_245 = arith.addi %gather3A_242, %add3A_244 : vector<16xi32>
          %jit3A_246 = arith.constant -1 : i32
          %broadcast_in_dim3A = vector.broadcast %jit3A_246 : i32 to vector<16xi32>
          %select_n3A_247 = arith.select %lt3A_235, %add3A_245, %broadcast_in_dim3A : vector<16xi1>, vector<16xi32>
          %mul3A_248 = arith.constant 16 : i32
          %mul3A_249 = arith.muli %scan3A_227, %mul3A_248 : i32
          %swap3A_250 = arith.index_cast %mul3A_249 : i32 to index
          %swap3A_251 = tpu.vector_load %arg18[%swap3A_250] {strides = array<i32>} : memref<128xi32, #tpu.memory_space<vmem>>, vector<16xi32>,
          tpu.vector_store %arg18[%swap3A_250], %select_n3A_247 {strides = array<i32>} : memref<128xi32, #tpu.memory_space<vmem>>, vector<16xi32>,
          %iota3A_252 = tpu.iota {dimensions = array<i32: 0>} : vector<16xi32>
          %mul3A_253 = arith.constant 16 : i32
          %mul3A_254 = arith.muli %scan3A_227, %mul3A_253 : i32
          %add3A_255 = vector.broadcast %mul3A_254 : i32 to vector<16xi32>
          %add3A_256 = arith.addi %iota3A_252, %add3A_255 : vector<16xi32>
          %broadcast_in_dim3A_257 = arith.constant 0 : i32
          %broadcast_in_dim3A_258 = vector.broadcast %broadcast_in_dim3A_257 : i32 to vector<16xi32>
          %gather3A_259 = tpu.vector_load_idx %arg19[%sub3A_241, %broadcast_in_dim3A_258] masked %lt3A_235 : memref<128x128xf32, #tpu.memory_space<vmem>>[vector<16xi32>, vector<16xi32>], vector<16xf32>, vector<16xi1>
          tpu.vector_store_idx %arg17[%add3A_256, %broadcast_in_dim3A_258], %gather3A_259 masked %lt3A_235 : memref<128x128xf32, #tpu.memory_space<vmem>>[vector<16xi32>, vector<16xi32>], vector<16xf32>, vector<16xi1>
          %broadcast_in_dim3A_260 = arith.constant 1 : i32
          %broadcast_in_dim3A_261 = vector.broadcast %broadcast_in_dim3A_260 : i32 to vector<16xi32>
          %gather3A_262 = tpu.vector_load_idx %arg19[%sub3A_241, %broadcast_in_dim3A_261] masked %lt3A_235 : memref<128x128xf32, #tpu.memory_space<vmem>>[vector<16xi32>, vector<16xi32>], vector<16xf32>, vector<16xi1>
          tpu.vector_store_idx %arg17[%add3A_256, %broadcast_in_dim3A_261], %gather3A_262 masked %lt3A_235 : memref<128x128xf32, #tpu.memory_space<vmem>>[vector<16xi32>, vector<16xi32>], vector<16xf32>, vector<16xi1>
          %broadcast_in_dim3A_263 = arith.constant 2 : i32
          %broadcast_in_dim3A_264 = vector.broadcast %broadcast_in_dim3A_263 : i32 to vector<16xi32>
          %gather3A_265 = tpu.vector_load_idx %arg19[%sub3A_241, %broadcast_in_dim3A_264] masked %lt3A_235 : memref<128x128xf32, #tpu.memory_space<vmem>>[vector<16xi32>, vector<16xi32>], vector<16xf32>, vector<16xi1>
          tpu.vector_store_idx %arg17[%add3A_256, %broadcast_in_dim3A_264], %gather3A_265 masked %lt3A_235 : memref<128x128xf32, #tpu.memory_space<vmem>>[vector<16xi32>, vector<16xi32>], vector<16xf32>, vector<16xi1>
          %broadcast_in_dim3A_266 = arith.constant 3 : i32
          %broadcast_in_dim3A_267 = vector.broadcast %broadcast_in_dim3A_266 : i32 to vector<16xi32>
          %gather3A_268 = tpu.vector_load_idx %arg19[%sub3A_241, %broadcast_in_dim3A_267] masked %lt3A_235 : memref<128x128xf32, #tpu.memory_space<vmem>>[vector<16xi32>, vector<16xi32>], vector<16xf32>, vector<16xi1>
          tpu.vector_store_idx %arg17[%add3A_256, %broadcast_in_dim3A_267], %gather3A_268 masked %lt3A_235 : memref<128x128xf32, #tpu.memory_space<vmem>>[vector<16xi32>, vector<16xi32>], vector<16xf32>, vector<16xi1>
          %broadcast_in_dim3A_269 = arith.constant 4 : i32
          %broadcast_in_dim3A_270 = vector.broadcast %broadcast_in_dim3A_269 : i32 to vector<16xi32>
          %gather3A_271 = tpu.vector_load_idx %arg19[%sub3A_241, %broadcast_in_dim3A_270] masked %lt3A_235 : memref<128x128xf32, #tpu.memory_space<vmem>>[vector<16xi32>, vector<16xi32>], vector<16xf32>, vector<16xi1>
          tpu.vector_store_idx %arg17[%add3A_256, %broadcast_in_dim3A_270], %gather3A_271 masked %lt3A_235 : memref<128x128xf32, #tpu.memory_space<vmem>>[vector<16xi32>, vector<16xi32>], vector<16xf32>, vector<16xi1>
          %broadcast_in_dim3A_272 = arith.constant 5 : i32
          %broadcast_in_dim3A_273 = vector.broadcast %broadcast_in_dim3A_272 : i32 to vector<16xi32>
          %gather3A_274 = tpu.vector_load_idx %arg19[%sub3A_241, %broadcast_in_dim3A_273] masked %lt3A_235 : memref<128x128xf32, #tpu.memory_space<vmem>>[vector<16xi32>, vector<16xi32>], vector<16xf32>, vector<16xi1>
          tpu.vector_store_idx %arg17[%add3A_256, %broadcast_in_dim3A_273], %gather3A_274 masked %lt3A_235 : memref<128x128xf32, #tpu.memory_space<vmem>>[vector<16xi32>, vector<16xi32>], vector<16xf32>, vector<16xi1>
          %broadcast_in_dim3A_275 = arith.constant 6 : i32
          %broadcast_in_dim3A_276 = vector.broadcast %broadcast_in_dim3A_275 : i32 to vector<16xi32>
          %gather3A_277 = tpu.vector_load_idx %arg19[%sub3A_241, %broadcast_in_dim3A_276] masked %lt3A_235 : memref<128x128xf32, #tpu.memory_space<vmem>>[vector<16xi32>, vector<16xi32>], vector<16xf32>, vector<16xi1>
          tpu.vector_store_idx %arg17[%add3A_256, %broadcast_in_dim3A_276], %gather3A_277 masked %lt3A_235 : memref<128x128xf32, #tpu.memory_space<vmem>>[vector<16xi32>, vector<16xi32>], vector<16xf32>, vector<16xi1>
          %broadcast_in_dim3A_278 = arith.constant 7 : i32
          %broadcast_in_dim3A_279 = vector.broadcast %broadcast_in_dim3A_278 : i32 to vector<16xi32>
          %gather3A_280 = tpu.vector_load_idx %arg19[%sub3A_241, %broadcast_in_dim3A_279] masked %lt3A_235 : memref<128x128xf32, #tpu.memory_space<vmem>>[vector<16xi32>, vector<16xi32>], vector<16xf32>, vector<16xi1>
          tpu.vector_store_idx %arg17[%add3A_256, %broadcast_in_dim3A_279], %gather3A_280 masked %lt3A_235 : memref<128x128xf32, #tpu.memory_space<vmem>>[vector<16xi32>, vector<16xi32>], vector<16xf32>, vector<16xi1>
          %broadcast_in_dim3A_281 = arith.constant 8 : i32
          %broadcast_in_dim3A_282 = vector.broadcast %broadcast_in_dim3A_281 : i32 to vector<16xi32>
          %gather3A_283 = tpu.vector_load_idx %arg19[%sub3A_241, %broadcast_in_dim3A_282] masked %lt3A_235 : memref<128x128xf32, #tpu.memory_space<vmem>>[vector<16xi32>, vector<16xi32>], vector<16xf32>, vector<16xi1>
          tpu.vector_store_idx %arg17[%add3A_256, %broadcast_in_dim3A_282], %gather3A_283 masked %lt3A_235 : memref<128x128xf32, #tpu.memory_space<vmem>>[vector<16xi32>, vector<16xi32>], vector<16xf32>, vector<16xi1>
          %broadcast_in_dim3A_284 = arith.constant 9 : i32
          %broadcast_in_dim3A_285 = vector.broadcast %broadcast_in_dim3A_284 : i32 to vector<16xi32>
          %gather3A_286 = tpu.vector_load_idx %arg19[%sub3A_241, %broadcast_in_dim3A_285] masked %lt3A_235 : memref<128x128xf32, #tpu.memory_space<vmem>>[vector<16xi32>, vector<16xi32>], vector<16xf32>, vector<16xi1>
          tpu.vector_store_idx %arg17[%add3A_256, %broadcast_in_dim3A_285], %gather3A_286 masked %lt3A_235 : memref<128x128xf32, #tpu.memory_space<vmem>>[vector<16xi32>, vector<16xi32>], vector<16xf32>, vector<16xi1>
          %broadcast_in_dim3A_287 = arith.constant 10 : i32
          %broadcast_in_dim3A_288 = vector.broadcast %broadcast_in_dim3A_287 : i32 to vector<16xi32>
          %gather3A_289 = tpu.vector_load_idx %arg19[%sub3A_241, %broadcast_in_dim3A_288] masked %lt3A_235 : memref<128x128xf32, #tpu.memory_space<vmem>>[vector<16xi32>, vector<16xi32>], vector<16xf32>, vector<16xi1>
          tpu.vector_store_idx %arg17[%add3A_256, %broadcast_in_dim3A_288], %gather3A_289 masked %lt3A_235 : memref<128x128xf32, #tpu.memory_space<vmem>>[vector<16xi32>, vector<16xi32>], vector<16xf32>, vector<16xi1>
          %broadcast_in_dim3A_290 = arith.constant 11 : i32
          %broadcast_in_dim3A_291 = vector.broadcast %broadcast_in_dim3A_290 : i32 to vector<16xi32>
          %gather3A_292 = tpu.vector_load_idx %arg19[%sub3A_241, %broadcast_in_dim3A_291] masked %lt3A_235 : memref<128x128xf32, #tpu.memory_space<vmem>>[vector<16xi32>, vector<16xi32>], vector<16xf32>, vector<16xi1>
          tpu.vector_store_idx %arg17[%add3A_256, %broadcast_in_dim3A_291], %gather3A_292 masked %lt3A_235 : memref<128x128xf32, #tpu.memory_space<vmem>>[vector<16xi32>, vector<16xi32>], vector<16xf32>, vector<16xi1>
          %broadcast_in_dim3A_293 = arith.constant 12 : i32
          %broadcast_in_dim3A_294 = vector.broadcast %broadcast_in_dim3A_293 : i32 to vector<16xi32>
          %gather3A_295 = tpu.vector_load_idx %arg19[%sub3A_241, %broadcast_in_dim3A_294] masked %lt3A_235 : memref<128x128xf32, #tpu.memory_space<vmem>>[vector<16xi32>, vector<16xi32>], vector<16xf32>, vector<16xi1>
          tpu.vector_store_idx %arg17[%add3A_256, %broadcast_in_dim3A_294], %gather3A_295 masked %lt3A_235 : memref<128x128xf32, #tpu.memory_space<vmem>>[vector<16xi32>, vector<16xi32>], vector<16xf32>, vector<16xi1>
          %broadcast_in_dim3A_296 = arith.constant 13 : i32
          %broadcast_in_dim3A_297 = vector.broadcast %broadcast_in_dim3A_296 : i32 to vector<16xi32>
          %gather3A_298 = tpu.vector_load_idx %arg19[%sub3A_241, %broadcast_in_dim3A_297] masked %lt3A_235 : memref<128x128xf32, #tpu.memory_space<vmem>>[vector<16xi32>, vector<16xi32>], vector<16xf32>, vector<16xi1>
          tpu.vector_store_idx %arg17[%add3A_256, %broadcast_in_dim3A_297], %gather3A_298 masked %lt3A_235 : memref<128x128xf32, #tpu.memory_space<vmem>>[vector<16xi32>, vector<16xi32>], vector<16xf32>, vector<16xi1>
          %broadcast_in_dim3A_299 = arith.constant 14 : i32
          %broadcast_in_dim3A_300 = vector.broadcast %broadcast_in_dim3A_299 : i32 to vector<16xi32>
          %gather3A_301 = tpu.vector_load_idx %arg19[%sub3A_241, %broadcast_in_dim3A_300] masked %lt3A_235 : memref<128x128xf32, #tpu.memory_space<vmem>>[vector<16xi32>, vector<16xi32>], vector<16xf32>, vector<16xi1>
          tpu.vector_store_idx %arg17[%add3A_256, %broadcast_in_dim3A_300], %gather3A_301 masked %lt3A_235 : memref<128x128xf32, #tpu.memory_space<vmem>>[vector<16xi32>, vector<16xi32>], vector<16xf32>, vector<16xi1>
          %broadcast_in_dim3A_302 = arith.constant 15 : i32
          %broadcast_in_dim3A_303 = vector.broadcast %broadcast_in_dim3A_302 : i32 to vector<16xi32>
          %gather3A_304 = tpu.vector_load_idx %arg19[%sub3A_241, %broadcast_in_dim3A_303] masked %lt3A_235 : memref<128x128xf32, #tpu.memory_space<vmem>>[vector<16xi32>, vector<16xi32>], vector<16xf32>, vector<16xi1>
          tpu.vector_store_idx %arg17[%add3A_256, %broadcast_in_dim3A_303], %gather3A_304 masked %lt3A_235 : memref<128x128xf32, #tpu.memory_space<vmem>>[vector<16xi32>, vector<16xi32>], vector<16xf32>, vector<16xi1>
          %broadcast_in_dim3A_305 = arith.constant 16 : i32
          %broadcast_in_dim3A_306 = vector.broadcast %broadcast_in_dim3A_305 : i32 to vector<16xi32>
          %gather3A_307 = tpu.vector_load_idx %arg19[%sub3A_241, %broadcast_in_dim3A_306] masked %lt3A_235 : memref<128x128xf32, #tpu.memory_space<vmem>>[vector<16xi32>, vector<16xi32>], vector<16xf32>, vector<16xi1>
          tpu.vector_store_idx %arg17[%add3A_256, %broadcast_in_dim3A_306], %gather3A_307 masked %lt3A_235 : memref<128x128xf32, #tpu.memory_space<vmem>>[vector<16xi32>, vector<16xi32>], vector<16xf32>, vector<16xi1>
          %broadcast_in_dim3A_308 = arith.constant 17 : i32
          %broadcast_in_dim3A_309 = vector.broadcast %broadcast_in_dim3A_308 : i32 to vector<16xi32>
          %gather3A_310 = tpu.vector_load_idx %arg19[%sub3A_241, %broadcast_in_dim3A_309] masked %lt3A_235 : memref<128x128xf32, #tpu.memory_space<vmem>>[vector<16xi32>, vector<16xi32>], vector<16xf32>, vector<16xi1>
          tpu.vector_store_idx %arg17[%add3A_256, %broadcast_in_dim3A_309], %gather3A_310 masked %lt3A_235 : memref<128x128xf32, #tpu.memory_space<vmem>>[vector<16xi32>, vector<16xi32>], vector<16xf32>, vector<16xi1>
          %broadcast_in_dim3A_311 = arith.constant 18 : i32
          %broadcast_in_dim3A_312 = vector.broadcast %broadcast_in_dim3A_311 : i32 to vector<16xi32>
          %gather3A_313 = tpu.vector_load_idx %arg19[%sub3A_241, %broadcast_in_dim3A_312] masked %lt3A_235 : memref<128x128xf32, #tpu.memory_space<vmem>>[vector<16xi32>, vector<16xi32>], vector<16xf32>, vector<16xi1>
          tpu.vector_store_idx %arg17[%add3A_256, %broadcast_in_dim3A_312], %gather3A_313 masked %lt3A_235 : memref<128x128xf32, #tpu.memory_space<vmem>>[vector<16xi32>, vector<16xi32>], vector<16xf32>, vector<16xi1>
          %broadcast_in_dim3A_314 = arith.constant 19 : i32
          %broadcast_in_dim3A_315 = vector.broadcast %broadcast_in_dim3A_314 : i32 to vector<16xi32>
          %gather3A_316 = tpu.vector_load_idx %arg19[%sub3A_241, %broadcast_in_dim3A_315] masked %lt3A_235 : memref<128x128xf32, #tpu.memory_space<vmem>>[vector<16xi32>, vector<16xi32>], vector<16xf32>, vector<16xi1>
          tpu.vector_store_idx %arg17[%add3A_256, %broadcast_in_dim3A_315], %gather3A_316 masked %lt3A_235 : memref<128x128xf32, #tpu.memory_space<vmem>>[vector<16xi32>, vector<16xi32>], vector<16xf32>, vector<16xi1>
          %broadcast_in_dim3A_317 = arith.constant 20 : i32
          %broadcast_in_dim3A_318 = vector.broadcast %broadcast_in_dim3A_317 : i32 to vector<16xi32>
          %gather3A_319 = tpu.vector_load_idx %arg19[%sub3A_241, %broadcast_in_dim3A_318] masked %lt3A_235 : memref<128x128xf32, #tpu.memory_space<vmem>>[vector<16xi32>, vector<16xi32>], vector<16xf32>, vector<16xi1>
          tpu.vector_store_idx %arg17[%add3A_256, %broadcast_in_dim3A_318], %gather3A_319 masked %lt3A_235 : memref<128x128xf32, #tpu.memory_space<vmem>>[vector<16xi32>, vector<16xi32>], vector<16xf32>, vector<16xi1>
          %broadcast_in_dim3A_320 = arith.constant 21 : i32
          %broadcast_in_dim3A_321 = vector.broadcast %broadcast_in_dim3A_320 : i32 to vector<16xi32>
          %gather3A_322 = tpu.vector_load_idx %arg19[%sub3A_241, %broadcast_in_dim3A_321] masked %lt3A_235 : memref<128x128xf32, #tpu.memory_space<vmem>>[vector<16xi32>, vector<16xi32>], vector<16xf32>, vector<16xi1>
          tpu.vector_store_idx %arg17[%add3A_256, %broadcast_in_dim3A_321], %gather3A_322 masked %lt3A_235 : memref<128x128xf32, #tpu.memory_space<vmem>>[vector<16xi32>, vector<16xi32>], vector<16xf32>, vector<16xi1>
          %broadcast_in_dim3A_323 = arith.constant 22 : i32
          %broadcast_in_dim3A_324 = vector.broadcast %broadcast_in_dim3A_323 : i32 to vector<16xi32>
          %gather3A_325 = tpu.vector_load_idx %arg19[%sub3A_241, %broadcast_in_dim3A_324] masked %lt3A_235 : memref<128x128xf32, #tpu.memory_space<vmem>>[vector<16xi32>, vector<16xi32>], vector<16xf32>, vector<16xi1>
          tpu.vector_store_idx %arg17[%add3A_256, %broadcast_in_dim3A_324], %gather3A_325 masked %lt3A_235 : memref<128x128xf32, #tpu.memory_space<vmem>>[vector<16xi32>, vector<16xi32>], vector<16xf32>, vector<16xi1>
          %broadcast_in_dim3A_326 = arith.constant 23 : i32
          %broadcast_in_dim3A_327 = vector.broadcast %broadcast_in_dim3A_326 : i32 to vector<16xi32>
          %gather3A_328 = tpu.vector_load_idx %arg19[%sub3A_241, %broadcast_in_dim3A_327] masked %lt3A_235 : memref<128x128xf32, #tpu.memory_space<vmem>>[vector<16xi32>, vector<16xi32>], vector<16xf32>, vector<16xi1>
          tpu.vector_store_idx %arg17[%add3A_256, %broadcast_in_dim3A_327], %gather3A_328 masked %lt3A_235 : memref<128x128xf32, #tpu.memory_space<vmem>>[vector<16xi32>, vector<16xi32>], vector<16xf32>, vector<16xi1>
          %broadcast_in_dim3A_329 = arith.constant 24 : i32
          %broadcast_in_dim3A_330 = vector.broadcast %broadcast_in_dim3A_329 : i32 to vector<16xi32>
          %gather3A_331 = tpu.vector_load_idx %arg19[%sub3A_241, %broadcast_in_dim3A_330] masked %lt3A_235 : memref<128x128xf32, #tpu.memory_space<vmem>>[vector<16xi32>, vector<16xi32>], vector<16xf32>, vector<16xi1>
          tpu.vector_store_idx %arg17[%add3A_256, %broadcast_in_dim3A_330], %gather3A_331 masked %lt3A_235 : memref<128x128xf32, #tpu.memory_space<vmem>>[vector<16xi32>, vector<16xi32>], vector<16xf32>, vector<16xi1>
          %broadcast_in_dim3A_332 = arith.constant 25 : i32
          %broadcast_in_dim3A_333 = vector.broadcast %broadcast_in_dim3A_332 : i32 to vector<16xi32>
          %gather3A_334 = tpu.vector_load_idx %arg19[%sub3A_241, %broadcast_in_dim3A_333] masked %lt3A_235 : memref<128x128xf32, #tpu.memory_space<vmem>>[vector<16xi32>, vector<16xi32>], vector<16xf32>, vector<16xi1>
          tpu.vector_store_idx %arg17[%add3A_256, %broadcast_in_dim3A_333], %gather3A_334 masked %lt3A_235 : memref<128x128xf32, #tpu.memory_space<vmem>>[vector<16xi32>, vector<16xi32>], vector<16xf32>, vector<16xi1>
          %broadcast_in_dim3A_335 = arith.constant 26 : i32
          %broadcast_in_dim3A_336 = vector.broadcast %broadcast_in_dim3A_335 : i32 to vector<16xi32>
          %gather3A_337 = tpu.vector_load_idx %arg19[%sub3A_241, %broadcast_in_dim3A_336] masked %lt3A_235 : memref<128x128xf32, #tpu.memory_space<vmem>>[vector<16xi32>, vector<16xi32>], vector<16xf32>, vector<16xi1>
          tpu.vector_store_idx %arg17[%add3A_256, %broadcast_in_dim3A_336], %gather3A_337 masked %lt3A_235 : memref<128x128xf32, #tpu.memory_space<vmem>>[vector<16xi32>, vector<16xi32>], vector<16xf32>, vector<16xi1>
          %broadcast_in_dim3A_338 = arith.constant 27 : i32
          %broadcast_in_dim3A_339 = vector.broadcast %broadcast_in_dim3A_338 : i32 to vector<16xi32>
          %gather3A_340 = tpu.vector_load_idx %arg19[%sub3A_241, %broadcast_in_dim3A_339] masked %lt3A_235 : memref<128x128xf32, #tpu.memory_space<vmem>>[vector<16xi32>, vector<16xi32>], vector<16xf32>, vector<16xi1>
          tpu.vector_store_idx %arg17[%add3A_256, %broadcast_in_dim3A_339], %gather3A_340 masked %lt3A_235 : memref<128x128xf32, #tpu.memory_space<vmem>>[vector<16xi32>, vector<16xi32>], vector<16xf32>, vector<16xi1>
          %broadcast_in_dim3A_341 = arith.constant 28 : i32
          %broadcast_in_dim3A_342 = vector.broadcast %broadcast_in_dim3A_341 : i32 to vector<16xi32>
          %gather3A_343 = tpu.vector_load_idx %arg19[%sub3A_241, %broadcast_in_dim3A_342] masked %lt3A_235 : memref<128x128xf32, #tpu.memory_space<vmem>>[vector<16xi32>, vector<16xi32>], vector<16xf32>, vector<16xi1>
          tpu.vector_store_idx %arg17[%add3A_256, %broadcast_in_dim3A_342], %gather3A_343 masked %lt3A_235 : memref<128x128xf32, #tpu.memory_space<vmem>>[vector<16xi32>, vector<16xi32>], vector<16xf32>, vector<16xi1>
          %broadcast_in_dim3A_344 = arith.constant 29 : i32
          %broadcast_in_dim3A_345 = vector.broadcast %broadcast_in_dim3A_344 : i32 to vector<16xi32>
          %gather3A_346 = tpu.vector_load_idx %arg19[%sub3A_241, %broadcast_in_dim3A_345] masked %lt3A_235 : memref<128x128xf32, #tpu.memory_space<vmem>>[vector<16xi32>, vector<16xi32>], vector<16xf32>, vector<16xi1>
          tpu.vector_store_idx %arg17[%add3A_256, %broadcast_in_dim3A_345], %gather3A_346 masked %lt3A_235 : memref<128x128xf32, #tpu.memory_space<vmem>>[vector<16xi32>, vector<16xi32>], vector<16xf32>, vector<16xi1>
          %broadcast_in_dim3A_347 = arith.constant 30 : i32
          %broadcast_in_dim3A_348 = vector.broadcast %broadcast_in_dim3A_347 : i32 to vector<16xi32>
          %gather3A_349 = tpu.vector_load_idx %arg19[%sub3A_241, %broadcast_in_dim3A_348] masked %lt3A_235 : memref<128x128xf32, #tpu.memory_space<vmem>>[vector<16xi32>, vector<16xi32>], vector<16xf32>, vector<16xi1>
          tpu.vector_store_idx %arg17[%add3A_256, %broadcast_in_dim3A_348], %gather3A_349 masked %lt3A_235 : memref<128x128xf32, #tpu.memory_space<vmem>>[vector<16xi32>, vector<16xi32>], vector<16xf32>, vector<16xi1>
          %broadcast_in_dim3A_350 = arith.constant 31 : i32
          %broadcast_in_dim3A_351 = vector.broadcast %broadcast_in_dim3A_350 : i32 to vector<16xi32>
          %gather3A_352 = tpu.vector_load_idx %arg19[%sub3A_241, %broadcast_in_dim3A_351] masked %lt3A_235 : memref<128x128xf32, #tpu.memory_space<vmem>>[vector<16xi32>, vector<16xi32>], vector<16xf32>, vector<16xi1>
          tpu.vector_store_idx %arg17[%add3A_256, %broadcast_in_dim3A_351], %gather3A_352 masked %lt3A_235 : memref<128x128xf32, #tpu.memory_space<vmem>>[vector<16xi32>, vector<16xi32>], vector<16xf32>, vector<16xi1>
          %scan3A_353 = arith.constant 0 : i32
          scf.yield %scan3A_353 : i32
        }
        %scan3A_218 = arith.constant 8 : i32
        %dma_start3A_219 = arith.constant 0 : i32
        %dma_start3A_220 = arith.constant 0 : i32
        %dma_start3A_221 = tpu.memref_slice %arg8[%dma_start3A_219, %dma_start3A_220] : memref<32769x128xf32, #tpu.memory_space<hbm>> -> memref<32769x128xf32, #tpu.memory_space<hbm>>
        %dma_start3A_222 = arith.constant -1 : i32
        tpu.enqueue_indirect_dma source(%arg17 : memref<128x128xf32, #tpu.memory_space<vmem>>) target(%dma_start3A_221 : memref<32769x128xf32, #tpu.memory_space<hbm>>) offsets(%arg18 : memref<128xi32, #tpu.memory_space<vmem>>) offset_filter(%dma_start3A_222) semaphore(%arg20 : memref<!tpu.dma_semaphore, #tpu.memory_space<semaphore_mem>>)
        %dma_wait3A_223 = arith.constant 0 : i32
        %dma_wait3A_224 = arith.constant 0 : i32
        %dma_wait3A_225 = tpu.memref_slice %arg8[%dma_wait3A_223, %dma_wait3A_224] : memref<32769x128xf32, #tpu.memory_space<hbm>> -> memref<32769x128xf32, #tpu.memory_space<hbm>>
        tpu.wait_indirect_dma semaphore(%arg20 : memref<!tpu.dma_semaphore, #tpu.memory_space<semaphore_mem>>) src(%arg17 : memref<128x128xf32, #tpu.memory_space<vmem>>) dst(%dma_wait3A_225 : memref<32769x128xf32, #tpu.memory_space<hbm>>)
        %while3A_226 = arith.constant 0 : i32
        scf.yield %while3A_226 : i32
      }
    } else {
    }
    %mul3A_91 = arith.constant 25 : i32
    %mul3A_92 = arith.muli %add3A, %mul3A_91 : i32
    %min3A_93 = arith.constant 781 : i32
    %min3A_94 = arith.minsi %mul3A_92, %min3A_93 : i32
    %add3A_95 = arith.constant 25 : i32
    %add3A_96 = arith.addi %min3A_94, %add3A_95 : i32
    %min3A_97 = arith.constant 781 : i32
    %min3A_98 = arith.minsi %add3A_96, %min3A_97 : i32
    %mul3A_99 = arith.constant 128 : i32
    %mul3A_100 = arith.muli %min3A_94, %mul3A_99 : i32
    %mul3A_101 = arith.constant 128 : i32
    %mul3A_102 = arith.muli %min3A_98, %mul3A_101 : i32
    %eq3A_103 = arith.constant 31 : i32
    %eq3A_104 = arith.cmpi eq, %add3A, %eq3A_103 : i32
    %jit3A_105 = arith.constant 1073741824 : i32
    %select_n3A_106 = arith.select %eq3A_104, %jit3A_105, %mul3A_102 : i32
    %dma_start3A_107 = arith.constant 0 : i32
    %dma_start3A_108 = arith.constant 0 : i32
    %dma_start3A_109 = tpu.memref_slice %arg3[%dma_start3A_107, %dma_start3A_108] : memref<128x128xi32, #tpu.memory_space<hbm>> -> memref<128x128xi32, #tpu.memory_space<hbm>>
    tpu.enqueue_indirect_dma source(%dma_start3A_109 : memref<128x128xi32, #tpu.memory_space<hbm>>) target(%arg11 : memref<128x128xi32, #tpu.memory_space<vmem>>) offsets(%arg10 : memref<128xi32, #tpu.memory_space<vmem>>) semaphore(%arg20 : memref<!tpu.dma_semaphore, #tpu.memory_space<semaphore_mem>>)
    %dma_wait3A_110 = arith.constant 0 : i32
    %dma_wait3A_111 = arith.constant 0 : i32
    %dma_wait3A_112 = tpu.memref_slice %arg3[%dma_wait3A_110, %dma_wait3A_111] : memref<128x128xi32, #tpu.memory_space<hbm>> -> memref<128x128xi32, #tpu.memory_space<hbm>>
    tpu.wait_indirect_dma semaphore(%arg20 : memref<!tpu.dma_semaphore, #tpu.memory_space<semaphore_mem>>) src(%dma_wait3A_112 : memref<128x128xi32, #tpu.memory_space<hbm>>) dst(%arg11 : memref<128x128xi32, #tpu.memory_space<vmem>>)
    %scan3A_113 = arith.constant 0 : i32
    %scan3A_114 = arith.constant 0 : i32
    %scan3A_115 = arith.constant 128 : i32
    %scan3A_116 = arith.addi %scan3A_114, %scan3A_115 : i32
    %scan3A_117 = arith.constant 1 : i32
    %scan3A_118 = scf.for %scan3A_132 = %scan3A_114 to %scan3A_116 step %scan3A_117 iter_args(%scan3A_133 = %scan3A_113) -> (i32)  : i32 {
      %get3A = arith.index_cast %scan3A_132 : i32 to index
      %get3A_134 = arith.constant 0 : index
      %get3A_135 = tpu.vector_load %arg11[%get3A, %get3A_134] {strides = array<i32>} : memref<128x128xi32, #tpu.memory_space<vmem>>, vector<16xi32>,
      %iota3A_136 = tpu.iota {dimensions = array<i32: 0>} : vector<16xi32>
      %mul3A_137 = arith.constant 128 : i32
      %mul3A_138 = arith.muli %scan3A_132, %mul3A_137 : i32
      %add3A_139 = arith.constant 0 : i32
      %add3A_140 = arith.addi %mul3A_138, %add3A_139 : i32
      %add3A_141 = vector.broadcast %add3A_140 : i32 to vector<16xi32>
      %add3A_142 = arith.addi %iota3A_136, %add3A_141 : vector<16xi32>
      %ge3A = vector.broadcast %mul3A_100 : i32 to vector<16xi32>
      %ge3A_143 = arith.cmpi sge, %get3A_135, %ge3A : vector<16xi32>
      %lt3A = vector.broadcast %select_n3A_106 : i32 to vector<16xi32>
      %lt3A_144 = arith.cmpi slt, %get3A_135, %lt3A : vector<16xi32>
      %and3A = arith.andi %ge3A_143, %lt3A_144 : vector<16xi1>
      %min3A_145 = arith.constant 4080 : i32
      %min3A_146 = arith.minsi %scan3A_133, %min3A_145 : i32
      %swap3A_147 = arith.index_cast %min3A_146 : i32 to index
      %swap3A_148 = tpu.vector_load %arg12[%swap3A_147] masked %and3A {strides = array<i32>} : memref<4096xi32, #tpu.memory_space<vmem>>, vector<16xi32>, vector<16xi1>
      tpu.vector_store %arg12[%swap3A_147], %get3A_135 masked %and3A {strides = array<i32>} : memref<4096xi32, #tpu.memory_space<vmem>>, vector<16xi32>, vector<16xi1>
      %swap3A_149 = arith.index_cast %min3A_146 : i32 to index
      %swap3A_150 = tpu.vector_load %arg13[%swap3A_149] masked %and3A {strides = array<i32>} : memref<4096xi32, #tpu.memory_space<vmem>>, vector<16xi32>, vector<16xi1>
      tpu.vector_store %arg13[%swap3A_149], %add3A_142 masked %and3A {strides = array<i32>} : memref<4096xi32, #tpu.memory_space<vmem>>, vector<16xi32>, vector<16xi1>
      %all_reduce_population_count3A = tpu.all_reduce %and3A {dim = 0 : i64, kind = #tpu.reduction_kind<sum>} : vector<16xi1> -> vector<16xi32>
      %slice3A = vector.extract_strided_slice %all_reduce_population_count3A {offsets = [0], sizes = [1], strides = [1]} : vector<16xi32> to vector<1xi32>
      %squeeze3A = vector.extract %slice3A[0] : i32 from vector<1xi32>
      %add3A_151 = arith.addi %scan3A_133, %squeeze3A : i32
      %get3A_152 = arith.index_cast %scan3A_132 : i32 to index
      %get3A_153 = arith.constant 16 : index
      %get3A_154 = tpu.vector_load %arg11[%get3A_152, %get3A_153] {strides = array<i32>} : memref<128x128xi32, #tpu.memory_space<vmem>>, vector<16xi32>,
      %iota3A_155 = tpu.iota {dimensions = array<i32: 0>} : vector<16xi32>
      %mul3A_156 = arith.constant 128 : i32
      %mul3A_157 = arith.muli %scan3A_132, %mul3A_156 : i32
      %add3A_158 = arith.constant 16 : i32
      %add3A_159 = arith.addi %mul3A_157, %add3A_158 : i32
      %add3A_160 = vector.broadcast %add3A_159 : i32 to vector<16xi32>
      %add3A_161 = arith.addi %iota3A_155, %add3A_160 : vector<16xi32>
      %ge3A_162 = vector.broadcast %mul3A_100 : i32 to vector<16xi32>
      %ge3A_163 = arith.cmpi sge, %get3A_154, %ge3A_162 : vector<16xi32>
      %lt3A_164 = vector.broadcast %select_n3A_106 : i32 to vector<16xi32>
      %lt3A_165 = arith.cmpi slt, %get3A_154, %lt3A_164 : vector<16xi32>
      %and3A_166 = arith.andi %ge3A_163, %lt3A_165 : vector<16xi1>
      %min3A_167 = arith.constant 4080 : i32
      %min3A_168 = arith.minsi %add3A_151, %min3A_167 : i32
      %swap3A_169 = arith.index_cast %min3A_168 : i32 to index
      %swap3A_170 = tpu.vector_load %arg12[%swap3A_169] masked %and3A_166 {strides = array<i32>} : memref<4096xi32, #tpu.memory_space<vmem>>, vector<16xi32>, vector<16xi1>
      tpu.vector_store %arg12[%swap3A_169], %get3A_154 masked %and3A_166 {strides = array<i32>} : memref<4096xi32, #tpu.memory_space<vmem>>, vector<16xi32>, vector<16xi1>
      %swap3A_171 = arith.index_cast %min3A_168 : i32 to index
      %swap3A_172 = tpu.vector_load %arg13[%swap3A_171] masked %and3A_166 {strides = array<i32>} : memref<4096xi32, #tpu.memory_space<vmem>>, vector<16xi32>, vector<16xi1>
      tpu.vector_store %arg13[%swap3A_171], %add3A_161 masked %and3A_166 {strides = array<i32>} : memref<4096xi32, #tpu.memory_space<vmem>>, vector<16xi32>, vector<16xi1>
      %all_reduce_population_count3A_173 = tpu.all_reduce %and3A_166 {dim = 0 : i64, kind = #tpu.reduction_kind<sum>} : vector<16xi1> -> vector<16xi32>
      %slice3A_174 = vector.extract_strided_slice %all_reduce_population_count3A_173 {offsets = [0], sizes = [1], strides = [1]} : vector<16xi32> to vector<1xi32>
      %squeeze3A_175 = vector.extract %slice3A_174[0] : i32 from vector<1xi32>
      %add3A_176 = arith.addi %add3A_151, %squeeze3A_175 : i32
      %get3A_177 = arith.index_cast %scan3A_132 : i32 to index
      %get3A_178 = arith.constant 32 : index
      %get3A_179 = tpu.vector_load %arg11[%get3A_177, %get3A_178] {strides = array<i32>} : memref<128x128xi32, #tpu.memory_space<vmem>>, vector<16xi32>,
      %iota3A_180 = tpu.iota {dimensions = array<i32: 0>} : vector<16xi32>
      %mul3A_181 = arith.constant 128 : i32
      %mul3A_182 = arith.muli %scan3A_132, %mul3A_181 : i32
      %add3A_183 = arith.constant 32 : i32
      %add3A_184 = arith.addi %mul3A_182, %add3A_183 : i32
      %add3A_185 = vector.broadcast %add3A_184 : i32 to vector<16xi32>
      %add3A_186 = arith.addi %iota3A_180, %add3A_185 : vector<16xi32>
      %ge3A_187 = vector.broadcast %mul3A_100 : i32 to vector<16xi32>
      %ge3A_188 = arith.cmpi sge, %get3A_179, %ge3A_187 : vector<16xi32>
      %lt3A_189 = vector.broadcast %select_n3A_106 : i32 to vector<16xi32>
      %lt3A_190 = arith.cmpi slt, %get3A_179, %lt3A_189 : vector<16xi32>
      %and3A_191 = arith.andi %ge3A_188, %lt3A_190 : vector<16xi1>
      %min3A_192 = arith.constant 4080 : i32
      %min3A_193 = arith.minsi %add3A_176, %min3A_192 : i32
      %swap3A_194 = arith.index_cast %min3A_193 : i32 to index
      %swap3A_195 = tpu.vector_load %arg12[%swap3A_194] masked %and3A_191 {strides = array<i32>} : memref<4096xi32, #tpu.memory_space<vmem>>, vector<16xi32>, vector<16xi1>
      tpu.vector_store %arg12[%swap3A_194], %get3A_179 masked %and3A_191 {strides = array<i32>} : memref<4096xi32, #tpu.memory_space<vmem>>, vector<16xi32>, vector<16xi1>
      %swap3A_196 = arith.index_cast %min3A_193 : i32 to index
      %swap3A_197 = tpu.vector_load %arg13[%swap3A_196] masked %and3A_191 {strides = array<i32>} : memref<4096xi32, #tpu.memory_space<vmem>>, vector<16xi32>, vector<16xi1>
      tpu.vector_store %arg13[%swap3A_196], %add3A_186 masked %and3A_191 {strides = array<i32>} : memref<4096xi32, #tpu.memory_space<vmem>>, vector<16xi32>, vector<16xi1>
      %all_reduce_population_count3A_198 = tpu.all_reduce %and3A_191 {dim = 0 : i64, kind = #tpu.reduction_kind<sum>} : vector<16xi1> -> vector<16xi32>
      %slice3A_199 = vector.extract_strided_slice %all_reduce_population_count3A_198 {offsets = [0], sizes = [1], strides = [1]} : vector<16xi32> to vector<1xi32>
      %squeeze3A_200 = vector.extract %slice3A_199[0] : i32 from vector<1xi32>
      %add3A_201 = arith.addi %add3A_176, %squeeze3A_200 : i32
      %get3A_202 = arith.index_cast %scan3A_132 : i32 to index
      %get3A_203 = arith.constant 48 : index
      %get3A_204 = tpu.vector_load %arg11[%get3A_202, %get3A_203] {strides = array<i32>} : memref<128x128xi32, #tpu.memory_space<vmem>>, vector<16xi32>,
      %iota3A_205 = tpu.iota {dimensions = array<i32: 0>} : vector<16xi32>
      %mul3A_206 = arith.constant 128 : i32
      %mul3A_207 = arith.muli %scan3A_132, %mul3A_206 : i32
      %add3A_208 = arith.constant 48 : i32
      %add3A_209 = arith.addi %mul3A_207, %add3A_208 : i32
      %add3A_210 = vector.broadcast %add3A_209 : i32 to vector<16xi32>
      %add3A_211 = arith.addi %iota3A_205, %add3A_210 : vector<16xi32>
      %ge3A_212 = vector.broadcast %mul3A_100 : i32 to vector<16xi32>
      %ge3A_213 = arith.cmpi sge, %get3A_204, %ge3A_212 : vector<16xi32>
      %lt3A_214 = vector.broadcast %select_n3A_106 : i32 to vector<16xi32>
      %lt3A_215 = arith.cmpi slt, %get3A_204, %lt3A_214 : vector<16xi32>
      %and3A_216 = arith.andi %ge3A_213, %lt3A_215 : vector<16xi1>
      %min3A_217 = arith.constant 4080 : i32
      %min3A_218 = arith.minsi %add3A_201, %min3A_217 : i32
      %swap3A_219 = arith.index_cast %min3A_218 : i32 to index
      %swap3A_220 = tpu.vector_load %arg12[%swap3A_219] masked %and3A_216 {strides = array<i32>} : memref<4096xi32, #tpu.memory_space<vmem>>, vector<16xi32>, vector<16xi1>
      tpu.vector_store %arg12[%swap3A_219], %get3A_204 masked %and3A_216 {strides = array<i32>} : memref<4096xi32, #tpu.memory_space<vmem>>, vector<16xi32>, vector<16xi1>
      %swap3A_221 = arith.index_cast %min3A_218 : i32 to index
      %swap3A_222 = tpu.vector_load %arg13[%swap3A_221] masked %and3A_216 {strides = array<i32>} : memref<4096xi32, #tpu.memory_space<vmem>>, vector<16xi32>, vector<16xi1>
      tpu.vector_store %arg13[%swap3A_221], %add3A_211 masked %and3A_216 {strides = array<i32>} : memref<4096xi32, #tpu.memory_space<vmem>>, vector<16xi32>, vector<16xi1>
      %all_reduce_population_count3A_223 = tpu.all_reduce %and3A_216 {dim = 0 : i64, kind = #tpu.reduction_kind<sum>} : vector<16xi1> -> vector<16xi32>
      %slice3A_224 = vector.extract_strided_slice %all_reduce_population_count3A_223 {offsets = [0], sizes = [1], strides = [1]} : vector<16xi32> to vector<1xi32>
      %squeeze3A_225 = vector.extract %slice3A_224[0] : i32 from vector<1xi32>
      %add3A_226 = arith.addi %add3A_201, %squeeze3A_225 : i32
      %get3A_227 = arith.index_cast %scan3A_132 : i32 to index
      %get3A_228 = arith.constant 64 : index
      %get3A_229 = tpu.vector_load %arg11[%get3A_227, %get3A_228] {strides = array<i32>} : memref<128x128xi32, #tpu.memory_space<vmem>>, vector<16xi32>,
      %iota3A_230 = tpu.iota {dimensions = array<i32: 0>} : vector<16xi32>
      %mul3A_231 = arith.constant 128 : i32
      %mul3A_232 = arith.muli %scan3A_132, %mul3A_231 : i32
      %add3A_233 = arith.constant 64 : i32
      %add3A_234 = arith.addi %mul3A_232, %add3A_233 : i32
      %add3A_235 = vector.broadcast %add3A_234 : i32 to vector<16xi32>
      %add3A_236 = arith.addi %iota3A_230, %add3A_235 : vector<16xi32>
      %ge3A_237 = vector.broadcast %mul3A_100 : i32 to vector<16xi32>
      %ge3A_238 = arith.cmpi sge, %get3A_229, %ge3A_237 : vector<16xi32>
      %lt3A_239 = vector.broadcast %select_n3A_106 : i32 to vector<16xi32>
      %lt3A_240 = arith.cmpi slt, %get3A_229, %lt3A_239 : vector<16xi32>
      %and3A_241 = arith.andi %ge3A_238, %lt3A_240 : vector<16xi1>
      %min3A_242 = arith.constant 4080 : i32
      %min3A_243 = arith.minsi %add3A_226, %min3A_242 : i32
      %swap3A_244 = arith.index_cast %min3A_243 : i32 to index
      %swap3A_245 = tpu.vector_load %arg12[%swap3A_244] masked %and3A_241 {strides = array<i32>} : memref<4096xi32, #tpu.memory_space<vmem>>, vector<16xi32>, vector<16xi1>
      tpu.vector_store %arg12[%swap3A_244], %get3A_229 masked %and3A_241 {strides = array<i32>} : memref<4096xi32, #tpu.memory_space<vmem>>, vector<16xi32>, vector<16xi1>
      %swap3A_246 = arith.index_cast %min3A_243 : i32 to index
      %swap3A_247 = tpu.vector_load %arg13[%swap3A_246] masked %and3A_241 {strides = array<i32>} : memref<4096xi32, #tpu.memory_space<vmem>>, vector<16xi32>, vector<16xi1>
      tpu.vector_store %arg13[%swap3A_246], %add3A_236 masked %and3A_241 {strides = array<i32>} : memref<4096xi32, #tpu.memory_space<vmem>>, vector<16xi32>, vector<16xi1>
      %all_reduce_population_count3A_248 = tpu.all_reduce %and3A_241 {dim = 0 : i64, kind = #tpu.reduction_kind<sum>} : vector<16xi1> -> vector<16xi32>
      %slice3A_249 = vector.extract_strided_slice %all_reduce_population_count3A_248 {offsets = [0], sizes = [1], strides = [1]} : vector<16xi32> to vector<1xi32>
      %squeeze3A_250 = vector.extract %slice3A_249[0] : i32 from vector<1xi32>
      %add3A_251 = arith.addi %add3A_226, %squeeze3A_250 : i32
      %get3A_252 = arith.index_cast %scan3A_132 : i32 to index
      %get3A_253 = arith.constant 80 : index
      %get3A_254 = tpu.vector_load %arg11[%get3A_252, %get3A_253] {strides = array<i32>} : memref<128x128xi32, #tpu.memory_space<vmem>>, vector<16xi32>,
      %iota3A_255 = tpu.iota {dimensions = array<i32: 0>} : vector<16xi32>
      %mul3A_256 = arith.constant 128 : i32
      %mul3A_257 = arith.muli %scan3A_132, %mul3A_256 : i32
      %add3A_258 = arith.constant 80 : i32
      %add3A_259 = arith.addi %mul3A_257, %add3A_258 : i32
      %add3A_260 = vector.broadcast %add3A_259 : i32 to vector<16xi32>
      %add3A_261 = arith.addi %iota3A_255, %add3A_260 : vector<16xi32>
      %ge3A_262 = vector.broadcast %mul3A_100 : i32 to vector<16xi32>
      %ge3A_263 = arith.cmpi sge, %get3A_254, %ge3A_262 : vector<16xi32>
      %lt3A_264 = vector.broadcast %select_n3A_106 : i32 to vector<16xi32>
      %lt3A_265 = arith.cmpi slt, %get3A_254, %lt3A_264 : vector<16xi32>
      %and3A_266 = arith.andi %ge3A_263, %lt3A_265 : vector<16xi1>
      %min3A_267 = arith.constant 4080 : i32
      %min3A_268 = arith.minsi %add3A_251, %min3A_267 : i32
      %swap3A_269 = arith.index_cast %min3A_268 : i32 to index
      %swap3A_270 = tpu.vector_load %arg12[%swap3A_269] masked %and3A_266 {strides = array<i32>} : memref<4096xi32, #tpu.memory_space<vmem>>, vector<16xi32>, vector<16xi1>
      tpu.vector_store %arg12[%swap3A_269], %get3A_254 masked %and3A_266 {strides = array<i32>} : memref<4096xi32, #tpu.memory_space<vmem>>, vector<16xi32>, vector<16xi1>
      %swap3A_271 = arith.index_cast %min3A_268 : i32 to index
      %swap3A_272 = tpu.vector_load %arg13[%swap3A_271] masked %and3A_266 {strides = array<i32>} : memref<4096xi32, #tpu.memory_space<vmem>>, vector<16xi32>, vector<16xi1>
      tpu.vector_store %arg13[%swap3A_271], %add3A_261 masked %and3A_266 {strides = array<i32>} : memref<4096xi32, #tpu.memory_space<vmem>>, vector<16xi32>, vector<16xi1>
      %all_reduce_population_count3A_273 = tpu.all_reduce %and3A_266 {dim = 0 : i64, kind = #tpu.reduction_kind<sum>} : vector<16xi1> -> vector<16xi32>
      %slice3A_274 = vector.extract_strided_slice %all_reduce_population_count3A_273 {offsets = [0], sizes = [1], strides = [1]} : vector<16xi32> to vector<1xi32>
      %squeeze3A_275 = vector.extract %slice3A_274[0] : i32 from vector<1xi32>
      %add3A_276 = arith.addi %add3A_251, %squeeze3A_275 : i32
      %get3A_277 = arith.index_cast %scan3A_132 : i32 to index
      %get3A_278 = arith.constant 96 : index
      %get3A_279 = tpu.vector_load %arg11[%get3A_277, %get3A_278] {strides = array<i32>} : memref<128x128xi32, #tpu.memory_space<vmem>>, vector<16xi32>,
      %iota3A_280 = tpu.iota {dimensions = array<i32: 0>} : vector<16xi32>
      %mul3A_281 = arith.constant 128 : i32
      %mul3A_282 = arith.muli %scan3A_132, %mul3A_281 : i32
      %add3A_283 = arith.constant 96 : i32
      %add3A_284 = arith.addi %mul3A_282, %add3A_283 : i32
      %add3A_285 = vector.broadcast %add3A_284 : i32 to vector<16xi32>
      %add3A_286 = arith.addi %iota3A_280, %add3A_285 : vector<16xi32>
      %ge3A_287 = vector.broadcast %mul3A_100 : i32 to vector<16xi32>
      %ge3A_288 = arith.cmpi sge, %get3A_279, %ge3A_287 : vector<16xi32>
      %lt3A_289 = vector.broadcast %select_n3A_106 : i32 to vector<16xi32>
      %lt3A_290 = arith.cmpi slt, %get3A_279, %lt3A_289 : vector<16xi32>
      %and3A_291 = arith.andi %ge3A_288, %lt3A_290 : vector<16xi1>
      %min3A_292 = arith.constant 4080 : i32
      %min3A_293 = arith.minsi %add3A_276, %min3A_292 : i32
      %swap3A_294 = arith.index_cast %min3A_293 : i32 to index
      %swap3A_295 = tpu.vector_load %arg12[%swap3A_294] masked %and3A_291 {strides = array<i32>} : memref<4096xi32, #tpu.memory_space<vmem>>, vector<16xi32>, vector<16xi1>
      tpu.vector_store %arg12[%swap3A_294], %get3A_279 masked %and3A_291 {strides = array<i32>} : memref<4096xi32, #tpu.memory_space<vmem>>, vector<16xi32>, vector<16xi1>
      %swap3A_296 = arith.index_cast %min3A_293 : i32 to index
      %swap3A_297 = tpu.vector_load %arg13[%swap3A_296] masked %and3A_291 {strides = array<i32>} : memref<4096xi32, #tpu.memory_space<vmem>>, vector<16xi32>, vector<16xi1>
      tpu.vector_store %arg13[%swap3A_296], %add3A_286 masked %and3A_291 {strides = array<i32>} : memref<4096xi32, #tpu.memory_space<vmem>>, vector<16xi32>, vector<16xi1>
      %all_reduce_population_count3A_298 = tpu.all_reduce %and3A_291 {dim = 0 : i64, kind = #tpu.reduction_kind<sum>} : vector<16xi1> -> vector<16xi32>
      %slice3A_299 = vector.extract_strided_slice %all_reduce_population_count3A_298 {offsets = [0], sizes = [1], strides = [1]} : vector<16xi32> to vector<1xi32>
      %squeeze3A_300 = vector.extract %slice3A_299[0] : i32 from vector<1xi32>
      %add3A_301 = arith.addi %add3A_276, %squeeze3A_300 : i32
      %get3A_302 = arith.index_cast %scan3A_132 : i32 to index
      %get3A_303 = arith.constant 112 : index
      %get3A_304 = tpu.vector_load %arg11[%get3A_302, %get3A_303] {strides = array<i32>} : memref<128x128xi32, #tpu.memory_space<vmem>>, vector<16xi32>,
      %iota3A_305 = tpu.iota {dimensions = array<i32: 0>} : vector<16xi32>
      %mul3A_306 = arith.constant 128 : i32
      %mul3A_307 = arith.muli %scan3A_132, %mul3A_306 : i32
      %add3A_308 = arith.constant 112 : i32
      %add3A_309 = arith.addi %mul3A_307, %add3A_308 : i32
      %add3A_310 = vector.broadcast %add3A_309 : i32 to vector<16xi32>
      %add3A_311 = arith.addi %iota3A_305, %add3A_310 : vector<16xi32>
      %ge3A_312 = vector.broadcast %mul3A_100 : i32 to vector<16xi32>
      %ge3A_313 = arith.cmpi sge, %get3A_304, %ge3A_312 : vector<16xi32>
      %lt3A_314 = vector.broadcast %select_n3A_106 : i32 to vector<16xi32>
      %lt3A_315 = arith.cmpi slt, %get3A_304, %lt3A_314 : vector<16xi32>
      %and3A_316 = arith.andi %ge3A_313, %lt3A_315 : vector<16xi1>
      %min3A_317 = arith.constant 4080 : i32
      %min3A_318 = arith.minsi %add3A_301, %min3A_317 : i32
      %swap3A_319 = arith.index_cast %min3A_318 : i32 to index
      %swap3A_320 = tpu.vector_load %arg12[%swap3A_319] masked %and3A_316 {strides = array<i32>} : memref<4096xi32, #tpu.memory_space<vmem>>, vector<16xi32>, vector<16xi1>
      tpu.vector_store %arg12[%swap3A_319], %get3A_304 masked %and3A_316 {strides = array<i32>} : memref<4096xi32, #tpu.memory_space<vmem>>, vector<16xi32>, vector<16xi1>
      %swap3A_321 = arith.index_cast %min3A_318 : i32 to index
      %swap3A_322 = tpu.vector_load %arg13[%swap3A_321] masked %and3A_316 {strides = array<i32>} : memref<4096xi32, #tpu.memory_space<vmem>>, vector<16xi32>, vector<16xi1>
      tpu.vector_store %arg13[%swap3A_321], %add3A_311 masked %and3A_316 {strides = array<i32>} : memref<4096xi32, #tpu.memory_space<vmem>>, vector<16xi32>, vector<16xi1>
      %all_reduce_population_count3A_323 = tpu.all_reduce %and3A_316 {dim = 0 : i64, kind = #tpu.reduction_kind<sum>} : vector<16xi1> -> vector<16xi32>
      %slice3A_324 = vector.extract_strided_slice %all_reduce_population_count3A_323 {offsets = [0], sizes = [1], strides = [1]} : vector<16xi32> to vector<1xi32>
      %squeeze3A_325 = vector.extract %slice3A_324[0] : i32 from vector<1xi32>
      %add3A_326 = arith.addi %add3A_301, %squeeze3A_325 : i32
      scf.yield %add3A_326 : i32
    }
    %scan3A_119 = arith.constant 128 : i32
    %scan3A_120 = arith.constant 0 : i32
    %scan3A_121 = arith.constant 0 : i32
    %scan3A_122 = arith.constant 3 : i32
    %scan3A_123 = arith.addi %scan3A_121, %scan3A_122 : i32
    %scan3A_124 = arith.constant 1 : i32
    %scan3A_125 = scf.for %scan3A_132 = %scan3A_121 to %scan3A_123 step %scan3A_124 iter_args(%scan3A_133 = %scan3A_120) -> (i32)  : i32 {
      %mul3A_134 = arith.constant 1536 : i32
      %mul3A_135 = arith.muli %scan3A_132, %mul3A_134 : i32
      %add3A_136 = arith.addi %mul3A_100, %mul3A_135 : i32
      %add3A_137 = arith.constant 1536 : i32
      %add3A_138 = arith.addi %add3A_136, %add3A_137 : i32
      %min3A_139 = arith.minsi %add3A_138, %mul3A_102 : i32
      %lt3A = arith.cmpi slt, %add3A_136, %min3A_139 : i32
      %convert_element_type3A_140 = arith.extui %lt3A : i1 to i32
      %cond3A_141 = arith.constant 0 : i32
      %cond3A_142 = arith.cmpi ne, %convert_element_type3A_140, %cond3A_141 : i32
      scf.if %cond3A_142 {
        %sub3A = arith.constant 1536 : i32
        %sub3A_144 = arith.subi %min3A_139, %sub3A : i32
        %max3A = arith.constant 0 : i32
        %max3A_145 = arith.maxsi %sub3A_144, %max3A : i32
        %multiple_of3A = tpu.assume_multiple %max3A_145, 128 : i32
        %dma_start3A_146 = arith.constant 0 : i32
        %dma_start3A_147 = tpu.memref_slice %arg5[%dma_start3A_146, %multiple_of3A] : memref<32x100001xf32, #tpu.memory_space<hbm>> -> memref<32x1536xf32, #tpu.memory_space<hbm>>
        %dma_start3A_148 = arith.constant 0 : i32
        %dma_start3A_149 = arith.constant 0 : i32
        %dma_start3A_150 = tpu.memref_slice %dma_start3A_147[%dma_start3A_148, %dma_start3A_149] : memref<32x1536xf32, #tpu.memory_space<hbm>> -> memref<32x1536xf32, #tpu.memory_space<hbm>>
        tpu.enqueue_indirect_dma source(%dma_start3A_150 : memref<32x1536xf32, #tpu.memory_space<hbm>>) target(%arg16 : memref<32x1536xf32, #tpu.memory_space<vmem>>) offsets(%arg9 : memref<32xi32, #tpu.memory_space<vmem>>) semaphore(%arg20 : memref<!tpu.dma_semaphore, #tpu.memory_space<semaphore_mem>>)
        %dma_wait3A_151 = arith.constant 0 : i32
        %dma_wait3A_152 = tpu.memref_slice %arg5[%dma_wait3A_151, %multiple_of3A] : memref<32x100001xf32, #tpu.memory_space<hbm>> -> memref<32x1536xf32, #tpu.memory_space<hbm>>
        %dma_wait3A_153 = arith.constant 0 : i32
        %dma_wait3A_154 = arith.constant 0 : i32
        %dma_wait3A_155 = tpu.memref_slice %dma_wait3A_152[%dma_wait3A_153, %dma_wait3A_154] : memref<32x1536xf32, #tpu.memory_space<hbm>> -> memref<32x1536xf32, #tpu.memory_space<hbm>>
        tpu.wait_indirect_dma semaphore(%arg20 : memref<!tpu.dma_semaphore, #tpu.memory_space<semaphore_mem>>) src(%dma_wait3A_155 : memref<32x1536xf32, #tpu.memory_space<hbm>>) dst(%arg16 : memref<32x1536xf32, #tpu.memory_space<vmem>>)
        %add3A_156 = arith.constant 15 : i32
        %add3A_157 = arith.addi %scan3A_118, %add3A_156 : i32
        %jit3A_158 = arith.constant 16 : i32
        %div3A = arith.divsi %add3A_157, %jit3A_158 : i32
        %sign3A = arith.constant 0 : i32
        %sign3A_159 = arith.cmpi sgt, %add3A_157, %sign3A : i32
        %sign3A_160 = arith.extui %sign3A_159 : i1 to i32
        %sign3A_161 = arith.constant 0 : i32
        %sign3A_162 = arith.cmpi slt, %add3A_157, %sign3A_161 : i32
        %sign3A_163 = arith.extui %sign3A_162 : i1 to i32
        %sign3A_164 = arith.subi %sign3A_160, %sign3A_163 : i32
        %sign3A_165 = arith.constant 0 : i32
        %sign3A_166 = arith.cmpi sgt, %jit3A_158, %sign3A_165 : i32
        %sign3A_167 = arith.extui %sign3A_166 : i1 to i32
        %sign3A_168 = arith.constant 0 : i32
        %sign3A_169 = arith.cmpi slt, %jit3A_158, %sign3A_168 : i32
        %sign3A_170 = arith.extui %sign3A_169 : i1 to i32
        %sign3A_171 = arith.subi %sign3A_167, %sign3A_170 : i32
        %ne3A = arith.cmpi ne, %sign3A_164, %sign3A_171 : i32
        %rem3A = arith.remsi %add3A_157, %jit3A_158 : i32
        %ne3A_172 = arith.constant 0 : i32
        %ne3A_173 = arith.cmpi ne, %rem3A, %ne3A_172 : i32
        %and3A = arith.andi %ne3A, %ne3A_173 : i1
        %sub3A_174 = arith.constant 1 : i32
        %sub3A_175 = arith.subi %div3A, %sub3A_174 : i32
        %select_n3A_176 = arith.select %and3A, %sub3A_175, %div3A : i32
        %while3A = arith.constant 0 : i32
        %while3A_177 = arith.constant 0 : i32
        %while3A_178 = arith.subi %select_n3A_176, %while3A : i32
        %while3A_179 = arith.addi %while3A, %while3A_178 : i32
        %while3A_180 = arith.constant 1 : i32
        %while3A_181 = arith.divsi %while3A_178, %while3A_180 : i32
        %while3A_182 = arith.muli %while3A_181, %while3A_180 : i32
        %while3A_183 = arith.addi %while3A, %while3A_182 : i32
        %while3A_184 = arith.constant 1 : i32
        %while3A_185 = scf.for %while3A_226 = %while3A to %while3A_183 step %while3A_184 iter_args(%while3A_227 = %while3A_177) -> (i32)  : i32 {
          %iota3A_228 = tpu.iota {dimensions = array<i32: 0>} : vector<16xi32>
          %mul3A_229 = arith.constant 16 : i32
          %mul3A_230 = arith.muli %while3A_226, %mul3A_229 : i32
          %add3A_231 = vector.broadcast %mul3A_230 : i32 to vector<16xi32>
          %add3A_232 = arith.addi %iota3A_228, %add3A_231 : vector<16xi32>
          %mul3A_233 = arith.constant 16 : i32
          %mul3A_234 = arith.muli %while3A_226, %mul3A_233 : i32
          %get3A = arith.index_cast %mul3A_234 : i32 to index
          %get3A_235 = tpu.vector_load %arg12[%get3A] {strides = array<i32>} : memref<4096xi32, #tpu.memory_space<vmem>>, vector<16xi32>,
          %mul3A_236 = arith.constant 16 : i32
          %mul3A_237 = arith.muli %while3A_226, %mul3A_236 : i32
          %get3A_238 = arith.index_cast %mul3A_237 : i32 to index
          %get3A_239 = tpu.vector_load %arg13[%get3A_238] {strides = array<i32>} : memref<4096xi32, #tpu.memory_space<vmem>>, vector<16xi32>,
          %lt3A_240 = vector.broadcast %scan3A_118 : i32 to vector<16xi32>
          %lt3A_241 = arith.cmpi slt, %add3A_232, %lt3A_240 : vector<16xi32>
          %ge3A = vector.broadcast %add3A_136 : i32 to vector<16xi32>
          %ge3A_242 = arith.cmpi sge, %get3A_235, %ge3A : vector<16xi32>
          %and3A_243 = arith.andi %lt3A_241, %ge3A_242 : vector<16xi1>
          %lt3A_244 = vector.broadcast %min3A_139 : i32 to vector<16xi32>
          %lt3A_245 = arith.cmpi slt, %get3A_235, %lt3A_244 : vector<16xi32>
          %and3A_246 = arith.andi %and3A_243, %lt3A_245 : vector<16xi1>
          %min3A_247 = arith.constant 4080 : i32
          %min3A_248 = arith.minsi %while3A_227, %min3A_247 : i32
          %swap3A_249 = arith.index_cast %min3A_248 : i32 to index
          %swap3A_250 = tpu.vector_load %arg14[%swap3A_249] masked %and3A_246 {strides = array<i32>} : memref<4096xi32, #tpu.memory_space<vmem>>, vector<16xi32>, vector<16xi1>
          tpu.vector_store %arg14[%swap3A_249], %get3A_235 masked %and3A_246 {strides = array<i32>} : memref<4096xi32, #tpu.memory_space<vmem>>, vector<16xi32>, vector<16xi1>
          %swap3A_251 = arith.index_cast %min3A_248 : i32 to index
          %swap3A_252 = tpu.vector_load %arg15[%swap3A_251] masked %and3A_246 {strides = array<i32>} : memref<4096xi32, #tpu.memory_space<vmem>>, vector<16xi32>, vector<16xi1>
          tpu.vector_store %arg15[%swap3A_251], %get3A_239 masked %and3A_246 {strides = array<i32>} : memref<4096xi32, #tpu.memory_space<vmem>>, vector<16xi32>, vector<16xi1>
          %all_reduce_population_count3A = tpu.all_reduce %and3A_246 {dim = 0 : i64, kind = #tpu.reduction_kind<sum>} : vector<16xi1> -> vector<16xi32>
          %slice3A = vector.extract_strided_slice %all_reduce_population_count3A {offsets = [0], sizes = [1], strides = [1]} : vector<16xi32> to vector<1xi32>
          %squeeze3A = vector.extract %slice3A[0] : i32 from vector<1xi32>
          %add3A_253 = arith.addi %while3A_227, %squeeze3A : i32
          scf.yield %add3A_253 : i32
        }
        %while3A_186 = arith.constant 1 : i32
        %while3A_187 = scf.for %while3A_226 = %while3A_183 to %while3A_179 step %while3A_186 iter_args(%while3A_227 = %while3A_185) -> (i32)  : i32 {
          %iota3A_228 = tpu.iota {dimensions = array<i32: 0>} : vector<16xi32>
          %mul3A_229 = arith.constant 16 : i32
          %mul3A_230 = arith.muli %while3A_226, %mul3A_229 : i32
          %add3A_231 = vector.broadcast %mul3A_230 : i32 to vector<16xi32>
          %add3A_232 = arith.addi %iota3A_228, %add3A_231 : vector<16xi32>
          %mul3A_233 = arith.constant 16 : i32
          %mul3A_234 = arith.muli %while3A_226, %mul3A_233 : i32
          %get3A = arith.index_cast %mul3A_234 : i32 to index
          %get3A_235 = tpu.vector_load %arg12[%get3A] {strides = array<i32>} : memref<4096xi32, #tpu.memory_space<vmem>>, vector<16xi32>,
          %mul3A_236 = arith.constant 16 : i32
          %mul3A_237 = arith.muli %while3A_226, %mul3A_236 : i32
          %get3A_238 = arith.index_cast %mul3A_237 : i32 to index
          %get3A_239 = tpu.vector_load %arg13[%get3A_238] {strides = array<i32>} : memref<4096xi32, #tpu.memory_space<vmem>>, vector<16xi32>,
          %lt3A_240 = vector.broadcast %scan3A_118 : i32 to vector<16xi32>
          %lt3A_241 = arith.cmpi slt, %add3A_232, %lt3A_240 : vector<16xi32>
          %ge3A = vector.broadcast %add3A_136 : i32 to vector<16xi32>
          %ge3A_242 = arith.cmpi sge, %get3A_235, %ge3A : vector<16xi32>
          %and3A_243 = arith.andi %lt3A_241, %ge3A_242 : vector<16xi1>
          %lt3A_244 = vector.broadcast %min3A_139 : i32 to vector<16xi32>
          %lt3A_245 = arith.cmpi slt, %get3A_235, %lt3A_244 : vector<16xi32>
          %and3A_246 = arith.andi %and3A_243, %lt3A_245 : vector<16xi1>
          %min3A_247 = arith.constant 4080 : i32
          %min3A_248 = arith.minsi %while3A_227, %min3A_247 : i32
          %swap3A_249 = arith.index_cast %min3A_248 : i32 to index
          %swap3A_250 = tpu.vector_load %arg14[%swap3A_249] masked %and3A_246 {strides = array<i32>} : memref<4096xi32, #tpu.memory_space<vmem>>, vector<16xi32>, vector<16xi1>
          tpu.vector_store %arg14[%swap3A_249], %get3A_235 masked %and3A_246 {strides = array<i32>} : memref<4096xi32, #tpu.memory_space<vmem>>, vector<16xi32>, vector<16xi1>
          %swap3A_251 = arith.index_cast %min3A_248 : i32 to index
          %swap3A_252 = tpu.vector_load %arg15[%swap3A_251] masked %and3A_246 {strides = array<i32>} : memref<4096xi32, #tpu.memory_space<vmem>>, vector<16xi32>, vector<16xi1>
          tpu.vector_store %arg15[%swap3A_251], %get3A_239 masked %and3A_246 {strides = array<i32>} : memref<4096xi32, #tpu.memory_space<vmem>>, vector<16xi32>, vector<16xi1>
          %all_reduce_population_count3A = tpu.all_reduce %and3A_246 {dim = 0 : i64, kind = #tpu.reduction_kind<sum>} : vector<16xi1> -> vector<16xi32>
          %slice3A = vector.extract_strided_slice %all_reduce_population_count3A {offsets = [0], sizes = [1], strides = [1]} : vector<16xi32> to vector<1xi32>
          %squeeze3A = vector.extract %slice3A[0] : i32 from vector<1xi32>
          %add3A_253 = arith.addi %while3A_227, %squeeze3A : i32
          scf.yield %add3A_253 : i32
        }
        %add3A_188 = arith.constant 127 : i32
        %add3A_189 = arith.addi %while3A_187, %add3A_188 : i32
        %jit3A_190 = arith.constant 128 : i32
        %div3A_191 = arith.divsi %add3A_189, %jit3A_190 : i32
        %sign3A_192 = arith.constant 0 : i32
        %sign3A_193 = arith.cmpi sgt, %add3A_189, %sign3A_192 : i32
        %sign3A_194 = arith.extui %sign3A_193 : i1 to i32
        %sign3A_195 = arith.constant 0 : i32
        %sign3A_196 = arith.cmpi slt, %add3A_189, %sign3A_195 : i32
        %sign3A_197 = arith.extui %sign3A_196 : i1 to i32
        %sign3A_198 = arith.subi %sign3A_194, %sign3A_197 : i32
        %sign3A_199 = arith.constant 0 : i32
        %sign3A_200 = arith.cmpi sgt, %jit3A_190, %sign3A_199 : i32
        %sign3A_201 = arith.extui %sign3A_200 : i1 to i32
        %sign3A_202 = arith.constant 0 : i32
        %sign3A_203 = arith.cmpi slt, %jit3A_190, %sign3A_202 : i32
        %sign3A_204 = arith.extui %sign3A_203 : i1 to i32
        %sign3A_205 = arith.subi %sign3A_201, %sign3A_204 : i32
        %ne3A_206 = arith.cmpi ne, %sign3A_198, %sign3A_205 : i32
        %rem3A_207 = arith.remsi %add3A_189, %jit3A_190 : i32
        %ne3A_208 = arith.constant 0 : i32
        %ne3A_209 = arith.cmpi ne, %rem3A_207, %ne3A_208 : i32
        %and3A_210 = arith.andi %ne3A_206, %ne3A_209 : i1
        %sub3A_211 = arith.constant 1 : i32
        %sub3A_212 = arith.subi %div3A_191, %sub3A_211 : i32
        %select_n3A_213 = arith.select %and3A_210, %sub3A_212, %div3A_191 : i32
        %while3A_214 = arith.constant 0 : i32
        %while3A_215 = arith.constant 0 : i32
        %while3A_216 = arith.subi %select_n3A_213, %while3A_214 : i32
        %while3A_217 = arith.addi %while3A_214, %while3A_216 : i32
        %while3A_218 = arith.constant 1 : i32
        %while3A_219 = arith.divsi %while3A_216, %while3A_218 : i32
        %while3A_220 = arith.muli %while3A_219, %while3A_218 : i32
        %while3A_221 = arith.addi %while3A_214, %while3A_220 : i32
        %while3A_222 = arith.constant 1 : i32
        %while3A_223 = scf.for %while3A_226 = %while3A_214 to %while3A_221 step %while3A_222 iter_args(%while3A_227 = %while3A_215) -> (i32)  : i32 {
          %mul3A_228 = arith.constant 128 : i32
          %mul3A_229 = arith.muli %while3A_226, %mul3A_228 : i32
          %scan3A_230 = arith.constant 0 : i32
          %scan3A_231 = arith.constant 0 : i32
          %scan3A_232 = arith.constant 8 : i32
          %scan3A_233 = arith.addi %scan3A_231, %scan3A_232 : i32
          %scan3A_234 = arith.constant 1 : i32
          %scan3A_235 = scf.for %scan3A_245 = %scan3A_231 to %scan3A_233 step %scan3A_234 iter_args(%scan3A_246 = %scan3A_230) -> (i32)  : i32 {
            %iota3A_247 = tpu.iota {dimensions = array<i32: 0>} : vector<16xi32>
            %mul3A_248 = arith.constant 16 : i32
            %mul3A_249 = arith.muli %scan3A_245, %mul3A_248 : i32
            %add3A_250 = arith.addi %mul3A_229, %mul3A_249 : i32
            %add3A_251 = vector.broadcast %add3A_250 : i32 to vector<16xi32>
            %add3A_252 = arith.addi %iota3A_247, %add3A_251 : vector<16xi32>
            %lt3A_253 = vector.broadcast %while3A_187 : i32 to vector<16xi32>
            %lt3A_254 = arith.cmpi slt, %add3A_252, %lt3A_253 : vector<16xi32>
            %min3A_255 = arith.constant 4095 : i32
            %min3A_256 = vector.broadcast %min3A_255 : i32 to vector<16xi32>
            %min3A_257 = arith.minsi %add3A_252, %min3A_256 : vector<16xi32>
            %gather3A = tpu.vector_load_idx %arg14[%min3A_257] : memref<4096xi32, #tpu.memory_space<vmem>>[vector<16xi32>], vector<16xi32>,
            %sub3A_258 = vector.broadcast %multiple_of3A : i32 to vector<16xi32>
            %sub3A_259 = arith.subi %gather3A, %sub3A_258 : vector<16xi32>
            %gather3A_260 = tpu.vector_load_idx %arg15[%min3A_257] : memref<4096xi32, #tpu.memory_space<vmem>>[vector<16xi32>], vector<16xi32>,
            %add3A_261 = arith.constant 16384 : i32
            %add3A_262 = vector.broadcast %add3A_261 : i32 to vector<16xi32>
            %add3A_263 = arith.addi %gather3A_260, %add3A_262 : vector<16xi32>
            %jit3A_264 = arith.constant -1 : i32
            %broadcast_in_dim3A = vector.broadcast %jit3A_264 : i32 to vector<16xi32>
            %select_n3A_265 = arith.select %lt3A_254, %add3A_263, %broadcast_in_dim3A : vector<16xi1>, vector<16xi32>
            %mul3A_266 = arith.constant 16 : i32
            %mul3A_267 = arith.muli %scan3A_245, %mul3A_266 : i32
            %swap3A_268 = arith.index_cast %mul3A_267 : i32 to index
            %swap3A_269 = tpu.vector_load %arg18[%swap3A_268] {strides = array<i32>} : memref<128xi32, #tpu.memory_space<vmem>>, vector<16xi32>,
            tpu.vector_store %arg18[%swap3A_268], %select_n3A_265 {strides = array<i32>} : memref<128xi32, #tpu.memory_space<vmem>>, vector<16xi32>,
            %iota3A_270 = tpu.iota {dimensions = array<i32: 0>} : vector<16xi32>
            %mul3A_271 = arith.constant 16 : i32
            %mul3A_272 = arith.muli %scan3A_245, %mul3A_271 : i32
            %add3A_273 = vector.broadcast %mul3A_272 : i32 to vector<16xi32>
            %add3A_274 = arith.addi %iota3A_270, %add3A_273 : vector<16xi32>
            %broadcast_in_dim3A_275 = arith.constant 0 : i32
            %broadcast_in_dim3A_276 = vector.broadcast %broadcast_in_dim3A_275 : i32 to vector<16xi32>
            %gather3A_277 = tpu.vector_load_idx %arg16[%broadcast_in_dim3A_276, %sub3A_259] masked %lt3A_254 : memref<32x1536xf32, #tpu.memory_space<vmem>>[vector<16xi32>, vector<16xi32>], vector<16xf32>, vector<16xi1>
            tpu.vector_store_idx %arg17[%add3A_274, %broadcast_in_dim3A_276], %gather3A_277 masked %lt3A_254 : memref<128x128xf32, #tpu.memory_space<vmem>>[vector<16xi32>, vector<16xi32>], vector<16xf32>, vector<16xi1>
            %broadcast_in_dim3A_278 = arith.constant 1 : i32
            %broadcast_in_dim3A_279 = vector.broadcast %broadcast_in_dim3A_278 : i32 to vector<16xi32>
            %gather3A_280 = tpu.vector_load_idx %arg16[%broadcast_in_dim3A_279, %sub3A_259] masked %lt3A_254 : memref<32x1536xf32, #tpu.memory_space<vmem>>[vector<16xi32>, vector<16xi32>], vector<16xf32>, vector<16xi1>
            tpu.vector_store_idx %arg17[%add3A_274, %broadcast_in_dim3A_279], %gather3A_280 masked %lt3A_254 : memref<128x128xf32, #tpu.memory_space<vmem>>[vector<16xi32>, vector<16xi32>], vector<16xf32>, vector<16xi1>
            %broadcast_in_dim3A_281 = arith.constant 2 : i32
            %broadcast_in_dim3A_282 = vector.broadcast %broadcast_in_dim3A_281 : i32 to vector<16xi32>
            %gather3A_283 = tpu.vector_load_idx %arg16[%broadcast_in_dim3A_282, %sub3A_259] masked %lt3A_254 : memref<32x1536xf32, #tpu.memory_space<vmem>>[vector<16xi32>, vector<16xi32>], vector<16xf32>, vector<16xi1>
            tpu.vector_store_idx %arg17[%add3A_274, %broadcast_in_dim3A_282], %gather3A_283 masked %lt3A_254 : memref<128x128xf32, #tpu.memory_space<vmem>>[vector<16xi32>, vector<16xi32>], vector<16xf32>, vector<16xi1>
            %broadcast_in_dim3A_284 = arith.constant 3 : i32
            %broadcast_in_dim3A_285 = vector.broadcast %broadcast_in_dim3A_284 : i32 to vector<16xi32>
            %gather3A_286 = tpu.vector_load_idx %arg16[%broadcast_in_dim3A_285, %sub3A_259] masked %lt3A_254 : memref<32x1536xf32, #tpu.memory_space<vmem>>[vector<16xi32>, vector<16xi32>], vector<16xf32>, vector<16xi1>
            tpu.vector_store_idx %arg17[%add3A_274, %broadcast_in_dim3A_285], %gather3A_286 masked %lt3A_254 : memref<128x128xf32, #tpu.memory_space<vmem>>[vector<16xi32>, vector<16xi32>], vector<16xf32>, vector<16xi1>
            %broadcast_in_dim3A_287 = arith.constant 4 : i32
            %broadcast_in_dim3A_288 = vector.broadcast %broadcast_in_dim3A_287 : i32 to vector<16xi32>
            %gather3A_289 = tpu.vector_load_idx %arg16[%broadcast_in_dim3A_288, %sub3A_259] masked %lt3A_254 : memref<32x1536xf32, #tpu.memory_space<vmem>>[vector<16xi32>, vector<16xi32>], vector<16xf32>, vector<16xi1>
            tpu.vector_store_idx %arg17[%add3A_274, %broadcast_in_dim3A_288], %gather3A_289 masked %lt3A_254 : memref<128x128xf32, #tpu.memory_space<vmem>>[vector<16xi32>, vector<16xi32>], vector<16xf32>, vector<16xi1>
            %broadcast_in_dim3A_290 = arith.constant 5 : i32
            %broadcast_in_dim3A_291 = vector.broadcast %broadcast_in_dim3A_290 : i32 to vector<16xi32>
            %gather3A_292 = tpu.vector_load_idx %arg16[%broadcast_in_dim3A_291, %sub3A_259] masked %lt3A_254 : memref<32x1536xf32, #tpu.memory_space<vmem>>[vector<16xi32>, vector<16xi32>], vector<16xf32>, vector<16xi1>
            tpu.vector_store_idx %arg17[%add3A_274, %broadcast_in_dim3A_291], %gather3A_292 masked %lt3A_254 : memref<128x128xf32, #tpu.memory_space<vmem>>[vector<16xi32>, vector<16xi32>], vector<16xf32>, vector<16xi1>
            %broadcast_in_dim3A_293 = arith.constant 6 : i32
            %broadcast_in_dim3A_294 = vector.broadcast %broadcast_in_dim3A_293 : i32 to vector<16xi32>
            %gather3A_295 = tpu.vector_load_idx %arg16[%broadcast_in_dim3A_294, %sub3A_259] masked %lt3A_254 : memref<32x1536xf32, #tpu.memory_space<vmem>>[vector<16xi32>, vector<16xi32>], vector<16xf32>, vector<16xi1>
            tpu.vector_store_idx %arg17[%add3A_274, %broadcast_in_dim3A_294], %gather3A_295 masked %lt3A_254 : memref<128x128xf32, #tpu.memory_space<vmem>>[vector<16xi32>, vector<16xi32>], vector<16xf32>, vector<16xi1>
            %broadcast_in_dim3A_296 = arith.constant 7 : i32
            %broadcast_in_dim3A_297 = vector.broadcast %broadcast_in_dim3A_296 : i32 to vector<16xi32>
            %gather3A_298 = tpu.vector_load_idx %arg16[%broadcast_in_dim3A_297, %sub3A_259] masked %lt3A_254 : memref<32x1536xf32, #tpu.memory_space<vmem>>[vector<16xi32>, vector<16xi32>], vector<16xf32>, vector<16xi1>
            tpu.vector_store_idx %arg17[%add3A_274, %broadcast_in_dim3A_297], %gather3A_298 masked %lt3A_254 : memref<128x128xf32, #tpu.memory_space<vmem>>[vector<16xi32>, vector<16xi32>], vector<16xf32>, vector<16xi1>
            %broadcast_in_dim3A_299 = arith.constant 8 : i32
            %broadcast_in_dim3A_300 = vector.broadcast %broadcast_in_dim3A_299 : i32 to vector<16xi32>
            %gather3A_301 = tpu.vector_load_idx %arg16[%broadcast_in_dim3A_300, %sub3A_259] masked %lt3A_254 : memref<32x1536xf32, #tpu.memory_space<vmem>>[vector<16xi32>, vector<16xi32>], vector<16xf32>, vector<16xi1>
            tpu.vector_store_idx %arg17[%add3A_274, %broadcast_in_dim3A_300], %gather3A_301 masked %lt3A_254 : memref<128x128xf32, #tpu.memory_space<vmem>>[vector<16xi32>, vector<16xi32>], vector<16xf32>, vector<16xi1>
            %broadcast_in_dim3A_302 = arith.constant 9 : i32
            %broadcast_in_dim3A_303 = vector.broadcast %broadcast_in_dim3A_302 : i32 to vector<16xi32>
            %gather3A_304 = tpu.vector_load_idx %arg16[%broadcast_in_dim3A_303, %sub3A_259] masked %lt3A_254 : memref<32x1536xf32, #tpu.memory_space<vmem>>[vector<16xi32>, vector<16xi32>], vector<16xf32>, vector<16xi1>
            tpu.vector_store_idx %arg17[%add3A_274, %broadcast_in_dim3A_303], %gather3A_304 masked %lt3A_254 : memref<128x128xf32, #tpu.memory_space<vmem>>[vector<16xi32>, vector<16xi32>], vector<16xf32>, vector<16xi1>
            %broadcast_in_dim3A_305 = arith.constant 10 : i32
            %broadcast_in_dim3A_306 = vector.broadcast %broadcast_in_dim3A_305 : i32 to vector<16xi32>
            %gather3A_307 = tpu.vector_load_idx %arg16[%broadcast_in_dim3A_306, %sub3A_259] masked %lt3A_254 : memref<32x1536xf32, #tpu.memory_space<vmem>>[vector<16xi32>, vector<16xi32>], vector<16xf32>, vector<16xi1>
            tpu.vector_store_idx %arg17[%add3A_274, %broadcast_in_dim3A_306], %gather3A_307 masked %lt3A_254 : memref<128x128xf32, #tpu.memory_space<vmem>>[vector<16xi32>, vector<16xi32>], vector<16xf32>, vector<16xi1>
            %broadcast_in_dim3A_308 = arith.constant 11 : i32
            %broadcast_in_dim3A_309 = vector.broadcast %broadcast_in_dim3A_308 : i32 to vector<16xi32>
            %gather3A_310 = tpu.vector_load_idx %arg16[%broadcast_in_dim3A_309, %sub3A_259] masked %lt3A_254 : memref<32x1536xf32, #tpu.memory_space<vmem>>[vector<16xi32>, vector<16xi32>], vector<16xf32>, vector<16xi1>
            tpu.vector_store_idx %arg17[%add3A_274, %broadcast_in_dim3A_309], %gather3A_310 masked %lt3A_254 : memref<128x128xf32, #tpu.memory_space<vmem>>[vector<16xi32>, vector<16xi32>], vector<16xf32>, vector<16xi1>
            %broadcast_in_dim3A_311 = arith.constant 12 : i32
            %broadcast_in_dim3A_312 = vector.broadcast %broadcast_in_dim3A_311 : i32 to vector<16xi32>
            %gather3A_313 = tpu.vector_load_idx %arg16[%broadcast_in_dim3A_312, %sub3A_259] masked %lt3A_254 : memref<32x1536xf32, #tpu.memory_space<vmem>>[vector<16xi32>, vector<16xi32>], vector<16xf32>, vector<16xi1>
            tpu.vector_store_idx %arg17[%add3A_274, %broadcast_in_dim3A_312], %gather3A_313 masked %lt3A_254 : memref<128x128xf32, #tpu.memory_space<vmem>>[vector<16xi32>, vector<16xi32>], vector<16xf32>, vector<16xi1>
            %broadcast_in_dim3A_314 = arith.constant 13 : i32
            %broadcast_in_dim3A_315 = vector.broadcast %broadcast_in_dim3A_314 : i32 to vector<16xi32>
            %gather3A_316 = tpu.vector_load_idx %arg16[%broadcast_in_dim3A_315, %sub3A_259] masked %lt3A_254 : memref<32x1536xf32, #tpu.memory_space<vmem>>[vector<16xi32>, vector<16xi32>], vector<16xf32>, vector<16xi1>
            tpu.vector_store_idx %arg17[%add3A_274, %broadcast_in_dim3A_315], %gather3A_316 masked %lt3A_254 : memref<128x128xf32, #tpu.memory_space<vmem>>[vector<16xi32>, vector<16xi32>], vector<16xf32>, vector<16xi1>
            %broadcast_in_dim3A_317 = arith.constant 14 : i32
            %broadcast_in_dim3A_318 = vector.broadcast %broadcast_in_dim3A_317 : i32 to vector<16xi32>
            %gather3A_319 = tpu.vector_load_idx %arg16[%broadcast_in_dim3A_318, %sub3A_259] masked %lt3A_254 : memref<32x1536xf32, #tpu.memory_space<vmem>>[vector<16xi32>, vector<16xi32>], vector<16xf32>, vector<16xi1>
            tpu.vector_store_idx %arg17[%add3A_274, %broadcast_in_dim3A_318], %gather3A_319 masked %lt3A_254 : memref<128x128xf32, #tpu.memory_space<vmem>>[vector<16xi32>, vector<16xi32>], vector<16xf32>, vector<16xi1>
            %broadcast_in_dim3A_320 = arith.constant 15 : i32
            %broadcast_in_dim3A_321 = vector.broadcast %broadcast_in_dim3A_320 : i32 to vector<16xi32>
            %gather3A_322 = tpu.vector_load_idx %arg16[%broadcast_in_dim3A_321, %sub3A_259] masked %lt3A_254 : memref<32x1536xf32, #tpu.memory_space<vmem>>[vector<16xi32>, vector<16xi32>], vector<16xf32>, vector<16xi1>
            tpu.vector_store_idx %arg17[%add3A_274, %broadcast_in_dim3A_321], %gather3A_322 masked %lt3A_254 : memref<128x128xf32, #tpu.memory_space<vmem>>[vector<16xi32>, vector<16xi32>], vector<16xf32>, vector<16xi1>
            %broadcast_in_dim3A_323 = arith.constant 16 : i32
            %broadcast_in_dim3A_324 = vector.broadcast %broadcast_in_dim3A_323 : i32 to vector<16xi32>
            %gather3A_325 = tpu.vector_load_idx %arg16[%broadcast_in_dim3A_324, %sub3A_259] masked %lt3A_254 : memref<32x1536xf32, #tpu.memory_space<vmem>>[vector<16xi32>, vector<16xi32>], vector<16xf32>, vector<16xi1>
            tpu.vector_store_idx %arg17[%add3A_274, %broadcast_in_dim3A_324], %gather3A_325 masked %lt3A_254 : memref<128x128xf32, #tpu.memory_space<vmem>>[vector<16xi32>, vector<16xi32>], vector<16xf32>, vector<16xi1>
            %broadcast_in_dim3A_326 = arith.constant 17 : i32
            %broadcast_in_dim3A_327 = vector.broadcast %broadcast_in_dim3A_326 : i32 to vector<16xi32>
            %gather3A_328 = tpu.vector_load_idx %arg16[%broadcast_in_dim3A_327, %sub3A_259] masked %lt3A_254 : memref<32x1536xf32, #tpu.memory_space<vmem>>[vector<16xi32>, vector<16xi32>], vector<16xf32>, vector<16xi1>
            tpu.vector_store_idx %arg17[%add3A_274, %broadcast_in_dim3A_327], %gather3A_328 masked %lt3A_254 : memref<128x128xf32, #tpu.memory_space<vmem>>[vector<16xi32>, vector<16xi32>], vector<16xf32>, vector<16xi1>
            %broadcast_in_dim3A_329 = arith.constant 18 : i32
            %broadcast_in_dim3A_330 = vector.broadcast %broadcast_in_dim3A_329 : i32 to vector<16xi32>
            %gather3A_331 = tpu.vector_load_idx %arg16[%broadcast_in_dim3A_330, %sub3A_259] masked %lt3A_254 : memref<32x1536xf32, #tpu.memory_space<vmem>>[vector<16xi32>, vector<16xi32>], vector<16xf32>, vector<16xi1>
            tpu.vector_store_idx %arg17[%add3A_274, %broadcast_in_dim3A_330], %gather3A_331 masked %lt3A_254 : memref<128x128xf32, #tpu.memory_space<vmem>>[vector<16xi32>, vector<16xi32>], vector<16xf32>, vector<16xi1>
            %broadcast_in_dim3A_332 = arith.constant 19 : i32
            %broadcast_in_dim3A_333 = vector.broadcast %broadcast_in_dim3A_332 : i32 to vector<16xi32>
            %gather3A_334 = tpu.vector_load_idx %arg16[%broadcast_in_dim3A_333, %sub3A_259] masked %lt3A_254 : memref<32x1536xf32, #tpu.memory_space<vmem>>[vector<16xi32>, vector<16xi32>], vector<16xf32>, vector<16xi1>
            tpu.vector_store_idx %arg17[%add3A_274, %broadcast_in_dim3A_333], %gather3A_334 masked %lt3A_254 : memref<128x128xf32, #tpu.memory_space<vmem>>[vector<16xi32>, vector<16xi32>], vector<16xf32>, vector<16xi1>
            %broadcast_in_dim3A_335 = arith.constant 20 : i32
            %broadcast_in_dim3A_336 = vector.broadcast %broadcast_in_dim3A_335 : i32 to vector<16xi32>
            %gather3A_337 = tpu.vector_load_idx %arg16[%broadcast_in_dim3A_336, %sub3A_259] masked %lt3A_254 : memref<32x1536xf32, #tpu.memory_space<vmem>>[vector<16xi32>, vector<16xi32>], vector<16xf32>, vector<16xi1>
            tpu.vector_store_idx %arg17[%add3A_274, %broadcast_in_dim3A_336], %gather3A_337 masked %lt3A_254 : memref<128x128xf32, #tpu.memory_space<vmem>>[vector<16xi32>, vector<16xi32>], vector<16xf32>, vector<16xi1>
            %broadcast_in_dim3A_338 = arith.constant 21 : i32
            %broadcast_in_dim3A_339 = vector.broadcast %broadcast_in_dim3A_338 : i32 to vector<16xi32>
            %gather3A_340 = tpu.vector_load_idx %arg16[%broadcast_in_dim3A_339, %sub3A_259] masked %lt3A_254 : memref<32x1536xf32, #tpu.memory_space<vmem>>[vector<16xi32>, vector<16xi32>], vector<16xf32>, vector<16xi1>
            tpu.vector_store_idx %arg17[%add3A_274, %broadcast_in_dim3A_339], %gather3A_340 masked %lt3A_254 : memref<128x128xf32, #tpu.memory_space<vmem>>[vector<16xi32>, vector<16xi32>], vector<16xf32>, vector<16xi1>
            %broadcast_in_dim3A_341 = arith.constant 22 : i32
            %broadcast_in_dim3A_342 = vector.broadcast %broadcast_in_dim3A_341 : i32 to vector<16xi32>
            %gather3A_343 = tpu.vector_load_idx %arg16[%broadcast_in_dim3A_342, %sub3A_259] masked %lt3A_254 : memref<32x1536xf32, #tpu.memory_space<vmem>>[vector<16xi32>, vector<16xi32>], vector<16xf32>, vector<16xi1>
            tpu.vector_store_idx %arg17[%add3A_274, %broadcast_in_dim3A_342], %gather3A_343 masked %lt3A_254 : memref<128x128xf32, #tpu.memory_space<vmem>>[vector<16xi32>, vector<16xi32>], vector<16xf32>, vector<16xi1>
            %broadcast_in_dim3A_344 = arith.constant 23 : i32
            %broadcast_in_dim3A_345 = vector.broadcast %broadcast_in_dim3A_344 : i32 to vector<16xi32>
            %gather3A_346 = tpu.vector_load_idx %arg16[%broadcast_in_dim3A_345, %sub3A_259] masked %lt3A_254 : memref<32x1536xf32, #tpu.memory_space<vmem>>[vector<16xi32>, vector<16xi32>], vector<16xf32>, vector<16xi1>
            tpu.vector_store_idx %arg17[%add3A_274, %broadcast_in_dim3A_345], %gather3A_346 masked %lt3A_254 : memref<128x128xf32, #tpu.memory_space<vmem>>[vector<16xi32>, vector<16xi32>], vector<16xf32>, vector<16xi1>
            %broadcast_in_dim3A_347 = arith.constant 24 : i32
            %broadcast_in_dim3A_348 = vector.broadcast %broadcast_in_dim3A_347 : i32 to vector<16xi32>
            %gather3A_349 = tpu.vector_load_idx %arg16[%broadcast_in_dim3A_348, %sub3A_259] masked %lt3A_254 : memref<32x1536xf32, #tpu.memory_space<vmem>>[vector<16xi32>, vector<16xi32>], vector<16xf32>, vector<16xi1>
            tpu.vector_store_idx %arg17[%add3A_274, %broadcast_in_dim3A_348], %gather3A_349 masked %lt3A_254 : memref<128x128xf32, #tpu.memory_space<vmem>>[vector<16xi32>, vector<16xi32>], vector<16xf32>, vector<16xi1>
            %broadcast_in_dim3A_350 = arith.constant 25 : i32
            %broadcast_in_dim3A_351 = vector.broadcast %broadcast_in_dim3A_350 : i32 to vector<16xi32>
            %gather3A_352 = tpu.vector_load_idx %arg16[%broadcast_in_dim3A_351, %sub3A_259] masked %lt3A_254 : memref<32x1536xf32, #tpu.memory_space<vmem>>[vector<16xi32>, vector<16xi32>], vector<16xf32>, vector<16xi1>
            tpu.vector_store_idx %arg17[%add3A_274, %broadcast_in_dim3A_351], %gather3A_352 masked %lt3A_254 : memref<128x128xf32, #tpu.memory_space<vmem>>[vector<16xi32>, vector<16xi32>], vector<16xf32>, vector<16xi1>
            %broadcast_in_dim3A_353 = arith.constant 26 : i32
            %broadcast_in_dim3A_354 = vector.broadcast %broadcast_in_dim3A_353 : i32 to vector<16xi32>
            %gather3A_355 = tpu.vector_load_idx %arg16[%broadcast_in_dim3A_354, %sub3A_259] masked %lt3A_254 : memref<32x1536xf32, #tpu.memory_space<vmem>>[vector<16xi32>, vector<16xi32>], vector<16xf32>, vector<16xi1>
            tpu.vector_store_idx %arg17[%add3A_274, %broadcast_in_dim3A_354], %gather3A_355 masked %lt3A_254 : memref<128x128xf32, #tpu.memory_space<vmem>>[vector<16xi32>, vector<16xi32>], vector<16xf32>, vector<16xi1>
            %broadcast_in_dim3A_356 = arith.constant 27 : i32
            %broadcast_in_dim3A_357 = vector.broadcast %broadcast_in_dim3A_356 : i32 to vector<16xi32>
            %gather3A_358 = tpu.vector_load_idx %arg16[%broadcast_in_dim3A_357, %sub3A_259] masked %lt3A_254 : memref<32x1536xf32, #tpu.memory_space<vmem>>[vector<16xi32>, vector<16xi32>], vector<16xf32>, vector<16xi1>
            tpu.vector_store_idx %arg17[%add3A_274, %broadcast_in_dim3A_357], %gather3A_358 masked %lt3A_254 : memref<128x128xf32, #tpu.memory_space<vmem>>[vector<16xi32>, vector<16xi32>], vector<16xf32>, vector<16xi1>
            %broadcast_in_dim3A_359 = arith.constant 28 : i32
            %broadcast_in_dim3A_360 = vector.broadcast %broadcast_in_dim3A_359 : i32 to vector<16xi32>
            %gather3A_361 = tpu.vector_load_idx %arg16[%broadcast_in_dim3A_360, %sub3A_259] masked %lt3A_254 : memref<32x1536xf32, #tpu.memory_space<vmem>>[vector<16xi32>, vector<16xi32>], vector<16xf32>, vector<16xi1>
            tpu.vector_store_idx %arg17[%add3A_274, %broadcast_in_dim3A_360], %gather3A_361 masked %lt3A_254 : memref<128x128xf32, #tpu.memory_space<vmem>>[vector<16xi32>, vector<16xi32>], vector<16xf32>, vector<16xi1>
            %broadcast_in_dim3A_362 = arith.constant 29 : i32
            %broadcast_in_dim3A_363 = vector.broadcast %broadcast_in_dim3A_362 : i32 to vector<16xi32>
            %gather3A_364 = tpu.vector_load_idx %arg16[%broadcast_in_dim3A_363, %sub3A_259] masked %lt3A_254 : memref<32x1536xf32, #tpu.memory_space<vmem>>[vector<16xi32>, vector<16xi32>], vector<16xf32>, vector<16xi1>
            tpu.vector_store_idx %arg17[%add3A_274, %broadcast_in_dim3A_363], %gather3A_364 masked %lt3A_254 : memref<128x128xf32, #tpu.memory_space<vmem>>[vector<16xi32>, vector<16xi32>], vector<16xf32>, vector<16xi1>
            %broadcast_in_dim3A_365 = arith.constant 30 : i32
            %broadcast_in_dim3A_366 = vector.broadcast %broadcast_in_dim3A_365 : i32 to vector<16xi32>
            %gather3A_367 = tpu.vector_load_idx %arg16[%broadcast_in_dim3A_366, %sub3A_259] masked %lt3A_254 : memref<32x1536xf32, #tpu.memory_space<vmem>>[vector<16xi32>, vector<16xi32>], vector<16xf32>, vector<16xi1>
            tpu.vector_store_idx %arg17[%add3A_274, %broadcast_in_dim3A_366], %gather3A_367 masked %lt3A_254 : memref<128x128xf32, #tpu.memory_space<vmem>>[vector<16xi32>, vector<16xi32>], vector<16xf32>, vector<16xi1>
            %broadcast_in_dim3A_368 = arith.constant 31 : i32
            %broadcast_in_dim3A_369 = vector.broadcast %broadcast_in_dim3A_368 : i32 to vector<16xi32>
            %gather3A_370 = tpu.vector_load_idx %arg16[%broadcast_in_dim3A_369, %sub3A_259] masked %lt3A_254 : memref<32x1536xf32, #tpu.memory_space<vmem>>[vector<16xi32>, vector<16xi32>], vector<16xf32>, vector<16xi1>
            tpu.vector_store_idx %arg17[%add3A_274, %broadcast_in_dim3A_369], %gather3A_370 masked %lt3A_254 : memref<128x128xf32, #tpu.memory_space<vmem>>[vector<16xi32>, vector<16xi32>], vector<16xf32>, vector<16xi1>
            %scan3A_371 = arith.constant 0 : i32
            scf.yield %scan3A_371 : i32
          }
          %scan3A_236 = arith.constant 8 : i32
          %dma_start3A_237 = arith.constant 0 : i32
          %dma_start3A_238 = arith.constant 0 : i32
          %dma_start3A_239 = tpu.memref_slice %arg8[%dma_start3A_237, %dma_start3A_238] : memref<32769x128xf32, #tpu.memory_space<hbm>> -> memref<32769x128xf32, #tpu.memory_space<hbm>>
          %dma_start3A_240 = arith.constant -1 : i32
          tpu.enqueue_indirect_dma source(%arg17 : memref<128x128xf32, #tpu.memory_space<vmem>>) target(%dma_start3A_239 : memref<32769x128xf32, #tpu.memory_space<hbm>>) offsets(%arg18 : memref<128xi32, #tpu.memory_space<vmem>>) offset_filter(%dma_start3A_240) semaphore(%arg20 : memref<!tpu.dma_semaphore, #tpu.memory_space<semaphore_mem>>)
          %dma_wait3A_241 = arith.constant 0 : i32
          %dma_wait3A_242 = arith.constant 0 : i32
          %dma_wait3A_243 = tpu.memref_slice %arg8[%dma_wait3A_241, %dma_wait3A_242] : memref<32769x128xf32, #tpu.memory_space<hbm>> -> memref<32769x128xf32, #tpu.memory_space<hbm>>
          tpu.wait_indirect_dma semaphore(%arg20 : memref<!tpu.dma_semaphore, #tpu.memory_space<semaphore_mem>>) src(%arg17 : memref<128x128xf32, #tpu.memory_space<vmem>>) dst(%dma_wait3A_243 : memref<32769x128xf32, #tpu.memory_space<hbm>>)
          %while3A_244 = arith.constant 0 : i32
          scf.yield %while3A_244 : i32
        }
        %while3A_224 = arith.constant 1 : i32
        %while3A_225 = scf.for %while3A_226 = %while3A_221 to %while3A_217 step %while3A_224 iter_args(%while3A_227 = %while3A_223) -> (i32)  : i32 {
          %mul3A_228 = arith.constant 128 : i32
          %mul3A_229 = arith.muli %while3A_226, %mul3A_228 : i32
          %scan3A_230 = arith.constant 0 : i32
          %scan3A_231 = arith.constant 0 : i32
          %scan3A_232 = arith.constant 8 : i32
          %scan3A_233 = arith.addi %scan3A_231, %scan3A_232 : i32
          %scan3A_234 = arith.constant 1 : i32
          %scan3A_235 = scf.for %scan3A_245 = %scan3A_231 to %scan3A_233 step %scan3A_234 iter_args(%scan3A_246 = %scan3A_230) -> (i32)  : i32 {
            %iota3A_247 = tpu.iota {dimensions = array<i32: 0>} : vector<16xi32>
            %mul3A_248 = arith.constant 16 : i32
            %mul3A_249 = arith.muli %scan3A_245, %mul3A_248 : i32
            %add3A_250 = arith.addi %mul3A_229, %mul3A_249 : i32
            %add3A_251 = vector.broadcast %add3A_250 : i32 to vector<16xi32>
            %add3A_252 = arith.addi %iota3A_247, %add3A_251 : vector<16xi32>
            %lt3A_253 = vector.broadcast %while3A_187 : i32 to vector<16xi32>
            %lt3A_254 = arith.cmpi slt, %add3A_252, %lt3A_253 : vector<16xi32>
            %min3A_255 = arith.constant 4095 : i32
            %min3A_256 = vector.broadcast %min3A_255 : i32 to vector<16xi32>
            %min3A_257 = arith.minsi %add3A_252, %min3A_256 : vector<16xi32>
            %gather3A = tpu.vector_load_idx %arg14[%min3A_257] : memref<4096xi32, #tpu.memory_space<vmem>>[vector<16xi32>], vector<16xi32>,
            %sub3A_258 = vector.broadcast %multiple_of3A : i32 to vector<16xi32>
            %sub3A_259 = arith.subi %gather3A, %sub3A_258 : vector<16xi32>
            %gather3A_260 = tpu.vector_load_idx %arg15[%min3A_257] : memref<4096xi32, #tpu.memory_space<vmem>>[vector<16xi32>], vector<16xi32>,
            %add3A_261 = arith.constant 16384 : i32
            %add3A_262 = vector.broadcast %add3A_261 : i32 to vector<16xi32>
            %add3A_263 = arith.addi %gather3A_260, %add3A_262 : vector<16xi32>
            %jit3A_264 = arith.constant -1 : i32
            %broadcast_in_dim3A = vector.broadcast %jit3A_264 : i32 to vector<16xi32>
            %select_n3A_265 = arith.select %lt3A_254, %add3A_263, %broadcast_in_dim3A : vector<16xi1>, vector<16xi32>
            %mul3A_266 = arith.constant 16 : i32
            %mul3A_267 = arith.muli %scan3A_245, %mul3A_266 : i32
            %swap3A_268 = arith.index_cast %mul3A_267 : i32 to index
            %swap3A_269 = tpu.vector_load %arg18[%swap3A_268] {strides = array<i32>} : memref<128xi32, #tpu.memory_space<vmem>>, vector<16xi32>,
            tpu.vector_store %arg18[%swap3A_268], %select_n3A_265 {strides = array<i32>} : memref<128xi32, #tpu.memory_space<vmem>>, vector<16xi32>,
            %iota3A_270 = tpu.iota {dimensions = array<i32: 0>} : vector<16xi32>
            %mul3A_271 = arith.constant 16 : i32
            %mul3A_272 = arith.muli %scan3A_245, %mul3A_271 : i32
            %add3A_273 = vector.broadcast %mul3A_272 : i32 to vector<16xi32>
            %add3A_274 = arith.addi %iota3A_270, %add3A_273 : vector<16xi32>
            %broadcast_in_dim3A_275 = arith.constant 0 : i32
            %broadcast_in_dim3A_276 = vector.broadcast %broadcast_in_dim3A_275 : i32 to vector<16xi32>
            %gather3A_277 = tpu.vector_load_idx %arg16[%broadcast_in_dim3A_276, %sub3A_259] masked %lt3A_254 : memref<32x1536xf32, #tpu.memory_space<vmem>>[vector<16xi32>, vector<16xi32>], vector<16xf32>, vector<16xi1>
            tpu.vector_store_idx %arg17[%add3A_274, %broadcast_in_dim3A_276], %gather3A_277 masked %lt3A_254 : memref<128x128xf32, #tpu.memory_space<vmem>>[vector<16xi32>, vector<16xi32>], vector<16xf32>, vector<16xi1>
            %broadcast_in_dim3A_278 = arith.constant 1 : i32
            %broadcast_in_dim3A_279 = vector.broadcast %broadcast_in_dim3A_278 : i32 to vector<16xi32>
            %gather3A_280 = tpu.vector_load_idx %arg16[%broadcast_in_dim3A_279, %sub3A_259] masked %lt3A_254 : memref<32x1536xf32, #tpu.memory_space<vmem>>[vector<16xi32>, vector<16xi32>], vector<16xf32>, vector<16xi1>
            tpu.vector_store_idx %arg17[%add3A_274, %broadcast_in_dim3A_279], %gather3A_280 masked %lt3A_254 : memref<128x128xf32, #tpu.memory_space<vmem>>[vector<16xi32>, vector<16xi32>], vector<16xf32>, vector<16xi1>
            %broadcast_in_dim3A_281 = arith.constant 2 : i32
            %broadcast_in_dim3A_282 = vector.broadcast %broadcast_in_dim3A_281 : i32 to vector<16xi32>
            %gather3A_283 = tpu.vector_load_idx %arg16[%broadcast_in_dim3A_282, %sub3A_259] masked %lt3A_254 : memref<32x1536xf32, #tpu.memory_space<vmem>>[vector<16xi32>, vector<16xi32>], vector<16xf32>, vector<16xi1>
            tpu.vector_store_idx %arg17[%add3A_274, %broadcast_in_dim3A_282], %gather3A_283 masked %lt3A_254 : memref<128x128xf32, #tpu.memory_space<vmem>>[vector<16xi32>, vector<16xi32>], vector<16xf32>, vector<16xi1>
            %broadcast_in_dim3A_284 = arith.constant 3 : i32
            %broadcast_in_dim3A_285 = vector.broadcast %broadcast_in_dim3A_284 : i32 to vector<16xi32>
            %gather3A_286 = tpu.vector_load_idx %arg16[%broadcast_in_dim3A_285, %sub3A_259] masked %lt3A_254 : memref<32x1536xf32, #tpu.memory_space<vmem>>[vector<16xi32>, vector<16xi32>], vector<16xf32>, vector<16xi1>
            tpu.vector_store_idx %arg17[%add3A_274, %broadcast_in_dim3A_285], %gather3A_286 masked %lt3A_254 : memref<128x128xf32, #tpu.memory_space<vmem>>[vector<16xi32>, vector<16xi32>], vector<16xf32>, vector<16xi1>
            %broadcast_in_dim3A_287 = arith.constant 4 : i32
            %broadcast_in_dim3A_288 = vector.broadcast %broadcast_in_dim3A_287 : i32 to vector<16xi32>
            %gather3A_289 = tpu.vector_load_idx %arg16[%broadcast_in_dim3A_288, %sub3A_259] masked %lt3A_254 : memref<32x1536xf32, #tpu.memory_space<vmem>>[vector<16xi32>, vector<16xi32>], vector<16xf32>, vector<16xi1>
            tpu.vector_store_idx %arg17[%add3A_274, %broadcast_in_dim3A_288], %gather3A_289 masked %lt3A_254 : memref<128x128xf32, #tpu.memory_space<vmem>>[vector<16xi32>, vector<16xi32>], vector<16xf32>, vector<16xi1>
            %broadcast_in_dim3A_290 = arith.constant 5 : i32
            %broadcast_in_dim3A_291 = vector.broadcast %broadcast_in_dim3A_290 : i32 to vector<16xi32>
            %gather3A_292 = tpu.vector_load_idx %arg16[%broadcast_in_dim3A_291, %sub3A_259] masked %lt3A_254 : memref<32x1536xf32, #tpu.memory_space<vmem>>[vector<16xi32>, vector<16xi32>], vector<16xf32>, vector<16xi1>
            tpu.vector_store_idx %arg17[%add3A_274, %broadcast_in_dim3A_291], %gather3A_292 masked %lt3A_254 : memref<128x128xf32, #tpu.memory_space<vmem>>[vector<16xi32>, vector<16xi32>], vector<16xf32>, vector<16xi1>
            %broadcast_in_dim3A_293 = arith.constant 6 : i32
            %broadcast_in_dim3A_294 = vector.broadcast %broadcast_in_dim3A_293 : i32 to vector<16xi32>
            %gather3A_295 = tpu.vector_load_idx %arg16[%broadcast_in_dim3A_294, %sub3A_259] masked %lt3A_254 : memref<32x1536xf32, #tpu.memory_space<vmem>>[vector<16xi32>, vector<16xi32>], vector<16xf32>, vector<16xi1>
            tpu.vector_store_idx %arg17[%add3A_274, %broadcast_in_dim3A_294], %gather3A_295 masked %lt3A_254 : memref<128x128xf32, #tpu.memory_space<vmem>>[vector<16xi32>, vector<16xi32>], vector<16xf32>, vector<16xi1>
            %broadcast_in_dim3A_296 = arith.constant 7 : i32
            %broadcast_in_dim3A_297 = vector.broadcast %broadcast_in_dim3A_296 : i32 to vector<16xi32>
            %gather3A_298 = tpu.vector_load_idx %arg16[%broadcast_in_dim3A_297, %sub3A_259] masked %lt3A_254 : memref<32x1536xf32, #tpu.memory_space<vmem>>[vector<16xi32>, vector<16xi32>], vector<16xf32>, vector<16xi1>
            tpu.vector_store_idx %arg17[%add3A_274, %broadcast_in_dim3A_297], %gather3A_298 masked %lt3A_254 : memref<128x128xf32, #tpu.memory_space<vmem>>[vector<16xi32>, vector<16xi32>], vector<16xf32>, vector<16xi1>
            %broadcast_in_dim3A_299 = arith.constant 8 : i32
            %broadcast_in_dim3A_300 = vector.broadcast %broadcast_in_dim3A_299 : i32 to vector<16xi32>
            %gather3A_301 = tpu.vector_load_idx %arg16[%broadcast_in_dim3A_300, %sub3A_259] masked %lt3A_254 : memref<32x1536xf32, #tpu.memory_space<vmem>>[vector<16xi32>, vector<16xi32>], vector<16xf32>, vector<16xi1>
            tpu.vector_store_idx %arg17[%add3A_274, %broadcast_in_dim3A_300], %gather3A_301 masked %lt3A_254 : memref<128x128xf32, #tpu.memory_space<vmem>>[vector<16xi32>, vector<16xi32>], vector<16xf32>, vector<16xi1>
            %broadcast_in_dim3A_302 = arith.constant 9 : i32
            %broadcast_in_dim3A_303 = vector.broadcast %broadcast_in_dim3A_302 : i32 to vector<16xi32>
            %gather3A_304 = tpu.vector_load_idx %arg16[%broadcast_in_dim3A_303, %sub3A_259] masked %lt3A_254 : memref<32x1536xf32, #tpu.memory_space<vmem>>[vector<16xi32>, vector<16xi32>], vector<16xf32>, vector<16xi1>
            tpu.vector_store_idx %arg17[%add3A_274, %broadcast_in_dim3A_303], %gather3A_304 masked %lt3A_254 : memref<128x128xf32, #tpu.memory_space<vmem>>[vector<16xi32>, vector<16xi32>], vector<16xf32>, vector<16xi1>
            %broadcast_in_dim3A_305 = arith.constant 10 : i32
            %broadcast_in_dim3A_306 = vector.broadcast %broadcast_in_dim3A_305 : i32 to vector<16xi32>
            %gather3A_307 = tpu.vector_load_idx %arg16[%broadcast_in_dim3A_306, %sub3A_259] masked %lt3A_254 : memref<32x1536xf32, #tpu.memory_space<vmem>>[vector<16xi32>, vector<16xi32>], vector<16xf32>, vector<16xi1>
            tpu.vector_store_idx %arg17[%add3A_274, %broadcast_in_dim3A_306], %gather3A_307 masked %lt3A_254 : memref<128x128xf32, #tpu.memory_space<vmem>>[vector<16xi32>, vector<16xi32>], vector<16xf32>, vector<16xi1>
            %broadcast_in_dim3A_308 = arith.constant 11 : i32
            %broadcast_in_dim3A_309 = vector.broadcast %broadcast_in_dim3A_308 : i32 to vector<16xi32>
            %gather3A_310 = tpu.vector_load_idx %arg16[%broadcast_in_dim3A_309, %sub3A_259] masked %lt3A_254 : memref<32x1536xf32, #tpu.memory_space<vmem>>[vector<16xi32>, vector<16xi32>], vector<16xf32>, vector<16xi1>
            tpu.vector_store_idx %arg17[%add3A_274, %broadcast_in_dim3A_309], %gather3A_310 masked %lt3A_254 : memref<128x128xf32, #tpu.memory_space<vmem>>[vector<16xi32>, vector<16xi32>], vector<16xf32>, vector<16xi1>
            %broadcast_in_dim3A_311 = arith.constant 12 : i32
            %broadcast_in_dim3A_312 = vector.broadcast %broadcast_in_dim3A_311 : i32 to vector<16xi32>
            %gather3A_313 = tpu.vector_load_idx %arg16[%broadcast_in_dim3A_312, %sub3A_259] masked %lt3A_254 : memref<32x1536xf32, #tpu.memory_space<vmem>>[vector<16xi32>, vector<16xi32>], vector<16xf32>, vector<16xi1>
            tpu.vector_store_idx %arg17[%add3A_274, %broadcast_in_dim3A_312], %gather3A_313 masked %lt3A_254 : memref<128x128xf32, #tpu.memory_space<vmem>>[vector<16xi32>, vector<16xi32>], vector<16xf32>, vector<16xi1>
            %broadcast_in_dim3A_314 = arith.constant 13 : i32
            %broadcast_in_dim3A_315 = vector.broadcast %broadcast_in_dim3A_314 : i32 to vector<16xi32>
            %gather3A_316 = tpu.vector_load_idx %arg16[%broadcast_in_dim3A_315, %sub3A_259] masked %lt3A_254 : memref<32x1536xf32, #tpu.memory_space<vmem>>[vector<16xi32>, vector<16xi32>], vector<16xf32>, vector<16xi1>
            tpu.vector_store_idx %arg17[%add3A_274, %broadcast_in_dim3A_315], %gather3A_316 masked %lt3A_254 : memref<128x128xf32, #tpu.memory_space<vmem>>[vector<16xi32>, vector<16xi32>], vector<16xf32>, vector<16xi1>
            %broadcast_in_dim3A_317 = arith.constant 14 : i32
            %broadcast_in_dim3A_318 = vector.broadcast %broadcast_in_dim3A_317 : i32 to vector<16xi32>
            %gather3A_319 = tpu.vector_load_idx %arg16[%broadcast_in_dim3A_318, %sub3A_259] masked %lt3A_254 : memref<32x1536xf32, #tpu.memory_space<vmem>>[vector<16xi32>, vector<16xi32>], vector<16xf32>, vector<16xi1>
            tpu.vector_store_idx %arg17[%add3A_274, %broadcast_in_dim3A_318], %gather3A_319 masked %lt3A_254 : memref<128x128xf32, #tpu.memory_space<vmem>>[vector<16xi32>, vector<16xi32>], vector<16xf32>, vector<16xi1>
            %broadcast_in_dim3A_320 = arith.constant 15 : i32
            %broadcast_in_dim3A_321 = vector.broadcast %broadcast_in_dim3A_320 : i32 to vector<16xi32>
            %gather3A_322 = tpu.vector_load_idx %arg16[%broadcast_in_dim3A_321, %sub3A_259] masked %lt3A_254 : memref<32x1536xf32, #tpu.memory_space<vmem>>[vector<16xi32>, vector<16xi32>], vector<16xf32>, vector<16xi1>
            tpu.vector_store_idx %arg17[%add3A_274, %broadcast_in_dim3A_321], %gather3A_322 masked %lt3A_254 : memref<128x128xf32, #tpu.memory_space<vmem>>[vector<16xi32>, vector<16xi32>], vector<16xf32>, vector<16xi1>
            %broadcast_in_dim3A_323 = arith.constant 16 : i32
            %broadcast_in_dim3A_324 = vector.broadcast %broadcast_in_dim3A_323 : i32 to vector<16xi32>
            %gather3A_325 = tpu.vector_load_idx %arg16[%broadcast_in_dim3A_324, %sub3A_259] masked %lt3A_254 : memref<32x1536xf32, #tpu.memory_space<vmem>>[vector<16xi32>, vector<16xi32>], vector<16xf32>, vector<16xi1>
            tpu.vector_store_idx %arg17[%add3A_274, %broadcast_in_dim3A_324], %gather3A_325 masked %lt3A_254 : memref<128x128xf32, #tpu.memory_space<vmem>>[vector<16xi32>, vector<16xi32>], vector<16xf32>, vector<16xi1>
            %broadcast_in_dim3A_326 = arith.constant 17 : i32
            %broadcast_in_dim3A_327 = vector.broadcast %broadcast_in_dim3A_326 : i32 to vector<16xi32>
            %gather3A_328 = tpu.vector_load_idx %arg16[%broadcast_in_dim3A_327, %sub3A_259] masked %lt3A_254 : memref<32x1536xf32, #tpu.memory_space<vmem>>[vector<16xi32>, vector<16xi32>], vector<16xf32>, vector<16xi1>
            tpu.vector_store_idx %arg17[%add3A_274, %broadcast_in_dim3A_327], %gather3A_328 masked %lt3A_254 : memref<128x128xf32, #tpu.memory_space<vmem>>[vector<16xi32>, vector<16xi32>], vector<16xf32>, vector<16xi1>
            %broadcast_in_dim3A_329 = arith.constant 18 : i32
            %broadcast_in_dim3A_330 = vector.broadcast %broadcast_in_dim3A_329 : i32 to vector<16xi32>
            %gather3A_331 = tpu.vector_load_idx %arg16[%broadcast_in_dim3A_330, %sub3A_259] masked %lt3A_254 : memref<32x1536xf32, #tpu.memory_space<vmem>>[vector<16xi32>, vector<16xi32>], vector<16xf32>, vector<16xi1>
            tpu.vector_store_idx %arg17[%add3A_274, %broadcast_in_dim3A_330], %gather3A_331 masked %lt3A_254 : memref<128x128xf32, #tpu.memory_space<vmem>>[vector<16xi32>, vector<16xi32>], vector<16xf32>, vector<16xi1>
            %broadcast_in_dim3A_332 = arith.constant 19 : i32
            %broadcast_in_dim3A_333 = vector.broadcast %broadcast_in_dim3A_332 : i32 to vector<16xi32>
            %gather3A_334 = tpu.vector_load_idx %arg16[%broadcast_in_dim3A_333, %sub3A_259] masked %lt3A_254 : memref<32x1536xf32, #tpu.memory_space<vmem>>[vector<16xi32>, vector<16xi32>], vector<16xf32>, vector<16xi1>
            tpu.vector_store_idx %arg17[%add3A_274, %broadcast_in_dim3A_333], %gather3A_334 masked %lt3A_254 : memref<128x128xf32, #tpu.memory_space<vmem>>[vector<16xi32>, vector<16xi32>], vector<16xf32>, vector<16xi1>
            %broadcast_in_dim3A_335 = arith.constant 20 : i32
            %broadcast_in_dim3A_336 = vector.broadcast %broadcast_in_dim3A_335 : i32 to vector<16xi32>
            %gather3A_337 = tpu.vector_load_idx %arg16[%broadcast_in_dim3A_336, %sub3A_259] masked %lt3A_254 : memref<32x1536xf32, #tpu.memory_space<vmem>>[vector<16xi32>, vector<16xi32>], vector<16xf32>, vector<16xi1>
            tpu.vector_store_idx %arg17[%add3A_274, %broadcast_in_dim3A_336], %gather3A_337 masked %lt3A_254 : memref<128x128xf32, #tpu.memory_space<vmem>>[vector<16xi32>, vector<16xi32>], vector<16xf32>, vector<16xi1>
            %broadcast_in_dim3A_338 = arith.constant 21 : i32
            %broadcast_in_dim3A_339 = vector.broadcast %broadcast_in_dim3A_338 : i32 to vector<16xi32>
            %gather3A_340 = tpu.vector_load_idx %arg16[%broadcast_in_dim3A_339, %sub3A_259] masked %lt3A_254 : memref<32x1536xf32, #tpu.memory_space<vmem>>[vector<16xi32>, vector<16xi32>], vector<16xf32>, vector<16xi1>
            tpu.vector_store_idx %arg17[%add3A_274, %broadcast_in_dim3A_339], %gather3A_340 masked %lt3A_254 : memref<128x128xf32, #tpu.memory_space<vmem>>[vector<16xi32>, vector<16xi32>], vector<16xf32>, vector<16xi1>
            %broadcast_in_dim3A_341 = arith.constant 22 : i32
            %broadcast_in_dim3A_342 = vector.broadcast %broadcast_in_dim3A_341 : i32 to vector<16xi32>
            %gather3A_343 = tpu.vector_load_idx %arg16[%broadcast_in_dim3A_342, %sub3A_259] masked %lt3A_254 : memref<32x1536xf32, #tpu.memory_space<vmem>>[vector<16xi32>, vector<16xi32>], vector<16xf32>, vector<16xi1>
            tpu.vector_store_idx %arg17[%add3A_274, %broadcast_in_dim3A_342], %gather3A_343 masked %lt3A_254 : memref<128x128xf32, #tpu.memory_space<vmem>>[vector<16xi32>, vector<16xi32>], vector<16xf32>, vector<16xi1>
            %broadcast_in_dim3A_344 = arith.constant 23 : i32
            %broadcast_in_dim3A_345 = vector.broadcast %broadcast_in_dim3A_344 : i32 to vector<16xi32>
            %gather3A_346 = tpu.vector_load_idx %arg16[%broadcast_in_dim3A_345, %sub3A_259] masked %lt3A_254 : memref<32x1536xf32, #tpu.memory_space<vmem>>[vector<16xi32>, vector<16xi32>], vector<16xf32>, vector<16xi1>
            tpu.vector_store_idx %arg17[%add3A_274, %broadcast_in_dim3A_345], %gather3A_346 masked %lt3A_254 : memref<128x128xf32, #tpu.memory_space<vmem>>[vector<16xi32>, vector<16xi32>], vector<16xf32>, vector<16xi1>
            %broadcast_in_dim3A_347 = arith.constant 24 : i32
            %broadcast_in_dim3A_348 = vector.broadcast %broadcast_in_dim3A_347 : i32 to vector<16xi32>
            %gather3A_349 = tpu.vector_load_idx %arg16[%broadcast_in_dim3A_348, %sub3A_259] masked %lt3A_254 : memref<32x1536xf32, #tpu.memory_space<vmem>>[vector<16xi32>, vector<16xi32>], vector<16xf32>, vector<16xi1>
            tpu.vector_store_idx %arg17[%add3A_274, %broadcast_in_dim3A_348], %gather3A_349 masked %lt3A_254 : memref<128x128xf32, #tpu.memory_space<vmem>>[vector<16xi32>, vector<16xi32>], vector<16xf32>, vector<16xi1>
            %broadcast_in_dim3A_350 = arith.constant 25 : i32
            %broadcast_in_dim3A_351 = vector.broadcast %broadcast_in_dim3A_350 : i32 to vector<16xi32>
            %gather3A_352 = tpu.vector_load_idx %arg16[%broadcast_in_dim3A_351, %sub3A_259] masked %lt3A_254 : memref<32x1536xf32, #tpu.memory_space<vmem>>[vector<16xi32>, vector<16xi32>], vector<16xf32>, vector<16xi1>
            tpu.vector_store_idx %arg17[%add3A_274, %broadcast_in_dim3A_351], %gather3A_352 masked %lt3A_254 : memref<128x128xf32, #tpu.memory_space<vmem>>[vector<16xi32>, vector<16xi32>], vector<16xf32>, vector<16xi1>
            %broadcast_in_dim3A_353 = arith.constant 26 : i32
            %broadcast_in_dim3A_354 = vector.broadcast %broadcast_in_dim3A_353 : i32 to vector<16xi32>
            %gather3A_355 = tpu.vector_load_idx %arg16[%broadcast_in_dim3A_354, %sub3A_259] masked %lt3A_254 : memref<32x1536xf32, #tpu.memory_space<vmem>>[vector<16xi32>, vector<16xi32>], vector<16xf32>, vector<16xi1>
            tpu.vector_store_idx %arg17[%add3A_274, %broadcast_in_dim3A_354], %gather3A_355 masked %lt3A_254 : memref<128x128xf32, #tpu.memory_space<vmem>>[vector<16xi32>, vector<16xi32>], vector<16xf32>, vector<16xi1>
            %broadcast_in_dim3A_356 = arith.constant 27 : i32
            %broadcast_in_dim3A_357 = vector.broadcast %broadcast_in_dim3A_356 : i32 to vector<16xi32>
            %gather3A_358 = tpu.vector_load_idx %arg16[%broadcast_in_dim3A_357, %sub3A_259] masked %lt3A_254 : memref<32x1536xf32, #tpu.memory_space<vmem>>[vector<16xi32>, vector<16xi32>], vector<16xf32>, vector<16xi1>
            tpu.vector_store_idx %arg17[%add3A_274, %broadcast_in_dim3A_357], %gather3A_358 masked %lt3A_254 : memref<128x128xf32, #tpu.memory_space<vmem>>[vector<16xi32>, vector<16xi32>], vector<16xf32>, vector<16xi1>
            %broadcast_in_dim3A_359 = arith.constant 28 : i32
            %broadcast_in_dim3A_360 = vector.broadcast %broadcast_in_dim3A_359 : i32 to vector<16xi32>
            %gather3A_361 = tpu.vector_load_idx %arg16[%broadcast_in_dim3A_360, %sub3A_259] masked %lt3A_254 : memref<32x1536xf32, #tpu.memory_space<vmem>>[vector<16xi32>, vector<16xi32>], vector<16xf32>, vector<16xi1>
            tpu.vector_store_idx %arg17[%add3A_274, %broadcast_in_dim3A_360], %gather3A_361 masked %lt3A_254 : memref<128x128xf32, #tpu.memory_space<vmem>>[vector<16xi32>, vector<16xi32>], vector<16xf32>, vector<16xi1>
            %broadcast_in_dim3A_362 = arith.constant 29 : i32
            %broadcast_in_dim3A_363 = vector.broadcast %broadcast_in_dim3A_362 : i32 to vector<16xi32>
            %gather3A_364 = tpu.vector_load_idx %arg16[%broadcast_in_dim3A_363, %sub3A_259] masked %lt3A_254 : memref<32x1536xf32, #tpu.memory_space<vmem>>[vector<16xi32>, vector<16xi32>], vector<16xf32>, vector<16xi1>
            tpu.vector_store_idx %arg17[%add3A_274, %broadcast_in_dim3A_363], %gather3A_364 masked %lt3A_254 : memref<128x128xf32, #tpu.memory_space<vmem>>[vector<16xi32>, vector<16xi32>], vector<16xf32>, vector<16xi1>
            %broadcast_in_dim3A_365 = arith.constant 30 : i32
            %broadcast_in_dim3A_366 = vector.broadcast %broadcast_in_dim3A_365 : i32 to vector<16xi32>
            %gather3A_367 = tpu.vector_load_idx %arg16[%broadcast_in_dim3A_366, %sub3A_259] masked %lt3A_254 : memref<32x1536xf32, #tpu.memory_space<vmem>>[vector<16xi32>, vector<16xi32>], vector<16xf32>, vector<16xi1>
            tpu.vector_store_idx %arg17[%add3A_274, %broadcast_in_dim3A_366], %gather3A_367 masked %lt3A_254 : memref<128x128xf32, #tpu.memory_space<vmem>>[vector<16xi32>, vector<16xi32>], vector<16xf32>, vector<16xi1>
            %broadcast_in_dim3A_368 = arith.constant 31 : i32
            %broadcast_in_dim3A_369 = vector.broadcast %broadcast_in_dim3A_368 : i32 to vector<16xi32>
            %gather3A_370 = tpu.vector_load_idx %arg16[%broadcast_in_dim3A_369, %sub3A_259] masked %lt3A_254 : memref<32x1536xf32, #tpu.memory_space<vmem>>[vector<16xi32>, vector<16xi32>], vector<16xf32>, vector<16xi1>
            tpu.vector_store_idx %arg17[%add3A_274, %broadcast_in_dim3A_369], %gather3A_370 masked %lt3A_254 : memref<128x128xf32, #tpu.memory_space<vmem>>[vector<16xi32>, vector<16xi32>], vector<16xf32>, vector<16xi1>
            %scan3A_371 = arith.constant 0 : i32
            scf.yield %scan3A_371 : i32
          }
          %scan3A_236 = arith.constant 8 : i32
          %dma_start3A_237 = arith.constant 0 : i32
          %dma_start3A_238 = arith.constant 0 : i32
          %dma_start3A_239 = tpu.memref_slice %arg8[%dma_start3A_237, %dma_start3A_238] : memref<32769x128xf32, #tpu.memory_space<hbm>> -> memref<32769x128xf32, #tpu.memory_space<hbm>>
          %dma_start3A_240 = arith.constant -1 : i32
          tpu.enqueue_indirect_dma source(%arg17 : memref<128x128xf32, #tpu.memory_space<vmem>>) target(%dma_start3A_239 : memref<32769x128xf32, #tpu.memory_space<hbm>>) offsets(%arg18 : memref<128xi32, #tpu.memory_space<vmem>>) offset_filter(%dma_start3A_240) semaphore(%arg20 : memref<!tpu.dma_semaphore, #tpu.memory_space<semaphore_mem>>)
          %dma_wait3A_241 = arith.constant 0 : i32
          %dma_wait3A_242 = arith.constant 0 : i32
          %dma_wait3A_243 = tpu.memref_slice %arg8[%dma_wait3A_241, %dma_wait3A_242] : memref<32769x128xf32, #tpu.memory_space<hbm>> -> memref<32769x128xf32, #tpu.memory_space<hbm>>
          tpu.wait_indirect_dma semaphore(%arg20 : memref<!tpu.dma_semaphore, #tpu.memory_space<semaphore_mem>>) src(%arg17 : memref<128x128xf32, #tpu.memory_space<vmem>>) dst(%dma_wait3A_243 : memref<32769x128xf32, #tpu.memory_space<hbm>>)
          %while3A_244 = arith.constant 0 : i32
          scf.yield %while3A_244 : i32
        }
      } else {
      }
      %scan3A_143 = arith.constant 0 : i32
      scf.yield %scan3A_143 : i32
    }
    %scan3A_126 = arith.constant 3 : i32
    %eq3A_127 = arith.constant 31 : i32
    %eq3A_128 = arith.cmpi eq, %add3A, %eq3A_127 : i32
    %convert_element_type3A_129 = arith.extui %eq3A_128 : i1 to i32
    %cond3A_130 = arith.constant 0 : i32
    %cond3A_131 = arith.cmpi ne, %convert_element_type3A_129, %cond3A_130 : i32
    scf.if %cond3A_131 {
      %dma_start3A_132 = arith.constant 0 : i32
      %dma_start3A_133 = arith.constant 0 : i32
      %dma_start3A_134 = tpu.memref_slice %arg7[%dma_start3A_132, %dma_start3A_133] : memref<128x128xf32, #tpu.memory_space<hbm>> -> memref<128x128xf32, #tpu.memory_space<hbm>>
      tpu.enqueue_indirect_dma source(%dma_start3A_134 : memref<128x128xf32, #tpu.memory_space<hbm>>) target(%arg19 : memref<128x128xf32, #tpu.memory_space<vmem>>) offsets(%arg10 : memref<128xi32, #tpu.memory_space<vmem>>) semaphore(%arg20 : memref<!tpu.dma_semaphore, #tpu.memory_space<semaphore_mem>>)
      %dma_wait3A_135 = arith.constant 0 : i32
      %dma_wait3A_136 = arith.constant 0 : i32
      %dma_wait3A_137 = tpu.memref_slice %arg7[%dma_wait3A_135, %dma_wait3A_136] : memref<128x128xf32, #tpu.memory_space<hbm>> -> memref<128x128xf32, #tpu.memory_space<hbm>>
      tpu.wait_indirect_dma semaphore(%arg20 : memref<!tpu.dma_semaphore, #tpu.memory_space<semaphore_mem>>) src(%dma_wait3A_137 : memref<128x128xf32, #tpu.memory_space<hbm>>) dst(%arg19 : memref<128x128xf32, #tpu.memory_space<vmem>>)
      %add3A_138 = arith.constant 15 : i32
      %add3A_139 = arith.addi %scan3A_118, %add3A_138 : i32
      %jit3A_140 = arith.constant 16 : i32
      %div3A = arith.divsi %add3A_139, %jit3A_140 : i32
      %sign3A = arith.constant 0 : i32
      %sign3A_141 = arith.cmpi sgt, %add3A_139, %sign3A : i32
      %sign3A_142 = arith.extui %sign3A_141 : i1 to i32
      %sign3A_143 = arith.constant 0 : i32
      %sign3A_144 = arith.cmpi slt, %add3A_139, %sign3A_143 : i32
      %sign3A_145 = arith.extui %sign3A_144 : i1 to i32
      %sign3A_146 = arith.subi %sign3A_142, %sign3A_145 : i32
      %sign3A_147 = arith.constant 0 : i32
      %sign3A_148 = arith.cmpi sgt, %jit3A_140, %sign3A_147 : i32
      %sign3A_149 = arith.extui %sign3A_148 : i1 to i32
      %sign3A_150 = arith.constant 0 : i32
      %sign3A_151 = arith.cmpi slt, %jit3A_140, %sign3A_150 : i32
      %sign3A_152 = arith.extui %sign3A_151 : i1 to i32
      %sign3A_153 = arith.subi %sign3A_149, %sign3A_152 : i32
      %ne3A = arith.cmpi ne, %sign3A_146, %sign3A_153 : i32
      %rem3A = arith.remsi %add3A_139, %jit3A_140 : i32
      %ne3A_154 = arith.constant 0 : i32
      %ne3A_155 = arith.cmpi ne, %rem3A, %ne3A_154 : i32
      %and3A = arith.andi %ne3A, %ne3A_155 : i1
      %sub3A = arith.constant 1 : i32
      %sub3A_156 = arith.subi %div3A, %sub3A : i32
      %select_n3A_157 = arith.select %and3A, %sub3A_156, %div3A : i32
      %while3A = arith.constant 1073741824 : i32
      %while3A_158 = arith.constant 0 : i32
      %while3A_159 = arith.constant 0 : i32
      %while3A_160 = arith.subi %select_n3A_157, %while3A_158 : i32
      %while3A_161 = arith.addi %while3A_158, %while3A_160 : i32
      %while3A_162 = arith.constant 1 : i32
      %while3A_163 = arith.divsi %while3A_160, %while3A_162 : i32
      %while3A_164 = arith.muli %while3A_163, %while3A_162 : i32
      %while3A_165 = arith.addi %while3A_158, %while3A_164 : i32
      %while3A_166 = arith.constant 1 : i32
      %while3A_167 = scf.for %while3A_208 = %while3A_158 to %while3A_165 step %while3A_166 iter_args(%while3A_209 = %while3A_159) -> (i32)  : i32 {
        %iota3A_210 = tpu.iota {dimensions = array<i32: 0>} : vector<16xi32>
        %mul3A_211 = arith.constant 16 : i32
        %mul3A_212 = arith.muli %while3A_208, %mul3A_211 : i32
        %add3A_213 = vector.broadcast %mul3A_212 : i32 to vector<16xi32>
        %add3A_214 = arith.addi %iota3A_210, %add3A_213 : vector<16xi32>
        %mul3A_215 = arith.constant 16 : i32
        %mul3A_216 = arith.muli %while3A_208, %mul3A_215 : i32
        %get3A = arith.index_cast %mul3A_216 : i32 to index
        %get3A_217 = tpu.vector_load %arg12[%get3A] {strides = array<i32>} : memref<4096xi32, #tpu.memory_space<vmem>>, vector<16xi32>,
        %mul3A_218 = arith.constant 16 : i32
        %mul3A_219 = arith.muli %while3A_208, %mul3A_218 : i32
        %get3A_220 = arith.index_cast %mul3A_219 : i32 to index
        %get3A_221 = tpu.vector_load %arg13[%get3A_220] {strides = array<i32>} : memref<4096xi32, #tpu.memory_space<vmem>>, vector<16xi32>,
        %lt3A = vector.broadcast %scan3A_118 : i32 to vector<16xi32>
        %lt3A_222 = arith.cmpi slt, %add3A_214, %lt3A : vector<16xi32>
        %ge3A = arith.constant 99968 : i32
        %ge3A_223 = vector.broadcast %ge3A : i32 to vector<16xi32>
        %ge3A_224 = arith.cmpi sge, %get3A_217, %ge3A_223 : vector<16xi32>
        %and3A_225 = arith.andi %lt3A_222, %ge3A_224 : vector<16xi1>
        %lt3A_226 = vector.broadcast %while3A : i32 to vector<16xi32>
        %lt3A_227 = arith.cmpi slt, %get3A_217, %lt3A_226 : vector<16xi32>
        %and3A_228 = arith.andi %and3A_225, %lt3A_227 : vector<16xi1>
        %min3A_229 = arith.constant 4080 : i32
        %min3A_230 = arith.minsi %while3A_209, %min3A_229 : i32
        %swap3A_231 = arith.index_cast %min3A_230 : i32 to index
        %swap3A_232 = tpu.vector_load %arg14[%swap3A_231] masked %and3A_228 {strides = array<i32>} : memref<4096xi32, #tpu.memory_space<vmem>>, vector<16xi32>, vector<16xi1>
        tpu.vector_store %arg14[%swap3A_231], %get3A_217 masked %and3A_228 {strides = array<i32>} : memref<4096xi32, #tpu.memory_space<vmem>>, vector<16xi32>, vector<16xi1>
        %swap3A_233 = arith.index_cast %min3A_230 : i32 to index
        %swap3A_234 = tpu.vector_load %arg15[%swap3A_233] masked %and3A_228 {strides = array<i32>} : memref<4096xi32, #tpu.memory_space<vmem>>, vector<16xi32>, vector<16xi1>
        tpu.vector_store %arg15[%swap3A_233], %get3A_221 masked %and3A_228 {strides = array<i32>} : memref<4096xi32, #tpu.memory_space<vmem>>, vector<16xi32>, vector<16xi1>
        %all_reduce_population_count3A = tpu.all_reduce %and3A_228 {dim = 0 : i64, kind = #tpu.reduction_kind<sum>} : vector<16xi1> -> vector<16xi32>
        %slice3A = vector.extract_strided_slice %all_reduce_population_count3A {offsets = [0], sizes = [1], strides = [1]} : vector<16xi32> to vector<1xi32>
        %squeeze3A = vector.extract %slice3A[0] : i32 from vector<1xi32>
        %add3A_235 = arith.addi %while3A_209, %squeeze3A : i32
        scf.yield %add3A_235 : i32
      }
      %while3A_168 = arith.constant 1 : i32
      %while3A_169 = scf.for %while3A_208 = %while3A_165 to %while3A_161 step %while3A_168 iter_args(%while3A_209 = %while3A_167) -> (i32)  : i32 {
        %iota3A_210 = tpu.iota {dimensions = array<i32: 0>} : vector<16xi32>
        %mul3A_211 = arith.constant 16 : i32
        %mul3A_212 = arith.muli %while3A_208, %mul3A_211 : i32
        %add3A_213 = vector.broadcast %mul3A_212 : i32 to vector<16xi32>
        %add3A_214 = arith.addi %iota3A_210, %add3A_213 : vector<16xi32>
        %mul3A_215 = arith.constant 16 : i32
        %mul3A_216 = arith.muli %while3A_208, %mul3A_215 : i32
        %get3A = arith.index_cast %mul3A_216 : i32 to index
        %get3A_217 = tpu.vector_load %arg12[%get3A] {strides = array<i32>} : memref<4096xi32, #tpu.memory_space<vmem>>, vector<16xi32>,
        %mul3A_218 = arith.constant 16 : i32
        %mul3A_219 = arith.muli %while3A_208, %mul3A_218 : i32
        %get3A_220 = arith.index_cast %mul3A_219 : i32 to index
        %get3A_221 = tpu.vector_load %arg13[%get3A_220] {strides = array<i32>} : memref<4096xi32, #tpu.memory_space<vmem>>, vector<16xi32>,
        %lt3A = vector.broadcast %scan3A_118 : i32 to vector<16xi32>
        %lt3A_222 = arith.cmpi slt, %add3A_214, %lt3A : vector<16xi32>
        %ge3A = arith.constant 99968 : i32
        %ge3A_223 = vector.broadcast %ge3A : i32 to vector<16xi32>
        %ge3A_224 = arith.cmpi sge, %get3A_217, %ge3A_223 : vector<16xi32>
        %and3A_225 = arith.andi %lt3A_222, %ge3A_224 : vector<16xi1>
        %lt3A_226 = vector.broadcast %while3A : i32 to vector<16xi32>
        %lt3A_227 = arith.cmpi slt, %get3A_217, %lt3A_226 : vector<16xi32>
        %and3A_228 = arith.andi %and3A_225, %lt3A_227 : vector<16xi1>
        %min3A_229 = arith.constant 4080 : i32
        %min3A_230 = arith.minsi %while3A_209, %min3A_229 : i32
        %swap3A_231 = arith.index_cast %min3A_230 : i32 to index
        %swap3A_232 = tpu.vector_load %arg14[%swap3A_231] masked %and3A_228 {strides = array<i32>} : memref<4096xi32, #tpu.memory_space<vmem>>, vector<16xi32>, vector<16xi1>
        tpu.vector_store %arg14[%swap3A_231], %get3A_217 masked %and3A_228 {strides = array<i32>} : memref<4096xi32, #tpu.memory_space<vmem>>, vector<16xi32>, vector<16xi1>
        %swap3A_233 = arith.index_cast %min3A_230 : i32 to index
        %swap3A_234 = tpu.vector_load %arg15[%swap3A_233] masked %and3A_228 {strides = array<i32>} : memref<4096xi32, #tpu.memory_space<vmem>>, vector<16xi32>, vector<16xi1>
        tpu.vector_store %arg15[%swap3A_233], %get3A_221 masked %and3A_228 {strides = array<i32>} : memref<4096xi32, #tpu.memory_space<vmem>>, vector<16xi32>, vector<16xi1>
        %all_reduce_population_count3A = tpu.all_reduce %and3A_228 {dim = 0 : i64, kind = #tpu.reduction_kind<sum>} : vector<16xi1> -> vector<16xi32>
        %slice3A = vector.extract_strided_slice %all_reduce_population_count3A {offsets = [0], sizes = [1], strides = [1]} : vector<16xi32> to vector<1xi32>
        %squeeze3A = vector.extract %slice3A[0] : i32 from vector<1xi32>
        %add3A_235 = arith.addi %while3A_209, %squeeze3A : i32
        scf.yield %add3A_235 : i32
      }
      %add3A_170 = arith.constant 127 : i32
      %add3A_171 = arith.addi %while3A_169, %add3A_170 : i32
      %jit3A_172 = arith.constant 128 : i32
      %div3A_173 = arith.divsi %add3A_171, %jit3A_172 : i32
      %sign3A_174 = arith.constant 0 : i32
      %sign3A_175 = arith.cmpi sgt, %add3A_171, %sign3A_174 : i32
      %sign3A_176 = arith.extui %sign3A_175 : i1 to i32
      %sign3A_177 = arith.constant 0 : i32
      %sign3A_178 = arith.cmpi slt, %add3A_171, %sign3A_177 : i32
      %sign3A_179 = arith.extui %sign3A_178 : i1 to i32
      %sign3A_180 = arith.subi %sign3A_176, %sign3A_179 : i32
      %sign3A_181 = arith.constant 0 : i32
      %sign3A_182 = arith.cmpi sgt, %jit3A_172, %sign3A_181 : i32
      %sign3A_183 = arith.extui %sign3A_182 : i1 to i32
      %sign3A_184 = arith.constant 0 : i32
      %sign3A_185 = arith.cmpi slt, %jit3A_172, %sign3A_184 : i32
      %sign3A_186 = arith.extui %sign3A_185 : i1 to i32
      %sign3A_187 = arith.subi %sign3A_183, %sign3A_186 : i32
      %ne3A_188 = arith.cmpi ne, %sign3A_180, %sign3A_187 : i32
      %rem3A_189 = arith.remsi %add3A_171, %jit3A_172 : i32
      %ne3A_190 = arith.constant 0 : i32
      %ne3A_191 = arith.cmpi ne, %rem3A_189, %ne3A_190 : i32
      %and3A_192 = arith.andi %ne3A_188, %ne3A_191 : i1
      %sub3A_193 = arith.constant 1 : i32
      %sub3A_194 = arith.subi %div3A_173, %sub3A_193 : i32
      %select_n3A_195 = arith.select %and3A_192, %sub3A_194, %div3A_173 : i32
      %while3A_196 = arith.constant 0 : i32
      %while3A_197 = arith.constant 0 : i32
      %while3A_198 = arith.subi %select_n3A_195, %while3A_196 : i32
      %while3A_199 = arith.addi %while3A_196, %while3A_198 : i32
      %while3A_200 = arith.constant 1 : i32
      %while3A_201 = arith.divsi %while3A_198, %while3A_200 : i32
      %while3A_202 = arith.muli %while3A_201, %while3A_200 : i32
      %while3A_203 = arith.addi %while3A_196, %while3A_202 : i32
      %while3A_204 = arith.constant 1 : i32
      %while3A_205 = scf.for %while3A_208 = %while3A_196 to %while3A_203 step %while3A_204 iter_args(%while3A_209 = %while3A_197) -> (i32)  : i32 {
        %mul3A_210 = arith.constant 128 : i32
        %mul3A_211 = arith.muli %while3A_208, %mul3A_210 : i32
        %scan3A_212 = arith.constant 0 : i32
        %scan3A_213 = arith.constant 0 : i32
        %scan3A_214 = arith.constant 8 : i32
        %scan3A_215 = arith.addi %scan3A_213, %scan3A_214 : i32
        %scan3A_216 = arith.constant 1 : i32
        %scan3A_217 = scf.for %scan3A_227 = %scan3A_213 to %scan3A_215 step %scan3A_216 iter_args(%scan3A_228 = %scan3A_212) -> (i32)  : i32 {
          %iota3A_229 = tpu.iota {dimensions = array<i32: 0>} : vector<16xi32>
          %mul3A_230 = arith.constant 16 : i32
          %mul3A_231 = arith.muli %scan3A_227, %mul3A_230 : i32
          %add3A_232 = arith.addi %mul3A_211, %mul3A_231 : i32
          %add3A_233 = vector.broadcast %add3A_232 : i32 to vector<16xi32>
          %add3A_234 = arith.addi %iota3A_229, %add3A_233 : vector<16xi32>
          %lt3A = vector.broadcast %while3A_169 : i32 to vector<16xi32>
          %lt3A_235 = arith.cmpi slt, %add3A_234, %lt3A : vector<16xi32>
          %min3A_236 = arith.constant 4095 : i32
          %min3A_237 = vector.broadcast %min3A_236 : i32 to vector<16xi32>
          %min3A_238 = arith.minsi %add3A_234, %min3A_237 : vector<16xi32>
          %gather3A = tpu.vector_load_idx %arg14[%min3A_238] : memref<4096xi32, #tpu.memory_space<vmem>>[vector<16xi32>], vector<16xi32>,
          %sub3A_239 = arith.constant 99968 : i32
          %sub3A_240 = vector.broadcast %sub3A_239 : i32 to vector<16xi32>
          %sub3A_241 = arith.subi %gather3A, %sub3A_240 : vector<16xi32>
          %gather3A_242 = tpu.vector_load_idx %arg15[%min3A_238] : memref<4096xi32, #tpu.memory_space<vmem>>[vector<16xi32>], vector<16xi32>,
          %add3A_243 = arith.constant 16384 : i32
          %add3A_244 = vector.broadcast %add3A_243 : i32 to vector<16xi32>
          %add3A_245 = arith.addi %gather3A_242, %add3A_244 : vector<16xi32>
          %jit3A_246 = arith.constant -1 : i32
          %broadcast_in_dim3A = vector.broadcast %jit3A_246 : i32 to vector<16xi32>
          %select_n3A_247 = arith.select %lt3A_235, %add3A_245, %broadcast_in_dim3A : vector<16xi1>, vector<16xi32>
          %mul3A_248 = arith.constant 16 : i32
          %mul3A_249 = arith.muli %scan3A_227, %mul3A_248 : i32
          %swap3A_250 = arith.index_cast %mul3A_249 : i32 to index
          %swap3A_251 = tpu.vector_load %arg18[%swap3A_250] {strides = array<i32>} : memref<128xi32, #tpu.memory_space<vmem>>, vector<16xi32>,
          tpu.vector_store %arg18[%swap3A_250], %select_n3A_247 {strides = array<i32>} : memref<128xi32, #tpu.memory_space<vmem>>, vector<16xi32>,
          %iota3A_252 = tpu.iota {dimensions = array<i32: 0>} : vector<16xi32>
          %mul3A_253 = arith.constant 16 : i32
          %mul3A_254 = arith.muli %scan3A_227, %mul3A_253 : i32
          %add3A_255 = vector.broadcast %mul3A_254 : i32 to vector<16xi32>
          %add3A_256 = arith.addi %iota3A_252, %add3A_255 : vector<16xi32>
          %broadcast_in_dim3A_257 = arith.constant 0 : i32
          %broadcast_in_dim3A_258 = vector.broadcast %broadcast_in_dim3A_257 : i32 to vector<16xi32>
          %gather3A_259 = tpu.vector_load_idx %arg19[%sub3A_241, %broadcast_in_dim3A_258] masked %lt3A_235 : memref<128x128xf32, #tpu.memory_space<vmem>>[vector<16xi32>, vector<16xi32>], vector<16xf32>, vector<16xi1>
          tpu.vector_store_idx %arg17[%add3A_256, %broadcast_in_dim3A_258], %gather3A_259 masked %lt3A_235 : memref<128x128xf32, #tpu.memory_space<vmem>>[vector<16xi32>, vector<16xi32>], vector<16xf32>, vector<16xi1>
          %broadcast_in_dim3A_260 = arith.constant 1 : i32
          %broadcast_in_dim3A_261 = vector.broadcast %broadcast_in_dim3A_260 : i32 to vector<16xi32>
          %gather3A_262 = tpu.vector_load_idx %arg19[%sub3A_241, %broadcast_in_dim3A_261] masked %lt3A_235 : memref<128x128xf32, #tpu.memory_space<vmem>>[vector<16xi32>, vector<16xi32>], vector<16xf32>, vector<16xi1>
          tpu.vector_store_idx %arg17[%add3A_256, %broadcast_in_dim3A_261], %gather3A_262 masked %lt3A_235 : memref<128x128xf32, #tpu.memory_space<vmem>>[vector<16xi32>, vector<16xi32>], vector<16xf32>, vector<16xi1>
          %broadcast_in_dim3A_263 = arith.constant 2 : i32
          %broadcast_in_dim3A_264 = vector.broadcast %broadcast_in_dim3A_263 : i32 to vector<16xi32>
          %gather3A_265 = tpu.vector_load_idx %arg19[%sub3A_241, %broadcast_in_dim3A_264] masked %lt3A_235 : memref<128x128xf32, #tpu.memory_space<vmem>>[vector<16xi32>, vector<16xi32>], vector<16xf32>, vector<16xi1>
          tpu.vector_store_idx %arg17[%add3A_256, %broadcast_in_dim3A_264], %gather3A_265 masked %lt3A_235 : memref<128x128xf32, #tpu.memory_space<vmem>>[vector<16xi32>, vector<16xi32>], vector<16xf32>, vector<16xi1>
          %broadcast_in_dim3A_266 = arith.constant 3 : i32
          %broadcast_in_dim3A_267 = vector.broadcast %broadcast_in_dim3A_266 : i32 to vector<16xi32>
          %gather3A_268 = tpu.vector_load_idx %arg19[%sub3A_241, %broadcast_in_dim3A_267] masked %lt3A_235 : memref<128x128xf32, #tpu.memory_space<vmem>>[vector<16xi32>, vector<16xi32>], vector<16xf32>, vector<16xi1>
          tpu.vector_store_idx %arg17[%add3A_256, %broadcast_in_dim3A_267], %gather3A_268 masked %lt3A_235 : memref<128x128xf32, #tpu.memory_space<vmem>>[vector<16xi32>, vector<16xi32>], vector<16xf32>, vector<16xi1>
          %broadcast_in_dim3A_269 = arith.constant 4 : i32
          %broadcast_in_dim3A_270 = vector.broadcast %broadcast_in_dim3A_269 : i32 to vector<16xi32>
          %gather3A_271 = tpu.vector_load_idx %arg19[%sub3A_241, %broadcast_in_dim3A_270] masked %lt3A_235 : memref<128x128xf32, #tpu.memory_space<vmem>>[vector<16xi32>, vector<16xi32>], vector<16xf32>, vector<16xi1>
          tpu.vector_store_idx %arg17[%add3A_256, %broadcast_in_dim3A_270], %gather3A_271 masked %lt3A_235 : memref<128x128xf32, #tpu.memory_space<vmem>>[vector<16xi32>, vector<16xi32>], vector<16xf32>, vector<16xi1>
          %broadcast_in_dim3A_272 = arith.constant 5 : i32
          %broadcast_in_dim3A_273 = vector.broadcast %broadcast_in_dim3A_272 : i32 to vector<16xi32>
          %gather3A_274 = tpu.vector_load_idx %arg19[%sub3A_241, %broadcast_in_dim3A_273] masked %lt3A_235 : memref<128x128xf32, #tpu.memory_space<vmem>>[vector<16xi32>, vector<16xi32>], vector<16xf32>, vector<16xi1>
          tpu.vector_store_idx %arg17[%add3A_256, %broadcast_in_dim3A_273], %gather3A_274 masked %lt3A_235 : memref<128x128xf32, #tpu.memory_space<vmem>>[vector<16xi32>, vector<16xi32>], vector<16xf32>, vector<16xi1>
          %broadcast_in_dim3A_275 = arith.constant 6 : i32
          %broadcast_in_dim3A_276 = vector.broadcast %broadcast_in_dim3A_275 : i32 to vector<16xi32>
          %gather3A_277 = tpu.vector_load_idx %arg19[%sub3A_241, %broadcast_in_dim3A_276] masked %lt3A_235 : memref<128x128xf32, #tpu.memory_space<vmem>>[vector<16xi32>, vector<16xi32>], vector<16xf32>, vector<16xi1>
          tpu.vector_store_idx %arg17[%add3A_256, %broadcast_in_dim3A_276], %gather3A_277 masked %lt3A_235 : memref<128x128xf32, #tpu.memory_space<vmem>>[vector<16xi32>, vector<16xi32>], vector<16xf32>, vector<16xi1>
          %broadcast_in_dim3A_278 = arith.constant 7 : i32
          %broadcast_in_dim3A_279 = vector.broadcast %broadcast_in_dim3A_278 : i32 to vector<16xi32>
          %gather3A_280 = tpu.vector_load_idx %arg19[%sub3A_241, %broadcast_in_dim3A_279] masked %lt3A_235 : memref<128x128xf32, #tpu.memory_space<vmem>>[vector<16xi32>, vector<16xi32>], vector<16xf32>, vector<16xi1>
          tpu.vector_store_idx %arg17[%add3A_256, %broadcast_in_dim3A_279], %gather3A_280 masked %lt3A_235 : memref<128x128xf32, #tpu.memory_space<vmem>>[vector<16xi32>, vector<16xi32>], vector<16xf32>, vector<16xi1>
          %broadcast_in_dim3A_281 = arith.constant 8 : i32
          %broadcast_in_dim3A_282 = vector.broadcast %broadcast_in_dim3A_281 : i32 to vector<16xi32>
          %gather3A_283 = tpu.vector_load_idx %arg19[%sub3A_241, %broadcast_in_dim3A_282] masked %lt3A_235 : memref<128x128xf32, #tpu.memory_space<vmem>>[vector<16xi32>, vector<16xi32>], vector<16xf32>, vector<16xi1>
          tpu.vector_store_idx %arg17[%add3A_256, %broadcast_in_dim3A_282], %gather3A_283 masked %lt3A_235 : memref<128x128xf32, #tpu.memory_space<vmem>>[vector<16xi32>, vector<16xi32>], vector<16xf32>, vector<16xi1>
          %broadcast_in_dim3A_284 = arith.constant 9 : i32
          %broadcast_in_dim3A_285 = vector.broadcast %broadcast_in_dim3A_284 : i32 to vector<16xi32>
          %gather3A_286 = tpu.vector_load_idx %arg19[%sub3A_241, %broadcast_in_dim3A_285] masked %lt3A_235 : memref<128x128xf32, #tpu.memory_space<vmem>>[vector<16xi32>, vector<16xi32>], vector<16xf32>, vector<16xi1>
          tpu.vector_store_idx %arg17[%add3A_256, %broadcast_in_dim3A_285], %gather3A_286 masked %lt3A_235 : memref<128x128xf32, #tpu.memory_space<vmem>>[vector<16xi32>, vector<16xi32>], vector<16xf32>, vector<16xi1>
          %broadcast_in_dim3A_287 = arith.constant 10 : i32
          %broadcast_in_dim3A_288 = vector.broadcast %broadcast_in_dim3A_287 : i32 to vector<16xi32>
          %gather3A_289 = tpu.vector_load_idx %arg19[%sub3A_241, %broadcast_in_dim3A_288] masked %lt3A_235 : memref<128x128xf32, #tpu.memory_space<vmem>>[vector<16xi32>, vector<16xi32>], vector<16xf32>, vector<16xi1>
          tpu.vector_store_idx %arg17[%add3A_256, %broadcast_in_dim3A_288], %gather3A_289 masked %lt3A_235 : memref<128x128xf32, #tpu.memory_space<vmem>>[vector<16xi32>, vector<16xi32>], vector<16xf32>, vector<16xi1>
          %broadcast_in_dim3A_290 = arith.constant 11 : i32
          %broadcast_in_dim3A_291 = vector.broadcast %broadcast_in_dim3A_290 : i32 to vector<16xi32>
          %gather3A_292 = tpu.vector_load_idx %arg19[%sub3A_241, %broadcast_in_dim3A_291] masked %lt3A_235 : memref<128x128xf32, #tpu.memory_space<vmem>>[vector<16xi32>, vector<16xi32>], vector<16xf32>, vector<16xi1>
          tpu.vector_store_idx %arg17[%add3A_256, %broadcast_in_dim3A_291], %gather3A_292 masked %lt3A_235 : memref<128x128xf32, #tpu.memory_space<vmem>>[vector<16xi32>, vector<16xi32>], vector<16xf32>, vector<16xi1>
          %broadcast_in_dim3A_293 = arith.constant 12 : i32
          %broadcast_in_dim3A_294 = vector.broadcast %broadcast_in_dim3A_293 : i32 to vector<16xi32>
          %gather3A_295 = tpu.vector_load_idx %arg19[%sub3A_241, %broadcast_in_dim3A_294] masked %lt3A_235 : memref<128x128xf32, #tpu.memory_space<vmem>>[vector<16xi32>, vector<16xi32>], vector<16xf32>, vector<16xi1>
          tpu.vector_store_idx %arg17[%add3A_256, %broadcast_in_dim3A_294], %gather3A_295 masked %lt3A_235 : memref<128x128xf32, #tpu.memory_space<vmem>>[vector<16xi32>, vector<16xi32>], vector<16xf32>, vector<16xi1>
          %broadcast_in_dim3A_296 = arith.constant 13 : i32
          %broadcast_in_dim3A_297 = vector.broadcast %broadcast_in_dim3A_296 : i32 to vector<16xi32>
          %gather3A_298 = tpu.vector_load_idx %arg19[%sub3A_241, %broadcast_in_dim3A_297] masked %lt3A_235 : memref<128x128xf32, #tpu.memory_space<vmem>>[vector<16xi32>, vector<16xi32>], vector<16xf32>, vector<16xi1>
          tpu.vector_store_idx %arg17[%add3A_256, %broadcast_in_dim3A_297], %gather3A_298 masked %lt3A_235 : memref<128x128xf32, #tpu.memory_space<vmem>>[vector<16xi32>, vector<16xi32>], vector<16xf32>, vector<16xi1>
          %broadcast_in_dim3A_299 = arith.constant 14 : i32
          %broadcast_in_dim3A_300 = vector.broadcast %broadcast_in_dim3A_299 : i32 to vector<16xi32>
          %gather3A_301 = tpu.vector_load_idx %arg19[%sub3A_241, %broadcast_in_dim3A_300] masked %lt3A_235 : memref<128x128xf32, #tpu.memory_space<vmem>>[vector<16xi32>, vector<16xi32>], vector<16xf32>, vector<16xi1>
          tpu.vector_store_idx %arg17[%add3A_256, %broadcast_in_dim3A_300], %gather3A_301 masked %lt3A_235 : memref<128x128xf32, #tpu.memory_space<vmem>>[vector<16xi32>, vector<16xi32>], vector<16xf32>, vector<16xi1>
          %broadcast_in_dim3A_302 = arith.constant 15 : i32
          %broadcast_in_dim3A_303 = vector.broadcast %broadcast_in_dim3A_302 : i32 to vector<16xi32>
          %gather3A_304 = tpu.vector_load_idx %arg19[%sub3A_241, %broadcast_in_dim3A_303] masked %lt3A_235 : memref<128x128xf32, #tpu.memory_space<vmem>>[vector<16xi32>, vector<16xi32>], vector<16xf32>, vector<16xi1>
          tpu.vector_store_idx %arg17[%add3A_256, %broadcast_in_dim3A_303], %gather3A_304 masked %lt3A_235 : memref<128x128xf32, #tpu.memory_space<vmem>>[vector<16xi32>, vector<16xi32>], vector<16xf32>, vector<16xi1>
          %broadcast_in_dim3A_305 = arith.constant 16 : i32
          %broadcast_in_dim3A_306 = vector.broadcast %broadcast_in_dim3A_305 : i32 to vector<16xi32>
          %gather3A_307 = tpu.vector_load_idx %arg19[%sub3A_241, %broadcast_in_dim3A_306] masked %lt3A_235 : memref<128x128xf32, #tpu.memory_space<vmem>>[vector<16xi32>, vector<16xi32>], vector<16xf32>, vector<16xi1>
          tpu.vector_store_idx %arg17[%add3A_256, %broadcast_in_dim3A_306], %gather3A_307 masked %lt3A_235 : memref<128x128xf32, #tpu.memory_space<vmem>>[vector<16xi32>, vector<16xi32>], vector<16xf32>, vector<16xi1>
          %broadcast_in_dim3A_308 = arith.constant 17 : i32
          %broadcast_in_dim3A_309 = vector.broadcast %broadcast_in_dim3A_308 : i32 to vector<16xi32>
          %gather3A_310 = tpu.vector_load_idx %arg19[%sub3A_241, %broadcast_in_dim3A_309] masked %lt3A_235 : memref<128x128xf32, #tpu.memory_space<vmem>>[vector<16xi32>, vector<16xi32>], vector<16xf32>, vector<16xi1>
          tpu.vector_store_idx %arg17[%add3A_256, %broadcast_in_dim3A_309], %gather3A_310 masked %lt3A_235 : memref<128x128xf32, #tpu.memory_space<vmem>>[vector<16xi32>, vector<16xi32>], vector<16xf32>, vector<16xi1>
          %broadcast_in_dim3A_311 = arith.constant 18 : i32
          %broadcast_in_dim3A_312 = vector.broadcast %broadcast_in_dim3A_311 : i32 to vector<16xi32>
          %gather3A_313 = tpu.vector_load_idx %arg19[%sub3A_241, %broadcast_in_dim3A_312] masked %lt3A_235 : memref<128x128xf32, #tpu.memory_space<vmem>>[vector<16xi32>, vector<16xi32>], vector<16xf32>, vector<16xi1>
          tpu.vector_store_idx %arg17[%add3A_256, %broadcast_in_dim3A_312], %gather3A_313 masked %lt3A_235 : memref<128x128xf32, #tpu.memory_space<vmem>>[vector<16xi32>, vector<16xi32>], vector<16xf32>, vector<16xi1>
          %broadcast_in_dim3A_314 = arith.constant 19 : i32
          %broadcast_in_dim3A_315 = vector.broadcast %broadcast_in_dim3A_314 : i32 to vector<16xi32>
          %gather3A_316 = tpu.vector_load_idx %arg19[%sub3A_241, %broadcast_in_dim3A_315] masked %lt3A_235 : memref<128x128xf32, #tpu.memory_space<vmem>>[vector<16xi32>, vector<16xi32>], vector<16xf32>, vector<16xi1>
          tpu.vector_store_idx %arg17[%add3A_256, %broadcast_in_dim3A_315], %gather3A_316 masked %lt3A_235 : memref<128x128xf32, #tpu.memory_space<vmem>>[vector<16xi32>, vector<16xi32>], vector<16xf32>, vector<16xi1>
          %broadcast_in_dim3A_317 = arith.constant 20 : i32
          %broadcast_in_dim3A_318 = vector.broadcast %broadcast_in_dim3A_317 : i32 to vector<16xi32>
          %gather3A_319 = tpu.vector_load_idx %arg19[%sub3A_241, %broadcast_in_dim3A_318] masked %lt3A_235 : memref<128x128xf32, #tpu.memory_space<vmem>>[vector<16xi32>, vector<16xi32>], vector<16xf32>, vector<16xi1>
          tpu.vector_store_idx %arg17[%add3A_256, %broadcast_in_dim3A_318], %gather3A_319 masked %lt3A_235 : memref<128x128xf32, #tpu.memory_space<vmem>>[vector<16xi32>, vector<16xi32>], vector<16xf32>, vector<16xi1>
          %broadcast_in_dim3A_320 = arith.constant 21 : i32
          %broadcast_in_dim3A_321 = vector.broadcast %broadcast_in_dim3A_320 : i32 to vector<16xi32>
          %gather3A_322 = tpu.vector_load_idx %arg19[%sub3A_241, %broadcast_in_dim3A_321] masked %lt3A_235 : memref<128x128xf32, #tpu.memory_space<vmem>>[vector<16xi32>, vector<16xi32>], vector<16xf32>, vector<16xi1>
          tpu.vector_store_idx %arg17[%add3A_256, %broadcast_in_dim3A_321], %gather3A_322 masked %lt3A_235 : memref<128x128xf32, #tpu.memory_space<vmem>>[vector<16xi32>, vector<16xi32>], vector<16xf32>, vector<16xi1>
          %broadcast_in_dim3A_323 = arith.constant 22 : i32
          %broadcast_in_dim3A_324 = vector.broadcast %broadcast_in_dim3A_323 : i32 to vector<16xi32>
          %gather3A_325 = tpu.vector_load_idx %arg19[%sub3A_241, %broadcast_in_dim3A_324] masked %lt3A_235 : memref<128x128xf32, #tpu.memory_space<vmem>>[vector<16xi32>, vector<16xi32>], vector<16xf32>, vector<16xi1>
          tpu.vector_store_idx %arg17[%add3A_256, %broadcast_in_dim3A_324], %gather3A_325 masked %lt3A_235 : memref<128x128xf32, #tpu.memory_space<vmem>>[vector<16xi32>, vector<16xi32>], vector<16xf32>, vector<16xi1>
          %broadcast_in_dim3A_326 = arith.constant 23 : i32
          %broadcast_in_dim3A_327 = vector.broadcast %broadcast_in_dim3A_326 : i32 to vector<16xi32>
          %gather3A_328 = tpu.vector_load_idx %arg19[%sub3A_241, %broadcast_in_dim3A_327] masked %lt3A_235 : memref<128x128xf32, #tpu.memory_space<vmem>>[vector<16xi32>, vector<16xi32>], vector<16xf32>, vector<16xi1>
          tpu.vector_store_idx %arg17[%add3A_256, %broadcast_in_dim3A_327], %gather3A_328 masked %lt3A_235 : memref<128x128xf32, #tpu.memory_space<vmem>>[vector<16xi32>, vector<16xi32>], vector<16xf32>, vector<16xi1>
          %broadcast_in_dim3A_329 = arith.constant 24 : i32
          %broadcast_in_dim3A_330 = vector.broadcast %broadcast_in_dim3A_329 : i32 to vector<16xi32>
          %gather3A_331 = tpu.vector_load_idx %arg19[%sub3A_241, %broadcast_in_dim3A_330] masked %lt3A_235 : memref<128x128xf32, #tpu.memory_space<vmem>>[vector<16xi32>, vector<16xi32>], vector<16xf32>, vector<16xi1>
          tpu.vector_store_idx %arg17[%add3A_256, %broadcast_in_dim3A_330], %gather3A_331 masked %lt3A_235 : memref<128x128xf32, #tpu.memory_space<vmem>>[vector<16xi32>, vector<16xi32>], vector<16xf32>, vector<16xi1>
          %broadcast_in_dim3A_332 = arith.constant 25 : i32
          %broadcast_in_dim3A_333 = vector.broadcast %broadcast_in_dim3A_332 : i32 to vector<16xi32>
          %gather3A_334 = tpu.vector_load_idx %arg19[%sub3A_241, %broadcast_in_dim3A_333] masked %lt3A_235 : memref<128x128xf32, #tpu.memory_space<vmem>>[vector<16xi32>, vector<16xi32>], vector<16xf32>, vector<16xi1>
          tpu.vector_store_idx %arg17[%add3A_256, %broadcast_in_dim3A_333], %gather3A_334 masked %lt3A_235 : memref<128x128xf32, #tpu.memory_space<vmem>>[vector<16xi32>, vector<16xi32>], vector<16xf32>, vector<16xi1>
          %broadcast_in_dim3A_335 = arith.constant 26 : i32
          %broadcast_in_dim3A_336 = vector.broadcast %broadcast_in_dim3A_335 : i32 to vector<16xi32>
          %gather3A_337 = tpu.vector_load_idx %arg19[%sub3A_241, %broadcast_in_dim3A_336] masked %lt3A_235 : memref<128x128xf32, #tpu.memory_space<vmem>>[vector<16xi32>, vector<16xi32>], vector<16xf32>, vector<16xi1>
          tpu.vector_store_idx %arg17[%add3A_256, %broadcast_in_dim3A_336], %gather3A_337 masked %lt3A_235 : memref<128x128xf32, #tpu.memory_space<vmem>>[vector<16xi32>, vector<16xi32>], vector<16xf32>, vector<16xi1>
          %broadcast_in_dim3A_338 = arith.constant 27 : i32
          %broadcast_in_dim3A_339 = vector.broadcast %broadcast_in_dim3A_338 : i32 to vector<16xi32>
          %gather3A_340 = tpu.vector_load_idx %arg19[%sub3A_241, %broadcast_in_dim3A_339] masked %lt3A_235 : memref<128x128xf32, #tpu.memory_space<vmem>>[vector<16xi32>, vector<16xi32>], vector<16xf32>, vector<16xi1>
          tpu.vector_store_idx %arg17[%add3A_256, %broadcast_in_dim3A_339], %gather3A_340 masked %lt3A_235 : memref<128x128xf32, #tpu.memory_space<vmem>>[vector<16xi32>, vector<16xi32>], vector<16xf32>, vector<16xi1>
          %broadcast_in_dim3A_341 = arith.constant 28 : i32
          %broadcast_in_dim3A_342 = vector.broadcast %broadcast_in_dim3A_341 : i32 to vector<16xi32>
          %gather3A_343 = tpu.vector_load_idx %arg19[%sub3A_241, %broadcast_in_dim3A_342] masked %lt3A_235 : memref<128x128xf32, #tpu.memory_space<vmem>>[vector<16xi32>, vector<16xi32>], vector<16xf32>, vector<16xi1>
          tpu.vector_store_idx %arg17[%add3A_256, %broadcast_in_dim3A_342], %gather3A_343 masked %lt3A_235 : memref<128x128xf32, #tpu.memory_space<vmem>>[vector<16xi32>, vector<16xi32>], vector<16xf32>, vector<16xi1>
          %broadcast_in_dim3A_344 = arith.constant 29 : i32
          %broadcast_in_dim3A_345 = vector.broadcast %broadcast_in_dim3A_344 : i32 to vector<16xi32>
          %gather3A_346 = tpu.vector_load_idx %arg19[%sub3A_241, %broadcast_in_dim3A_345] masked %lt3A_235 : memref<128x128xf32, #tpu.memory_space<vmem>>[vector<16xi32>, vector<16xi32>], vector<16xf32>, vector<16xi1>
          tpu.vector_store_idx %arg17[%add3A_256, %broadcast_in_dim3A_345], %gather3A_346 masked %lt3A_235 : memref<128x128xf32, #tpu.memory_space<vmem>>[vector<16xi32>, vector<16xi32>], vector<16xf32>, vector<16xi1>
          %broadcast_in_dim3A_347 = arith.constant 30 : i32
          %broadcast_in_dim3A_348 = vector.broadcast %broadcast_in_dim3A_347 : i32 to vector<16xi32>
          %gather3A_349 = tpu.vector_load_idx %arg19[%sub3A_241, %broadcast_in_dim3A_348] masked %lt3A_235 : memref<128x128xf32, #tpu.memory_space<vmem>>[vector<16xi32>, vector<16xi32>], vector<16xf32>, vector<16xi1>
          tpu.vector_store_idx %arg17[%add3A_256, %broadcast_in_dim3A_348], %gather3A_349 masked %lt3A_235 : memref<128x128xf32, #tpu.memory_space<vmem>>[vector<16xi32>, vector<16xi32>], vector<16xf32>, vector<16xi1>
          %broadcast_in_dim3A_350 = arith.constant 31 : i32
          %broadcast_in_dim3A_351 = vector.broadcast %broadcast_in_dim3A_350 : i32 to vector<16xi32>
          %gather3A_352 = tpu.vector_load_idx %arg19[%sub3A_241, %broadcast_in_dim3A_351] masked %lt3A_235 : memref<128x128xf32, #tpu.memory_space<vmem>>[vector<16xi32>, vector<16xi32>], vector<16xf32>, vector<16xi1>
          tpu.vector_store_idx %arg17[%add3A_256, %broadcast_in_dim3A_351], %gather3A_352 masked %lt3A_235 : memref<128x128xf32, #tpu.memory_space<vmem>>[vector<16xi32>, vector<16xi32>], vector<16xf32>, vector<16xi1>
          %scan3A_353 = arith.constant 0 : i32
          scf.yield %scan3A_353 : i32
        }
        %scan3A_218 = arith.constant 8 : i32
        %dma_start3A_219 = arith.constant 0 : i32
        %dma_start3A_220 = arith.constant 0 : i32
        %dma_start3A_221 = tpu.memref_slice %arg8[%dma_start3A_219, %dma_start3A_220] : memref<32769x128xf32, #tpu.memory_space<hbm>> -> memref<32769x128xf32, #tpu.memory_space<hbm>>
        %dma_start3A_222 = arith.constant -1 : i32
        tpu.enqueue_indirect_dma source(%arg17 : memref<128x128xf32, #tpu.memory_space<vmem>>) target(%dma_start3A_221 : memref<32769x128xf32, #tpu.memory_space<hbm>>) offsets(%arg18 : memref<128xi32, #tpu.memory_space<vmem>>) offset_filter(%dma_start3A_222) semaphore(%arg20 : memref<!tpu.dma_semaphore, #tpu.memory_space<semaphore_mem>>)
        %dma_wait3A_223 = arith.constant 0 : i32
        %dma_wait3A_224 = arith.constant 0 : i32
        %dma_wait3A_225 = tpu.memref_slice %arg8[%dma_wait3A_223, %dma_wait3A_224] : memref<32769x128xf32, #tpu.memory_space<hbm>> -> memref<32769x128xf32, #tpu.memory_space<hbm>>
        tpu.wait_indirect_dma semaphore(%arg20 : memref<!tpu.dma_semaphore, #tpu.memory_space<semaphore_mem>>) src(%arg17 : memref<128x128xf32, #tpu.memory_space<vmem>>) dst(%dma_wait3A_225 : memref<32769x128xf32, #tpu.memory_space<hbm>>)
        %while3A_226 = arith.constant 0 : i32
        scf.yield %while3A_226 : i32
      }
      %while3A_206 = arith.constant 1 : i32
      %while3A_207 = scf.for %while3A_208 = %while3A_203 to %while3A_199 step %while3A_206 iter_args(%while3A_209 = %while3A_205) -> (i32)  : i32 {
        %mul3A_210 = arith.constant 128 : i32
        %mul3A_211 = arith.muli %while3A_208, %mul3A_210 : i32
        %scan3A_212 = arith.constant 0 : i32
        %scan3A_213 = arith.constant 0 : i32
        %scan3A_214 = arith.constant 8 : i32
        %scan3A_215 = arith.addi %scan3A_213, %scan3A_214 : i32
        %scan3A_216 = arith.constant 1 : i32
        %scan3A_217 = scf.for %scan3A_227 = %scan3A_213 to %scan3A_215 step %scan3A_216 iter_args(%scan3A_228 = %scan3A_212) -> (i32)  : i32 {
          %iota3A_229 = tpu.iota {dimensions = array<i32: 0>} : vector<16xi32>
          %mul3A_230 = arith.constant 16 : i32
          %mul3A_231 = arith.muli %scan3A_227, %mul3A_230 : i32
          %add3A_232 = arith.addi %mul3A_211, %mul3A_231 : i32
          %add3A_233 = vector.broadcast %add3A_232 : i32 to vector<16xi32>
          %add3A_234 = arith.addi %iota3A_229, %add3A_233 : vector<16xi32>
          %lt3A = vector.broadcast %while3A_169 : i32 to vector<16xi32>
          %lt3A_235 = arith.cmpi slt, %add3A_234, %lt3A : vector<16xi32>
          %min3A_236 = arith.constant 4095 : i32
          %min3A_237 = vector.broadcast %min3A_236 : i32 to vector<16xi32>
          %min3A_238 = arith.minsi %add3A_234, %min3A_237 : vector<16xi32>
          %gather3A = tpu.vector_load_idx %arg14[%min3A_238] : memref<4096xi32, #tpu.memory_space<vmem>>[vector<16xi32>], vector<16xi32>,
          %sub3A_239 = arith.constant 99968 : i32
          %sub3A_240 = vector.broadcast %sub3A_239 : i32 to vector<16xi32>
          %sub3A_241 = arith.subi %gather3A, %sub3A_240 : vector<16xi32>
          %gather3A_242 = tpu.vector_load_idx %arg15[%min3A_238] : memref<4096xi32, #tpu.memory_space<vmem>>[vector<16xi32>], vector<16xi32>,
          %add3A_243 = arith.constant 16384 : i32
          %add3A_244 = vector.broadcast %add3A_243 : i32 to vector<16xi32>
          %add3A_245 = arith.addi %gather3A_242, %add3A_244 : vector<16xi32>
          %jit3A_246 = arith.constant -1 : i32
          %broadcast_in_dim3A = vector.broadcast %jit3A_246 : i32 to vector<16xi32>
          %select_n3A_247 = arith.select %lt3A_235, %add3A_245, %broadcast_in_dim3A : vector<16xi1>, vector<16xi32>
          %mul3A_248 = arith.constant 16 : i32
          %mul3A_249 = arith.muli %scan3A_227, %mul3A_248 : i32
          %swap3A_250 = arith.index_cast %mul3A_249 : i32 to index
          %swap3A_251 = tpu.vector_load %arg18[%swap3A_250] {strides = array<i32>} : memref<128xi32, #tpu.memory_space<vmem>>, vector<16xi32>,
          tpu.vector_store %arg18[%swap3A_250], %select_n3A_247 {strides = array<i32>} : memref<128xi32, #tpu.memory_space<vmem>>, vector<16xi32>,
          %iota3A_252 = tpu.iota {dimensions = array<i32: 0>} : vector<16xi32>
          %mul3A_253 = arith.constant 16 : i32
          %mul3A_254 = arith.muli %scan3A_227, %mul3A_253 : i32
          %add3A_255 = vector.broadcast %mul3A_254 : i32 to vector<16xi32>
          %add3A_256 = arith.addi %iota3A_252, %add3A_255 : vector<16xi32>
          %broadcast_in_dim3A_257 = arith.constant 0 : i32
          %broadcast_in_dim3A_258 = vector.broadcast %broadcast_in_dim3A_257 : i32 to vector<16xi32>
          %gather3A_259 = tpu.vector_load_idx %arg19[%sub3A_241, %broadcast_in_dim3A_258] masked %lt3A_235 : memref<128x128xf32, #tpu.memory_space<vmem>>[vector<16xi32>, vector<16xi32>], vector<16xf32>, vector<16xi1>
          tpu.vector_store_idx %arg17[%add3A_256, %broadcast_in_dim3A_258], %gather3A_259 masked %lt3A_235 : memref<128x128xf32, #tpu.memory_space<vmem>>[vector<16xi32>, vector<16xi32>], vector<16xf32>, vector<16xi1>
          %broadcast_in_dim3A_260 = arith.constant 1 : i32
          %broadcast_in_dim3A_261 = vector.broadcast %broadcast_in_dim3A_260 : i32 to vector<16xi32>
          %gather3A_262 = tpu.vector_load_idx %arg19[%sub3A_241, %broadcast_in_dim3A_261] masked %lt3A_235 : memref<128x128xf32, #tpu.memory_space<vmem>>[vector<16xi32>, vector<16xi32>], vector<16xf32>, vector<16xi1>
          tpu.vector_store_idx %arg17[%add3A_256, %broadcast_in_dim3A_261], %gather3A_262 masked %lt3A_235 : memref<128x128xf32, #tpu.memory_space<vmem>>[vector<16xi32>, vector<16xi32>], vector<16xf32>, vector<16xi1>
          %broadcast_in_dim3A_263 = arith.constant 2 : i32
          %broadcast_in_dim3A_264 = vector.broadcast %broadcast_in_dim3A_263 : i32 to vector<16xi32>
          %gather3A_265 = tpu.vector_load_idx %arg19[%sub3A_241, %broadcast_in_dim3A_264] masked %lt3A_235 : memref<128x128xf32, #tpu.memory_space<vmem>>[vector<16xi32>, vector<16xi32>], vector<16xf32>, vector<16xi1>
          tpu.vector_store_idx %arg17[%add3A_256, %broadcast_in_dim3A_264], %gather3A_265 masked %lt3A_235 : memref<128x128xf32, #tpu.memory_space<vmem>>[vector<16xi32>, vector<16xi32>], vector<16xf32>, vector<16xi1>
          %broadcast_in_dim3A_266 = arith.constant 3 : i32
          %broadcast_in_dim3A_267 = vector.broadcast %broadcast_in_dim3A_266 : i32 to vector<16xi32>
          %gather3A_268 = tpu.vector_load_idx %arg19[%sub3A_241, %broadcast_in_dim3A_267] masked %lt3A_235 : memref<128x128xf32, #tpu.memory_space<vmem>>[vector<16xi32>, vector<16xi32>], vector<16xf32>, vector<16xi1>
          tpu.vector_store_idx %arg17[%add3A_256, %broadcast_in_dim3A_267], %gather3A_268 masked %lt3A_235 : memref<128x128xf32, #tpu.memory_space<vmem>>[vector<16xi32>, vector<16xi32>], vector<16xf32>, vector<16xi1>
          %broadcast_in_dim3A_269 = arith.constant 4 : i32
          %broadcast_in_dim3A_270 = vector.broadcast %broadcast_in_dim3A_269 : i32 to vector<16xi32>
          %gather3A_271 = tpu.vector_load_idx %arg19[%sub3A_241, %broadcast_in_dim3A_270] masked %lt3A_235 : memref<128x128xf32, #tpu.memory_space<vmem>>[vector<16xi32>, vector<16xi32>], vector<16xf32>, vector<16xi1>
          tpu.vector_store_idx %arg17[%add3A_256, %broadcast_in_dim3A_270], %gather3A_271 masked %lt3A_235 : memref<128x128xf32, #tpu.memory_space<vmem>>[vector<16xi32>, vector<16xi32>], vector<16xf32>, vector<16xi1>
          %broadcast_in_dim3A_272 = arith.constant 5 : i32
          %broadcast_in_dim3A_273 = vector.broadcast %broadcast_in_dim3A_272 : i32 to vector<16xi32>
          %gather3A_274 = tpu.vector_load_idx %arg19[%sub3A_241, %broadcast_in_dim3A_273] masked %lt3A_235 : memref<128x128xf32, #tpu.memory_space<vmem>>[vector<16xi32>, vector<16xi32>], vector<16xf32>, vector<16xi1>
          tpu.vector_store_idx %arg17[%add3A_256, %broadcast_in_dim3A_273], %gather3A_274 masked %lt3A_235 : memref<128x128xf32, #tpu.memory_space<vmem>>[vector<16xi32>, vector<16xi32>], vector<16xf32>, vector<16xi1>
          %broadcast_in_dim3A_275 = arith.constant 6 : i32
          %broadcast_in_dim3A_276 = vector.broadcast %broadcast_in_dim3A_275 : i32 to vector<16xi32>
          %gather3A_277 = tpu.vector_load_idx %arg19[%sub3A_241, %broadcast_in_dim3A_276] masked %lt3A_235 : memref<128x128xf32, #tpu.memory_space<vmem>>[vector<16xi32>, vector<16xi32>], vector<16xf32>, vector<16xi1>
          tpu.vector_store_idx %arg17[%add3A_256, %broadcast_in_dim3A_276], %gather3A_277 masked %lt3A_235 : memref<128x128xf32, #tpu.memory_space<vmem>>[vector<16xi32>, vector<16xi32>], vector<16xf32>, vector<16xi1>
          %broadcast_in_dim3A_278 = arith.constant 7 : i32
          %broadcast_in_dim3A_279 = vector.broadcast %broadcast_in_dim3A_278 : i32 to vector<16xi32>
          %gather3A_280 = tpu.vector_load_idx %arg19[%sub3A_241, %broadcast_in_dim3A_279] masked %lt3A_235 : memref<128x128xf32, #tpu.memory_space<vmem>>[vector<16xi32>, vector<16xi32>], vector<16xf32>, vector<16xi1>
          tpu.vector_store_idx %arg17[%add3A_256, %broadcast_in_dim3A_279], %gather3A_280 masked %lt3A_235 : memref<128x128xf32, #tpu.memory_space<vmem>>[vector<16xi32>, vector<16xi32>], vector<16xf32>, vector<16xi1>
          %broadcast_in_dim3A_281 = arith.constant 8 : i32
          %broadcast_in_dim3A_282 = vector.broadcast %broadcast_in_dim3A_281 : i32 to vector<16xi32>
          %gather3A_283 = tpu.vector_load_idx %arg19[%sub3A_241, %broadcast_in_dim3A_282] masked %lt3A_235 : memref<128x128xf32, #tpu.memory_space<vmem>>[vector<16xi32>, vector<16xi32>], vector<16xf32>, vector<16xi1>
          tpu.vector_store_idx %arg17[%add3A_256, %broadcast_in_dim3A_282], %gather3A_283 masked %lt3A_235 : memref<128x128xf32, #tpu.memory_space<vmem>>[vector<16xi32>, vector<16xi32>], vector<16xf32>, vector<16xi1>
          %broadcast_in_dim3A_284 = arith.constant 9 : i32
          %broadcast_in_dim3A_285 = vector.broadcast %broadcast_in_dim3A_284 : i32 to vector<16xi32>
          %gather3A_286 = tpu.vector_load_idx %arg19[%sub3A_241, %broadcast_in_dim3A_285] masked %lt3A_235 : memref<128x128xf32, #tpu.memory_space<vmem>>[vector<16xi32>, vector<16xi32>], vector<16xf32>, vector<16xi1>
          tpu.vector_store_idx %arg17[%add3A_256, %broadcast_in_dim3A_285], %gather3A_286 masked %lt3A_235 : memref<128x128xf32, #tpu.memory_space<vmem>>[vector<16xi32>, vector<16xi32>], vector<16xf32>, vector<16xi1>
          %broadcast_in_dim3A_287 = arith.constant 10 : i32
          %broadcast_in_dim3A_288 = vector.broadcast %broadcast_in_dim3A_287 : i32 to vector<16xi32>
          %gather3A_289 = tpu.vector_load_idx %arg19[%sub3A_241, %broadcast_in_dim3A_288] masked %lt3A_235 : memref<128x128xf32, #tpu.memory_space<vmem>>[vector<16xi32>, vector<16xi32>], vector<16xf32>, vector<16xi1>
          tpu.vector_store_idx %arg17[%add3A_256, %broadcast_in_dim3A_288], %gather3A_289 masked %lt3A_235 : memref<128x128xf32, #tpu.memory_space<vmem>>[vector<16xi32>, vector<16xi32>], vector<16xf32>, vector<16xi1>
          %broadcast_in_dim3A_290 = arith.constant 11 : i32
          %broadcast_in_dim3A_291 = vector.broadcast %broadcast_in_dim3A_290 : i32 to vector<16xi32>
          %gather3A_292 = tpu.vector_load_idx %arg19[%sub3A_241, %broadcast_in_dim3A_291] masked %lt3A_235 : memref<128x128xf32, #tpu.memory_space<vmem>>[vector<16xi32>, vector<16xi32>], vector<16xf32>, vector<16xi1>
          tpu.vector_store_idx %arg17[%add3A_256, %broadcast_in_dim3A_291], %gather3A_292 masked %lt3A_235 : memref<128x128xf32, #tpu.memory_space<vmem>>[vector<16xi32>, vector<16xi32>], vector<16xf32>, vector<16xi1>
          %broadcast_in_dim3A_293 = arith.constant 12 : i32
          %broadcast_in_dim3A_294 = vector.broadcast %broadcast_in_dim3A_293 : i32 to vector<16xi32>
          %gather3A_295 = tpu.vector_load_idx %arg19[%sub3A_241, %broadcast_in_dim3A_294] masked %lt3A_235 : memref<128x128xf32, #tpu.memory_space<vmem>>[vector<16xi32>, vector<16xi32>], vector<16xf32>, vector<16xi1>
          tpu.vector_store_idx %arg17[%add3A_256, %broadcast_in_dim3A_294], %gather3A_295 masked %lt3A_235 : memref<128x128xf32, #tpu.memory_space<vmem>>[vector<16xi32>, vector<16xi32>], vector<16xf32>, vector<16xi1>
          %broadcast_in_dim3A_296 = arith.constant 13 : i32
          %broadcast_in_dim3A_297 = vector.broadcast %broadcast_in_dim3A_296 : i32 to vector<16xi32>
          %gather3A_298 = tpu.vector_load_idx %arg19[%sub3A_241, %broadcast_in_dim3A_297] masked %lt3A_235 : memref<128x128xf32, #tpu.memory_space<vmem>>[vector<16xi32>, vector<16xi32>], vector<16xf32>, vector<16xi1>
          tpu.vector_store_idx %arg17[%add3A_256, %broadcast_in_dim3A_297], %gather3A_298 masked %lt3A_235 : memref<128x128xf32, #tpu.memory_space<vmem>>[vector<16xi32>, vector<16xi32>], vector<16xf32>, vector<16xi1>
          %broadcast_in_dim3A_299 = arith.constant 14 : i32
          %broadcast_in_dim3A_300 = vector.broadcast %broadcast_in_dim3A_299 : i32 to vector<16xi32>
          %gather3A_301 = tpu.vector_load_idx %arg19[%sub3A_241, %broadcast_in_dim3A_300] masked %lt3A_235 : memref<128x128xf32, #tpu.memory_space<vmem>>[vector<16xi32>, vector<16xi32>], vector<16xf32>, vector<16xi1>
          tpu.vector_store_idx %arg17[%add3A_256, %broadcast_in_dim3A_300], %gather3A_301 masked %lt3A_235 : memref<128x128xf32, #tpu.memory_space<vmem>>[vector<16xi32>, vector<16xi32>], vector<16xf32>, vector<16xi1>
          %broadcast_in_dim3A_302 = arith.constant 15 : i32
          %broadcast_in_dim3A_303 = vector.broadcast %broadcast_in_dim3A_302 : i32 to vector<16xi32>
          %gather3A_304 = tpu.vector_load_idx %arg19[%sub3A_241, %broadcast_in_dim3A_303] masked %lt3A_235 : memref<128x128xf32, #tpu.memory_space<vmem>>[vector<16xi32>, vector<16xi32>], vector<16xf32>, vector<16xi1>
          tpu.vector_store_idx %arg17[%add3A_256, %broadcast_in_dim3A_303], %gather3A_304 masked %lt3A_235 : memref<128x128xf32, #tpu.memory_space<vmem>>[vector<16xi32>, vector<16xi32>], vector<16xf32>, vector<16xi1>
          %broadcast_in_dim3A_305 = arith.constant 16 : i32
          %broadcast_in_dim3A_306 = vector.broadcast %broadcast_in_dim3A_305 : i32 to vector<16xi32>
          %gather3A_307 = tpu.vector_load_idx %arg19[%sub3A_241, %broadcast_in_dim3A_306] masked %lt3A_235 : memref<128x128xf32, #tpu.memory_space<vmem>>[vector<16xi32>, vector<16xi32>], vector<16xf32>, vector<16xi1>
          tpu.vector_store_idx %arg17[%add3A_256, %broadcast_in_dim3A_306], %gather3A_307 masked %lt3A_235 : memref<128x128xf32, #tpu.memory_space<vmem>>[vector<16xi32>, vector<16xi32>], vector<16xf32>, vector<16xi1>
          %broadcast_in_dim3A_308 = arith.constant 17 : i32
          %broadcast_in_dim3A_309 = vector.broadcast %broadcast_in_dim3A_308 : i32 to vector<16xi32>
          %gather3A_310 = tpu.vector_load_idx %arg19[%sub3A_241, %broadcast_in_dim3A_309] masked %lt3A_235 : memref<128x128xf32, #tpu.memory_space<vmem>>[vector<16xi32>, vector<16xi32>], vector<16xf32>, vector<16xi1>
          tpu.vector_store_idx %arg17[%add3A_256, %broadcast_in_dim3A_309], %gather3A_310 masked %lt3A_235 : memref<128x128xf32, #tpu.memory_space<vmem>>[vector<16xi32>, vector<16xi32>], vector<16xf32>, vector<16xi1>
          %broadcast_in_dim3A_311 = arith.constant 18 : i32
          %broadcast_in_dim3A_312 = vector.broadcast %broadcast_in_dim3A_311 : i32 to vector<16xi32>
          %gather3A_313 = tpu.vector_load_idx %arg19[%sub3A_241, %broadcast_in_dim3A_312] masked %lt3A_235 : memref<128x128xf32, #tpu.memory_space<vmem>>[vector<16xi32>, vector<16xi32>], vector<16xf32>, vector<16xi1>
          tpu.vector_store_idx %arg17[%add3A_256, %broadcast_in_dim3A_312], %gather3A_313 masked %lt3A_235 : memref<128x128xf32, #tpu.memory_space<vmem>>[vector<16xi32>, vector<16xi32>], vector<16xf32>, vector<16xi1>
          %broadcast_in_dim3A_314 = arith.constant 19 : i32
          %broadcast_in_dim3A_315 = vector.broadcast %broadcast_in_dim3A_314 : i32 to vector<16xi32>
          %gather3A_316 = tpu.vector_load_idx %arg19[%sub3A_241, %broadcast_in_dim3A_315] masked %lt3A_235 : memref<128x128xf32, #tpu.memory_space<vmem>>[vector<16xi32>, vector<16xi32>], vector<16xf32>, vector<16xi1>
          tpu.vector_store_idx %arg17[%add3A_256, %broadcast_in_dim3A_315], %gather3A_316 masked %lt3A_235 : memref<128x128xf32, #tpu.memory_space<vmem>>[vector<16xi32>, vector<16xi32>], vector<16xf32>, vector<16xi1>
          %broadcast_in_dim3A_317 = arith.constant 20 : i32
          %broadcast_in_dim3A_318 = vector.broadcast %broadcast_in_dim3A_317 : i32 to vector<16xi32>
          %gather3A_319 = tpu.vector_load_idx %arg19[%sub3A_241, %broadcast_in_dim3A_318] masked %lt3A_235 : memref<128x128xf32, #tpu.memory_space<vmem>>[vector<16xi32>, vector<16xi32>], vector<16xf32>, vector<16xi1>
          tpu.vector_store_idx %arg17[%add3A_256, %broadcast_in_dim3A_318], %gather3A_319 masked %lt3A_235 : memref<128x128xf32, #tpu.memory_space<vmem>>[vector<16xi32>, vector<16xi32>], vector<16xf32>, vector<16xi1>
          %broadcast_in_dim3A_320 = arith.constant 21 : i32
          %broadcast_in_dim3A_321 = vector.broadcast %broadcast_in_dim3A_320 : i32 to vector<16xi32>
          %gather3A_322 = tpu.vector_load_idx %arg19[%sub3A_241, %broadcast_in_dim3A_321] masked %lt3A_235 : memref<128x128xf32, #tpu.memory_space<vmem>>[vector<16xi32>, vector<16xi32>], vector<16xf32>, vector<16xi1>
          tpu.vector_store_idx %arg17[%add3A_256, %broadcast_in_dim3A_321], %gather3A_322 masked %lt3A_235 : memref<128x128xf32, #tpu.memory_space<vmem>>[vector<16xi32>, vector<16xi32>], vector<16xf32>, vector<16xi1>
          %broadcast_in_dim3A_323 = arith.constant 22 : i32
          %broadcast_in_dim3A_324 = vector.broadcast %broadcast_in_dim3A_323 : i32 to vector<16xi32>
          %gather3A_325 = tpu.vector_load_idx %arg19[%sub3A_241, %broadcast_in_dim3A_324] masked %lt3A_235 : memref<128x128xf32, #tpu.memory_space<vmem>>[vector<16xi32>, vector<16xi32>], vector<16xf32>, vector<16xi1>
          tpu.vector_store_idx %arg17[%add3A_256, %broadcast_in_dim3A_324], %gather3A_325 masked %lt3A_235 : memref<128x128xf32, #tpu.memory_space<vmem>>[vector<16xi32>, vector<16xi32>], vector<16xf32>, vector<16xi1>
          %broadcast_in_dim3A_326 = arith.constant 23 : i32
          %broadcast_in_dim3A_327 = vector.broadcast %broadcast_in_dim3A_326 : i32 to vector<16xi32>
          %gather3A_328 = tpu.vector_load_idx %arg19[%sub3A_241, %broadcast_in_dim3A_327] masked %lt3A_235 : memref<128x128xf32, #tpu.memory_space<vmem>>[vector<16xi32>, vector<16xi32>], vector<16xf32>, vector<16xi1>
          tpu.vector_store_idx %arg17[%add3A_256, %broadcast_in_dim3A_327], %gather3A_328 masked %lt3A_235 : memref<128x128xf32, #tpu.memory_space<vmem>>[vector<16xi32>, vector<16xi32>], vector<16xf32>, vector<16xi1>
          %broadcast_in_dim3A_329 = arith.constant 24 : i32
          %broadcast_in_dim3A_330 = vector.broadcast %broadcast_in_dim3A_329 : i32 to vector<16xi32>
          %gather3A_331 = tpu.vector_load_idx %arg19[%sub3A_241, %broadcast_in_dim3A_330] masked %lt3A_235 : memref<128x128xf32, #tpu.memory_space<vmem>>[vector<16xi32>, vector<16xi32>], vector<16xf32>, vector<16xi1>
          tpu.vector_store_idx %arg17[%add3A_256, %broadcast_in_dim3A_330], %gather3A_331 masked %lt3A_235 : memref<128x128xf32, #tpu.memory_space<vmem>>[vector<16xi32>, vector<16xi32>], vector<16xf32>, vector<16xi1>
          %broadcast_in_dim3A_332 = arith.constant 25 : i32
          %broadcast_in_dim3A_333 = vector.broadcast %broadcast_in_dim3A_332 : i32 to vector<16xi32>
          %gather3A_334 = tpu.vector_load_idx %arg19[%sub3A_241, %broadcast_in_dim3A_333] masked %lt3A_235 : memref<128x128xf32, #tpu.memory_space<vmem>>[vector<16xi32>, vector<16xi32>], vector<16xf32>, vector<16xi1>
          tpu.vector_store_idx %arg17[%add3A_256, %broadcast_in_dim3A_333], %gather3A_334 masked %lt3A_235 : memref<128x128xf32, #tpu.memory_space<vmem>>[vector<16xi32>, vector<16xi32>], vector<16xf32>, vector<16xi1>
          %broadcast_in_dim3A_335 = arith.constant 26 : i32
          %broadcast_in_dim3A_336 = vector.broadcast %broadcast_in_dim3A_335 : i32 to vector<16xi32>
          %gather3A_337 = tpu.vector_load_idx %arg19[%sub3A_241, %broadcast_in_dim3A_336] masked %lt3A_235 : memref<128x128xf32, #tpu.memory_space<vmem>>[vector<16xi32>, vector<16xi32>], vector<16xf32>, vector<16xi1>
          tpu.vector_store_idx %arg17[%add3A_256, %broadcast_in_dim3A_336], %gather3A_337 masked %lt3A_235 : memref<128x128xf32, #tpu.memory_space<vmem>>[vector<16xi32>, vector<16xi32>], vector<16xf32>, vector<16xi1>
          %broadcast_in_dim3A_338 = arith.constant 27 : i32
          %broadcast_in_dim3A_339 = vector.broadcast %broadcast_in_dim3A_338 : i32 to vector<16xi32>
          %gather3A_340 = tpu.vector_load_idx %arg19[%sub3A_241, %broadcast_in_dim3A_339] masked %lt3A_235 : memref<128x128xf32, #tpu.memory_space<vmem>>[vector<16xi32>, vector<16xi32>], vector<16xf32>, vector<16xi1>
          tpu.vector_store_idx %arg17[%add3A_256, %broadcast_in_dim3A_339], %gather3A_340 masked %lt3A_235 : memref<128x128xf32, #tpu.memory_space<vmem>>[vector<16xi32>, vector<16xi32>], vector<16xf32>, vector<16xi1>
          %broadcast_in_dim3A_341 = arith.constant 28 : i32
          %broadcast_in_dim3A_342 = vector.broadcast %broadcast_in_dim3A_341 : i32 to vector<16xi32>
          %gather3A_343 = tpu.vector_load_idx %arg19[%sub3A_241, %broadcast_in_dim3A_342] masked %lt3A_235 : memref<128x128xf32, #tpu.memory_space<vmem>>[vector<16xi32>, vector<16xi32>], vector<16xf32>, vector<16xi1>
          tpu.vector_store_idx %arg17[%add3A_256, %broadcast_in_dim3A_342], %gather3A_343 masked %lt3A_235 : memref<128x128xf32, #tpu.memory_space<vmem>>[vector<16xi32>, vector<16xi32>], vector<16xf32>, vector<16xi1>
          %broadcast_in_dim3A_344 = arith.constant 29 : i32
          %broadcast_in_dim3A_345 = vector.broadcast %broadcast_in_dim3A_344 : i32 to vector<16xi32>
          %gather3A_346 = tpu.vector_load_idx %arg19[%sub3A_241, %broadcast_in_dim3A_345] masked %lt3A_235 : memref<128x128xf32, #tpu.memory_space<vmem>>[vector<16xi32>, vector<16xi32>], vector<16xf32>, vector<16xi1>
          tpu.vector_store_idx %arg17[%add3A_256, %broadcast_in_dim3A_345], %gather3A_346 masked %lt3A_235 : memref<128x128xf32, #tpu.memory_space<vmem>>[vector<16xi32>, vector<16xi32>], vector<16xf32>, vector<16xi1>
          %broadcast_in_dim3A_347 = arith.constant 30 : i32
          %broadcast_in_dim3A_348 = vector.broadcast %broadcast_in_dim3A_347 : i32 to vector<16xi32>
          %gather3A_349 = tpu.vector_load_idx %arg19[%sub3A_241, %broadcast_in_dim3A_348] masked %lt3A_235 : memref<128x128xf32, #tpu.memory_space<vmem>>[vector<16xi32>, vector<16xi32>], vector<16xf32>, vector<16xi1>
          tpu.vector_store_idx %arg17[%add3A_256, %broadcast_in_dim3A_348], %gather3A_349 masked %lt3A_235 : memref<128x128xf32, #tpu.memory_space<vmem>>[vector<16xi32>, vector<16xi32>], vector<16xf32>, vector<16xi1>
          %broadcast_in_dim3A_350 = arith.constant 31 : i32
          %broadcast_in_dim3A_351 = vector.broadcast %broadcast_in_dim3A_350 : i32 to vector<16xi32>
          %gather3A_352 = tpu.vector_load_idx %arg19[%sub3A_241, %broadcast_in_dim3A_351] masked %lt3A_235 : memref<128x128xf32, #tpu.memory_space<vmem>>[vector<16xi32>, vector<16xi32>], vector<16xf32>, vector<16xi1>
          tpu.vector_store_idx %arg17[%add3A_256, %broadcast_in_dim3A_351], %gather3A_352 masked %lt3A_235 : memref<128x128xf32, #tpu.memory_space<vmem>>[vector<16xi32>, vector<16xi32>], vector<16xf32>, vector<16xi1>
          %scan3A_353 = arith.constant 0 : i32
          scf.yield %scan3A_353 : i32
        }
        %scan3A_218 = arith.constant 8 : i32
        %dma_start3A_219 = arith.constant 0 : i32
        %dma_start3A_220 = arith.constant 0 : i32
        %dma_start3A_221 = tpu.memref_slice %arg8[%dma_start3A_219, %dma_start3A_220] : memref<32769x128xf32, #tpu.memory_space<hbm>> -> memref<32769x128xf32, #tpu.memory_space<hbm>>
        %dma_start3A_222 = arith.constant -1 : i32
        tpu.enqueue_indirect_dma source(%arg17 : memref<128x128xf32, #tpu.memory_space<vmem>>) target(%dma_start3A_221 : memref<32769x128xf32, #tpu.memory_space<hbm>>) offsets(%arg18 : memref<128xi32, #tpu.memory_space<vmem>>) offset_filter(%dma_start3A_222) semaphore(%arg20 : memref<!tpu.dma_semaphore, #tpu.memory_space<semaphore_mem>>)
        %dma_wait3A_223 = arith.constant 0 : i32
        %dma_wait3A_224 = arith.constant 0 : i32
        %dma_wait3A_225 = tpu.memref_slice %arg8[%dma_wait3A_223, %dma_wait3A_224] : memref<32769x128xf32, #tpu.memory_space<hbm>> -> memref<32769x128xf32, #tpu.memory_space<hbm>>
        tpu.wait_indirect_dma semaphore(%arg20 : memref<!tpu.dma_semaphore, #tpu.memory_space<semaphore_mem>>) src(%arg17 : memref<128x128xf32, #tpu.memory_space<vmem>>) dst(%dma_wait3A_225 : memref<32769x128xf32, #tpu.memory_space<hbm>>)
        %while3A_226 = arith.constant 0 : i32
        scf.yield %while3A_226 : i32
      }
    } else {
    }
    return
  }
}

module attributes {stable_mosaic.version = 14 : i64} {
  func.func @_tc_merge_body(%arg0: i32, %arg1: memref<512x128xf32, #tpu.memory_space<vmem>>, %arg2: memref<512x128xf32, #tpu.memory_space<vmem>>, %arg3: memref<512x64xf32, #tpu.memory_space<vmem>>) attributes {dimension_semantics = [#tpu.dimension_semantics<arbitrary>], iteration_bounds = array<i64: 32>, scalar_prefetch = 0 : i64, scratch_operands = 0 : i64, tpu.core_type = #tpu.core_type<tc>, window_params = [{transform_indices = @transform_0, window_bounds = array<i64: 512, 128>}, {transform_indices = @transform_1, window_bounds = array<i64: 512, 128>}, {transform_indices = @transform_2, window_bounds = array<i64: 512, 64>}]} {
    %get3A = arith.constant 0 : index
    %get3A_0 = arith.constant 0 : index
    %get3A_1 = vector.load %arg1[%get3A, %get3A_0] : memref<512x128xf32, #tpu.memory_space<vmem>>, vector<512x32xf32>
    %get3A_2 = arith.constant 0 : index
    %get3A_3 = arith.constant 0 : index
    %get3A_4 = vector.load %arg2[%get3A_2, %get3A_3] : memref<512x128xf32, #tpu.memory_space<vmem>>, vector<512x32xf32>
    %concatenate3A = tpu.concatenate %get3A_1, %get3A_4 in 1 : vector<512x32xf32>, vector<512x32xf32> -> vector<512x64xf32>
    %swap3A = arith.constant 0 : index
    %swap3A_5 = arith.constant 0 : index
    %swap3A_6 = vector.load %arg3[%swap3A, %swap3A_5] : memref<512x64xf32, #tpu.memory_space<vmem>>, vector<512x64xf32>
    tpu.vector_store %arg3[%swap3A, %swap3A_5], %concatenate3A {strides = array<i32>} : memref<512x64xf32, #tpu.memory_space<vmem>>, vector<512x64xf32>,
    return
  }
  func.func @transform_0(%arg0: i32) -> (i32, i32) {
    %c0_i32 = arith.constant 0 : i32
    %c0_i32_0 = arith.constant 0 : i32
    return %arg0, %c0_i32 : i32, i32
  }
  func.func @transform_1(%arg0: i32) -> (i32, i32) {
    %add3A = arith.constant 32 : i32
    %add3A_0 = arith.addi %arg0, %add3A : i32
    %c0_i32 = arith.constant 0 : i32
    %c0_i32_1 = arith.constant 0 : i32
    return %add3A_0, %c0_i32 : i32, i32
  }
  func.func @transform_2(%arg0: i32) -> (i32, i32) {
    %c0_i32 = arith.constant 0 : i32
    %c0_i32_0 = arith.constant 0 : i32
    return %arg0, %c0_i32 : i32, i32
  }
}

</mosaic_0001>

<sc_bundles>
// kernel: kernel.4.cloned.1.call-start
scs
__scs_entry_jumppad:
0x0: {  	(pc) =	sbr.rel $0x88, $3  }
0x1: {  	(tag) =	ssettag $0x0;
	lr =	simm.s32 $0x1  }
0x2: {  	[smem:$0x3F9D] =	sst lr;
	_ =	strace $0xD0000000  }
0x3: {  	_ = 	snop  }
0x4: {  	_ = 	snop  }
0x5: {  	_ = 	snop  }
0x6: {  	_ = 	snop  }
0x7: {  	_ = 	snop  }
__scs_overlays_trampoline_lowered:
0x8: {  	[smem:$0x3FAC] =	sst s0  }
0x9: {  	[smem:$0x3FAD] =	sst s1  }
0xa: {  	[smem:$0x3FAE] =	sst s2  }
0xb: {  	[smem:$0x3FAF] =	sst s3  }
0xc: {  	[smem:$0x3FB0] =	sst s4  }
0xd: {  	[smem:$0x3FB1] =	sst s5  }
0xe: {  	[smem:$0x3FB2] =	sst s6  }
0xf: {  	[smem:$0x3FB3] =	sst s7  }
0x10: {  	[smem:$0x3FB4] =	sst s8  }
0x11: {  	[smem:$0x3FB5] =	sst s9;
	s0 =	simm.s32 @!p0 $0x0  }
0x12: {  	s1 =	sld [smem:$0x3F9B];
	s0 =	simm.s32 @p0 $0x1  }
0x13: {  	[smem:$0x3FB6] =	sst s0;
	s0 =	simm.s32 @!p1 $0x0  }
0x14: {  	s2 =	sld [smem:$0x3F9A];
	s0 =	simm.s32 @p1 $0x1  }
0x15: {  	[smem:$0x3FB7] =	sst s0;
	s0 =	simm.s32 @!p2 $0x0  }
0x16: {  	s3 =	sld [smem:$0x3FDB];
	s0 =	simm.s32 @p2 $0x1  }
0x17: {  	s4 =	simm.s32 $0x1BF5;
	[smem:$0x3FB9] =	sst s0  }
0x18: {  	s0 =	sld [smem:$0x3F9C];
	_ =	swait.ge [sflag:s4], $0x0  }
0x19: {  	s7 =	sld [smem:$0x3F9D]  }
0x1a: {  	s8 =	sadd.s32 $0xFFFFE003, lr  }
0x1b: {  	s9 =	sadd.s32 $0xFFFFFEF7, lr;
	s5 =	simm.s32 $0xFFFFFFFF;
	p2 =	slt.u32 s8, $0xFFFFF086  }
0x1c: {  	p1 =	slt.u32 s9, $0xF7A;
	s5 =	simm.s32 @!p2 $0x0  }
0x1d: {  	s5 =	simm.s32 @p1 $0x1;
	p0 =	seq.s32 s7, s2  }
0x1e: {  	s7 =	smul.u32 @!p0 $0xF7A, s2;
	p2 =	seq.s32 @!p0 s5, $0x0  }
0x1f: {  	s9 =	smul.u32 $0xF7A, s1;
	s8 =	simm.s32 @!p0 $0x1BF5;
	p2 =	por !p2, p0  }
0x20: {  	[sflag:s8] =	ssyncset.s32 @!p0 $0xFFFFF086;
	s6 =	sadd.s32 @!p0 s3, s7;
	s7 =	simm.s32 @!p0 $0x108  }
0x21: {  	s3 =	sadd.s32 s3, s9;
	s6 =	sadd.s32 @!p0 $0x88, s6;
	s7 =	simm.s32 @p2 $0x1082  }
0x22: {  	[simem:s7], [sflag:s8] =	dma.local @!p0 [hbm:s6], $0xF7A  }
0x23: {  	s9 =	sor.u32 $0xD0000000, s2;
	s6 =	simm.s32 $0x108;
	_ =	swait.ge @!p0 [sflag:s8], $0x0  }
0x24: {  	s3 =	sadd.s32 $0x88, s3;
	s6 =	simm.s32 @!p1 $0x1082;
	[sflag:s4] =	ssyncset.s32 $0xFFFFF086  }
0x25: {  	[simem:s6], [sflag:s4] =	dma.local [hbm:s3], $0xF7A  }
0x26: {  	[smem:$0x3F9D] =	sst s1;
	(tag) =	ssettag s2;
	_ =	strace s9  }
0x27: {  	s1 =	sld [smem:$0x3FAD]  }
0x28: {  	s2 =	sld [smem:$0x3FAE]  }
0x29: {  	s4 =	sld [smem:$0x3FB0]  }
0x2a: {  	p0 =	seq.s32 s5, $0x0;
	s5 =	sld [smem:$0x3FB1]  }
0x2b: {  	s6 =	sld [smem:$0x3FB2]  }
0x2c: {  	s7 =	sld [smem:$0x3FB3]  }
0x2d: {  	s3 =	simm.s32 $0x108;
	s8 =	sld [smem:$0x3FB4]  }
0x2e: {  	s3 =	simm.s32 @!p0 $0x1082;
	s9 =	sld [smem:$0x3FB5]  }
0x2f: {  	lr =	sadd.s32 s0, s3;
	s0 =	sld [smem:$0x3FAC]  }
0x30: {  	s3 =	sld [smem:$0x3FAF]  }
0x31: {  	[smem:$0x3FB8] =	sst s10  }
0x32: {  	s10 =	sld [smem:$0x3FB6];
	_ =	sdelay $0x3  }
0x33: {  	p0 =	seq.s32 s10, $0x1;
	s10 =	sld [smem:$0x3FB8];
	_ =	sdelay $0x3  }
0x34: {  	[smem:$0x3FB8] =	sst s10  }
0x35: {  	s10 =	sld [smem:$0x3FB7];
	_ =	sdelay $0x3  }
0x36: {  	p1 =	seq.s32 s10, $0x1;
	s10 =	sld [smem:$0x3FB8];
	_ =	sdelay $0x3  }
0x37: {  	[smem:$0x3FB8] =	sst s10  }
0x38: {  	s10 =	sld [smem:$0x3FB9]  }
0x39: {  	_ = 	snop;
	(pc) =	sbr.ind lr, $3  }
0x3a: {  	_ = 	snop  }
0x3b: {  	_ = 	snop  }
0x3c: {  	p2 =	seq.s32 s10, $0x1;
	s10 =	sld [smem:$0x3FB8]  }
0x3d: {  	_ =	shalt  }
0x3e: {  	_ =	shalt  }
0x3f: {  	_ =	shalt  }
0x40: {  	_ =	shalt  }
0x41: {  	_ =	shalt  }
0x42: {  	_ =	shalt  }
0x43: {  	_ =	shalt  }
0x44: {  	_ =	shalt  }
0x45: {  	_ =	shalt  }
0x46: {  	_ =	shalt  }
0x47: {  	_ =	shalt  }
0x48: {  	_ =	shalt  }
0x49: {  	_ =	shalt  }
0x4a: {  	_ =	shalt  }
0x4b: {  	_ =	shalt  }
0x4c: {  	_ =	shalt  }
0x4d: {  	_ =	shalt  }
0x4e: {  	_ =	shalt  }
0x4f: {  	_ =	shalt  }
0x50: {  	_ =	shalt  }
0x51: {  	_ =	shalt  }
0x52: {  	_ =	shalt  }
0x53: {  	_ =	shalt  }
0x54: {  	_ =	shalt  }
0x55: {  	_ =	shalt  }
0x56: {  	_ =	shalt  }
0x57: {  	_ =	shalt  }
0x58: {  	_ =	shalt  }
0x59: {  	_ =	shalt  }
0x5a: {  	_ =	shalt  }
0x5b: {  	_ =	shalt  }
0x5c: {  	_ =	shalt  }
0x5d: {  	_ =	shalt  }
0x5e: {  	_ =	shalt  }
0x5f: {  	_ =	shalt  }
0x60: {  	_ =	shalt  }
0x61: {  	_ =	shalt  }
0x62: {  	_ =	shalt  }
0x63: {  	_ =	shalt  }
0x64: {  	_ =	shalt  }
0x65: {  	_ =	shalt  }
0x66: {  	_ =	shalt  }
0x67: {  	_ =	shalt  }
0x68: {  	_ =	shalt  }
0x69: {  	_ =	shalt  }
0x6a: {  	_ =	shalt  }
0x6b: {  	_ =	shalt  }
0x6c: {  	_ =	shalt  }
0x6d: {  	_ =	shalt  }
0x6e: {  	_ =	shalt  }
0x6f: {  	_ =	shalt  }
0x70: {  	_ =	shalt  }
0x71: {  	_ =	shalt  }
0x72: {  	_ =	shalt  }
0x73: {  	_ =	shalt  }
0x74: {  	_ =	shalt  }
0x75: {  	_ =	shalt  }
0x76: {  	_ =	shalt  }
0x77: {  	_ =	shalt  }
0x78: {  	_ =	shalt  }
0x79: {  	_ =	shalt  }
0x7a: {  	_ =	shalt  }
0x7b: {  	_ =	shalt  }
0x7c: {  	_ =	shalt  }
0x7d: {  	_ =	shalt  }
0x7e: {  	_ =	shalt  }
0x7f: {  	_ =	shalt  }
0x80: {  	_ =	shalt  }
0x81: {  	_ =	shalt  }
0x82: {  	_ =	shalt  }
0x83: {  	_ =	shalt  }
0x84: {  	_ =	shalt  }
0x85: {  	_ =	shalt  }
0x86: {  	_ =	shalt  }
0x87: {  	_ =	shalt  }
.Lfunc_end0:
.L_simem_size_0:
called_computation_lowered:
.L_overlay_start_0:
0x88: {  	s2 =	sld [smem:$0x3FD9]  }
0x89: {  	s3 =	sld [smem:$0x3FFE];
	_ =	sdelay $0x1  }
0x8a: {  	s1 =	srdreg.scid  }
0x8b: {  	s0 =	sand.u32 $0x1, s1  }
0x8c: {  	s17 =	sshll.u32 s0, $0xA;
	s2 =	sadd.s32 s3, s2  }
0x8d: {  	s2 =	sadd.s32 s2, s17  }
0x8e: {  	[smem:$0x3FC4] =	sst s2  }
0x8f: {  	_ = 	snop  }
0x90: {  	s2 =	sld [smem:$0x3FC9]  }
0x91: {  	s18 =	sld [smem:$0x3FC8]  }
0x92: {  	s4 =	sld [smem:$0x3FC7]  }
0x93: {  	s5 =	sld [smem:$0x3FC6]  }
0x94: {  	s6 =	sld [smem:$0x3FD0];
	(tm) =	ssettm $0x1  }
0x95: {  	s7 =	sld [smem:$0x3FFB];
	_ =	sdelay $0x3  }
0x96: {  	_ =	strace s7  }
0x97: {  	s7 =	sld [smem:$0x3FFC];
	_ =	sdelay $0x3  }
0x98: {  	_ =	strace s7  }
0x99: {  	s7 =	sld [smem:$0x3FFD];
	_ =	sdelay $0x3  }
0x9a: {  	_ =	strace s7  }
0x9b: {  	_ =	strace $0x8FFFFFFF  }
0x9c: {  	s19 =	sld [smem:$0x3FDB];
	_ =	sdelay $0x1  }
0x9d: {  	s8 =	simm.s32 $_scs_section_size  }
0x9e: {  	s9 =	simm.s32 $_size__tile_overlayer_lowered;
	s10 =	simm.s32 $_tile_overlayer_lowered  }
0x9f: {  	s22 =	simm.s32 $0x1BFF;
	s21 =	sshll.u32 s10, $0x1;
	s7 =	sadd.s32 s8, s19  }
0xa0: {  	s11 =	simm.s32 $0x0;
	s20 =	sshll.u32 s9, $0x1;
	s9 =	sadd.s32 s21, s7  }
0xa1: {  	[timem:s11], [sflag:s22] =	dma.local [hbm:s9], s20  }
0xa2: {  	_ =	swait.ge [sflag:s22], s20  }
0xa3: {  	s8 =	ssub.s32 $0x0, s20;
	[sflag:s22] =	ssyncset.done $0x0  }
0xa4: {  	[sflag:s22] =	ssyncadd.s32 s8;
	_ =	sdelay $0x1  }
0xa5: {  	s23 =	simm.s32 $0x1B8B  }
0xa6: {  	_ =	swait.ge [sflag:s23], $0x1  }
0xa7: {  	[sflag:s23] =	ssyncset.done $0x0  }
0xa8: {  	s25 =	simm.s32 $0x1B8E;
	s24 =	sld [smem:$0x3FFE];
	[sflag:s23] =	ssyncadd.s32 $0xFFFFFFFF  }
0xa9: {  	s26 =	simm.s32 $execute0_lowered;
	[smem:$0x3FD2] =	sst s25  }
0xaa: {  	s9 =	sshll.u32 s26, $0x1;
	_ =	strace $0x80000046;
	[dreg:$0x1] =	wrdreg $0xFFFFFFFF  }
0xab: {  	s28 =	simm.s32 $_size_execute0_lowered;
	s7 =	sadd.s32 s7, s9;
	[dreg:$0x0] =	wrdreg $0x0  }
0xac: {  	s9 =	sshll.u32 s28, $0x1;
	[dreg:$0x2] =	wrdreg s7  }
0xad: {  	[dreg:$0x3] =	wrdreg s9  }
0xae: {  	[dreg:$0x4] =	wrdreg $0xC0  }
0xaf: {  	_ =	task [dreg:s11], $0x5FFFF  }
0xb0: {  	[dreg:$0x1] =	wrdreg $0xFFFFFFFF  }
0xb1: {  	[dreg:$0x0] =	wrdreg $0x60  }
0xb2: {  	[dreg:$0x2] =	wrdreg s2  }
0xb3: {  	[dreg:$0x3] =	wrdreg s18  }
0xb4: {  	[dreg:$0x4] =	wrdreg s4  }
0xb5: {  	[dreg:$0x5] =	wrdreg s5  }
0xb6: {  	[dreg:$0x6] =	wrdreg s6  }
0xb7: {  	[dreg:$0x7] =	wrdreg s24  }
0xb8: {  	[dreg:$0x8] =	wrdreg $0x9  }
0xb9: {  	_ =	task.clear_ibuf [dreg:s11], $0x9FFFF;
	_ =	strace $0x90000046  }
0xba: {  	s29 =	simm.s32 $0x9;
	_ =	strace $0x80000048  }
0xbb: {  	_ =	swait.ge [sflag:s29], $0x1  }
0xbc: {  	[sflag:s29] =	ssyncadd.s32 $0xFFFFFFFF  }
0xbd: {  	_ =	strace $0x90000048  }
0xbe: {  	_ =	sfence  }
0xbf: {  	s30 =	sld [smem:$0x0];
	_ =	sdelay $0x2  }
0xc0: {  	s31 =	sshll.u32 s1, $0xD;
	s1 =	sshrl.u32 s1, $0x2  }
0xc1: {  	s3 =	sand.u32 $0x4000, s31;
	s1 =	sadd.s32 s1, s30  }
0xc2: {  	s0 =	sor.u32 s3, s0;
	s1 =	sshll.u32 s1, $0x11  }
0xc3: {  	s0 =	sor.u32 s1, s0  }
0xc4: {  	s0 =	sadd.s32 $0x8F2B, s0  }
0xc5: {  	[sflag:s0] =	ssyncadd.remote.s32 $0x1  }
0xc6: {  	_ =	sfence.sel $0xFFFF  }
0xc7: {  	[dreg:$0x0] =	wrdreg $0xFFFFFFFF;
	(pc) =	sbr.abs _section_cstart, $3  }
0xc8: {  	[dreg:$0x1] =	wrdreg $0xFFFFFFFF  }
0xc9: {  	_ =	task.clear_ibuf [dreg:s11], $0x2FFFF;
	_ =	strace $0x9FFFFFFF  }
0xca: {  	(tm) =	ssettm $0x7FFFFFFF  }
0xcb: {  	_ =	shalt  }
tec
execute0_lowered:
.L_overlay_start_1:
0x0: {  	(tag) =	ssettag $0x1  }
0x1: {  	s0 =	srdreg.scid;
	s1 =	stileid.u32  }
0x2: {  	s2 =	rddreg [dreg:$0x5];
	s5 =	simm.s32 $0x0;
	s15 =	simm.s32 $0x80  }
0x3: {  	s17 =	simm.s32 $0x1;
	s18 =	simm.s32 $0x8100;
	s16 =	simm.s32 $0x11900  }
0x4: {  	s14 =	simm.s32 $0x12100;
	s7 =	simm.s32 $0x12900;
	s19 =	simm.s32 $0x6100  }
0x5: {  	s20 =	simm.s32 $0x7100;
	s21 =	simm.s32 $0x14100;
	s22 =	simm.s32 $0x18100  }
0x6: {  	s23 =	simm.s32 $0x18180;
	s0 =	sand.u32 $0x1, s0;
	s1 =	sshll.u32 s1, $0x1  }
0x7: {  	[smem:$0x7FF] =	sst s5;
	s6 =	sadd.s32 $0x400, s2;
	s1 =	sor.u32 s0, s1  }
0x8: {  	s9 =	sadd.s32 $0xC00, s2;
	_ =	strace $0x80000047;
	s3 =	smul.u32 $0xF5, s1  }
0x9: {  	[dreg:$0x8] =	wrdreg s6;
	s0 =	ssub.s32 $0x2, s0;
	s4 =	smul.u32 $0x19, s1  }
0xa: {  	v2 =	vlaneseq.u32;
	s31 =	sshrl.u32 s0, $0x1;
	p0 =	seq.s32 s1, $0x1F;
	s12 =	smul.u32 $0x7A80, s1  }
0xb: {  	vm0 =	vmmov $0xffff;
	v5 =	vor.u32 $0x10, v2;
	s13 =	smul.u32 $0xC80, s1;
	s3 =	smin.u32 s3, $0x1D8F;
	s29 =	smin.u32 s4, $0x2F4  }
.Ltmp0:
0xc: {  	v6 =	vor.u32 $0x20, v2;
	v7 =	vor.u32 $0x30, v2;
	v8 =	vor.u32 $0x40, v2;
	s28 =	sshll.u32 s3, $0x7;
	s30 =	sshll.u32 s29, $0x7;
	(pc) =	sbr.rel .LBB2_1-.Ltmp0, $4  }
0xd: {  	v9 =	vor.u32 $0x50, v2;
	v10 =	vor.u32 $0x60, v2;
	v13 =	vshrl.u32 v2, $0x3;
	s0 =	ssub.s32 s0, s31;
	s10 =	sadd.s32 $0x7A80, s28;
	s11 =	sadd.s32 $0xC80, s30  }
0xe: {  	v11 =	vor.u32 $0x70, v2;
	v12 =	vand.u32 $0x7, v2;
	v14 =	vor.u32 $0x8, v2;
	s0 =	smax.u32 s0, $0x1;
	s4 =	smov.u32 s10;
	s2 =	smov.u32 s11  }
0xf: {  	v15 =	vmul.u32 $0x80, v2;
	v13 =	vmul.u32 $0x8, v13;
	v3 =	vmov s12;
	[dreg:$0x9] =	wrdreg s0;
	s4 =	simm.s32 @p0 $0x40000000;
	s2 =	simm.s32 @p0 $0x40000000  }
0x10: {  	v4 =	vmov s13;
	s3 =	simm.s32 $0x13100;
	p0 =	sne.s32 s1, $0x1F;
	v0 =	vmov s4;
	v1 =	vmov s2;
	s4 =	simm.s32 $0x13900  }
.LBB2_61:
0x11: {  	s5 =	rddreg [dreg:$0x7]  }
0x12: {  	s0 =	rddreg [dreg:$0x9];
	s5 =	sadd.s32 $0x1, s5  }
0x13: {  	p1 =	sne.s32 s5, s0  }
.Ltmp1:
0x14: {  	_ = 	snop;
	(pc) =	sbr.rel @!p1 .LBB2_62-.Ltmp1, $1  }
0x15: {  	_ =	sdelay $0x3  }
.LBB2_1:
0x16: {  	[tilespmem:$0x0] =	vst v2  }
0x17: {  	[tilespmem:$0x10] =	vst v5  }
0x18: {  	[tilespmem:$0x80] =	vst v2  }
0x19: {  	[tilespmem:$0x90] =	vst v5  }
0x1a: {  	[tilespmem:$0xA0] =	vst v6  }
0x1b: {  	[tilespmem:$0xB0] =	vst v7  }
0x1c: {  	[tilespmem:$0xC0] =	vst v8  }
0x1d: {  	[tilespmem:$0xD0] =	vst v9  }
0x1e: {  	[dreg:$0x7] =	wrdreg s5;
	[tilespmem:$0xE0] =	vst v10  }
0x1f: {  	[tilespmem:$0xF0] =	vst v11;
	s0 =	rddreg [dreg:$0x0];
	s1 =	simm.s32 $0x100  }
0x20: {  	[tilespmem:s1], [sflag:$0x1] =	stream.indirect.gather [hbm4b:s0+s15], $0x80, s15, s15, $0xb8;
	[tilespmem:$0x1C180] =	vst v63  }
0x21: {  	_ =	swait.ge [sflag:s17], $0x4000  }
0x22: {  	[sflag:s17] =	ssyncset.done $0x0  }
0x23: {  	s5 =	simm.s32 $0x140;
	[sflag:s17] =	ssyncadd.s32 $0xFFFFC000  }
0x24: {  	v16 =	vld [tilespmem:s5+$0xFFFFFFC0];
	_ =	sdelay $0x4  }
0x25: {  	p1 =	por $0x1, $0x1;
	s6 =	simm.s32 $0x0;
	vm1 =	vge.s32 v16, v3;
	vm2 =	vlt.s32 v16, v0  }
0x26: {  	s24 =	simm.s32 $0x0;
	s6 =	simm.s32 @!p1 $0xFF0;
	vm1 =	vmand vm1, vm2  }
0x27: {  	v17 =	vor.u32 s24, v2;
	[tilespmem:s6+$0x4100] =	vst.msk vm1, v16;
	v16 =	vmpcnt.ones.xlane vm1  }
0x28: {  	[tilespmem:s6+$0x5100] =	vst.msk vm1, v17  }
0x29: {  	v17 =	vld [tilespmem:s5+$0xFFFFFFD0];
	(v2sf) =	vpush v16, $0x0;
	_ =	sdelay $0x4  }
0x2a: {  	vm1 =	vge.s32 v17, v3;
	vm2 =	vlt.s32 v17, v0  }
0x2b: {  	vm1 =	vmand vm1, vm2  }
0x2c: {  	v16 =	vmpcnt.ones.xlane vm1;
	_ =	sdelay $0x1  }
0x2d: {  	(v2sf) =	vpush v16, $0x0;
	_ =	sdelay $0x5  }
0x2e: {  	s28 =	spop (v2sf)  }
0x2f: {  	s6 =	sadd.s32 $0x0, s28  }
0x30: {  	p1 =	slt.s32 s6, $0xFF0;
	s24 =	smov.u32 s6  }
0x31: {  	s25 =	simm.s32 $0x10;
	s24 =	simm.s32 @!p1 $0xFF0  }
0x32: {  	v16 =	vor.u32 s25, v2;
	[tilespmem:s24+$0x4100] =	vst.msk vm1, v17  }
0x33: {  	[tilespmem:s24+$0x5100] =	vst.msk vm1, v16  }
0x34: {  	v16 =	vld [tilespmem:s5+$0xFFFFFFE0];
	_ =	sdelay $0x2  }
0x35: {  	s29 =	spop (v2sf)  }
0x36: {  	s6 =	sadd.s32 s6, s29  }
0x37: {  	vm1 =	vge.s32 v16, v3;
	vm2 =	vlt.s32 v16, v0;
	p1 =	slt.s32 s6, $0xFF0;
	s24 =	smov.u32 s6  }
0x38: {  	s30 =	simm.s32 $0x20;
	vm1 =	vmand vm1, vm2;
	s24 =	simm.s32 @!p1 $0xFF0  }
0x39: {  	v17 =	vor.u32 s30, v2;
	[tilespmem:s24+$0x4100] =	vst.msk vm1, v16;
	v16 =	vmpcnt.ones.xlane vm1  }
0x3a: {  	[tilespmem:s24+$0x5100] =	vst.msk vm1, v17  }
0x3b: {  	v17 =	vld [tilespmem:s5+$0xFFFFFFF0];
	(v2sf) =	vpush v16, $0x0;
	_ =	sdelay $0x4  }
0x3c: {  	vm1 =	vge.s32 v17, v3;
	vm2 =	vlt.s32 v17, v0  }
0x3d: {  	vm1 =	vmand vm1, vm2  }
0x3e: {  	v16 =	vmpcnt.ones.xlane vm1;
	_ =	sdelay $0x1  }
0x3f: {  	(v2sf) =	vpush v16, $0x0;
	_ =	sdelay $0x5  }
0x40: {  	s31 =	spop (v2sf)  }
0x41: {  	s6 =	sadd.s32 s6, s31  }
0x42: {  	p1 =	slt.s32 s6, $0xFF0;
	s24 =	smov.u32 s6  }
0x43: {  	s0 =	simm.s32 $0x30;
	s24 =	simm.s32 @!p1 $0xFF0  }
0x44: {  	v16 =	vor.u32 s0, v2;
	[tilespmem:s24+$0x4100] =	vst.msk vm1, v17  }
0x45: {  	[tilespmem:s24+$0x5100] =	vst.msk vm1, v16  }
0x46: {  	v16 =	vld [tilespmem:s5+$0x0];
	_ =	sdelay $0x2  }
0x47: {  	s2 =	spop (v2sf)  }
0x48: {  	s6 =	sadd.s32 s6, s2  }
0x49: {  	vm1 =	vge.s32 v16, v3;
	vm2 =	vlt.s32 v16, v0;
	p1 =	slt.s32 s6, $0xFF0;
	s24 =	smov.u32 s6  }
0x4a: {  	s8 =	simm.s32 $0x40;
	vm1 =	vmand vm1, vm2;
	s24 =	simm.s32 @!p1 $0xFF0  }
0x4b: {  	v17 =	vor.u32 s8, v2;
	[tilespmem:s24+$0x4100] =	vst.msk vm1, v16;
	v16 =	vmpcnt.ones.xlane vm1  }
0x4c: {  	[tilespmem:s24+$0x5100] =	vst.msk vm1, v17  }
0x4d: {  	v17 =	vld [tilespmem:s5+$0x10];
	(v2sf) =	vpush v16, $0x0;
	_ =	sdelay $0x4  }
0x4e: {  	vm1 =	vge.s32 v17, v3;
	vm2 =	vlt.s32 v17, v0  }
0x4f: {  	vm1 =	vmand vm1, vm2  }
0x50: {  	v16 =	vmpcnt.ones.xlane vm1;
	_ =	sdelay $0x1  }
0x51: {  	(v2sf) =	vpush v16, $0x0;
	_ =	sdelay $0x5  }
0x52: {  	s26 =	spop (v2sf)  }
0x53: {  	s6 =	sadd.s32 s6, s26  }
0x54: {  	p1 =	slt.s32 s6, $0xFF0;
	s24 =	smov.u32 s6  }
0x55: {  	s28 =	simm.s32 $0x50;
	s24 =	simm.s32 @!p1 $0xFF0  }
0x56: {  	v16 =	vor.u32 s28, v2;
	[tilespmem:s24+$0x4100] =	vst.msk vm1, v17  }
0x57: {  	[tilespmem:s24+$0x5100] =	vst.msk vm1, v16  }
0x58: {  	v16 =	vld [tilespmem:s5+$0x20];
	_ =	sdelay $0x2  }
0x59: {  	s29 =	spop (v2sf)  }
0x5a: {  	s6 =	sadd.s32 s6, s29  }
0x5b: {  	vm1 =	vge.s32 v16, v3;
	vm2 =	vlt.s32 v16, v0;
	p1 =	slt.s32 s6, $0xFF0;
	s24 =	smov.u32 s6  }
0x5c: {  	s30 =	simm.s32 $0x60;
	vm1 =	vmand vm1, vm2;
	s24 =	simm.s32 @!p1 $0xFF0  }
0x5d: {  	v17 =	vor.u32 s30, v2;
	[tilespmem:s24+$0x4100] =	vst.msk vm1, v16  }
0x5e: {  	[tilespmem:s24+$0x5100] =	vst.msk vm1, v17;
	v17 =	vmpcnt.ones.xlane vm1  }
0x5f: {  	v16 =	vld [tilespmem:s5+$0x30]  }
0x60: {  	(v2sf) =	vpush v17, $0x0;
	_ =	sdelay $0x3  }
0x61: {  	vm1 =	vge.s32 v16, v3;
	vm2 =	vlt.s32 v16, v0  }
0x62: {  	vm1 =	vmand vm1, vm2  }
0x63: {  	v17 =	vmpcnt.ones.xlane vm1;
	_ =	sdelay $0x1  }
0x64: {  	(v2sf) =	vpush v17, $0x0;
	_ =	sdelay $0x6  }
0x65: {  	s31 =	spop (v2sf)  }
0x66: {  	s6 =	sadd.s32 s6, s31  }
0x67: {  	p1 =	slt.s32 s6, $0xFF0;
	s5 =	smov.u32 s6  }
0x68: {  	s1 =	simm.s32 $0x70;
	s5 =	simm.s32 @!p1 $0xFF0  }
0x69: {  	v17 =	vor.u32 s1, v2;
	[tilespmem:s5+$0x4100] =	vst.msk vm1, v16  }
0x6a: {  	[tilespmem:s5+$0x5100] =	vst.msk vm1, v17;
	s5 =	simm.s32 $0x1C0  }
0x6b: {  	v16 =	vld [tilespmem:s5+$0xFFFFFFC0];
	_ =	sdelay $0x1  }
0x6c: {  	s24 =	simm.s32 $0x170;
	s1 =	simm.s32 $0xF0;
	s25 =	spop (v2sf)  }
.LBB2_2:
0x6d: {  	p1 =	seq.s32 s24, $0x3FF0  }
0x6e: {  	s6 =	sadd.s32 s6, s25;
	s25 =	smov.u32 s24;
	s24 =	sadd.s32 $0x80, s24  }
0x6f: {  	vm1 =	vge.s32 v16, v3;
	vm2 =	vlt.s32 v16, v0;
	p2 =	slt.s32 s6, $0xFF0;
	s28 =	smov.u32 s6  }
0x70: {  	s26 =	sadd.s32 $0xFFFFFF90, s1;
	vm1 =	vmand vm1, vm2;
	s28 =	simm.s32 @!p2 $0xFF0  }
0x71: {  	v17 =	vor.u32 s26, v2;
	[tilespmem:s28+$0x4100] =	vst.msk vm1, v16;
	v16 =	vmpcnt.ones.xlane vm1  }
0x72: {  	[tilespmem:s28+$0x5100] =	vst.msk vm1, v17  }
0x73: {  	v17 =	vld [tilespmem:s5+$0xFFFFFFD0];
	(v2sf) =	vpush v16, $0x0;
	_ =	sdelay $0x4  }
0x74: {  	vm1 =	vge.s32 v17, v3;
	vm2 =	vlt.s32 v17, v0  }
0x75: {  	vm1 =	vmand vm1, vm2  }
0x76: {  	v16 =	vmpcnt.ones.xlane vm1;
	_ =	sdelay $0x1  }
0x77: {  	(v2sf) =	vpush v16, $0x0;
	_ =	sdelay $0x5  }
0x78: {  	s26 =	spop (v2sf)  }
0x79: {  	s6 =	sadd.s32 s6, s26  }
0x7a: {  	p2 =	slt.s32 s6, $0xFF0;
	s28 =	smov.u32 s6  }
0x7b: {  	s26 =	sadd.s32 $0xFFFFFFA0, s1;
	s28 =	simm.s32 @!p2 $0xFF0  }
0x7c: {  	v16 =	vor.u32 s26, v2;
	[tilespmem:s28+$0x4100] =	vst.msk vm1, v17  }
0x7d: {  	[tilespmem:s28+$0x5100] =	vst.msk vm1, v16  }
0x7e: {  	v16 =	vld [tilespmem:s5+$0xFFFFFFE0];
	_ =	sdelay $0x2  }
0x7f: {  	s26 =	spop (v2sf)  }
0x80: {  	s6 =	sadd.s32 s6, s26  }
0x81: {  	vm1 =	vge.s32 v16, v3;
	vm2 =	vlt.s32 v16, v0;
	p2 =	slt.s32 s6, $0xFF0;
	s28 =	smov.u32 s6  }
0x82: {  	s26 =	sadd.s32 $0xFFFFFFB0, s1;
	vm1 =	vmand vm1, vm2;
	s28 =	simm.s32 @!p2 $0xFF0  }
0x83: {  	v17 =	vor.u32 s26, v2;
	[tilespmem:s28+$0x4100] =	vst.msk vm1, v16;
	v16 =	vmpcnt.ones.xlane vm1  }
0x84: {  	[tilespmem:s28+$0x5100] =	vst.msk vm1, v17  }
0x85: {  	v17 =	vld [tilespmem:s5+$0xFFFFFFF0];
	(v2sf) =	vpush v16, $0x0;
	_ =	sdelay $0x4  }
0x86: {  	vm1 =	vge.s32 v17, v3;
	vm2 =	vlt.s32 v17, v0  }
0x87: {  	vm1 =	vmand vm1, vm2  }
0x88: {  	v16 =	vmpcnt.ones.xlane vm1;
	_ =	sdelay $0x1  }
0x89: {  	(v2sf) =	vpush v16, $0x0;
	_ =	sdelay $0x5  }
0x8a: {  	s26 =	spop (v2sf)  }
0x8b: {  	s6 =	sadd.s32 s6, s26  }
0x8c: {  	p2 =	slt.s32 s6, $0xFF0;
	s28 =	smov.u32 s6  }
0x8d: {  	s26 =	sadd.s32 $0xFFFFFFC0, s1;
	s28 =	simm.s32 @!p2 $0xFF0  }
0x8e: {  	v16 =	vor.u32 s26, v2;
	[tilespmem:s28+$0x4100] =	vst.msk vm1, v17  }
0x8f: {  	[tilespmem:s28+$0x5100] =	vst.msk vm1, v16  }
0x90: {  	v16 =	vld [tilespmem:s5+$0x0];
	_ =	sdelay $0x2  }
0x91: {  	s26 =	spop (v2sf)  }
0x92: {  	s6 =	sadd.s32 s6, s26  }
0x93: {  	vm1 =	vge.s32 v16, v3;
	vm2 =	vlt.s32 v16, v0;
	p2 =	slt.s32 s6, $0xFF0;
	s28 =	smov.u32 s6  }
0x94: {  	s26 =	sadd.s32 $0xFFFFFFD0, s1;
	vm1 =	vmand vm1, vm2;
	s28 =	simm.s32 @!p2 $0xFF0  }
0x95: {  	v17 =	vor.u32 s26, v2;
	[tilespmem:s28+$0x4100] =	vst.msk vm1, v16;
	v16 =	vmpcnt.ones.xlane vm1  }
0x96: {  	[tilespmem:s28+$0x5100] =	vst.msk vm1, v17  }
0x97: {  	v17 =	vld [tilespmem:s5+$0x10];
	(v2sf) =	vpush v16, $0x0;
	_ =	sdelay $0x4  }
0x98: {  	vm1 =	vge.s32 v17, v3;
	vm2 =	vlt.s32 v17, v0  }
0x99: {  	vm1 =	vmand vm1, vm2  }
0x9a: {  	v16 =	vmpcnt.ones.xlane vm1;
	_ =	sdelay $0x1  }
0x9b: {  	(v2sf) =	vpush v16, $0x0;
	_ =	sdelay $0x5  }
0x9c: {  	s26 =	spop (v2sf)  }
0x9d: {  	s6 =	sadd.s32 s6, s26  }
0x9e: {  	p2 =	slt.s32 s6, $0xFF0;
	s28 =	smov.u32 s6  }
0x9f: {  	s26 =	sadd.s32 $0xFFFFFFE0, s1;
	s28 =	simm.s32 @!p2 $0xFF0  }
0xa0: {  	v16 =	vor.u32 s26, v2;
	[tilespmem:s28+$0x4100] =	vst.msk vm1, v17  }
0xa1: {  	[tilespmem:s28+$0x5100] =	vst.msk vm1, v16  }
0xa2: {  	v16 =	vld [tilespmem:s5+$0x20];
	_ =	sdelay $0x2  }
0xa3: {  	s26 =	spop (v2sf)  }
0xa4: {  	s6 =	sadd.s32 s6, s26  }
0xa5: {  	vm1 =	vge.s32 v16, v3;
	vm2 =	vlt.s32 v16, v0;
	p2 =	slt.s32 s6, $0xFF0;
	s28 =	smov.u32 s6  }
0xa6: {  	s26 =	sadd.s32 $0xFFFFFFF0, s1;
	vm1 =	vmand vm1, vm2;
	s28 =	simm.s32 @!p2 $0xFF0  }
0xa7: {  	v17 =	vor.u32 s26, v2;
	[tilespmem:s28+$0x4100] =	vst.msk vm1, v16;
	v16 =	vmpcnt.ones.xlane vm1  }
0xa8: {  	[tilespmem:s28+$0x5100] =	vst.msk vm1, v17  }
0xa9: {  	v17 =	vld [tilespmem:s5+$0x30];
	(v2sf) =	vpush v16, $0x0;
	_ =	sdelay $0x4  }
0xaa: {  	vm1 =	vge.s32 v17, v3;
	vm2 =	vlt.s32 v17, v0  }
0xab: {  	vm1 =	vmand vm1, vm2  }
0xac: {  	v16 =	vmpcnt.ones.xlane vm1;
	_ =	sdelay $0x1  }
0xad: {  	(v2sf) =	vpush v16, $0x0;
	_ =	sdelay $0x5  }
0xae: {  	s26 =	spop (v2sf)  }
0xaf: {  	s6 =	sadd.s32 s6, s26  }
0xb0: {  	p2 =	slt.s32 s6, $0xFF0;
	s26 =	smov.u32 s6  }
0xb1: {  	s26 =	simm.s32 @!p2 $0xFF0  }
0xb2: {  	v16 =	vor.u32 s1, v2;
	s1 =	smov.u32 s25;
	[tilespmem:s26+$0x4100] =	vst.msk vm1, v17  }
.Ltmp2:
0xb3: {  	s5 =	sadd.s32 $0x80, s5;
	[tilespmem:s26+$0x5100] =	vst.msk vm1, v16;
	(pc) =	sbr.rel @!p1 .LBB2_2-.Ltmp2, $2  }
0xb4: {  	v16 =	vld [tilespmem:s5+$0xFFFFFFC0];
	_ =	sdelay $0x2  }
0xb5: {  	s25 =	spop (v2sf)  }
0xb6: {  	s6 =	sadd.s32 s6, s25  }
0xb7: {  	vm1 =	vge.s32 v16, v3;
	vm2 =	vlt.s32 v16, v0;
	p1 =	slt.s32 s6, $0xFF0;
	s24 =	smov.u32 s6  }
0xb8: {  	s0 =	sadd.s32 $0xFFFFFF90, s1;
	vm1 =	vmand vm1, vm2;
	s24 =	simm.s32 @!p1 $0xFF0  }
0xb9: {  	v17 =	vor.u32 s0, v2;
	[tilespmem:s24+$0x4100] =	vst.msk vm1, v16;
	v16 =	vmpcnt.ones.xlane vm1  }
0xba: {  	[tilespmem:s24+$0x5100] =	vst.msk vm1, v17  }
0xbb: {  	v17 =	vld [tilespmem:s5+$0xFFFFFFD0];
	(v2sf) =	vpush v16, $0x0;
	_ =	sdelay $0x4  }
0xbc: {  	vm1 =	vge.s32 v17, v3;
	vm2 =	vlt.s32 v17, v0  }
0xbd: {  	vm1 =	vmand vm1, vm2  }
0xbe: {  	v16 =	vmpcnt.ones.xlane vm1;
	_ =	sdelay $0x1  }
0xbf: {  	(v2sf) =	vpush v16, $0x0;
	_ =	sdelay $0x5  }
0xc0: {  	s2 =	spop (v2sf)  }
0xc1: {  	s6 =	sadd.s32 s6, s2  }
0xc2: {  	p1 =	slt.s32 s6, $0xFF0;
	s24 =	smov.u32 s6  }
0xc3: {  	s8 =	sadd.s32 $0xFFFFFFA0, s1;
	s24 =	simm.s32 @!p1 $0xFF0  }
0xc4: {  	v16 =	vor.u32 s8, v2;
	[tilespmem:s24+$0x4100] =	vst.msk vm1, v17  }
0xc5: {  	[tilespmem:s24+$0x5100] =	vst.msk vm1, v16  }
0xc6: {  	v16 =	vld [tilespmem:s5+$0xFFFFFFE0];
	_ =	sdelay $0x2  }
0xc7: {  	s26 =	spop (v2sf)  }
0xc8: {  	s6 =	sadd.s32 s6, s26  }
0xc9: {  	vm1 =	vge.s32 v16, v3;
	vm2 =	vlt.s32 v16, v0;
	p1 =	slt.s32 s6, $0xFF0;
	s24 =	smov.u32 s6  }
0xca: {  	s28 =	sadd.s32 $0xFFFFFFB0, s1;
	vm1 =	vmand vm1, vm2;
	s24 =	simm.s32 @!p1 $0xFF0  }
0xcb: {  	v17 =	vor.u32 s28, v2;
	[tilespmem:s24+$0x4100] =	vst.msk vm1, v16;
	v16 =	vmpcnt.ones.xlane vm1  }
0xcc: {  	[tilespmem:s24+$0x5100] =	vst.msk vm1, v17  }
0xcd: {  	v17 =	vld [tilespmem:s5+$0xFFFFFFF0];
	(v2sf) =	vpush v16, $0x0;
	_ =	sdelay $0x4  }
0xce: {  	vm1 =	vge.s32 v17, v3;
	vm2 =	vlt.s32 v17, v0  }
0xcf: {  	vm1 =	vmand vm1, vm2  }
0xd0: {  	v16 =	vmpcnt.ones.xlane vm1;
	_ =	sdelay $0x1  }
0xd1: {  	(v2sf) =	vpush v16, $0x0;
	_ =	sdelay $0x5  }
0xd2: {  	s29 =	spop (v2sf)  }
0xd3: {  	s6 =	sadd.s32 s6, s29  }
0xd4: {  	p1 =	slt.s32 s6, $0xFF0;
	s24 =	smov.u32 s6  }
0xd5: {  	s30 =	sadd.s32 $0xFFFFFFC0, s1;
	s24 =	simm.s32 @!p1 $0xFF0  }
0xd6: {  	v16 =	vor.u32 s30, v2;
	[tilespmem:s24+$0x4100] =	vst.msk vm1, v17  }
0xd7: {  	[tilespmem:s24+$0x5100] =	vst.msk vm1, v16  }
0xd8: {  	v16 =	vld [tilespmem:s5+$0x0];
	_ =	sdelay $0x2  }
0xd9: {  	s31 =	spop (v2sf)  }
0xda: {  	s6 =	sadd.s32 s6, s31  }
0xdb: {  	vm1 =	vge.s32 v16, v3;
	vm2 =	vlt.s32 v16, v0;
	p1 =	slt.s32 s6, $0xFF0;
	s24 =	smov.u32 s6  }
0xdc: {  	s0 =	sadd.s32 $0xFFFFFFD0, s1;
	vm1 =	vmand vm1, vm2;
	s24 =	simm.s32 @!p1 $0xFF0  }
0xdd: {  	v17 =	vor.u32 s0, v2;
	[tilespmem:s24+$0x4100] =	vst.msk vm1, v16;
	v16 =	vmpcnt.ones.xlane vm1  }
0xde: {  	[tilespmem:s24+$0x5100] =	vst.msk vm1, v17  }
0xdf: {  	v17 =	vld [tilespmem:s5+$0x10];
	(v2sf) =	vpush v16, $0x0;
	_ =	sdelay $0x4  }
0xe0: {  	vm1 =	vge.s32 v17, v3;
	vm2 =	vlt.s32 v17, v0  }
0xe1: {  	vm1 =	vmand vm1, vm2  }
0xe2: {  	v16 =	vmpcnt.ones.xlane vm1;
	_ =	sdelay $0x1  }
0xe3: {  	(v2sf) =	vpush v16, $0x0;
	_ =	sdelay $0x5  }
0xe4: {  	s2 =	spop (v2sf)  }
0xe5: {  	s6 =	sadd.s32 s6, s2  }
0xe6: {  	p1 =	slt.s32 s6, $0xFF0;
	s24 =	smov.u32 s6  }
0xe7: {  	s8 =	sadd.s32 $0xFFFFFFE0, s1;
	s24 =	simm.s32 @!p1 $0xFF0  }
0xe8: {  	v16 =	vor.u32 s8, v2;
	[tilespmem:s24+$0x4100] =	vst.msk vm1, v17  }
0xe9: {  	[tilespmem:s24+$0x5100] =	vst.msk vm1, v16  }
0xea: {  	v16 =	vld [tilespmem:s5+$0x20];
	_ =	sdelay $0x2  }
0xeb: {  	s25 =	spop (v2sf)  }
0xec: {  	s6 =	sadd.s32 s6, s25  }
0xed: {  	vm1 =	vge.s32 v16, v3;
	vm2 =	vlt.s32 v16, v0;
	p1 =	slt.s32 s6, $0xFF0;
	s24 =	smov.u32 s6  }
0xee: {  	s26 =	sadd.s32 $0xFFFFFFF0, s1;
	vm1 =	vmand vm1, vm2;
	s24 =	simm.s32 @!p1 $0xFF0  }
0xef: {  	v17 =	vor.u32 s26, v2;
	[tilespmem:s24+$0x4100] =	vst.msk vm1, v16  }
0xf0: {  	[tilespmem:s24+$0x5100] =	vst.msk vm1, v17  }
0xf1: {  	v16 =	vld [tilespmem:s5+$0x30];
	_ =	sdelay $0x4  }
0xf2: {  	v17 =	vmpcnt.ones.xlane vm1;
	vm1 =	vge.s32 v16, v3;
	vm2 =	vlt.s32 v16, v0  }
0xf3: {  	vm1 =	vmand vm1, vm2  }
0xf4: {  	(v2sf) =	vpush v17, $0x0;
	v17 =	vmpcnt.ones.xlane vm1;
	_ =	sdelay $0x1  }
0xf5: {  	(v2sf) =	vpush v17, $0x0;
	_ =	sdelay $0xd  }
0xf6: {  	s28 =	spop (v2sf)  }
0xf7: {  	s5 =	sadd.s32 s6, s28;
	s29 =	spop (v2sf)  }
0xf8: {  	v17 =	vor.u32 s1, v2;
	s1 =	sadd.s32 s5, s29  }
0xf9: {  	p1 =	slt.s32 s5, $0xFF0;
	s6 =	smov.u32 s5;
	s5 =	sadd.s32 $0xF, s1  }
0xfa: {  	s6 =	simm.s32 @!p1 $0xFF0;
	s30 =	sand.u32 $0xF, s5  }
0xfb: {  	[tilespmem:s6+$0x4100] =	vst.msk vm1, v16;
	s31 =	sshra.s32 s5, $0x1F;
	p2 =	slt.s32 s5, $0x1;
	p6 =	sne.s32 s30, $0x0  }
.Ltmp3:
0xfc: {  	[tilespmem:s6+$0x5100] =	vst.msk vm1, v17;
	s6 =	sshrl.u32 s31, $0x1C;
	p1 =	por !p2, !p6;
	(pc) =	sbr.rel .LBB2_4-.Ltmp3, $4  }
0xfd: {  	s5 =	sadd.s32 s6, s5;
	s6 =	simm.s32 $0x1;
	p1 =	por !p1, !p1  }
0xfe: {  	s5 =	sshra.s32 s5, $0x4;
	s6 =	simm.s32 @!p1 $0x0  }
0xff: {  	s24 =	ssub.s32 s5, s6  }
0x100: {  	s25 =	simm.s32 $0x0;
	v16 =	vmov s1;
	p1 =	slt.s32 s24, $0x1  }
.LBB2_17:
0x101: {  	s25 =	sadd.s32 $0x1, s25  }
0x102: {  	p2 =	sne.s32 s25, $0x15  }
.Ltmp4:
0x103: {  	_ = 	snop;
	(pc) =	sbr.rel @!p2 .LBB2_18-.Ltmp4, $1  }
0x104: {  	_ =	sdelay $0x3  }
.LBB2_4:
0x105: {  	s1 =	smul.u32 $0x600, s25;
	_ =	sdelay $0x1  }
0x106: {  	s5 =	sadd.s32 s12, s1  }
0x107: {  	p2 =	sle.u32 s10, s5  }
.Ltmp5:
0x108: {  	_ = 	snop;
	(pc) =	sbr.rel @p2 .LBB2_17-.Ltmp5, $1  }
0x109: {  	_ =	sdelay $0x3  }
0x10a: {  	v17 =	vld [tilespmem:$0x0];
	_ =	sdelay $0x4  }
0x10b: {  	v18 =	vshrl.u32 v17, $0x3  }
0x10c: {  	v18 =	vmul.u32 $0xF428, v18  }
0x10d: {  	v17 =	vand.u32 $0x7, v17  }
0x10e: {  	v17 =	vor.u32 v17, v18  }
0x10f: {  	s1 =	sadd.s32 $0x600, s5;
	v18 =	vperm.xlane v17, v12  }
0x110: {  	s29 =	smov.u32 s10;
	p2 =	slt.s32 s1, s10  }
0x111: {  	s29 =	smov.u32 @p2 s1;
	v18 =	vadd.s32 v13, v18  }
0x112: {  	p2 =	sgt.s32 s29, $0x600;
	s1 =	smov.u32 s29  }
0x113: {  	s1 =	simm.s32 @!p2 $0x600  }
0x114: {  	s0 =	rddreg [dreg:$0x2];
	s1 =	sadd.s32 $0xFFFFFA00, s1  }
0x115: {  	s28 =	simm.s32 $0x0;
	s6 =	sadd.s32 s0, s1  }
0x116: {  	[tilespmem:s18], [sflag:$0x1] =	stream.indirect_vreg.gather [hbm4b:s6+s28], $0x80, v18, vm0, $0xb8;
	[tilespmem:$0x1C180] =	vst v63  }
0x117: {  	s31 =	simm.s32 $0x8900;
	s26 =	sadd.s32 $0x100, s6  }
0x118: {  	[tilespmem:s31], [sflag:$0x1] =	stream.indirect_vreg.gather [hbm4b:s26+s28], $0x80, v18, vm0, $0xb8;
	[tilespmem:$0x1C180] =	vst v63  }
0x119: {  	s2 =	simm.s32 $0x9100;
	s30 =	sadd.s32 $0x200, s6  }
0x11a: {  	[tilespmem:s2], [sflag:$0x1] =	stream.indirect_vreg.gather [hbm4b:s30+s28], $0x80, v18, vm0, $0xb8;
	[tilespmem:$0x1C180] =	vst v63  }
0x11b: {  	s8 =	simm.s32 $0x9900;
	v17 =	vperm.xlane v17, v14;
	s31 =	sadd.s32 $0x300, s6  }
0x11c: {  	[tilespmem:s8], [sflag:$0x1] =	stream.indirect_vreg.gather [hbm4b:s31+s28], $0x80, v18, vm0, $0xb8;
	[tilespmem:$0x1C180] =	vst v63  }
0x11d: {  	s0 =	sadd.s32 $0x400, s6;
	v17 =	vadd.s32 v13, v17;
	s2 =	simm.s32 $0xA100  }
0x11e: {  	[tilespmem:s2], [sflag:$0x1] =	stream.indirect_vreg.gather [hbm4b:s0+s28], $0x80, v18, vm0, $0xb8;
	[tilespmem:$0x1C180] =	vst v63  }
0x11f: {  	s8 =	simm.s32 $0xA900;
	s2 =	sadd.s32 $0x500, s6  }
0x120: {  	[tilespmem:s8], [sflag:$0x1] =	stream.indirect_vreg.gather [hbm4b:s2+s28], $0x80, v18, vm0, $0xb8;
	[tilespmem:$0x1C180] =	vst v63  }
0x121: {  	s8 =	simm.s32 $0xB100  }
0x122: {  	[tilespmem:s8], [sflag:$0x1] =	stream.indirect_vreg.gather [hbm4b:s6+s28], $0x80, v17, vm0, $0xb8;
	[tilespmem:$0x1C180] =	vst v63  }
0x123: {  	s8 =	simm.s32 $0xB900  }
0x124: {  	[tilespmem:s8], [sflag:$0x1] =	stream.indirect_vreg.gather [hbm4b:s26+s28], $0x80, v17, vm0, $0xb8;
	[tilespmem:$0x1C180] =	vst v63  }
0x125: {  	s8 =	simm.s32 $0xC100  }
0x126: {  	[tilespmem:s8], [sflag:$0x1] =	stream.indirect_vreg.gather [hbm4b:s30+s28], $0x80, v17, vm0, $0xb8;
	[tilespmem:$0x1C180] =	vst v63  }
0x127: {  	s8 =	simm.s32 $0xC900  }
0x128: {  	[tilespmem:s8], [sflag:$0x1] =	stream.indirect_vreg.gather [hbm4b:s31+s28], $0x80, v17, vm0, $0xb8;
	[tilespmem:$0x1C180] =	vst v63  }
0x129: {  	s8 =	simm.s32 $0xD100  }
0x12a: {  	[tilespmem:s8], [sflag:$0x1] =	stream.indirect_vreg.gather [hbm4b:s0+s28], $0x80, v17, vm0, $0xb8;
	[tilespmem:$0x1C180] =	vst v63  }
0x12b: {  	s8 =	simm.s32 $0xD900  }
0x12c: {  	[tilespmem:s8], [sflag:$0x1] =	stream.indirect_vreg.gather [hbm4b:s2+s28], $0x80, v17, vm0, $0xb8;
	[tilespmem:$0x1C180] =	vst v63  }
0x12d: {  	v17 =	vld [tilespmem:$0x10];
	_ =	sdelay $0x4  }
0x12e: {  	v18 =	vshrl.u32 v17, $0x3  }
0x12f: {  	v18 =	vmul.u32 $0xF428, v18  }
0x130: {  	v17 =	vand.u32 $0x7, v17  }
0x131: {  	v17 =	vor.u32 v17, v18  }
0x132: {  	v18 =	vperm.xlane v17, v12;
	_ =	sdelay $0x1  }
0x133: {  	v18 =	vadd.s32 v13, v18;
	_ =	sdelay $0x3  }
0x134: {  	s8 =	simm.s32 $0xE100  }
0x135: {  	[tilespmem:s8], [sflag:$0x1] =	stream.indirect_vreg.gather [hbm4b:s6+s28], $0x80, v18, vm0, $0xb8;
	[tilespmem:$0x1C180] =	vst v63  }
0x136: {  	s8 =	simm.s32 $0xE900  }
0x137: {  	[tilespmem:s8], [sflag:$0x1] =	stream.indirect_vreg.gather [hbm4b:s26+s28], $0x80, v18, vm0, $0xb8;
	[tilespmem:$0x1C180] =	vst v63  }
0x138: {  	s8 =	simm.s32 $0xF100  }
0x139: {  	[tilespmem:s8], [sflag:$0x1] =	stream.indirect_vreg.gather [hbm4b:s30+s28], $0x80, v18, vm0, $0xb8;
	[tilespmem:$0x1C180] =	vst v63  }
0x13a: {  	v17 =	vperm.xlane v17, v14;
	s8 =	simm.s32 $0xF900  }
0x13b: {  	[tilespmem:s8], [sflag:$0x1] =	stream.indirect_vreg.gather [hbm4b:s31+s28], $0x80, v18, vm0, $0xb8;
	[tilespmem:$0x1C180] =	vst v63  }
0x13c: {  	v17 =	vadd.s32 v13, v17;
	s8 =	simm.s32 $0x10100  }
0x13d: {  	[tilespmem:s8], [sflag:$0x1] =	stream.indirect_vreg.gather [hbm4b:s0+s28], $0x80, v18, vm0, $0xb8;
	[tilespmem:$0x1C180] =	vst v63  }
0x13e: {  	s8 =	simm.s32 $0x10900  }
0x13f: {  	[tilespmem:s8], [sflag:$0x1] =	stream.indirect_vreg.gather [hbm4b:s2+s28], $0x80, v18, vm0, $0xb8;
	[tilespmem:$0x1C180] =	vst v63  }
0x140: {  	s8 =	simm.s32 $0x11100  }
0x141: {  	[tilespmem:s8], [sflag:$0x1] =	stream.indirect_vreg.gather [hbm4b:s6+s28], $0x80, v17, vm0, $0xb8;
	[tilespmem:$0x1C180] =	vst v63  }
0x142: {  	_ = 	snop  }
0x143: {  	[tilespmem:s16], [sflag:$0x1] =	stream.indirect_vreg.gather [hbm4b:s26+s28], $0x80, v17, vm0, $0xb8;
	[tilespmem:$0x1C180] =	vst v63  }
0x144: {  	_ = 	snop  }
0x145: {  	[tilespmem:s14], [sflag:$0x1] =	stream.indirect_vreg.gather [hbm4b:s30+s28], $0x80, v17, vm0, $0xb8;
	[tilespmem:$0x1C180] =	vst v63  }
0x146: {  	_ = 	snop  }
0x147: {  	[tilespmem:s7], [sflag:$0x1] =	stream.indirect_vreg.gather [hbm4b:s31+s28], $0x80, v17, vm0, $0xb8;
	[tilespmem:$0x1C180] =	vst v63  }
0x148: {  	_ = 	snop  }
0x149: {  	[tilespmem:s3], [sflag:$0x1] =	stream.indirect_vreg.gather [hbm4b:s0+s28], $0x80, v17, vm0, $0xb8;
	[tilespmem:$0x1C180] =	vst v63  }
.Ltmp6:
0x14a: {  	_ = 	snop;
	(pc) =	sbr.rel @p1 .LBB2_12-.Ltmp6, $4  }
0x14b: {  	[tilespmem:s4], [sflag:$0x1] =	stream.indirect_vreg.gather [hbm4b:s2+s28], $0x80, v17, vm0, $0xb8;
	[tilespmem:$0x1C180] =	vst v63  }
0x14c: {  	_ =	swait.ge [sflag:s17], $0xC000  }
0x14d: {  	[sflag:s17] =	ssyncset.done $0x0  }
0x14e: {  	[sflag:s17] =	ssyncadd.s32 $0xFFFF4000  }
0x14f: {  	p3 =	sne.s32 s24, $0x1  }
.Ltmp7:
0x150: {  	_ = 	snop;
	(pc) =	sbr.rel @!p3 .LBB2_7-.Ltmp7, $3  }
0x151: {  	_ =	sdelay $0x1  }
0x152: {  	s0 =	simm.s32 $0x4100;
	s26 =	simm.s32 $0x5100  }
0x153: {  	v17 =	vmov s5;
	v19 =	vmov s29;
	s5 =	simm.s32 $0x0;
	s6 =	sadd.s32 $0xFFFFFFFF, s24;
	p2 =	por $0x0, $0x0;
	v18 =	vld [tilespmem:s0+$0x0]  }
0x154: {  	_ =	sdelay $0x2  }
0x155: {  	v20 =	vor.u32 s5, v2  }
0x156: {  	vm1 =	vlt.s32 v20, v16;
	vm2 =	vlt.s32 v18, v19  }
0x157: {  	vm1 =	vmand vm1, vm2;
	vm2 =	vge.s32 v18, v17  }
0x158: {  	vm1 =	vmand vm1, vm2  }
0x159: {  	v20 =	vmpcnt.ones.xlane vm1;
	_ =	sdelay $0x1  }
0x15a: {  	v21 =	vld [tilespmem:s26+$0x0];
	(v2sf) =	vpush v20, $0x0  }
0x15b: {  	p3 =	sne.s32 s6, $0x1  }
.Ltmp8:
0x15c: {  	p2 =	por $0x1, $0x1;
	s0 =	simm.s32 $0x0;
	(pc) =	sbr.rel @!p3 .LBB2_9-.Ltmp8, $4  }
0x15d: {  	s0 =	simm.s32 @!p2 $0xFF0  }
0x15e: {  	[tilespmem:s0+$0x6100] =	vst.msk vm1, v18  }
0x15f: {  	s31 =	simm.s32 $0x4110;
	s6 =	sadd.s32 $0xFFFFFFFF, s6;
	s30 =	simm.s32 $0x0;
	[tilespmem:s0+$0x7100] =	vst.msk vm1, v21  }
0x160: {  	s28 =	simm.s32 $0x5100;
	s29 =	simm.s32 $0x0;
	p2 =	por $0x1, $0x1;
	v18 =	vld [tilespmem:s31+$0x0]  }
.LBB2_10:
0x161: {  	p3 =	sne.s32 s6, $0x1;
	_ =	sdelay $0x1  }
0x162: {  	s30 =	sadd.s32 $0x10, s30  }
0x163: {  	v20 =	vor.u32 s30, v2  }
0x164: {  	vm1 =	vlt.s32 v20, v16;
	vm2 =	vlt.s32 v18, v19  }
0x165: {  	vm3 =	vge.s32 v18, v17;
	vm1 =	vmand vm1, vm2  }
0x166: {  	vm1 =	vmand vm1, vm3  }
0x167: {  	s28 =	sadd.s32 $0x10, s28;
	v20 =	vmpcnt.ones.xlane vm1  }
0x168: {  	v21 =	vld [tilespmem:s28+$0x0];
	s0 =	spop (v2sf)  }
0x169: {  	(v2sf) =	vpush v20, $0x0;
	s29 =	sadd.s32 s29, s0  }
0x16a: {  	p4 =	slt.s32 s29, $0xFF0;
	s0 =	smov.u32 s29  }
.Ltmp9:
0x16b: {  	s0 =	simm.s32 @!p4 $0xFF0;
	(pc) =	sbr.rel @p3 .LBB2_10-.Ltmp9, $4  }
0x16c: {  	[tilespmem:s0+$0x6100] =	vst.msk vm1, v18  }
0x16d: {  	[tilespmem:s0+$0x7100] =	vst.msk vm1, v21  }
0x16e: {  	s31 =	sadd.s32 $0x10, s31  }
0x16f: {  	s6 =	sadd.s32 $0xFFFFFFFF, s6;
	v18 =	vld [tilespmem:s31+$0x0]  }
.LBB2_11:
0x170: {  	_ = 	snop  }
0x171: {  	s0 =	sadd.s32 @p2 $0x10, s30;
	s2 =	simm.s32 $0x0  }
0x172: {  	s2 =	smov.u32 @p2 s0  }
0x173: {  	v20 =	vor.u32 s2, v2  }
0x174: {  	vm1 =	vlt.s32 v20, v16;
	vm2 =	vlt.s32 v18, v19  }
0x175: {  	vm3 =	vge.s32 v18, v17;
	vm1 =	vmand vm1, vm2  }
0x176: {  	vm1 =	vmand vm1, vm3  }
0x177: {  	v17 =	vmpcnt.ones.xlane vm1;
	_ =	sdelay $0x1  }
0x178: {  	(v2sf) =	vpush v17, $0x0;
	_ =	sdelay $0x8  }
0x179: {  	s0 =	sadd.s32 @p2 $0x10, s28  }
0x17a: {  	s26 =	smov.u32 @p2 s0;
	s2 =	spop @p2 (v2sf)  }
0x17b: {  	v17 =	vld [tilespmem:s26+$0x0];
	s0 =	sadd.s32 @p2 s29, s2  }
0x17c: {  	s5 =	smov.u32 @p2 s0  }
0x17d: {  	p2 =	slt.s32 s5, $0xFF0;
	s0 =	smov.u32 s5  }
0x17e: {  	s0 =	simm.s32 @!p2 $0xFF0  }
0x17f: {  	[tilespmem:s0+$0x6100] =	vst.msk vm1, v18;
	s31 =	spop (v2sf)  }
0x180: {  	[tilespmem:s0+$0x7100] =	vst.msk vm1, v17;
	s28 =	sadd.s32 s5, s31  }
.LBB2_12:
0x181: {  	s0 =	sadd.s32 $0x7F, s28  }
0x182: {  	s2 =	sand.u32 $0x7F, s0  }
0x183: {  	s5 =	sshra.s32 s0, $0x1F;
	p2 =	slt.s32 s0, $0x1;
	p3 =	sne.s32 s2, $0x0  }
0x184: {  	s31 =	sshrl.u32 s5, $0x19;
	p2 =	por !p2, !p3  }
0x185: {  	s2 =	simm.s32 $0x1;
	s0 =	sadd.s32 s31, s0;
	p2 =	por !p2, !p2  }
0x186: {  	s0 =	sshra.s32 s0, $0x7;
	s2 =	simm.s32 @!p2 $0x0  }
0x187: {  	s26 =	ssub.s32 s0, s2  }
0x188: {  	p2 =	slt.s32 s26, $0x1  }
.Ltmp10:
0x189: {  	_ = 	snop;
	(pc) =	sbr.rel @p2 .LBB2_17-.Ltmp10, $1  }
0x18a: {  	_ =	sdelay $0x3  }
0x18b: {  	v17 =	vmov s28;
	v18 =	vmov s1;
	s28 =	simm.s32 $0x0;
	s29 =	simm.s32 $0x0;
	s30 =	simm.s32 $0x0  }
.LBB2_14:
0x18c: {  	s0 =	sadd.s32 $0x0, s29  }
0x18d: {  	v19 =	vor.u32 s0, v2  }
0x18e: {  	vm1 =	vlt.s32 v19, $0xFFF  }
0x18f: {  	v20 =	vnsel vm1, $0xFFF, v19;
	_ =	sdelay $0x4  }
0x190: {  	v21 =	vld.idx.msk [tilespmem:v20+s19+$0x0], $0xffff;
	_ =	sdelay $0x4  }
0x191: {  	v21 =	vsub.s32 v21, v18  }
0x192: {  	v20 =	vld.idx.msk [tilespmem:v20+s20+$0x0], $0xffff;
	v22 =	vshll.u32 v21, $0x3  }
0x193: {  	vm1 =	vlt.s32 v19, v17;
	v19 =	vand.u32 $0x7F, v21;
	v21 =	vand.u32 $0xFFFFFC00, v22  }
0x194: {  	v21 =	vor.u32 v19, v21;
	_ =	sdelay $0x2  }
0x195: {  	s31 =	simm.s32 $0x18100;
	v19 =	vnsel vm1, $0xFFFFFFFF, v20;
	v20 =	vmov s28  }
0x196: {  	[tilespmem:s31+$0x0] =	vst v19;
	v19 =	vshll.u32 v20, $0x7  }
0x197: {  	v19 =	vor.u32 v15, v19;
	v20 =	vld.idx.msk [tilespmem:v21+s18+$0x0], vm1  }
0x198: {  	v22 =	vor.u32 $0x80, v21;
	_ =	sdelay $0x3  }
0x199: {  	[tilespmem:v19+s21+$0x0] =	vst.idx.msk vm1, v20  }
0x19a: {  	v20 =	vld.idx.msk [tilespmem:v22+s18+$0x0], vm1;
	v22 =	vor.u32 $0x1, v19  }
0x19b: {  	v23 =	vor.u32 $0x100, v21;
	_ =	sdelay $0x3  }
0x19c: {  	[tilespmem:v22+s21+$0x0] =	vst.idx.msk vm1, v20  }
0x19d: {  	v22 =	vor.u32 $0x2, v19;
	v20 =	vld.idx.msk [tilespmem:v23+s18+$0x0], vm1  }
0x19e: {  	v23 =	vor.u32 $0x180, v21;
	_ =	sdelay $0x3  }
0x19f: {  	[tilespmem:v22+s21+$0x0] =	vst.idx.msk vm1, v20  }
0x1a0: {  	v22 =	vor.u32 $0x3, v19;
	v20 =	vld.idx.msk [tilespmem:v23+s18+$0x0], vm1  }
0x1a1: {  	v23 =	vor.u32 $0x200, v21;
	_ =	sdelay $0x3  }
0x1a2: {  	[tilespmem:v22+s21+$0x0] =	vst.idx.msk vm1, v20  }
0x1a3: {  	v22 =	vor.u32 $0x4, v19;
	v20 =	vld.idx.msk [tilespmem:v23+s18+$0x0], vm1  }
0x1a4: {  	v23 =	vor.u32 $0x280, v21;
	_ =	sdelay $0x3  }
0x1a5: {  	[tilespmem:v22+s21+$0x0] =	vst.idx.msk vm1, v20  }
0x1a6: {  	v22 =	vor.u32 $0x5, v19;
	v20 =	vld.idx.msk [tilespmem:v23+s18+$0x0], vm1  }
0x1a7: {  	v23 =	vor.u32 $0x300, v21;
	_ =	sdelay $0x3  }
0x1a8: {  	[tilespmem:v22+s21+$0x0] =	vst.idx.msk vm1, v20  }
0x1a9: {  	v22 =	vor.u32 $0x6, v19;
	v20 =	vld.idx.msk [tilespmem:v23+s18+$0x0], vm1  }
0x1aa: {  	v23 =	vor.u32 $0x380, v21;
	_ =	sdelay $0x3  }
0x1ab: {  	[tilespmem:v22+s21+$0x0] =	vst.idx.msk vm1, v20  }
0x1ac: {  	v22 =	vor.u32 $0x7, v19;
	v20 =	vld.idx.msk [tilespmem:v23+s18+$0x0], vm1  }
0x1ad: {  	v23 =	vadd.s32 $0x3000, v21;
	_ =	sdelay $0x3  }
0x1ae: {  	[tilespmem:v22+s21+$0x0] =	vst.idx.msk vm1, v20  }
0x1af: {  	v22 =	vor.u32 $0x8, v19;
	v20 =	vld.idx.msk [tilespmem:v23+s18+$0x0], vm1  }
0x1b0: {  	v23 =	vadd.s32 $0x3080, v21;
	_ =	sdelay $0x3  }
0x1b1: {  	[tilespmem:v22+s21+$0x0] =	vst.idx.msk vm1, v20  }
0x1b2: {  	v22 =	vor.u32 $0x9, v19;
	v20 =	vld.idx.msk [tilespmem:v23+s18+$0x0], vm1  }
0x1b3: {  	v23 =	vadd.s32 $0x3100, v21;
	_ =	sdelay $0x3  }
0x1b4: {  	[tilespmem:v22+s21+$0x0] =	vst.idx.msk vm1, v20  }
0x1b5: {  	v22 =	vor.u32 $0xA, v19;
	v20 =	vld.idx.msk [tilespmem:v23+s18+$0x0], vm1  }
0x1b6: {  	v23 =	vadd.s32 $0x3180, v21;
	_ =	sdelay $0x3  }
0x1b7: {  	[tilespmem:v22+s21+$0x0] =	vst.idx.msk vm1, v20  }
0x1b8: {  	v22 =	vor.u32 $0xB, v19;
	v20 =	vld.idx.msk [tilespmem:v23+s18+$0x0], vm1  }
0x1b9: {  	v23 =	vadd.s32 $0x3200, v21;
	_ =	sdelay $0x3  }
0x1ba: {  	[tilespmem:v22+s21+$0x0] =	vst.idx.msk vm1, v20  }
0x1bb: {  	v22 =	vor.u32 $0xC, v19;
	v20 =	vld.idx.msk [tilespmem:v23+s18+$0x0], vm1  }
0x1bc: {  	v23 =	vadd.s32 $0x3280, v21;
	_ =	sdelay $0x3  }
0x1bd: {  	[tilespmem:v22+s21+$0x0] =	vst.idx.msk vm1, v20  }
0x1be: {  	v22 =	vor.u32 $0xD, v19;
	v20 =	vld.idx.msk [tilespmem:v23+s18+$0x0], vm1  }
0x1bf: {  	v23 =	vadd.s32 $0x3300, v21;
	_ =	sdelay $0x3  }
0x1c0: {  	[tilespmem:v22+s21+$0x0] =	vst.idx.msk vm1, v20  }
0x1c1: {  	v22 =	vor.u32 $0xE, v19;
	v20 =	vld.idx.msk [tilespmem:v23+s18+$0x0], vm1  }
0x1c2: {  	v23 =	vadd.s32 $0x3380, v21;
	_ =	sdelay $0x3  }
0x1c3: {  	[tilespmem:v22+s21+$0x0] =	vst.idx.msk vm1, v20  }
0x1c4: {  	v22 =	vor.u32 $0xF, v19;
	v20 =	vld.idx.msk [tilespmem:v23+s18+$0x0], vm1  }
0x1c5: {  	v23 =	vadd.s32 $0x6000, v21;
	_ =	sdelay $0x3  }
0x1c6: {  	[tilespmem:v22+s21+$0x0] =	vst.idx.msk vm1, v20  }
0x1c7: {  	v22 =	vor.u32 $0x10, v19;
	v20 =	vld.idx.msk [tilespmem:v23+s18+$0x0], vm1  }
0x1c8: {  	v23 =	vadd.s32 $0x6080, v21;
	_ =	sdelay $0x3  }
0x1c9: {  	[tilespmem:v22+s21+$0x0] =	vst.idx.msk vm1, v20  }
0x1ca: {  	v22 =	vor.u32 $0x11, v19;
	v20 =	vld.idx.msk [tilespmem:v23+s18+$0x0], vm1  }
0x1cb: {  	v23 =	vadd.s32 $0x6100, v21;
	_ =	sdelay $0x3  }
0x1cc: {  	[tilespmem:v22+s21+$0x0] =	vst.idx.msk vm1, v20  }
0x1cd: {  	v22 =	vor.u32 $0x12, v19;
	v20 =	vld.idx.msk [tilespmem:v23+s18+$0x0], vm1  }
0x1ce: {  	v23 =	vadd.s32 $0x6180, v21;
	_ =	sdelay $0x3  }
0x1cf: {  	[tilespmem:v22+s21+$0x0] =	vst.idx.msk vm1, v20  }
0x1d0: {  	v22 =	vor.u32 $0x13, v19;
	v20 =	vld.idx.msk [tilespmem:v23+s18+$0x0], vm1  }
0x1d1: {  	v23 =	vadd.s32 $0x6200, v21;
	_ =	sdelay $0x3  }
0x1d2: {  	[tilespmem:v22+s21+$0x0] =	vst.idx.msk vm1, v20  }
0x1d3: {  	v22 =	vor.u32 $0x14, v19;
	v20 =	vld.idx.msk [tilespmem:v23+s18+$0x0], vm1  }
0x1d4: {  	v23 =	vadd.s32 $0x6280, v21;
	_ =	sdelay $0x3  }
0x1d5: {  	[tilespmem:v22+s21+$0x0] =	vst.idx.msk vm1, v20  }
0x1d6: {  	v22 =	vor.u32 $0x15, v19;
	v20 =	vld.idx.msk [tilespmem:v23+s18+$0x0], vm1  }
0x1d7: {  	v23 =	vadd.s32 $0x6300, v21;
	_ =	sdelay $0x3  }
0x1d8: {  	[tilespmem:v22+s21+$0x0] =	vst.idx.msk vm1, v20  }
0x1d9: {  	v22 =	vor.u32 $0x16, v19;
	v20 =	vld.idx.msk [tilespmem:v23+s18+$0x0], vm1  }
0x1da: {  	v23 =	vadd.s32 $0x6380, v21;
	_ =	sdelay $0x3  }
0x1db: {  	[tilespmem:v22+s21+$0x0] =	vst.idx.msk vm1, v20  }
0x1dc: {  	v22 =	vor.u32 $0x17, v19;
	v20 =	vld.idx.msk [tilespmem:v23+s18+$0x0], vm1  }
0x1dd: {  	v23 =	vadd.s32 $0x9000, v21;
	_ =	sdelay $0x3  }
0x1de: {  	[tilespmem:v22+s21+$0x0] =	vst.idx.msk vm1, v20  }
0x1df: {  	v22 =	vor.u32 $0x18, v19;
	v20 =	vld.idx.msk [tilespmem:v23+s18+$0x0], vm1  }
0x1e0: {  	v23 =	vadd.s32 $0x9080, v21;
	_ =	sdelay $0x3  }
0x1e1: {  	[tilespmem:v22+s21+$0x0] =	vst.idx.msk vm1, v20  }
0x1e2: {  	v22 =	vor.u32 $0x19, v19;
	v20 =	vld.idx.msk [tilespmem:v23+s18+$0x0], vm1  }
0x1e3: {  	v23 =	vadd.s32 $0x9100, v21;
	_ =	sdelay $0x3  }
0x1e4: {  	[tilespmem:v22+s21+$0x0] =	vst.idx.msk vm1, v20  }
0x1e5: {  	v22 =	vor.u32 $0x1A, v19;
	v20 =	vld.idx.msk [tilespmem:v23+s18+$0x0], vm1  }
0x1e6: {  	v23 =	vadd.s32 $0x9180, v21;
	_ =	sdelay $0x3  }
0x1e7: {  	[tilespmem:v22+s21+$0x0] =	vst.idx.msk vm1, v20  }
0x1e8: {  	v22 =	vor.u32 $0x1B, v19;
	v20 =	vld.idx.msk [tilespmem:v23+s18+$0x0], vm1  }
0x1e9: {  	v23 =	vadd.s32 $0x9200, v21;
	_ =	sdelay $0x3  }
0x1ea: {  	[tilespmem:v22+s21+$0x0] =	vst.idx.msk vm1, v20  }
0x1eb: {  	v22 =	vor.u32 $0x1C, v19;
	v20 =	vld.idx.msk [tilespmem:v23+s18+$0x0], vm1  }
0x1ec: {  	v23 =	vadd.s32 $0x9280, v21;
	_ =	sdelay $0x3  }
0x1ed: {  	[tilespmem:v22+s21+$0x0] =	vst.idx.msk vm1, v20  }
0x1ee: {  	v22 =	vor.u32 $0x1D, v19;
	v20 =	vld.idx.msk [tilespmem:v23+s18+$0x0], vm1  }
0x1ef: {  	v23 =	vadd.s32 $0x9300, v21;
	_ =	sdelay $0x3  }
0x1f0: {  	[tilespmem:v22+s21+$0x0] =	vst.idx.msk vm1, v20  }
0x1f1: {  	v22 =	vor.u32 $0x1E, v19;
	v20 =	vld.idx.msk [tilespmem:v23+s18+$0x0], vm1  }
0x1f2: {  	v23 =	vadd.s32 $0x9380, v21;
	_ =	sdelay $0x2  }
0x1f3: {  	s8 =	sadd.s32 $0x10, s29  }
0x1f4: {  	v21 =	vor.u32 s8, v2;
	[tilespmem:v22+s21+$0x0] =	vst.idx.msk vm1, v20  }
0x1f5: {  	vm2 =	vlt.s32 v21, $0xFFF;
	v20 =	vor.u32 $0x1F, v19;
	v22 =	vld.idx.msk [tilespmem:v23+s18+$0x0], vm1  }
0x1f6: {  	s5 =	simm.s32 $0x10;
	s1 =	simm.s32 $0x20;
	v19 =	vnsel vm2, $0xFFF, v21  }
.LBB2_15:
0x1f7: {  	_ =	sdelay $0x1  }
0x1f8: {  	p2 =	sne.s32 s1, $0x70  }
0x1f9: {  	s31 =	sadd.s32 $0x10, s31;
	s0 =	smov.u32 s1;
	s1 =	sadd.s32 $0x10, s1;
	[tilespmem:v20+s21+$0x0] =	vst.idx.msk vm1, v22  }
0x1fa: {  	v20 =	vld.idx.msk [tilespmem:v19+s19+$0x0], $0xffff;
	_ =	sdelay $0x5  }
0x1fb: {  	v20 =	vsub.s32 v20, v18;
	v22 =	vld.idx.msk [tilespmem:v19+s20+$0x0], $0xffff  }
0x1fc: {  	v19 =	vshll.u32 v20, $0x3  }
0x1fd: {  	vm1 =	vlt.s32 v21, v17;
	v20 =	vand.u32 $0x7F, v20;
	v19 =	vand.u32 $0xFFFFFC00, v19  }
0x1fe: {  	v19 =	vor.u32 v20, v19;
	_ =	sdelay $0x2  }
0x1ff: {  	v20 =	vnsel vm1, $0xFFFFFFFF, v22  }
0x200: {  	[tilespmem:s31+$0x0] =	vst v20;
	v20 =	vmov s5;
	s5 =	smov.u32 s0  }
0x201: {  	v20 =	vshll.u32 v20, $0x7;
	v21 =	vld.idx.msk [tilespmem:v19+s18+$0x0], vm1  }
0x202: {  	v20 =	vor.u32 v15, v20  }
0x203: {  	v22 =	vor.u32 $0x80, v19;
	_ =	sdelay $0x3  }
0x204: {  	[tilespmem:v20+s21+$0x0] =	vst.idx.msk vm1, v21  }
0x205: {  	v21 =	vld.idx.msk [tilespmem:v22+s18+$0x0], vm1  }
0x206: {  	v22 =	vor.u32 $0x1, v20  }
0x207: {  	v23 =	vor.u32 $0x100, v19;
	_ =	sdelay $0x3  }
0x208: {  	[tilespmem:v22+s21+$0x0] =	vst.idx.msk vm1, v21  }
0x209: {  	v21 =	vld.idx.msk [tilespmem:v23+s18+$0x0], vm1  }
0x20a: {  	v22 =	vor.u32 $0x2, v20  }
0x20b: {  	v23 =	vor.u32 $0x180, v19;
	_ =	sdelay $0x3  }
0x20c: {  	[tilespmem:v22+s21+$0x0] =	vst.idx.msk vm1, v21  }
0x20d: {  	v21 =	vld.idx.msk [tilespmem:v23+s18+$0x0], vm1  }
0x20e: {  	v22 =	vor.u32 $0x3, v20  }
0x20f: {  	v23 =	vor.u32 $0x200, v19;
	_ =	sdelay $0x3  }
0x210: {  	[tilespmem:v22+s21+$0x0] =	vst.idx.msk vm1, v21  }
0x211: {  	v21 =	vld.idx.msk [tilespmem:v23+s18+$0x0], vm1  }
0x212: {  	v22 =	vor.u32 $0x4, v20  }
0x213: {  	v23 =	vor.u32 $0x280, v19;
	_ =	sdelay $0x3  }
0x214: {  	[tilespmem:v22+s21+$0x0] =	vst.idx.msk vm1, v21  }
0x215: {  	v21 =	vld.idx.msk [tilespmem:v23+s18+$0x0], vm1  }
0x216: {  	v22 =	vor.u32 $0x5, v20  }
0x217: {  	v23 =	vor.u32 $0x300, v19;
	_ =	sdelay $0x3  }
0x218: {  	[tilespmem:v22+s21+$0x0] =	vst.idx.msk vm1, v21  }
0x219: {  	v21 =	vld.idx.msk [tilespmem:v23+s18+$0x0], vm1  }
0x21a: {  	v22 =	vor.u32 $0x6, v20  }
0x21b: {  	v23 =	vor.u32 $0x380, v19;
	_ =	sdelay $0x3  }
0x21c: {  	[tilespmem:v22+s21+$0x0] =	vst.idx.msk vm1, v21  }
0x21d: {  	v21 =	vld.idx.msk [tilespmem:v23+s18+$0x0], vm1  }
0x21e: {  	v22 =	vor.u32 $0x7, v20  }
0x21f: {  	v23 =	vadd.s32 $0x3000, v19;
	_ =	sdelay $0x3  }
0x220: {  	[tilespmem:v22+s21+$0x0] =	vst.idx.msk vm1, v21  }
0x221: {  	v21 =	vld.idx.msk [tilespmem:v23+s18+$0x0], vm1  }
0x222: {  	v22 =	vor.u32 $0x8, v20  }
0x223: {  	v23 =	vadd.s32 $0x3080, v19;
	_ =	sdelay $0x3  }
0x224: {  	[tilespmem:v22+s21+$0x0] =	vst.idx.msk vm1, v21  }
0x225: {  	v21 =	vld.idx.msk [tilespmem:v23+s18+$0x0], vm1  }
0x226: {  	v22 =	vor.u32 $0x9, v20  }
0x227: {  	v23 =	vadd.s32 $0x3100, v19;
	_ =	sdelay $0x3  }
0x228: {  	[tilespmem:v22+s21+$0x0] =	vst.idx.msk vm1, v21  }
0x229: {  	v21 =	vld.idx.msk [tilespmem:v23+s18+$0x0], vm1  }
0x22a: {  	v22 =	vor.u32 $0xA, v20  }
0x22b: {  	v23 =	vadd.s32 $0x3180, v19;
	_ =	sdelay $0x3  }
0x22c: {  	[tilespmem:v22+s21+$0x0] =	vst.idx.msk vm1, v21  }
0x22d: {  	v21 =	vld.idx.msk [tilespmem:v23+s18+$0x0], vm1  }
0x22e: {  	v22 =	vor.u32 $0xB, v20  }
0x22f: {  	v23 =	vadd.s32 $0x3200, v19;
	_ =	sdelay $0x3  }
0x230: {  	[tilespmem:v22+s21+$0x0] =	vst.idx.msk vm1, v21  }
0x231: {  	v21 =	vld.idx.msk [tilespmem:v23+s18+$0x0], vm1  }
0x232: {  	v22 =	vor.u32 $0xC, v20  }
0x233: {  	v23 =	vadd.s32 $0x3280, v19;
	_ =	sdelay $0x3  }
0x234: {  	[tilespmem:v22+s21+$0x0] =	vst.idx.msk vm1, v21  }
0x235: {  	v21 =	vld.idx.msk [tilespmem:v23+s18+$0x0], vm1  }
0x236: {  	v22 =	vor.u32 $0xD, v20  }
0x237: {  	v23 =	vadd.s32 $0x3300, v19;
	_ =	sdelay $0x3  }
0x238: {  	[tilespmem:v22+s21+$0x0] =	vst.idx.msk vm1, v21  }
0x239: {  	v21 =	vld.idx.msk [tilespmem:v23+s18+$0x0], vm1  }
0x23a: {  	v22 =	vor.u32 $0xE, v20  }
0x23b: {  	v23 =	vadd.s32 $0x3380, v19;
	_ =	sdelay $0x3  }
0x23c: {  	[tilespmem:v22+s21+$0x0] =	vst.idx.msk vm1, v21  }
0x23d: {  	v21 =	vld.idx.msk [tilespmem:v23+s18+$0x0], vm1  }
0x23e: {  	v22 =	vor.u32 $0xF, v20  }
0x23f: {  	v23 =	vadd.s32 $0x6000, v19;
	_ =	sdelay $0x3  }
0x240: {  	[tilespmem:v22+s21+$0x0] =	vst.idx.msk vm1, v21  }
0x241: {  	v21 =	vld.idx.msk [tilespmem:v23+s18+$0x0], vm1  }
0x242: {  	v22 =	vor.u32 $0x10, v20  }
0x243: {  	v23 =	vadd.s32 $0x6080, v19;
	_ =	sdelay $0x3  }
0x244: {  	[tilespmem:v22+s21+$0x0] =	vst.idx.msk vm1, v21  }
0x245: {  	v21 =	vld.idx.msk [tilespmem:v23+s18+$0x0], vm1  }
0x246: {  	v22 =	vor.u32 $0x11, v20  }
0x247: {  	v23 =	vadd.s32 $0x6100, v19;
	_ =	sdelay $0x3  }
0x248: {  	[tilespmem:v22+s21+$0x0] =	vst.idx.msk vm1, v21  }
0x249: {  	v21 =	vld.idx.msk [tilespmem:v23+s18+$0x0], vm1  }
0x24a: {  	v22 =	vor.u32 $0x12, v20  }
0x24b: {  	v23 =	vadd.s32 $0x6180, v19;
	_ =	sdelay $0x3  }
0x24c: {  	[tilespmem:v22+s21+$0x0] =	vst.idx.msk vm1, v21  }
0x24d: {  	v21 =	vld.idx.msk [tilespmem:v23+s18+$0x0], vm1  }
0x24e: {  	v22 =	vor.u32 $0x13, v20  }
0x24f: {  	v23 =	vadd.s32 $0x6200, v19;
	_ =	sdelay $0x3  }
0x250: {  	[tilespmem:v22+s21+$0x0] =	vst.idx.msk vm1, v21  }
0x251: {  	v21 =	vld.idx.msk [tilespmem:v23+s18+$0x0], vm1  }
0x252: {  	v22 =	vor.u32 $0x14, v20  }
0x253: {  	v23 =	vadd.s32 $0x6280, v19;
	_ =	sdelay $0x3  }
0x254: {  	[tilespmem:v22+s21+$0x0] =	vst.idx.msk vm1, v21  }
0x255: {  	v21 =	vld.idx.msk [tilespmem:v23+s18+$0x0], vm1  }
0x256: {  	v22 =	vor.u32 $0x15, v20  }
0x257: {  	v23 =	vadd.s32 $0x6300, v19;
	_ =	sdelay $0x3  }
0x258: {  	[tilespmem:v22+s21+$0x0] =	vst.idx.msk vm1, v21  }
0x259: {  	v21 =	vld.idx.msk [tilespmem:v23+s18+$0x0], vm1  }
0x25a: {  	v22 =	vor.u32 $0x16, v20  }
0x25b: {  	v23 =	vadd.s32 $0x6380, v19;
	_ =	sdelay $0x3  }
0x25c: {  	[tilespmem:v22+s21+$0x0] =	vst.idx.msk vm1, v21  }
0x25d: {  	v21 =	vld.idx.msk [tilespmem:v23+s18+$0x0], vm1  }
0x25e: {  	v22 =	vor.u32 $0x17, v20  }
0x25f: {  	v23 =	vadd.s32 $0x9000, v19;
	_ =	sdelay $0x3  }
0x260: {  	[tilespmem:v22+s21+$0x0] =	vst.idx.msk vm1, v21  }
0x261: {  	v21 =	vld.idx.msk [tilespmem:v23+s18+$0x0], vm1  }
0x262: {  	v22 =	vor.u32 $0x18, v20  }
0x263: {  	v23 =	vadd.s32 $0x9080, v19;
	_ =	sdelay $0x3  }
0x264: {  	[tilespmem:v22+s21+$0x0] =	vst.idx.msk vm1, v21  }
0x265: {  	v21 =	vld.idx.msk [tilespmem:v23+s18+$0x0], vm1  }
0x266: {  	v22 =	vor.u32 $0x19, v20  }
0x267: {  	v23 =	vadd.s32 $0x9100, v19;
	_ =	sdelay $0x3  }
0x268: {  	[tilespmem:v22+s21+$0x0] =	vst.idx.msk vm1, v21  }
0x269: {  	v21 =	vld.idx.msk [tilespmem:v23+s18+$0x0], vm1  }
0x26a: {  	v22 =	vor.u32 $0x1A, v20  }
0x26b: {  	v23 =	vadd.s32 $0x9180, v19;
	_ =	sdelay $0x3  }
0x26c: {  	[tilespmem:v22+s21+$0x0] =	vst.idx.msk vm1, v21  }
0x26d: {  	v21 =	vld.idx.msk [tilespmem:v23+s18+$0x0], vm1  }
0x26e: {  	v22 =	vor.u32 $0x1B, v20  }
0x26f: {  	v23 =	vadd.s32 $0x9200, v19;
	_ =	sdelay $0x3  }
0x270: {  	[tilespmem:v22+s21+$0x0] =	vst.idx.msk vm1, v21  }
0x271: {  	v21 =	vld.idx.msk [tilespmem:v23+s18+$0x0], vm1  }
0x272: {  	v22 =	vor.u32 $0x1C, v20  }
0x273: {  	v23 =	vadd.s32 $0x9280, v19;
	_ =	sdelay $0x3  }
0x274: {  	[tilespmem:v22+s21+$0x0] =	vst.idx.msk vm1, v21  }
0x275: {  	v21 =	vld.idx.msk [tilespmem:v23+s18+$0x0], vm1  }
0x276: {  	v22 =	vor.u32 $0x1D, v20  }
0x277: {  	v23 =	vadd.s32 $0x9300, v19;
	_ =	sdelay $0x3  }
0x278: {  	[tilespmem:v22+s21+$0x0] =	vst.idx.msk vm1, v21  }
0x279: {  	v21 =	vld.idx.msk [tilespmem:v23+s18+$0x0], vm1  }
0x27a: {  	v22 =	vor.u32 $0x1E, v20  }
0x27b: {  	v19 =	vadd.s32 $0x9380, v19;
	_ =	sdelay $0x2  }
.Ltmp11:
0x27c: {  	(pc) =	sbr.rel @p2 .LBB2_15-.Ltmp11, $4  }
0x27d: {  	s0 =	sadd.s32 s5, s29;
	[tilespmem:v22+s21+$0x0] =	vst.idx.msk vm1, v21  }
0x27e: {  	v21 =	vor.u32 s0, v2;
	v22 =	vld.idx.msk [tilespmem:v19+s18+$0x0], vm1  }
0x27f: {  	v20 =	vor.u32 $0x1F, v20;
	vm2 =	vlt.s32 v21, $0xFFF  }
0x280: {  	v19 =	vnsel vm2, $0xFFF, v21  }
0x281: {  	_ =	sdelay $0x4  }
0x282: {  	[tilespmem:v20+s21+$0x0] =	vst.idx.msk vm1, v22  }
0x283: {  	v20 =	vld.idx.msk [tilespmem:v19+s19+$0x0], $0xffff;
	_ =	sdelay $0x4  }
0x284: {  	v20 =	vsub.s32 v20, v18  }
0x285: {  	v19 =	vld.idx.msk [tilespmem:v19+s20+$0x0], $0xffff;
	v41 =	vshll.u32 v20, $0x3  }
0x286: {  	vm1 =	vlt.s32 v21, v17;
	v20 =	vand.u32 $0x7F, v20;
	v42 =	vand.u32 $0xFFFFFC00, v41  }
0x287: {  	v20 =	vor.u32 v20, v42;
	_ =	sdelay $0x2  }
0x288: {  	s0 =	sadd.s32 $0x10, s31;
	v43 =	vmov s5;
	v19 =	vnsel vm1, $0xFFFFFFFF, v19  }
0x289: {  	[tilespmem:s0+$0x0] =	vst v19;
	v19 =	vshll.u32 v43, $0x7  }
0x28a: {  	v19 =	vor.u32 v15, v19;
	v44 =	vld.idx.msk [tilespmem:v20+s18+$0x0], vm1  }
0x28b: {  	v45 =	vor.u32 $0x80, v20;
	_ =	sdelay $0x3  }
0x28c: {  	[tilespmem:v19+s21+$0x0] =	vst.idx.msk vm1, v44  }
0x28d: {  	v46 =	vor.u32 $0x1, v19;
	v21 =	vld.idx.msk [tilespmem:v45+s18+$0x0], vm1  }
0x28e: {  	v23 =	vor.u32 $0x100, v20;
	_ =	sdelay $0x3  }
0x28f: {  	[tilespmem:v46+s21+$0x0] =	vst.idx.msk vm1, v21  }
0x290: {  	v47 =	vor.u32 $0x2, v19;
	v21 =	vld.idx.msk [tilespmem:v23+s18+$0x0], vm1  }
0x291: {  	v48 =	vor.u32 $0x180, v20;
	_ =	sdelay $0x3  }
0x292: {  	[tilespmem:v47+s21+$0x0] =	vst.idx.msk vm1, v21  }
0x293: {  	v49 =	vor.u32 $0x3, v19;
	v21 =	vld.idx.msk [tilespmem:v48+s18+$0x0], vm1  }
0x294: {  	v50 =	vor.u32 $0x200, v20;
	_ =	sdelay $0x3  }
0x295: {  	[tilespmem:v49+s21+$0x0] =	vst.idx.msk vm1, v21  }
0x296: {  	v51 =	vor.u32 $0x4, v19;
	v21 =	vld.idx.msk [tilespmem:v50+s18+$0x0], vm1  }
0x297: {  	v52 =	vor.u32 $0x280, v20;
	_ =	sdelay $0x3  }
0x298: {  	[tilespmem:v51+s21+$0x0] =	vst.idx.msk vm1, v21  }
0x299: {  	v53 =	vor.u32 $0x5, v19;
	v21 =	vld.idx.msk [tilespmem:v52+s18+$0x0], vm1  }
0x29a: {  	v54 =	vor.u32 $0x300, v20;
	_ =	sdelay $0x3  }
0x29b: {  	[tilespmem:v53+s21+$0x0] =	vst.idx.msk vm1, v21  }
0x29c: {  	v55 =	vor.u32 $0x6, v19;
	v21 =	vld.idx.msk [tilespmem:v54+s18+$0x0], vm1  }
0x29d: {  	v56 =	vor.u32 $0x380, v20;
	_ =	sdelay $0x3  }
0x29e: {  	[tilespmem:v55+s21+$0x0] =	vst.idx.msk vm1, v21  }
0x29f: {  	v57 =	vor.u32 $0x7, v19;
	v21 =	vld.idx.msk [tilespmem:v56+s18+$0x0], vm1  }
0x2a0: {  	v58 =	vadd.s32 $0x3000, v20;
	_ =	sdelay $0x3  }
0x2a1: {  	[tilespmem:v57+s21+$0x0] =	vst.idx.msk vm1, v21  }
0x2a2: {  	v59 =	vor.u32 $0x8, v19;
	v21 =	vld.idx.msk [tilespmem:v58+s18+$0x0], vm1  }
0x2a3: {  	v60 =	vadd.s32 $0x3080, v20;
	_ =	sdelay $0x3  }
0x2a4: {  	[tilespmem:v59+s21+$0x0] =	vst.idx.msk vm1, v21  }
0x2a5: {  	v61 =	vor.u32 $0x9, v19;
	v21 =	vld.idx.msk [tilespmem:v60+s18+$0x0], vm1  }
0x2a6: {  	v62 =	vadd.s32 $0x3100, v20;
	_ =	sdelay $0x3  }
0x2a7: {  	[tilespmem:v61+s21+$0x0] =	vst.idx.msk vm1, v21  }
0x2a8: {  	v63 =	vor.u32 $0xA, v19;
	v21 =	vld.idx.msk [tilespmem:v62+s18+$0x0], vm1  }
0x2a9: {  	v24 =	vadd.s32 $0x3180, v20;
	_ =	sdelay $0x3  }
0x2aa: {  	[tilespmem:v63+s21+$0x0] =	vst.idx.msk vm1, v21  }
0x2ab: {  	v25 =	vor.u32 $0xB, v19;
	v21 =	vld.idx.msk [tilespmem:v24+s18+$0x0], vm1  }
0x2ac: {  	v26 =	vadd.s32 $0x3200, v20;
	_ =	sdelay $0x3  }
0x2ad: {  	[tilespmem:v25+s21+$0x0] =	vst.idx.msk vm1, v21  }
0x2ae: {  	v27 =	vor.u32 $0xC, v19;
	v21 =	vld.idx.msk [tilespmem:v26+s18+$0x0], vm1  }
0x2af: {  	v28 =	vadd.s32 $0x3280, v20;
	_ =	sdelay $0x3  }
0x2b0: {  	[tilespmem:v27+s21+$0x0] =	vst.idx.msk vm1, v21  }
0x2b1: {  	v29 =	vor.u32 $0xD, v19;
	v21 =	vld.idx.msk [tilespmem:v28+s18+$0x0], vm1  }
0x2b2: {  	v30 =	vadd.s32 $0x3300, v20;
	_ =	sdelay $0x3  }
0x2b3: {  	[tilespmem:v29+s21+$0x0] =	vst.idx.msk vm1, v21  }
0x2b4: {  	v31 =	vor.u32 $0xE, v19;
	v21 =	vld.idx.msk [tilespmem:v30+s18+$0x0], vm1  }
0x2b5: {  	v32 =	vadd.s32 $0x3380, v20;
	_ =	sdelay $0x3  }
0x2b6: {  	[tilespmem:v31+s21+$0x0] =	vst.idx.msk vm1, v21  }
0x2b7: {  	v33 =	vor.u32 $0xF, v19;
	v21 =	vld.idx.msk [tilespmem:v32+s18+$0x0], vm1  }
0x2b8: {  	v34 =	vadd.s32 $0x6000, v20;
	_ =	sdelay $0x3  }
0x2b9: {  	[tilespmem:v33+s21+$0x0] =	vst.idx.msk vm1, v21  }
0x2ba: {  	v35 =	vor.u32 $0x10, v19;
	v21 =	vld.idx.msk [tilespmem:v34+s18+$0x0], vm1  }
0x2bb: {  	v36 =	vadd.s32 $0x6080, v20;
	_ =	sdelay $0x3  }
0x2bc: {  	[tilespmem:v35+s21+$0x0] =	vst.idx.msk vm1, v21  }
0x2bd: {  	v37 =	vor.u32 $0x11, v19;
	v21 =	vld.idx.msk [tilespmem:v36+s18+$0x0], vm1  }
0x2be: {  	v38 =	vadd.s32 $0x6100, v20;
	_ =	sdelay $0x3  }
0x2bf: {  	[tilespmem:v37+s21+$0x0] =	vst.idx.msk vm1, v21  }
0x2c0: {  	v39 =	vor.u32 $0x12, v19;
	v21 =	vld.idx.msk [tilespmem:v38+s18+$0x0], vm1  }
0x2c1: {  	v40 =	vadd.s32 $0x6180, v20;
	_ =	sdelay $0x3  }
0x2c2: {  	[tilespmem:v39+s21+$0x0] =	vst.idx.msk vm1, v21  }
0x2c3: {  	v41 =	vor.u32 $0x13, v19;
	v21 =	vld.idx.msk [tilespmem:v40+s18+$0x0], vm1  }
0x2c4: {  	v42 =	vadd.s32 $0x6200, v20;
	_ =	sdelay $0x3  }
0x2c5: {  	[tilespmem:v41+s21+$0x0] =	vst.idx.msk vm1, v21  }
0x2c6: {  	v43 =	vor.u32 $0x14, v19;
	v21 =	vld.idx.msk [tilespmem:v42+s18+$0x0], vm1  }
0x2c7: {  	v44 =	vadd.s32 $0x6280, v20;
	_ =	sdelay $0x3  }
0x2c8: {  	[tilespmem:v43+s21+$0x0] =	vst.idx.msk vm1, v21  }
0x2c9: {  	v45 =	vor.u32 $0x15, v19;
	v21 =	vld.idx.msk [tilespmem:v44+s18+$0x0], vm1  }
0x2ca: {  	v46 =	vadd.s32 $0x6300, v20;
	_ =	sdelay $0x3  }
0x2cb: {  	[tilespmem:v45+s21+$0x0] =	vst.idx.msk vm1, v21  }
0x2cc: {  	v47 =	vor.u32 $0x16, v19;
	v21 =	vld.idx.msk [tilespmem:v46+s18+$0x0], vm1  }
0x2cd: {  	v48 =	vadd.s32 $0x6380, v20;
	_ =	sdelay $0x3  }
0x2ce: {  	[tilespmem:v47+s21+$0x0] =	vst.idx.msk vm1, v21  }
0x2cf: {  	v49 =	vor.u32 $0x17, v19;
	v21 =	vld.idx.msk [tilespmem:v48+s18+$0x0], vm1  }
0x2d0: {  	v50 =	vadd.s32 $0x9000, v20;
	_ =	sdelay $0x3  }
0x2d1: {  	[tilespmem:v49+s21+$0x0] =	vst.idx.msk vm1, v21  }
0x2d2: {  	v51 =	vor.u32 $0x18, v19;
	v21 =	vld.idx.msk [tilespmem:v50+s18+$0x0], vm1  }
0x2d3: {  	v52 =	vadd.s32 $0x9080, v20;
	_ =	sdelay $0x3  }
0x2d4: {  	[tilespmem:v51+s21+$0x0] =	vst.idx.msk vm1, v21  }
0x2d5: {  	v53 =	vor.u32 $0x19, v19;
	v21 =	vld.idx.msk [tilespmem:v52+s18+$0x0], vm1  }
0x2d6: {  	v54 =	vadd.s32 $0x9100, v20;
	_ =	sdelay $0x3  }
0x2d7: {  	[tilespmem:v53+s21+$0x0] =	vst.idx.msk vm1, v21  }
0x2d8: {  	v55 =	vor.u32 $0x1A, v19;
	v21 =	vld.idx.msk [tilespmem:v54+s18+$0x0], vm1  }
0x2d9: {  	v56 =	vadd.s32 $0x9180, v20;
	_ =	sdelay $0x3  }
0x2da: {  	[tilespmem:v55+s21+$0x0] =	vst.idx.msk vm1, v21  }
0x2db: {  	v57 =	vor.u32 $0x1B, v19;
	v21 =	vld.idx.msk [tilespmem:v56+s18+$0x0], vm1  }
0x2dc: {  	v58 =	vadd.s32 $0x9200, v20;
	_ =	sdelay $0x3  }
0x2dd: {  	[tilespmem:v57+s21+$0x0] =	vst.idx.msk vm1, v21  }
0x2de: {  	v59 =	vor.u32 $0x1C, v19;
	v21 =	vld.idx.msk [tilespmem:v58+s18+$0x0], vm1  }
0x2df: {  	v60 =	vadd.s32 $0x9280, v20;
	_ =	sdelay $0x3  }
0x2e0: {  	[tilespmem:v59+s21+$0x0] =	vst.idx.msk vm1, v21  }
0x2e1: {  	v61 =	vor.u32 $0x1D, v19;
	v21 =	vld.idx.msk [tilespmem:v60+s18+$0x0], vm1  }
0x2e2: {  	v62 =	vadd.s32 $0x9300, v20;
	_ =	sdelay $0x3  }
0x2e3: {  	[tilespmem:v61+s21+$0x0] =	vst.idx.msk vm1, v21  }
0x2e4: {  	v63 =	vor.u32 $0x1E, v19;
	v21 =	vld.idx.msk [tilespmem:v62+s18+$0x0], vm1  }
0x2e5: {  	v20 =	vadd.s32 $0x9380, v20;
	_ =	sdelay $0x3  }
0x2e6: {  	[tilespmem:v63+s21+$0x0] =	vst.idx.msk vm1, v21  }
0x2e7: {  	v19 =	vor.u32 $0x1F, v19;
	v20 =	vld.idx.msk [tilespmem:v20+s18+$0x0], vm1;
	_ =	sdelay $0x4  }
0x2e8: {  	s30 =	sadd.s32 $0x1, s30;
	[tilespmem:v19+s21+$0x0] =	vst.idx.msk vm1, v20;
	(ifvalue) =	ssetifvalue $0xFFFFFFFF  }
0x2e9: {  	p2 =	sne.s32 s30, s26;
	(ifvalue) =	ssetifvalue $0xFFFFFFFF  }
0x2ea: {  	[hbm4b:s9+s15] =	stream.indirect.scatter [tilespmem:s21], [sflag:$0x1], $0x80, s22, s15, $0x40b8;
	[tilespmem:$0x1C180] =	vst v63  }
.Ltmp12:
0x2eb: {  	_ = 	snop;
	(pc) =	sbr.rel @p2 .LBB2_14-.Ltmp12, $4  }
.Ltmp13:
0x2ec: {  	_ = 	snop;
	(pc) =	sbr.rel @!p2 .LBB2_17-.Ltmp13, $4  }
0x2ed: {  	_ =	swait.ge [sflag:s17], $0x4000  }
0x2ee: {  	[sflag:s17] =	ssyncset.done $0x0  }
0x2ef: {  	s29 =	sadd.s32 $0x80, s29;
	[sflag:s17] =	ssyncadd.s32 $0xFFFFC000  }
0x2f0: {  	_ = 	snop  }
.LBB2_7:
.Ltmp14:
0x2f1: {  	(pc) =	sbr.rel .LBB2_11-.Ltmp14, $2  }
0x2f2: {  	_ =	sdelay $0x2  }
0x2f3: {  	s30 =	simm.s32 $0x0;
	s28 =	simm.s32 $0x5100;
	s29 =	simm.s32 $0x0  }
.LBB2_9:
.Ltmp15:
0x2f4: {  	(pc) =	sbr.rel .LBB2_11-.Ltmp15, $2  }
0x2f5: {  	_ =	sdelay $0x2  }
0x2f6: {  	s30 =	simm.s32 $0x0;
	s28 =	simm.s32 $0x5100;
	s29 =	simm.s32 $0x0  }
.LBB2_18:
.Ltmp16:
0x2f7: {  	(pc) =	sbr.rel @p0 .LBB2_31-.Ltmp16, $1  }
0x2f8: {  	_ =	sdelay $0x3  }
.Ltmp17:
0x2f9: {  	s0 =	rddreg [dreg:$0x4];
	(pc) =	sbr.rel @p1 .LBB2_26-.Ltmp17, $4  }
0x2fa: {  	[tilespmem:s23], [sflag:$0x1] =	stream.indirect.gather [hbm4b:s0+s15], $0x80, s15, s15, $0xb8;
	[tilespmem:$0x1C180] =	vst v63  }
0x2fb: {  	_ =	swait.ge [sflag:s17], $0x4000  }
0x2fc: {  	[sflag:s17] =	ssyncset.done $0x0  }
0x2fd: {  	s1 =	simm.s32 $0x0;
	[sflag:s17] =	ssyncadd.s32 $0xFFFFC000  }
0x2fe: {  	p2 =	sne.s32 s24, $0x1  }
.Ltmp18:
0x2ff: {  	_ = 	snop;
	(pc) =	sbr.rel @!p2 .LBB2_21-.Ltmp18, $3  }
0x300: {  	_ =	sdelay $0x1  }
0x301: {  	s0 =	simm.s32 $0x4100  }
0x302: {  	s5 =	simm.s32 $0x5100;
	s24 =	sadd.s32 $0xFFFFFFFF, s24;
	p1 =	por $0x0, $0x0;
	v17 =	vld [tilespmem:s0+$0x0]  }
0x303: {  	_ =	sdelay $0x3  }
0x304: {  	v19 =	vor.u32 s1, v2;
	v20 =	vadd.s32 $0xFFF0BE00, v17  }
0x305: {  	vm1 =	vlt.s32 v19, v16;
	vm2 =	vlt.u32 v20, $0x3FF0BE00  }
0x306: {  	vm1 =	vmand vm1, vm2  }
0x307: {  	v19 =	vmpcnt.ones.xlane vm1;
	_ =	sdelay $0x1  }
0x308: {  	v18 =	vld [tilespmem:s5+$0x0];
	(v2sf) =	vpush v19, $0x0  }
0x309: {  	p2 =	sne.s32 s24, $0x1  }
.Ltmp19:
0x30a: {  	p1 =	por $0x1, $0x1;
	s0 =	simm.s32 $0x0;
	(pc) =	sbr.rel @!p2 .LBB2_23-.Ltmp19, $4  }
0x30b: {  	s0 =	simm.s32 @!p1 $0xFF0  }
0x30c: {  	[tilespmem:s0+$0x6100] =	vst.msk vm1, v17  }
0x30d: {  	s6 =	simm.s32 $0x4110;
	s28 =	sadd.s32 $0xFFFFFFFF, s24;
	s26 =	simm.s32 $0x0;
	[tilespmem:s0+$0x7100] =	vst.msk vm1, v18  }
0x30e: {  	s24 =	simm.s32 $0x5100;
	s25 =	simm.s32 $0x0;
	p1 =	por $0x1, $0x1;
	v17 =	vld [tilespmem:s6+$0x0]  }
.LBB2_24:
0x30f: {  	p2 =	sne.s32 s28, $0x1;
	_ =	sdelay $0x2  }
0x310: {  	s26 =	sadd.s32 $0x10, s26  }
0x311: {  	v18 =	vor.u32 s26, v2;
	v19 =	vadd.s32 $0xFFF0BE00, v17  }
0x312: {  	vm1 =	vlt.s32 v18, v16;
	vm2 =	vlt.u32 v19, $0x3FF0BE00  }
0x313: {  	vm1 =	vmand vm1, vm2  }
0x314: {  	s24 =	sadd.s32 $0x10, s24;
	v18 =	vmpcnt.ones.xlane vm1  }
0x315: {  	v19 =	vld [tilespmem:s24+$0x0];
	s0 =	spop (v2sf)  }
0x316: {  	(v2sf) =	vpush v18, $0x0;
	s25 =	sadd.s32 s25, s0  }
0x317: {  	p3 =	slt.s32 s25, $0xFF0;
	s0 =	smov.u32 s25  }
.Ltmp20:
0x318: {  	s0 =	simm.s32 @!p3 $0xFF0;
	(pc) =	sbr.rel @p2 .LBB2_24-.Ltmp20, $4  }
0x319: {  	[tilespmem:s0+$0x6100] =	vst.msk vm1, v17  }
0x31a: {  	[tilespmem:s0+$0x7100] =	vst.msk vm1, v19  }
0x31b: {  	s6 =	sadd.s32 $0x10, s6  }
0x31c: {  	s28 =	sadd.s32 $0xFFFFFFFF, s28;
	v17 =	vld [tilespmem:s6+$0x0]  }
.LBB2_25:
0x31d: {  	_ =	sdelay $0x1  }
0x31e: {  	s0 =	sadd.s32 @p1 $0x10, s26;
	s2 =	simm.s32 $0x0  }
0x31f: {  	s2 =	smov.u32 @p1 s0  }
0x320: {  	v18 =	vor.u32 s2, v2;
	v19 =	vadd.s32 $0xFFF0BE00, v17  }
0x321: {  	vm1 =	vlt.s32 v18, v16;
	vm2 =	vlt.u32 v19, $0x3FF0BE00  }
0x322: {  	vm1 =	vmand vm1, vm2  }
0x323: {  	v16 =	vmpcnt.ones.xlane vm1;
	_ =	sdelay $0x1  }
0x324: {  	(v2sf) =	vpush v16, $0x0;
	_ =	sdelay $0x8  }
0x325: {  	s0 =	sadd.s32 @p1 $0x10, s24  }
0x326: {  	s5 =	smov.u32 @p1 s0;
	s2 =	spop @p1 (v2sf)  }
0x327: {  	v16 =	vld [tilespmem:s5+$0x0];
	s0 =	sadd.s32 @p1 s25, s2  }
0x328: {  	s1 =	smov.u32 @p1 s0  }
0x329: {  	p1 =	slt.s32 s1, $0xFF0;
	s0 =	smov.u32 s1  }
0x32a: {  	s0 =	simm.s32 @!p1 $0xFF0  }
0x32b: {  	[tilespmem:s0+$0x6100] =	vst.msk vm1, v17;
	s31 =	spop (v2sf)  }
0x32c: {  	[tilespmem:s0+$0x7100] =	vst.msk vm1, v16;
	s1 =	sadd.s32 s1, s31  }
.LBB2_26:
0x32d: {  	s0 =	sadd.s32 $0x7F, s1  }
0x32e: {  	s2 =	sand.u32 $0x7F, s0  }
0x32f: {  	s5 =	sshra.s32 s0, $0x1F;
	p1 =	slt.s32 s0, $0x1;
	p2 =	sne.s32 s2, $0x0  }
0x330: {  	s31 =	sshrl.u32 s5, $0x19;
	p1 =	por !p1, !p2  }
0x331: {  	s2 =	simm.s32 $0x1;
	s0 =	sadd.s32 s31, s0;
	p1 =	por !p1, !p1  }
0x332: {  	s0 =	sshra.s32 s0, $0x7;
	s2 =	simm.s32 @!p1 $0x0  }
0x333: {  	s24 =	ssub.s32 s0, s2  }
0x334: {  	p1 =	slt.s32 s24, $0x1  }
.Ltmp21:
0x335: {  	_ = 	snop;
	(pc) =	sbr.rel @p1 .LBB2_31-.Ltmp21, $1  }
0x336: {  	_ =	sdelay $0x3  }
0x337: {  	v16 =	vmov s1;
	s25 =	simm.s32 $0x0;
	s26 =	simm.s32 $0x0;
	s28 =	simm.s32 $0x0  }
.LBB2_28:
0x338: {  	s0 =	sadd.s32 $0x0, s26  }
0x339: {  	v17 =	vor.u32 s0, v2  }
0x33a: {  	vm1 =	vlt.s32 v17, $0xFFF  }
0x33b: {  	v18 =	vnsel vm1, $0xFFF, v17;
	_ =	sdelay $0x4  }
0x33c: {  	v19 =	vld.idx.msk [tilespmem:v18+s19+$0x0], $0xffff;
	_ =	sdelay $0x3  }
0x33d: {  	v18 =	vld.idx.msk [tilespmem:v18+s20+$0x0], $0xffff  }
0x33e: {  	vm1 =	vlt.s32 v17, v16;
	v17 =	vshll.u32 v19, $0x7  }
0x33f: {  	v19 =	vadd.s32 $0xF85F0000, v17;
	_ =	sdelay $0x2  }
0x340: {  	s29 =	simm.s32 $0x18100;
	v20 =	vmov s25;
	v18 =	vnsel vm1, $0xFFFFFFFF, v18  }
0x341: {  	[tilespmem:s29+$0x0] =	vst v18;
	v18 =	vshll.u32 v20, $0x7  }
0x342: {  	v18 =	vor.u32 v15, v18;
	v19 =	vld.idx.msk [tilespmem:v19+s23+$0x0], vm1  }
0x343: {  	v20 =	vadd.s32 $0xF85F0001, v17;
	_ =	sdelay $0x3  }
0x344: {  	[tilespmem:v18+s21+$0x0] =	vst.idx.msk vm1, v19  }
0x345: {  	v19 =	vld.idx.msk [tilespmem:v20+s23+$0x0], vm1;
	v20 =	vor.u32 $0x1, v18  }
0x346: {  	v21 =	vadd.s32 $0xF85F0002, v17;
	_ =	sdelay $0x3  }
0x347: {  	[tilespmem:v20+s21+$0x0] =	vst.idx.msk vm1, v19  }
0x348: {  	v20 =	vor.u32 $0x2, v18;
	v19 =	vld.idx.msk [tilespmem:v21+s23+$0x0], vm1  }
0x349: {  	v21 =	vadd.s32 $0xF85F0003, v17;
	_ =	sdelay $0x3  }
0x34a: {  	[tilespmem:v20+s21+$0x0] =	vst.idx.msk vm1, v19  }
0x34b: {  	v20 =	vor.u32 $0x3, v18;
	v19 =	vld.idx.msk [tilespmem:v21+s23+$0x0], vm1  }
0x34c: {  	v21 =	vadd.s32 $0xF85F0004, v17;
	_ =	sdelay $0x3  }
0x34d: {  	[tilespmem:v20+s21+$0x0] =	vst.idx.msk vm1, v19  }
0x34e: {  	v20 =	vor.u32 $0x4, v18;
	v19 =	vld.idx.msk [tilespmem:v21+s23+$0x0], vm1  }
0x34f: {  	v21 =	vadd.s32 $0xF85F0005, v17;
	_ =	sdelay $0x3  }
0x350: {  	[tilespmem:v20+s21+$0x0] =	vst.idx.msk vm1, v19  }
0x351: {  	v20 =	vor.u32 $0x5, v18;
	v19 =	vld.idx.msk [tilespmem:v21+s23+$0x0], vm1  }
0x352: {  	v21 =	vadd.s32 $0xF85F0006, v17;
	_ =	sdelay $0x3  }
0x353: {  	[tilespmem:v20+s21+$0x0] =	vst.idx.msk vm1, v19  }
0x354: {  	v20 =	vor.u32 $0x6, v18;
	v19 =	vld.idx.msk [tilespmem:v21+s23+$0x0], vm1  }
0x355: {  	v21 =	vadd.s32 $0xF85F0007, v17;
	_ =	sdelay $0x3  }
0x356: {  	[tilespmem:v20+s21+$0x0] =	vst.idx.msk vm1, v19  }
0x357: {  	v20 =	vor.u32 $0x7, v18;
	v19 =	vld.idx.msk [tilespmem:v21+s23+$0x0], vm1  }
0x358: {  	v21 =	vadd.s32 $0xF85F0008, v17;
	_ =	sdelay $0x3  }
0x359: {  	[tilespmem:v20+s21+$0x0] =	vst.idx.msk vm1, v19  }
0x35a: {  	v20 =	vor.u32 $0x8, v18;
	v19 =	vld.idx.msk [tilespmem:v21+s23+$0x0], vm1  }
0x35b: {  	v21 =	vadd.s32 $0xF85F0009, v17;
	_ =	sdelay $0x3  }
0x35c: {  	[tilespmem:v20+s21+$0x0] =	vst.idx.msk vm1, v19  }
0x35d: {  	v20 =	vor.u32 $0x9, v18;
	v19 =	vld.idx.msk [tilespmem:v21+s23+$0x0], vm1  }
0x35e: {  	v21 =	vadd.s32 $0xF85F000A, v17;
	_ =	sdelay $0x3  }
0x35f: {  	[tilespmem:v20+s21+$0x0] =	vst.idx.msk vm1, v19  }
0x360: {  	v20 =	vor.u32 $0xA, v18;
	v19 =	vld.idx.msk [tilespmem:v21+s23+$0x0], vm1  }
0x361: {  	v21 =	vadd.s32 $0xF85F000B, v17;
	_ =	sdelay $0x3  }
0x362: {  	[tilespmem:v20+s21+$0x0] =	vst.idx.msk vm1, v19  }
0x363: {  	v20 =	vor.u32 $0xB, v18;
	v19 =	vld.idx.msk [tilespmem:v21+s23+$0x0], vm1  }
0x364: {  	v21 =	vadd.s32 $0xF85F000C, v17;
	_ =	sdelay $0x3  }
0x365: {  	[tilespmem:v20+s21+$0x0] =	vst.idx.msk vm1, v19  }
0x366: {  	v20 =	vor.u32 $0xC, v18;
	v19 =	vld.idx.msk [tilespmem:v21+s23+$0x0], vm1  }
0x367: {  	v21 =	vadd.s32 $0xF85F000D, v17;
	_ =	sdelay $0x3  }
0x368: {  	[tilespmem:v20+s21+$0x0] =	vst.idx.msk vm1, v19  }
0x369: {  	v20 =	vor.u32 $0xD, v18;
	v19 =	vld.idx.msk [tilespmem:v21+s23+$0x0], vm1  }
0x36a: {  	v21 =	vadd.s32 $0xF85F000E, v17;
	_ =	sdelay $0x3  }
0x36b: {  	[tilespmem:v20+s21+$0x0] =	vst.idx.msk vm1, v19  }
0x36c: {  	v20 =	vor.u32 $0xE, v18;
	v19 =	vld.idx.msk [tilespmem:v21+s23+$0x0], vm1  }
0x36d: {  	v21 =	vadd.s32 $0xF85F000F, v17;
	_ =	sdelay $0x3  }
0x36e: {  	[tilespmem:v20+s21+$0x0] =	vst.idx.msk vm1, v19  }
0x36f: {  	v20 =	vor.u32 $0xF, v18;
	v19 =	vld.idx.msk [tilespmem:v21+s23+$0x0], vm1  }
0x370: {  	v21 =	vadd.s32 $0xF85F0010, v17;
	_ =	sdelay $0x3  }
0x371: {  	[tilespmem:v20+s21+$0x0] =	vst.idx.msk vm1, v19  }
0x372: {  	v20 =	vor.u32 $0x10, v18;
	v19 =	vld.idx.msk [tilespmem:v21+s23+$0x0], vm1  }
0x373: {  	v21 =	vadd.s32 $0xF85F0011, v17;
	_ =	sdelay $0x3  }
0x374: {  	[tilespmem:v20+s21+$0x0] =	vst.idx.msk vm1, v19  }
0x375: {  	v20 =	vor.u32 $0x11, v18;
	v19 =	vld.idx.msk [tilespmem:v21+s23+$0x0], vm1  }
0x376: {  	v21 =	vadd.s32 $0xF85F0012, v17;
	_ =	sdelay $0x3  }
0x377: {  	[tilespmem:v20+s21+$0x0] =	vst.idx.msk vm1, v19  }
0x378: {  	v20 =	vor.u32 $0x12, v18;
	v19 =	vld.idx.msk [tilespmem:v21+s23+$0x0], vm1  }
0x379: {  	v21 =	vadd.s32 $0xF85F0013, v17;
	_ =	sdelay $0x3  }
0x37a: {  	[tilespmem:v20+s21+$0x0] =	vst.idx.msk vm1, v19  }
0x37b: {  	v20 =	vor.u32 $0x13, v18;
	v19 =	vld.idx.msk [tilespmem:v21+s23+$0x0], vm1  }
0x37c: {  	v21 =	vadd.s32 $0xF85F0014, v17;
	_ =	sdelay $0x3  }
0x37d: {  	[tilespmem:v20+s21+$0x0] =	vst.idx.msk vm1, v19  }
0x37e: {  	v20 =	vor.u32 $0x14, v18;
	v19 =	vld.idx.msk [tilespmem:v21+s23+$0x0], vm1  }
0x37f: {  	v21 =	vadd.s32 $0xF85F0015, v17;
	_ =	sdelay $0x3  }
0x380: {  	[tilespmem:v20+s21+$0x0] =	vst.idx.msk vm1, v19  }
0x381: {  	v20 =	vor.u32 $0x15, v18;
	v19 =	vld.idx.msk [tilespmem:v21+s23+$0x0], vm1  }
0x382: {  	v21 =	vadd.s32 $0xF85F0016, v17;
	_ =	sdelay $0x3  }
0x383: {  	[tilespmem:v20+s21+$0x0] =	vst.idx.msk vm1, v19  }
0x384: {  	v20 =	vor.u32 $0x16, v18;
	v19 =	vld.idx.msk [tilespmem:v21+s23+$0x0], vm1  }
0x385: {  	v21 =	vadd.s32 $0xF85F0017, v17;
	_ =	sdelay $0x3  }
0x386: {  	[tilespmem:v20+s21+$0x0] =	vst.idx.msk vm1, v19  }
0x387: {  	v20 =	vor.u32 $0x17, v18;
	v19 =	vld.idx.msk [tilespmem:v21+s23+$0x0], vm1  }
0x388: {  	v21 =	vadd.s32 $0xF85F0018, v17;
	_ =	sdelay $0x3  }
0x389: {  	[tilespmem:v20+s21+$0x0] =	vst.idx.msk vm1, v19  }
0x38a: {  	v20 =	vor.u32 $0x18, v18;
	v19 =	vld.idx.msk [tilespmem:v21+s23+$0x0], vm1  }
0x38b: {  	v21 =	vadd.s32 $0xF85F0019, v17;
	_ =	sdelay $0x3  }
0x38c: {  	[tilespmem:v20+s21+$0x0] =	vst.idx.msk vm1, v19  }
0x38d: {  	v20 =	vor.u32 $0x19, v18;
	v19 =	vld.idx.msk [tilespmem:v21+s23+$0x0], vm1  }
0x38e: {  	v21 =	vadd.s32 $0xF85F001A, v17;
	_ =	sdelay $0x3  }
0x38f: {  	[tilespmem:v20+s21+$0x0] =	vst.idx.msk vm1, v19  }
0x390: {  	v20 =	vor.u32 $0x1A, v18;
	v19 =	vld.idx.msk [tilespmem:v21+s23+$0x0], vm1  }
0x391: {  	v21 =	vadd.s32 $0xF85F001B, v17;
	_ =	sdelay $0x3  }
0x392: {  	[tilespmem:v20+s21+$0x0] =	vst.idx.msk vm1, v19  }
0x393: {  	v20 =	vor.u32 $0x1B, v18;
	v19 =	vld.idx.msk [tilespmem:v21+s23+$0x0], vm1  }
0x394: {  	v21 =	vadd.s32 $0xF85F001C, v17;
	_ =	sdelay $0x3  }
0x395: {  	[tilespmem:v20+s21+$0x0] =	vst.idx.msk vm1, v19  }
0x396: {  	v20 =	vor.u32 $0x1C, v18;
	v19 =	vld.idx.msk [tilespmem:v21+s23+$0x0], vm1  }
0x397: {  	v21 =	vadd.s32 $0xF85F001D, v17;
	_ =	sdelay $0x3  }
0x398: {  	[tilespmem:v20+s21+$0x0] =	vst.idx.msk vm1, v19  }
0x399: {  	v20 =	vor.u32 $0x1D, v18;
	v19 =	vld.idx.msk [tilespmem:v21+s23+$0x0], vm1  }
0x39a: {  	v21 =	vadd.s32 $0xF85F001E, v17;
	_ =	sdelay $0x3  }
0x39b: {  	[tilespmem:v20+s21+$0x0] =	vst.idx.msk vm1, v19  }
0x39c: {  	v20 =	vor.u32 $0x1E, v18;
	v19 =	vld.idx.msk [tilespmem:v21+s23+$0x0], vm1  }
0x39d: {  	v21 =	vadd.s32 $0xF85F001F, v17;
	_ =	sdelay $0x2  }
0x39e: {  	s31 =	sadd.s32 $0x10, s26  }
0x39f: {  	v17 =	vor.u32 s31, v2;
	[tilespmem:v20+s21+$0x0] =	vst.idx.msk vm1, v19  }
0x3a0: {  	vm2 =	vlt.s32 v17, $0xFFF;
	v20 =	vor.u32 $0x1F, v18;
	v19 =	vld.idx.msk [tilespmem:v21+s23+$0x0], vm1  }
0x3a1: {  	s5 =	simm.s32 $0x10;
	s1 =	simm.s32 $0x20;
	v18 =	vnsel vm2, $0xFFF, v17  }
.LBB2_29:
0x3a2: {  	_ =	sdelay $0x1  }
0x3a3: {  	p1 =	sne.s32 s1, $0x70  }
0x3a4: {  	s29 =	sadd.s32 $0x10, s29;
	s0 =	smov.u32 s1;
	s1 =	sadd.s32 $0x10, s1;
	[tilespmem:v20+s21+$0x0] =	vst.idx.msk vm1, v19  }
0x3a5: {  	v19 =	vld.idx.msk [tilespmem:v18+s19+$0x0], $0xffff;
	_ =	sdelay $0x3  }
0x3a6: {  	v18 =	vld.idx.msk [tilespmem:v18+s20+$0x0], $0xffff;
	_ =	sdelay $0x1  }
0x3a7: {  	vm1 =	vlt.s32 v17, v16;
	v17 =	vshll.u32 v19, $0x7  }
0x3a8: {  	v19 =	vadd.s32 $0xF85F0000, v17;
	_ =	sdelay $0x2  }
0x3a9: {  	v18 =	vnsel vm1, $0xFFFFFFFF, v18  }
0x3aa: {  	[tilespmem:s29+$0x0] =	vst v18;
	v18 =	vmov s5;
	s5 =	smov.u32 s0  }
0x3ab: {  	v18 =	vshll.u32 v18, $0x7;
	v19 =	vld.idx.msk [tilespmem:v19+s23+$0x0], vm1  }
0x3ac: {  	v18 =	vor.u32 v15, v18  }
0x3ad: {  	v20 =	vadd.s32 $0xF85F0001, v17;
	_ =	sdelay $0x3  }
0x3ae: {  	[tilespmem:v18+s21+$0x0] =	vst.idx.msk vm1, v19  }
0x3af: {  	v19 =	vld.idx.msk [tilespmem:v20+s23+$0x0], vm1  }
0x3b0: {  	v20 =	vor.u32 $0x1, v18  }
0x3b1: {  	v21 =	vadd.s32 $0xF85F0002, v17;
	_ =	sdelay $0x3  }
0x3b2: {  	[tilespmem:v20+s21+$0x0] =	vst.idx.msk vm1, v19  }
0x3b3: {  	v19 =	vld.idx.msk [tilespmem:v21+s23+$0x0], vm1  }
0x3b4: {  	v20 =	vor.u32 $0x2, v18  }
0x3b5: {  	v21 =	vadd.s32 $0xF85F0003, v17;
	_ =	sdelay $0x3  }
0x3b6: {  	[tilespmem:v20+s21+$0x0] =	vst.idx.msk vm1, v19  }
0x3b7: {  	v19 =	vld.idx.msk [tilespmem:v21+s23+$0x0], vm1  }
0x3b8: {  	v20 =	vor.u32 $0x3, v18  }
0x3b9: {  	v21 =	vadd.s32 $0xF85F0004, v17;
	_ =	sdelay $0x3  }
0x3ba: {  	[tilespmem:v20+s21+$0x0] =	vst.idx.msk vm1, v19  }
0x3bb: {  	v19 =	vld.idx.msk [tilespmem:v21+s23+$0x0], vm1  }
0x3bc: {  	v20 =	vor.u32 $0x4, v18  }
0x3bd: {  	v21 =	vadd.s32 $0xF85F0005, v17;
	_ =	sdelay $0x3  }
0x3be: {  	[tilespmem:v20+s21+$0x0] =	vst.idx.msk vm1, v19  }
0x3bf: {  	v19 =	vld.idx.msk [tilespmem:v21+s23+$0x0], vm1  }
0x3c0: {  	v20 =	vor.u32 $0x5, v18  }
0x3c1: {  	v21 =	vadd.s32 $0xF85F0006, v17;
	_ =	sdelay $0x3  }
0x3c2: {  	[tilespmem:v20+s21+$0x0] =	vst.idx.msk vm1, v19  }
0x3c3: {  	v19 =	vld.idx.msk [tilespmem:v21+s23+$0x0], vm1  }
0x3c4: {  	v20 =	vor.u32 $0x6, v18  }
0x3c5: {  	v21 =	vadd.s32 $0xF85F0007, v17;
	_ =	sdelay $0x3  }
0x3c6: {  	[tilespmem:v20+s21+$0x0] =	vst.idx.msk vm1, v19  }
0x3c7: {  	v19 =	vld.idx.msk [tilespmem:v21+s23+$0x0], vm1  }
0x3c8: {  	v20 =	vor.u32 $0x7, v18  }
0x3c9: {  	v21 =	vadd.s32 $0xF85F0008, v17;
	_ =	sdelay $0x3  }
0x3ca: {  	[tilespmem:v20+s21+$0x0] =	vst.idx.msk vm1, v19  }
0x3cb: {  	v19 =	vld.idx.msk [tilespmem:v21+s23+$0x0], vm1  }
0x3cc: {  	v20 =	vor.u32 $0x8, v18  }
0x3cd: {  	v21 =	vadd.s32 $0xF85F0009, v17;
	_ =	sdelay $0x3  }
0x3ce: {  	[tilespmem:v20+s21+$0x0] =	vst.idx.msk vm1, v19  }
0x3cf: {  	v19 =	vld.idx.msk [tilespmem:v21+s23+$0x0], vm1  }
0x3d0: {  	v20 =	vor.u32 $0x9, v18  }
0x3d1: {  	v21 =	vadd.s32 $0xF85F000A, v17;
	_ =	sdelay $0x3  }
0x3d2: {  	[tilespmem:v20+s21+$0x0] =	vst.idx.msk vm1, v19  }
0x3d3: {  	v19 =	vld.idx.msk [tilespmem:v21+s23+$0x0], vm1  }
0x3d4: {  	v20 =	vor.u32 $0xA, v18  }
0x3d5: {  	v21 =	vadd.s32 $0xF85F000B, v17;
	_ =	sdelay $0x3  }
0x3d6: {  	[tilespmem:v20+s21+$0x0] =	vst.idx.msk vm1, v19  }
0x3d7: {  	v19 =	vld.idx.msk [tilespmem:v21+s23+$0x0], vm1  }
0x3d8: {  	v20 =	vor.u32 $0xB, v18  }
0x3d9: {  	v21 =	vadd.s32 $0xF85F000C, v17;
	_ =	sdelay $0x3  }
0x3da: {  	[tilespmem:v20+s21+$0x0] =	vst.idx.msk vm1, v19  }
0x3db: {  	v19 =	vld.idx.msk [tilespmem:v21+s23+$0x0], vm1  }
0x3dc: {  	v20 =	vor.u32 $0xC, v18  }
0x3dd: {  	v21 =	vadd.s32 $0xF85F000D, v17;
	_ =	sdelay $0x3  }
0x3de: {  	[tilespmem:v20+s21+$0x0] =	vst.idx.msk vm1, v19  }
0x3df: {  	v19 =	vld.idx.msk [tilespmem:v21+s23+$0x0], vm1  }
0x3e0: {  	v20 =	vor.u32 $0xD, v18  }
0x3e1: {  	v21 =	vadd.s32 $0xF85F000E, v17;
	_ =	sdelay $0x3  }
0x3e2: {  	[tilespmem:v20+s21+$0x0] =	vst.idx.msk vm1, v19  }
0x3e3: {  	v19 =	vld.idx.msk [tilespmem:v21+s23+$0x0], vm1  }
0x3e4: {  	v20 =	vor.u32 $0xE, v18  }
0x3e5: {  	v21 =	vadd.s32 $0xF85F000F, v17;
	_ =	sdelay $0x3  }
0x3e6: {  	[tilespmem:v20+s21+$0x0] =	vst.idx.msk vm1, v19  }
0x3e7: {  	v19 =	vld.idx.msk [tilespmem:v21+s23+$0x0], vm1  }
0x3e8: {  	v20 =	vor.u32 $0xF, v18  }
0x3e9: {  	v21 =	vadd.s32 $0xF85F0010, v17;
	_ =	sdelay $0x3  }
0x3ea: {  	[tilespmem:v20+s21+$0x0] =	vst.idx.msk vm1, v19  }
0x3eb: {  	v19 =	vld.idx.msk [tilespmem:v21+s23+$0x0], vm1  }
0x3ec: {  	v20 =	vor.u32 $0x10, v18  }
0x3ed: {  	v21 =	vadd.s32 $0xF85F0011, v17;
	_ =	sdelay $0x3  }
0x3ee: {  	[tilespmem:v20+s21+$0x0] =	vst.idx.msk vm1, v19  }
0x3ef: {  	v19 =	vld.idx.msk [tilespmem:v21+s23+$0x0], vm1  }
0x3f0: {  	v20 =	vor.u32 $0x11, v18  }
0x3f1: {  	v21 =	vadd.s32 $0xF85F0012, v17;
	_ =	sdelay $0x3  }
0x3f2: {  	[tilespmem:v20+s21+$0x0] =	vst.idx.msk vm1, v19  }
0x3f3: {  	v19 =	vld.idx.msk [tilespmem:v21+s23+$0x0], vm1  }
0x3f4: {  	v20 =	vor.u32 $0x12, v18  }
0x3f5: {  	v21 =	vadd.s32 $0xF85F0013, v17;
	_ =	sdelay $0x3  }
0x3f6: {  	[tilespmem:v20+s21+$0x0] =	vst.idx.msk vm1, v19  }
0x3f7: {  	v19 =	vld.idx.msk [tilespmem:v21+s23+$0x0], vm1  }
0x3f8: {  	v20 =	vor.u32 $0x13, v18  }
0x3f9: {  	v21 =	vadd.s32 $0xF85F0014, v17;
	_ =	sdelay $0x3  }
0x3fa: {  	[tilespmem:v20+s21+$0x0] =	vst.idx.msk vm1, v19  }
0x3fb: {  	v19 =	vld.idx.msk [tilespmem:v21+s23+$0x0], vm1  }
0x3fc: {  	v20 =	vor.u32 $0x14, v18  }
0x3fd: {  	v21 =	vadd.s32 $0xF85F0015, v17;
	_ =	sdelay $0x3  }
0x3fe: {  	[tilespmem:v20+s21+$0x0] =	vst.idx.msk vm1, v19  }
0x3ff: {  	v19 =	vld.idx.msk [tilespmem:v21+s23+$0x0], vm1  }
0x400: {  	v20 =	vor.u32 $0x15, v18  }
0x401: {  	v21 =	vadd.s32 $0xF85F0016, v17;
	_ =	sdelay $0x3  }
0x402: {  	[tilespmem:v20+s21+$0x0] =	vst.idx.msk vm1, v19  }
0x403: {  	v19 =	vld.idx.msk [tilespmem:v21+s23+$0x0], vm1  }
0x404: {  	v20 =	vor.u32 $0x16, v18  }
0x405: {  	v21 =	vadd.s32 $0xF85F0017, v17;
	_ =	sdelay $0x3  }
0x406: {  	[tilespmem:v20+s21+$0x0] =	vst.idx.msk vm1, v19  }
0x407: {  	v19 =	vld.idx.msk [tilespmem:v21+s23+$0x0], vm1  }
0x408: {  	v20 =	vor.u32 $0x17, v18  }
0x409: {  	v21 =	vadd.s32 $0xF85F0018, v17;
	_ =	sdelay $0x3  }
0x40a: {  	[tilespmem:v20+s21+$0x0] =	vst.idx.msk vm1, v19  }
0x40b: {  	v19 =	vld.idx.msk [tilespmem:v21+s23+$0x0], vm1  }
0x40c: {  	v20 =	vor.u32 $0x18, v18  }
0x40d: {  	v21 =	vadd.s32 $0xF85F0019, v17;
	_ =	sdelay $0x3  }
0x40e: {  	[tilespmem:v20+s21+$0x0] =	vst.idx.msk vm1, v19  }
0x40f: {  	v19 =	vld.idx.msk [tilespmem:v21+s23+$0x0], vm1  }
0x410: {  	v20 =	vor.u32 $0x19, v18  }
0x411: {  	v21 =	vadd.s32 $0xF85F001A, v17;
	_ =	sdelay $0x3  }
0x412: {  	[tilespmem:v20+s21+$0x0] =	vst.idx.msk vm1, v19  }
0x413: {  	v19 =	vld.idx.msk [tilespmem:v21+s23+$0x0], vm1  }
0x414: {  	v20 =	vor.u32 $0x1A, v18  }
0x415: {  	v21 =	vadd.s32 $0xF85F001B, v17;
	_ =	sdelay $0x3  }
0x416: {  	[tilespmem:v20+s21+$0x0] =	vst.idx.msk vm1, v19  }
0x417: {  	v19 =	vld.idx.msk [tilespmem:v21+s23+$0x0], vm1  }
0x418: {  	v20 =	vor.u32 $0x1B, v18  }
0x419: {  	v21 =	vadd.s32 $0xF85F001C, v17;
	_ =	sdelay $0x3  }
0x41a: {  	[tilespmem:v20+s21+$0x0] =	vst.idx.msk vm1, v19  }
0x41b: {  	v19 =	vld.idx.msk [tilespmem:v21+s23+$0x0], vm1  }
0x41c: {  	v20 =	vor.u32 $0x1C, v18  }
0x41d: {  	v21 =	vadd.s32 $0xF85F001D, v17;
	_ =	sdelay $0x3  }
0x41e: {  	[tilespmem:v20+s21+$0x0] =	vst.idx.msk vm1, v19  }
0x41f: {  	v19 =	vld.idx.msk [tilespmem:v21+s23+$0x0], vm1  }
0x420: {  	v20 =	vor.u32 $0x1D, v18  }
0x421: {  	v21 =	vadd.s32 $0xF85F001E, v17;
	_ =	sdelay $0x3  }
0x422: {  	[tilespmem:v20+s21+$0x0] =	vst.idx.msk vm1, v19  }
0x423: {  	v19 =	vld.idx.msk [tilespmem:v21+s23+$0x0], vm1  }
0x424: {  	v20 =	vor.u32 $0x1E, v18  }
0x425: {  	v21 =	vadd.s32 $0xF85F001F, v17;
	_ =	sdelay $0x2  }
.Ltmp22:
0x426: {  	(pc) =	sbr.rel @p1 .LBB2_29-.Ltmp22, $4  }
0x427: {  	s0 =	sadd.s32 s5, s26;
	[tilespmem:v20+s21+$0x0] =	vst.idx.msk vm1, v19  }
0x428: {  	v17 =	vor.u32 s0, v2;
	v19 =	vld.idx.msk [tilespmem:v21+s23+$0x0], vm1  }
0x429: {  	vm2 =	vlt.s32 v17, $0xFFF;
	v20 =	vor.u32 $0x1F, v18  }
0x42a: {  	v18 =	vnsel vm2, $0xFFF, v17  }
0x42b: {  	_ =	sdelay $0x4  }
0x42c: {  	[tilespmem:v20+s21+$0x0] =	vst.idx.msk vm1, v19  }
0x42d: {  	v19 =	vld.idx.msk [tilespmem:v18+s19+$0x0], $0xffff;
	_ =	sdelay $0x3  }
0x42e: {  	v18 =	vld.idx.msk [tilespmem:v18+s20+$0x0], $0xffff  }
0x42f: {  	vm1 =	vlt.s32 v17, v16;
	v17 =	vshll.u32 v19, $0x7  }
0x430: {  	v19 =	vadd.s32 $0xF85F0000, v17;
	_ =	sdelay $0x2  }
0x431: {  	s0 =	sadd.s32 $0x10, s29;
	v44 =	vmov s5;
	v18 =	vnsel vm1, $0xFFFFFFFF, v18  }
0x432: {  	[tilespmem:s0+$0x0] =	vst v18;
	v18 =	vshll.u32 v44, $0x7  }
0x433: {  	v18 =	vor.u32 v15, v18;
	v19 =	vld.idx.msk [tilespmem:v19+s23+$0x0], vm1  }
0x434: {  	v45 =	vadd.s32 $0xF85F0001, v17;
	_ =	sdelay $0x3  }
0x435: {  	[tilespmem:v18+s21+$0x0] =	vst.idx.msk vm1, v19  }
0x436: {  	v46 =	vor.u32 $0x1, v18;
	v19 =	vld.idx.msk [tilespmem:v45+s23+$0x0], vm1  }
0x437: {  	v21 =	vadd.s32 $0xF85F0002, v17;
	_ =	sdelay $0x3  }
0x438: {  	[tilespmem:v46+s21+$0x0] =	vst.idx.msk vm1, v19  }
0x439: {  	v47 =	vor.u32 $0x2, v18;
	v19 =	vld.idx.msk [tilespmem:v21+s23+$0x0], vm1  }
0x43a: {  	v48 =	vadd.s32 $0xF85F0003, v17;
	_ =	sdelay $0x3  }
0x43b: {  	[tilespmem:v47+s21+$0x0] =	vst.idx.msk vm1, v19  }
0x43c: {  	v49 =	vor.u32 $0x3, v18;
	v19 =	vld.idx.msk [tilespmem:v48+s23+$0x0], vm1  }
0x43d: {  	v50 =	vadd.s32 $0xF85F0004, v17;
	_ =	sdelay $0x3  }
0x43e: {  	[tilespmem:v49+s21+$0x0] =	vst.idx.msk vm1, v19  }
0x43f: {  	v51 =	vor.u32 $0x4, v18;
	v19 =	vld.idx.msk [tilespmem:v50+s23+$0x0], vm1  }
0x440: {  	v52 =	vadd.s32 $0xF85F0005, v17;
	_ =	sdelay $0x3  }
0x441: {  	[tilespmem:v51+s21+$0x0] =	vst.idx.msk vm1, v19  }
0x442: {  	v53 =	vor.u32 $0x5, v18;
	v19 =	vld.idx.msk [tilespmem:v52+s23+$0x0], vm1  }
0x443: {  	v54 =	vadd.s32 $0xF85F0006, v17;
	_ =	sdelay $0x3  }
0x444: {  	[tilespmem:v53+s21+$0x0] =	vst.idx.msk vm1, v19  }
0x445: {  	v55 =	vor.u32 $0x6, v18;
	v19 =	vld.idx.msk [tilespmem:v54+s23+$0x0], vm1  }
0x446: {  	v56 =	vadd.s32 $0xF85F0007, v17;
	_ =	sdelay $0x3  }
0x447: {  	[tilespmem:v55+s21+$0x0] =	vst.idx.msk vm1, v19  }
0x448: {  	v57 =	vor.u32 $0x7, v18;
	v19 =	vld.idx.msk [tilespmem:v56+s23+$0x0], vm1  }
0x449: {  	v58 =	vadd.s32 $0xF85F0008, v17;
	_ =	sdelay $0x3  }
0x44a: {  	[tilespmem:v57+s21+$0x0] =	vst.idx.msk vm1, v19  }
0x44b: {  	v59 =	vor.u32 $0x8, v18;
	v19 =	vld.idx.msk [tilespmem:v58+s23+$0x0], vm1  }
0x44c: {  	v60 =	vadd.s32 $0xF85F0009, v17;
	_ =	sdelay $0x3  }
0x44d: {  	[tilespmem:v59+s21+$0x0] =	vst.idx.msk vm1, v19  }
0x44e: {  	v61 =	vor.u32 $0x9, v18;
	v19 =	vld.idx.msk [tilespmem:v60+s23+$0x0], vm1  }
0x44f: {  	v62 =	vadd.s32 $0xF85F000A, v17;
	_ =	sdelay $0x3  }
0x450: {  	[tilespmem:v61+s21+$0x0] =	vst.idx.msk vm1, v19  }
0x451: {  	v63 =	vor.u32 $0xA, v18;
	v19 =	vld.idx.msk [tilespmem:v62+s23+$0x0], vm1  }
0x452: {  	v24 =	vadd.s32 $0xF85F000B, v17;
	_ =	sdelay $0x3  }
0x453: {  	[tilespmem:v63+s21+$0x0] =	vst.idx.msk vm1, v19  }
0x454: {  	v25 =	vor.u32 $0xB, v18;
	v19 =	vld.idx.msk [tilespmem:v24+s23+$0x0], vm1  }
0x455: {  	v26 =	vadd.s32 $0xF85F000C, v17;
	_ =	sdelay $0x3  }
0x456: {  	[tilespmem:v25+s21+$0x0] =	vst.idx.msk vm1, v19  }
0x457: {  	v27 =	vor.u32 $0xC, v18;
	v19 =	vld.idx.msk [tilespmem:v26+s23+$0x0], vm1  }
0x458: {  	v28 =	vadd.s32 $0xF85F000D, v17;
	_ =	sdelay $0x3  }
0x459: {  	[tilespmem:v27+s21+$0x0] =	vst.idx.msk vm1, v19  }
0x45a: {  	v29 =	vor.u32 $0xD, v18;
	v19 =	vld.idx.msk [tilespmem:v28+s23+$0x0], vm1  }
0x45b: {  	v30 =	vadd.s32 $0xF85F000E, v17;
	_ =	sdelay $0x3  }
0x45c: {  	[tilespmem:v29+s21+$0x0] =	vst.idx.msk vm1, v19  }
0x45d: {  	v31 =	vor.u32 $0xE, v18;
	v19 =	vld.idx.msk [tilespmem:v30+s23+$0x0], vm1  }
0x45e: {  	v32 =	vadd.s32 $0xF85F000F, v17;
	_ =	sdelay $0x3  }
0x45f: {  	[tilespmem:v31+s21+$0x0] =	vst.idx.msk vm1, v19  }
0x460: {  	v33 =	vor.u32 $0xF, v18;
	v19 =	vld.idx.msk [tilespmem:v32+s23+$0x0], vm1  }
0x461: {  	v34 =	vadd.s32 $0xF85F0010, v17;
	_ =	sdelay $0x3  }
0x462: {  	[tilespmem:v33+s21+$0x0] =	vst.idx.msk vm1, v19  }
0x463: {  	v35 =	vor.u32 $0x10, v18;
	v19 =	vld.idx.msk [tilespmem:v34+s23+$0x0], vm1  }
0x464: {  	v36 =	vadd.s32 $0xF85F0011, v17;
	_ =	sdelay $0x3  }
0x465: {  	[tilespmem:v35+s21+$0x0] =	vst.idx.msk vm1, v19  }
0x466: {  	v37 =	vor.u32 $0x11, v18;
	v19 =	vld.idx.msk [tilespmem:v36+s23+$0x0], vm1  }
0x467: {  	v38 =	vadd.s32 $0xF85F0012, v17;
	_ =	sdelay $0x3  }
0x468: {  	[tilespmem:v37+s21+$0x0] =	vst.idx.msk vm1, v19  }
0x469: {  	v39 =	vor.u32 $0x12, v18;
	v19 =	vld.idx.msk [tilespmem:v38+s23+$0x0], vm1  }
0x46a: {  	v40 =	vadd.s32 $0xF85F0013, v17;
	_ =	sdelay $0x3  }
0x46b: {  	[tilespmem:v39+s21+$0x0] =	vst.idx.msk vm1, v19  }
0x46c: {  	v41 =	vor.u32 $0x13, v18;
	v19 =	vld.idx.msk [tilespmem:v40+s23+$0x0], vm1  }
0x46d: {  	v42 =	vadd.s32 $0xF85F0014, v17;
	_ =	sdelay $0x3  }
0x46e: {  	[tilespmem:v41+s21+$0x0] =	vst.idx.msk vm1, v19  }
0x46f: {  	v43 =	vor.u32 $0x14, v18;
	v19 =	vld.idx.msk [tilespmem:v42+s23+$0x0], vm1  }
0x470: {  	v44 =	vadd.s32 $0xF85F0015, v17;
	_ =	sdelay $0x3  }
0x471: {  	[tilespmem:v43+s21+$0x0] =	vst.idx.msk vm1, v19  }
0x472: {  	v45 =	vor.u32 $0x15, v18;
	v19 =	vld.idx.msk [tilespmem:v44+s23+$0x0], vm1  }
0x473: {  	v46 =	vadd.s32 $0xF85F0016, v17;
	_ =	sdelay $0x3  }
0x474: {  	[tilespmem:v45+s21+$0x0] =	vst.idx.msk vm1, v19  }
0x475: {  	v47 =	vor.u32 $0x16, v18;
	v19 =	vld.idx.msk [tilespmem:v46+s23+$0x0], vm1  }
0x476: {  	v48 =	vadd.s32 $0xF85F0017, v17;
	_ =	sdelay $0x3  }
0x477: {  	[tilespmem:v47+s21+$0x0] =	vst.idx.msk vm1, v19  }
0x478: {  	v49 =	vor.u32 $0x17, v18;
	v19 =	vld.idx.msk [tilespmem:v48+s23+$0x0], vm1  }
0x479: {  	v50 =	vadd.s32 $0xF85F0018, v17;
	_ =	sdelay $0x3  }
0x47a: {  	[tilespmem:v49+s21+$0x0] =	vst.idx.msk vm1, v19  }
0x47b: {  	v51 =	vor.u32 $0x18, v18;
	v19 =	vld.idx.msk [tilespmem:v50+s23+$0x0], vm1  }
0x47c: {  	v52 =	vadd.s32 $0xF85F0019, v17;
	_ =	sdelay $0x3  }
0x47d: {  	[tilespmem:v51+s21+$0x0] =	vst.idx.msk vm1, v19  }
0x47e: {  	v53 =	vor.u32 $0x19, v18;
	v19 =	vld.idx.msk [tilespmem:v52+s23+$0x0], vm1  }
0x47f: {  	v54 =	vadd.s32 $0xF85F001A, v17;
	_ =	sdelay $0x3  }
0x480: {  	[tilespmem:v53+s21+$0x0] =	vst.idx.msk vm1, v19  }
0x481: {  	v55 =	vor.u32 $0x1A, v18;
	v19 =	vld.idx.msk [tilespmem:v54+s23+$0x0], vm1  }
0x482: {  	v56 =	vadd.s32 $0xF85F001B, v17;
	_ =	sdelay $0x3  }
0x483: {  	[tilespmem:v55+s21+$0x0] =	vst.idx.msk vm1, v19  }
0x484: {  	v57 =	vor.u32 $0x1B, v18;
	v19 =	vld.idx.msk [tilespmem:v56+s23+$0x0], vm1  }
0x485: {  	v58 =	vadd.s32 $0xF85F001C, v17;
	_ =	sdelay $0x3  }
0x486: {  	[tilespmem:v57+s21+$0x0] =	vst.idx.msk vm1, v19  }
0x487: {  	v59 =	vor.u32 $0x1C, v18;
	v19 =	vld.idx.msk [tilespmem:v58+s23+$0x0], vm1  }
0x488: {  	v60 =	vadd.s32 $0xF85F001D, v17;
	_ =	sdelay $0x3  }
0x489: {  	[tilespmem:v59+s21+$0x0] =	vst.idx.msk vm1, v19  }
0x48a: {  	v61 =	vor.u32 $0x1D, v18;
	v19 =	vld.idx.msk [tilespmem:v60+s23+$0x0], vm1  }
0x48b: {  	v62 =	vadd.s32 $0xF85F001E, v17;
	_ =	sdelay $0x3  }
0x48c: {  	[tilespmem:v61+s21+$0x0] =	vst.idx.msk vm1, v19  }
0x48d: {  	v63 =	vor.u32 $0x1E, v18;
	v19 =	vld.idx.msk [tilespmem:v62+s23+$0x0], vm1  }
0x48e: {  	v17 =	vadd.s32 $0xF85F001F, v17;
	_ =	sdelay $0x3  }
0x48f: {  	[tilespmem:v63+s21+$0x0] =	vst.idx.msk vm1, v19  }
0x490: {  	v18 =	vor.u32 $0x1F, v18;
	v17 =	vld.idx.msk [tilespmem:v17+s23+$0x0], vm1;
	_ =	sdelay $0x3  }
0x491: {  	s28 =	sadd.s32 $0x1, s28  }
0x492: {  	p1 =	sne.s32 s28, s24;
	[tilespmem:v18+s21+$0x0] =	vst.idx.msk vm1, v17;
	(ifvalue) =	ssetifvalue $0xFFFFFFFF  }
.Ltmp23:
0x493: {  	(ifvalue) =	ssetifvalue $0xFFFFFFFF;
	(pc) =	sbr.rel @p1 .LBB2_28-.Ltmp23, $4  }
0x494: {  	[hbm4b:s9+s15] =	stream.indirect.scatter [tilespmem:s21], [sflag:$0x1], $0x80, s22, s15, $0x40b8;
	[tilespmem:$0x1C180] =	vst v63  }
0x495: {  	_ =	swait.ge [sflag:s17], $0x4000  }
0x496: {  	[sflag:s17] =	ssyncset.done $0x0  }
0x497: {  	s26 =	sadd.s32 $0x80, s26;
	[sflag:s17] =	ssyncadd.s32 $0xFFFFC000  }
.LBB2_31:
0x498: {  	s0 =	rddreg [dreg:$0x1];
	s1 =	simm.s32 $0x100  }
0x499: {  	[tilespmem:s1], [sflag:$0x1] =	stream.indirect.gather [hbm4b:s0+s15], $0x80, s15, s15, $0xb8;
	[tilespmem:$0x1C180] =	vst v63  }
0x49a: {  	_ =	swait.ge [sflag:s17], $0x4000  }
0x49b: {  	[sflag:s17] =	ssyncset.done $0x0  }
0x49c: {  	s5 =	simm.s32 $0x140;
	[sflag:s17] =	ssyncadd.s32 $0xFFFFC000  }
0x49d: {  	v16 =	vld [tilespmem:s5+$0xFFFFFFC0];
	_ =	sdelay $0x4  }
0x49e: {  	s6 =	simm.s32 $0x0;
	p1 =	por $0x1, $0x1;
	vm1 =	vge.s32 v16, v4;
	vm2 =	vlt.s32 v16, v1  }
0x49f: {  	s26 =	simm.s32 $0x0;
	s6 =	simm.s32 @!p1 $0xFF0;
	vm1 =	vmand vm1, vm2  }
0x4a0: {  	v17 =	vor.u32 s26, v2;
	[tilespmem:s6+$0x4100] =	vst.msk vm1, v16;
	v16 =	vmpcnt.ones.xlane vm1  }
0x4a1: {  	[tilespmem:s6+$0x5100] =	vst.msk vm1, v17  }
0x4a2: {  	v17 =	vld [tilespmem:s5+$0xFFFFFFD0];
	(v2sf) =	vpush v16, $0x0;
	_ =	sdelay $0x4  }
0x4a3: {  	vm1 =	vge.s32 v17, v4;
	vm2 =	vlt.s32 v17, v1  }
0x4a4: {  	vm1 =	vmand vm1, vm2  }
0x4a5: {  	v16 =	vmpcnt.ones.xlane vm1;
	_ =	sdelay $0x1  }
0x4a6: {  	(v2sf) =	vpush v16, $0x0;
	_ =	sdelay $0x5  }
0x4a7: {  	s28 =	spop (v2sf)  }
0x4a8: {  	s0 =	sadd.s32 $0x0, s28  }
0x4a9: {  	p1 =	slt.s32 s0, $0xFF0;
	s2 =	smov.u32 s0  }
0x4aa: {  	s29 =	simm.s32 $0x10;
	s2 =	simm.s32 @!p1 $0xFF0  }
0x4ab: {  	v16 =	vor.u32 s29, v2;
	[tilespmem:s2+$0x4100] =	vst.msk vm1, v17  }
0x4ac: {  	[tilespmem:s2+$0x5100] =	vst.msk vm1, v16  }
0x4ad: {  	v16 =	vld [tilespmem:s5+$0xFFFFFFE0];
	_ =	sdelay $0x2  }
0x4ae: {  	s30 =	spop (v2sf)  }
0x4af: {  	s0 =	sadd.s32 s0, s30  }
0x4b0: {  	vm1 =	vge.s32 v16, v4;
	vm2 =	vlt.s32 v16, v1;
	p1 =	slt.s32 s0, $0xFF0;
	s2 =	smov.u32 s0  }
0x4b1: {  	s31 =	simm.s32 $0x20;
	vm1 =	vmand vm1, vm2;
	s2 =	simm.s32 @!p1 $0xFF0  }
0x4b2: {  	v17 =	vor.u32 s31, v2;
	[tilespmem:s2+$0x4100] =	vst.msk vm1, v16;
	v16 =	vmpcnt.ones.xlane vm1  }
0x4b3: {  	[tilespmem:s2+$0x5100] =	vst.msk vm1, v17  }
0x4b4: {  	v17 =	vld [tilespmem:s5+$0xFFFFFFF0];
	(v2sf) =	vpush v16, $0x0;
	_ =	sdelay $0x4  }
0x4b5: {  	vm1 =	vge.s32 v17, v4;
	vm2 =	vlt.s32 v17, v1  }
0x4b6: {  	vm1 =	vmand vm1, vm2  }
0x4b7: {  	v16 =	vmpcnt.ones.xlane vm1;
	_ =	sdelay $0x1  }
0x4b8: {  	(v2sf) =	vpush v16, $0x0;
	_ =	sdelay $0x5  }
0x4b9: {  	s6 =	spop (v2sf)  }
0x4ba: {  	s0 =	sadd.s32 s0, s6  }
0x4bb: {  	p1 =	slt.s32 s0, $0xFF0;
	s2 =	smov.u32 s0  }
0x4bc: {  	s8 =	simm.s32 $0x30;
	s2 =	simm.s32 @!p1 $0xFF0  }
0x4bd: {  	v16 =	vor.u32 s8, v2;
	[tilespmem:s2+$0x4100] =	vst.msk vm1, v17  }
0x4be: {  	[tilespmem:s2+$0x5100] =	vst.msk vm1, v16  }
0x4bf: {  	v16 =	vld [tilespmem:s5+$0x0];
	_ =	sdelay $0x2  }
0x4c0: {  	s24 =	spop (v2sf)  }
0x4c1: {  	s0 =	sadd.s32 s0, s24  }
0x4c2: {  	vm1 =	vge.s32 v16, v4;
	vm2 =	vlt.s32 v16, v1;
	p1 =	slt.s32 s0, $0xFF0;
	s2 =	smov.u32 s0  }
0x4c3: {  	s25 =	simm.s32 $0x40;
	vm1 =	vmand vm1, vm2;
	s2 =	simm.s32 @!p1 $0xFF0  }
0x4c4: {  	v17 =	vor.u32 s25, v2;
	[tilespmem:s2+$0x4100] =	vst.msk vm1, v16;
	v16 =	vmpcnt.ones.xlane vm1  }
0x4c5: {  	[tilespmem:s2+$0x5100] =	vst.msk vm1, v17  }
0x4c6: {  	v17 =	vld [tilespmem:s5+$0x10];
	(v2sf) =	vpush v16, $0x0;
	_ =	sdelay $0x4  }
0x4c7: {  	vm1 =	vge.s32 v17, v4;
	vm2 =	vlt.s32 v17, v1  }
0x4c8: {  	vm1 =	vmand vm1, vm2  }
0x4c9: {  	v16 =	vmpcnt.ones.xlane vm1;
	_ =	sdelay $0x1  }
0x4ca: {  	(v2sf) =	vpush v16, $0x0;
	_ =	sdelay $0x5  }
0x4cb: {  	s26 =	spop (v2sf)  }
0x4cc: {  	s0 =	sadd.s32 s0, s26  }
0x4cd: {  	p1 =	slt.s32 s0, $0xFF0;
	s2 =	smov.u32 s0  }
0x4ce: {  	s28 =	simm.s32 $0x50;
	s2 =	simm.s32 @!p1 $0xFF0  }
0x4cf: {  	v16 =	vor.u32 s28, v2;
	[tilespmem:s2+$0x4100] =	vst.msk vm1, v17  }
0x4d0: {  	[tilespmem:s2+$0x5100] =	vst.msk vm1, v16  }
0x4d1: {  	v16 =	vld [tilespmem:s5+$0x20];
	_ =	sdelay $0x2  }
0x4d2: {  	s29 =	spop (v2sf)  }
0x4d3: {  	s0 =	sadd.s32 s0, s29  }
0x4d4: {  	vm1 =	vge.s32 v16, v4;
	vm2 =	vlt.s32 v16, v1;
	p1 =	slt.s32 s0, $0xFF0;
	s2 =	smov.u32 s0  }
0x4d5: {  	s30 =	simm.s32 $0x60;
	vm1 =	vmand vm1, vm2;
	s2 =	simm.s32 @!p1 $0xFF0  }
0x4d6: {  	v17 =	vor.u32 s30, v2;
	[tilespmem:s2+$0x4100] =	vst.msk vm1, v16  }
0x4d7: {  	[tilespmem:s2+$0x5100] =	vst.msk vm1, v17;
	v17 =	vmpcnt.ones.xlane vm1  }
0x4d8: {  	v16 =	vld [tilespmem:s5+$0x30]  }
0x4d9: {  	(v2sf) =	vpush v17, $0x0;
	_ =	sdelay $0x3  }
0x4da: {  	vm1 =	vge.s32 v16, v4;
	vm2 =	vlt.s32 v16, v1  }
0x4db: {  	vm1 =	vmand vm1, vm2  }
0x4dc: {  	v17 =	vmpcnt.ones.xlane vm1;
	_ =	sdelay $0x1  }
0x4dd: {  	(v2sf) =	vpush v17, $0x0;
	_ =	sdelay $0x6  }
0x4de: {  	s31 =	spop (v2sf)  }
0x4df: {  	s6 =	sadd.s32 s0, s31  }
0x4e0: {  	p1 =	slt.s32 s6, $0xFF0;
	s0 =	smov.u32 s6  }
0x4e1: {  	s1 =	simm.s32 $0x70;
	s0 =	simm.s32 @!p1 $0xFF0  }
0x4e2: {  	v17 =	vor.u32 s1, v2;
	[tilespmem:s0+$0x4100] =	vst.msk vm1, v16  }
0x4e3: {  	s5 =	simm.s32 $0x1C0;
	[tilespmem:s0+$0x5100] =	vst.msk vm1, v17  }
0x4e4: {  	v16 =	vld [tilespmem:s5+$0xFFFFFFC0];
	_ =	sdelay $0x1  }
0x4e5: {  	s24 =	simm.s32 $0x170;
	s1 =	simm.s32 $0xF0;
	s25 =	spop (v2sf)  }
.LBB2_32:
0x4e6: {  	p1 =	seq.s32 s24, $0x3FF0  }
0x4e7: {  	s0 =	sadd.s32 s6, s25;
	s25 =	smov.u32 s24;
	s24 =	sadd.s32 $0x80, s24  }
0x4e8: {  	vm1 =	vge.s32 v16, v4;
	vm2 =	vlt.s32 v16, v1;
	p2 =	slt.s32 s0, $0xFF0;
	s6 =	smov.u32 s0  }
0x4e9: {  	s2 =	sadd.s32 $0xFFFFFF90, s1;
	vm1 =	vmand vm1, vm2;
	s6 =	simm.s32 @!p2 $0xFF0  }
0x4ea: {  	v17 =	vor.u32 s2, v2;
	[tilespmem:s6+$0x4100] =	vst.msk vm1, v16;
	v16 =	vmpcnt.ones.xlane vm1  }
0x4eb: {  	[tilespmem:s6+$0x5100] =	vst.msk vm1, v17  }
0x4ec: {  	v17 =	vld [tilespmem:s5+$0xFFFFFFD0];
	(v2sf) =	vpush v16, $0x0;
	_ =	sdelay $0x4  }
0x4ed: {  	vm1 =	vge.s32 v17, v4;
	vm2 =	vlt.s32 v17, v1  }
0x4ee: {  	vm1 =	vmand vm1, vm2  }
0x4ef: {  	v16 =	vmpcnt.ones.xlane vm1;
	_ =	sdelay $0x1  }
0x4f0: {  	(v2sf) =	vpush v16, $0x0;
	_ =	sdelay $0x5  }
0x4f1: {  	s2 =	spop (v2sf)  }
0x4f2: {  	s0 =	sadd.s32 s0, s2  }
0x4f3: {  	p2 =	slt.s32 s0, $0xFF0;
	s6 =	smov.u32 s0  }
0x4f4: {  	s2 =	sadd.s32 $0xFFFFFFA0, s1;
	s6 =	simm.s32 @!p2 $0xFF0  }
0x4f5: {  	v16 =	vor.u32 s2, v2;
	[tilespmem:s6+$0x4100] =	vst.msk vm1, v17  }
0x4f6: {  	[tilespmem:s6+$0x5100] =	vst.msk vm1, v16  }
0x4f7: {  	v16 =	vld [tilespmem:s5+$0xFFFFFFE0];
	_ =	sdelay $0x2  }
0x4f8: {  	s2 =	spop (v2sf)  }
0x4f9: {  	s0 =	sadd.s32 s0, s2  }
0x4fa: {  	vm1 =	vge.s32 v16, v4;
	vm2 =	vlt.s32 v16, v1;
	p2 =	slt.s32 s0, $0xFF0;
	s6 =	smov.u32 s0  }
0x4fb: {  	s2 =	sadd.s32 $0xFFFFFFB0, s1;
	vm1 =	vmand vm1, vm2;
	s6 =	simm.s32 @!p2 $0xFF0  }
0x4fc: {  	v17 =	vor.u32 s2, v2;
	[tilespmem:s6+$0x4100] =	vst.msk vm1, v16;
	v16 =	vmpcnt.ones.xlane vm1  }
0x4fd: {  	[tilespmem:s6+$0x5100] =	vst.msk vm1, v17  }
0x4fe: {  	v17 =	vld [tilespmem:s5+$0xFFFFFFF0];
	(v2sf) =	vpush v16, $0x0;
	_ =	sdelay $0x4  }
0x4ff: {  	vm1 =	vge.s32 v17, v4;
	vm2 =	vlt.s32 v17, v1  }
0x500: {  	vm1 =	vmand vm1, vm2  }
0x501: {  	v16 =	vmpcnt.ones.xlane vm1;
	_ =	sdelay $0x1  }
0x502: {  	(v2sf) =	vpush v16, $0x0;
	_ =	sdelay $0x5  }
0x503: {  	s2 =	spop (v2sf)  }
0x504: {  	s0 =	sadd.s32 s0, s2  }
0x505: {  	p2 =	slt.s32 s0, $0xFF0;
	s6 =	smov.u32 s0  }
0x506: {  	s2 =	sadd.s32 $0xFFFFFFC0, s1;
	s6 =	simm.s32 @!p2 $0xFF0  }
0x507: {  	v16 =	vor.u32 s2, v2;
	[tilespmem:s6+$0x4100] =	vst.msk vm1, v17  }
0x508: {  	[tilespmem:s6+$0x5100] =	vst.msk vm1, v16  }
0x509: {  	v16 =	vld [tilespmem:s5+$0x0];
	_ =	sdelay $0x2  }
0x50a: {  	s2 =	spop (v2sf)  }
0x50b: {  	s0 =	sadd.s32 s0, s2  }
0x50c: {  	vm1 =	vge.s32 v16, v4;
	vm2 =	vlt.s32 v16, v1;
	p2 =	slt.s32 s0, $0xFF0;
	s6 =	smov.u32 s0  }
0x50d: {  	s2 =	sadd.s32 $0xFFFFFFD0, s1;
	vm1 =	vmand vm1, vm2;
	s6 =	simm.s32 @!p2 $0xFF0  }
0x50e: {  	v17 =	vor.u32 s2, v2;
	[tilespmem:s6+$0x4100] =	vst.msk vm1, v16;
	v16 =	vmpcnt.ones.xlane vm1  }
0x50f: {  	[tilespmem:s6+$0x5100] =	vst.msk vm1, v17  }
0x510: {  	v17 =	vld [tilespmem:s5+$0x10];
	(v2sf) =	vpush v16, $0x0;
	_ =	sdelay $0x4  }
0x511: {  	vm1 =	vge.s32 v17, v4;
	vm2 =	vlt.s32 v17, v1  }
0x512: {  	vm1 =	vmand vm1, vm2  }
0x513: {  	v16 =	vmpcnt.ones.xlane vm1;
	_ =	sdelay $0x1  }
0x514: {  	(v2sf) =	vpush v16, $0x0;
	_ =	sdelay $0x5  }
0x515: {  	s2 =	spop (v2sf)  }
0x516: {  	s0 =	sadd.s32 s0, s2  }
0x517: {  	p2 =	slt.s32 s0, $0xFF0;
	s6 =	smov.u32 s0  }
0x518: {  	s2 =	sadd.s32 $0xFFFFFFE0, s1;
	s6 =	simm.s32 @!p2 $0xFF0  }
0x519: {  	v16 =	vor.u32 s2, v2;
	[tilespmem:s6+$0x4100] =	vst.msk vm1, v17  }
0x51a: {  	[tilespmem:s6+$0x5100] =	vst.msk vm1, v16  }
0x51b: {  	v16 =	vld [tilespmem:s5+$0x20];
	_ =	sdelay $0x2  }
0x51c: {  	s2 =	spop (v2sf)  }
0x51d: {  	s0 =	sadd.s32 s0, s2  }
0x51e: {  	vm1 =	vge.s32 v16, v4;
	vm2 =	vlt.s32 v16, v1;
	p2 =	slt.s32 s0, $0xFF0;
	s6 =	smov.u32 s0  }
0x51f: {  	s2 =	sadd.s32 $0xFFFFFFF0, s1;
	vm1 =	vmand vm1, vm2;
	s6 =	simm.s32 @!p2 $0xFF0  }
0x520: {  	v17 =	vor.u32 s2, v2;
	[tilespmem:s6+$0x4100] =	vst.msk vm1, v16;
	v16 =	vmpcnt.ones.xlane vm1  }
0x521: {  	[tilespmem:s6+$0x5100] =	vst.msk vm1, v17  }
0x522: {  	v17 =	vld [tilespmem:s5+$0x30];
	(v2sf) =	vpush v16, $0x0;
	_ =	sdelay $0x4  }
0x523: {  	vm1 =	vge.s32 v17, v4;
	vm2 =	vlt.s32 v17, v1  }
0x524: {  	vm1 =	vmand vm1, vm2  }
0x525: {  	v16 =	vmpcnt.ones.xlane vm1;
	_ =	sdelay $0x1  }
0x526: {  	(v2sf) =	vpush v16, $0x0;
	_ =	sdelay $0x5  }
0x527: {  	s2 =	spop (v2sf)  }
0x528: {  	s6 =	sadd.s32 s0, s2  }
0x529: {  	p2 =	slt.s32 s6, $0xFF0;
	s0 =	smov.u32 s6  }
0x52a: {  	s0 =	simm.s32 @!p2 $0xFF0  }
0x52b: {  	v16 =	vor.u32 s1, v2;
	s1 =	smov.u32 s25;
	[tilespmem:s0+$0x4100] =	vst.msk vm1, v17  }
.Ltmp24:
0x52c: {  	s5 =	sadd.s32 $0x80, s5;
	[tilespmem:s0+$0x5100] =	vst.msk vm1, v16;
	(pc) =	sbr.rel @!p1 .LBB2_32-.Ltmp24, $2  }
0x52d: {  	v16 =	vld [tilespmem:s5+$0xFFFFFFC0];
	_ =	sdelay $0x2  }
0x52e: {  	s25 =	spop (v2sf)  }
0x52f: {  	s0 =	sadd.s32 s6, s25  }
0x530: {  	vm1 =	vge.s32 v16, v4;
	vm2 =	vlt.s32 v16, v1;
	p1 =	slt.s32 s0, $0xFF0;
	s2 =	smov.u32 s0  }
0x531: {  	s31 =	sadd.s32 $0xFFFFFF90, s1;
	vm1 =	vmand vm1, vm2;
	s2 =	simm.s32 @!p1 $0xFF0  }
0x532: {  	v17 =	vor.u32 s31, v2;
	[tilespmem:s2+$0x4100] =	vst.msk vm1, v16;
	v16 =	vmpcnt.ones.xlane vm1  }
0x533: {  	[tilespmem:s2+$0x5100] =	vst.msk vm1, v17  }
0x534: {  	v17 =	vld [tilespmem:s5+$0xFFFFFFD0];
	(v2sf) =	vpush v16, $0x0;
	_ =	sdelay $0x4  }
0x535: {  	vm1 =	vge.s32 v17, v4;
	vm2 =	vlt.s32 v17, v1  }
0x536: {  	vm1 =	vmand vm1, vm2  }
0x537: {  	v16 =	vmpcnt.ones.xlane vm1;
	_ =	sdelay $0x1  }
0x538: {  	(v2sf) =	vpush v16, $0x0;
	_ =	sdelay $0x5  }
0x539: {  	s8 =	spop (v2sf)  }
0x53a: {  	s0 =	sadd.s32 s0, s8  }
0x53b: {  	p1 =	slt.s32 s0, $0xFF0;
	s2 =	smov.u32 s0  }
0x53c: {  	s24 =	sadd.s32 $0xFFFFFFA0, s1;
	s2 =	simm.s32 @!p1 $0xFF0  }
0x53d: {  	v16 =	vor.u32 s24, v2;
	[tilespmem:s2+$0x4100] =	vst.msk vm1, v17  }
0x53e: {  	[tilespmem:s2+$0x5100] =	vst.msk vm1, v16  }
0x53f: {  	v16 =	vld [tilespmem:s5+$0xFFFFFFE0];
	_ =	sdelay $0x2  }
0x540: {  	s25 =	spop (v2sf)  }
0x541: {  	s0 =	sadd.s32 s0, s25  }
0x542: {  	vm1 =	vge.s32 v16, v4;
	vm2 =	vlt.s32 v16, v1;
	p1 =	slt.s32 s0, $0xFF0;
	s2 =	smov.u32 s0  }
0x543: {  	s26 =	sadd.s32 $0xFFFFFFB0, s1;
	vm1 =	vmand vm1, vm2;
	s2 =	simm.s32 @!p1 $0xFF0  }
0x544: {  	v17 =	vor.u32 s26, v2;
	[tilespmem:s2+$0x4100] =	vst.msk vm1, v16;
	v16 =	vmpcnt.ones.xlane vm1  }
0x545: {  	[tilespmem:s2+$0x5100] =	vst.msk vm1, v17  }
0x546: {  	v17 =	vld [tilespmem:s5+$0xFFFFFFF0];
	(v2sf) =	vpush v16, $0x0;
	_ =	sdelay $0x4  }
0x547: {  	vm1 =	vge.s32 v17, v4;
	vm2 =	vlt.s32 v17, v1  }
0x548: {  	vm1 =	vmand vm1, vm2  }
0x549: {  	v16 =	vmpcnt.ones.xlane vm1;
	_ =	sdelay $0x1  }
0x54a: {  	(v2sf) =	vpush v16, $0x0;
	_ =	sdelay $0x5  }
0x54b: {  	s28 =	spop (v2sf)  }
0x54c: {  	s0 =	sadd.s32 s0, s28  }
0x54d: {  	p1 =	slt.s32 s0, $0xFF0;
	s2 =	smov.u32 s0  }
0x54e: {  	s29 =	sadd.s32 $0xFFFFFFC0, s1;
	s2 =	simm.s32 @!p1 $0xFF0  }
0x54f: {  	v16 =	vor.u32 s29, v2;
	[tilespmem:s2+$0x4100] =	vst.msk vm1, v17  }
0x550: {  	[tilespmem:s2+$0x5100] =	vst.msk vm1, v16  }
0x551: {  	v16 =	vld [tilespmem:s5+$0x0];
	_ =	sdelay $0x2  }
0x552: {  	s30 =	spop (v2sf)  }
0x553: {  	s0 =	sadd.s32 s0, s30  }
0x554: {  	vm1 =	vge.s32 v16, v4;
	vm2 =	vlt.s32 v16, v1;
	p1 =	slt.s32 s0, $0xFF0;
	s2 =	smov.u32 s0  }
0x555: {  	s31 =	sadd.s32 $0xFFFFFFD0, s1;
	vm1 =	vmand vm1, vm2;
	s2 =	simm.s32 @!p1 $0xFF0  }
0x556: {  	v17 =	vor.u32 s31, v2;
	[tilespmem:s2+$0x4100] =	vst.msk vm1, v16;
	v16 =	vmpcnt.ones.xlane vm1  }
0x557: {  	[tilespmem:s2+$0x5100] =	vst.msk vm1, v17  }
0x558: {  	v17 =	vld [tilespmem:s5+$0x10];
	(v2sf) =	vpush v16, $0x0;
	_ =	sdelay $0x4  }
0x559: {  	vm1 =	vge.s32 v17, v4;
	vm2 =	vlt.s32 v17, v1  }
0x55a: {  	vm1 =	vmand vm1, vm2  }
0x55b: {  	v16 =	vmpcnt.ones.xlane vm1;
	_ =	sdelay $0x1  }
0x55c: {  	(v2sf) =	vpush v16, $0x0;
	_ =	sdelay $0x5  }
0x55d: {  	s8 =	spop (v2sf)  }
0x55e: {  	s0 =	sadd.s32 s0, s8  }
0x55f: {  	p1 =	slt.s32 s0, $0xFF0;
	s2 =	smov.u32 s0  }
0x560: {  	s24 =	sadd.s32 $0xFFFFFFE0, s1;
	s2 =	simm.s32 @!p1 $0xFF0  }
0x561: {  	v16 =	vor.u32 s24, v2;
	[tilespmem:s2+$0x4100] =	vst.msk vm1, v17  }
0x562: {  	[tilespmem:s2+$0x5100] =	vst.msk vm1, v16  }
0x563: {  	v16 =	vld [tilespmem:s5+$0x20];
	_ =	sdelay $0x2  }
0x564: {  	s25 =	spop (v2sf)  }
0x565: {  	s0 =	sadd.s32 s0, s25  }
0x566: {  	vm1 =	vge.s32 v16, v4;
	vm2 =	vlt.s32 v16, v1;
	p1 =	slt.s32 s0, $0xFF0;
	s2 =	smov.u32 s0  }
0x567: {  	s26 =	sadd.s32 $0xFFFFFFF0, s1;
	vm1 =	vmand vm1, vm2;
	s2 =	simm.s32 @!p1 $0xFF0  }
0x568: {  	v17 =	vor.u32 s26, v2;
	[tilespmem:s2+$0x4100] =	vst.msk vm1, v16  }
0x569: {  	[tilespmem:s2+$0x5100] =	vst.msk vm1, v17  }
0x56a: {  	v16 =	vld [tilespmem:s5+$0x30];
	_ =	sdelay $0x4  }
0x56b: {  	v17 =	vmpcnt.ones.xlane vm1;
	vm1 =	vge.s32 v16, v4;
	vm2 =	vlt.s32 v16, v1  }
0x56c: {  	vm1 =	vmand vm1, vm2  }
0x56d: {  	(v2sf) =	vpush v17, $0x0;
	v17 =	vmpcnt.ones.xlane vm1;
	_ =	sdelay $0x1  }
0x56e: {  	(v2sf) =	vpush v17, $0x0;
	_ =	sdelay $0xd  }
0x56f: {  	s28 =	spop (v2sf)  }
0x570: {  	s0 =	sadd.s32 s0, s28;
	s29 =	spop (v2sf)  }
0x571: {  	v17 =	vor.u32 s1, v2;
	s1 =	sadd.s32 s0, s29  }
0x572: {  	p1 =	slt.s32 s0, $0xFF0;
	s2 =	smov.u32 s0;
	s0 =	sadd.s32 $0xF, s1  }
0x573: {  	s2 =	simm.s32 @!p1 $0xFF0;
	s30 =	sand.u32 $0xF, s0  }
0x574: {  	[tilespmem:s2+$0x4100] =	vst.msk vm1, v16;
	s31 =	sshra.s32 s0, $0x1F;
	p2 =	slt.s32 s0, $0x1;
	p6 =	sne.s32 s30, $0x0  }
.Ltmp25:
0x575: {  	[tilespmem:s2+$0x5100] =	vst.msk vm1, v17;
	s2 =	sshrl.u32 s31, $0x1C;
	p1 =	por !p2, !p6;
	(pc) =	sbr.rel .LBB2_34-.Ltmp25, $4  }
0x576: {  	s0 =	sadd.s32 s2, s0;
	s2 =	simm.s32 $0x1;
	p1 =	por !p1, !p1  }
0x577: {  	s0 =	sshra.s32 s0, $0x4;
	s2 =	simm.s32 @!p1 $0x0  }
0x578: {  	s24 =	ssub.s32 s0, s2  }
0x579: {  	s25 =	simm.s32 $0x0;
	v16 =	vmov s1;
	p1 =	slt.s32 s24, $0x1  }
.LBB2_47:
0x57a: {  	s25 =	sadd.s32 $0x1, s25  }
0x57b: {  	p2 =	sne.s32 s25, $0x3  }
.Ltmp26:
0x57c: {  	_ = 	snop;
	(pc) =	sbr.rel @!p2 .LBB2_48-.Ltmp26, $1  }
0x57d: {  	_ =	sdelay $0x3  }
.LBB2_34:
0x57e: {  	s0 =	smul.u32 $0x600, s25;
	_ =	sdelay $0x1  }
0x57f: {  	s5 =	sadd.s32 s13, s0  }
0x580: {  	p2 =	sle.u32 s11, s5  }
.Ltmp27:
0x581: {  	_ = 	snop;
	(pc) =	sbr.rel @p2 .LBB2_47-.Ltmp27, $1  }
0x582: {  	_ =	sdelay $0x3  }
0x583: {  	v17 =	vld [tilespmem:$0x0];
	_ =	sdelay $0x4  }
0x584: {  	v18 =	vshrl.u32 v17, $0x3  }
0x585: {  	v18 =	vmul.u32 $0x1870, v18  }
0x586: {  	v17 =	vand.u32 $0x7, v17  }
0x587: {  	v17 =	vor.u32 v17, v18  }
0x588: {  	s0 =	sadd.s32 $0x600, s5;
	v18 =	vperm.xlane v17, v12  }
0x589: {  	s29 =	smov.u32 s11;
	p2 =	slt.s32 s0, s11  }
0x58a: {  	s29 =	smov.u32 @p2 s0;
	v18 =	vadd.s32 v13, v18  }
0x58b: {  	p2 =	sgt.s32 s29, $0x600;
	s0 =	smov.u32 s29  }
0x58c: {  	s0 =	simm.s32 @!p2 $0x600  }
0x58d: {  	s31 =	rddreg [dreg:$0x3];
	s1 =	sadd.s32 $0xFFFFFA00, s0  }
0x58e: {  	s28 =	simm.s32 $0x0;
	s0 =	sadd.s32 s31, s1  }
0x58f: {  	[tilespmem:s18], [sflag:$0x1] =	stream.indirect_vreg.gather [hbm4b:s0+s28], $0x80, v18, vm0, $0xb8;
	[tilespmem:$0x1C180] =	vst v63  }
0x590: {  	s6 =	simm.s32 $0x8900;
	s2 =	sadd.s32 $0x100, s0  }
0x591: {  	[tilespmem:s6], [sflag:$0x1] =	stream.indirect_vreg.gather [hbm4b:s2+s28], $0x80, v18, vm0, $0xb8;
	[tilespmem:$0x1C180] =	vst v63  }
0x592: {  	s26 =	simm.s32 $0x9100;
	s6 =	sadd.s32 $0x200, s0  }
0x593: {  	[tilespmem:s26], [sflag:$0x1] =	stream.indirect_vreg.gather [hbm4b:s6+s28], $0x80, v18, vm0, $0xb8;
	[tilespmem:$0x1C180] =	vst v63  }
0x594: {  	s30 =	simm.s32 $0x9900;
	v17 =	vperm.xlane v17, v14;
	s26 =	sadd.s32 $0x300, s0  }
0x595: {  	[tilespmem:s30], [sflag:$0x1] =	stream.indirect_vreg.gather [hbm4b:s26+s28], $0x80, v18, vm0, $0xb8;
	[tilespmem:$0x1C180] =	vst v63  }
0x596: {  	s31 =	simm.s32 $0xA100;
	v17 =	vadd.s32 v13, v17;
	s30 =	sadd.s32 $0x400, s0  }
0x597: {  	[tilespmem:s31], [sflag:$0x1] =	stream.indirect_vreg.gather [hbm4b:s30+s28], $0x80, v18, vm0, $0xb8;
	[tilespmem:$0x1C180] =	vst v63  }
0x598: {  	s8 =	simm.s32 $0xA900;
	s31 =	sadd.s32 $0x500, s0  }
0x599: {  	[tilespmem:s8], [sflag:$0x1] =	stream.indirect_vreg.gather [hbm4b:s31+s28], $0x80, v18, vm0, $0xb8;
	[tilespmem:$0x1C180] =	vst v63  }
0x59a: {  	s8 =	simm.s32 $0xB100  }
0x59b: {  	[tilespmem:s8], [sflag:$0x1] =	stream.indirect_vreg.gather [hbm4b:s0+s28], $0x80, v17, vm0, $0xb8;
	[tilespmem:$0x1C180] =	vst v63  }
0x59c: {  	s8 =	simm.s32 $0xB900  }
0x59d: {  	[tilespmem:s8], [sflag:$0x1] =	stream.indirect_vreg.gather [hbm4b:s2+s28], $0x80, v17, vm0, $0xb8;
	[tilespmem:$0x1C180] =	vst v63  }
0x59e: {  	s8 =	simm.s32 $0xC100  }
0x59f: {  	[tilespmem:s8], [sflag:$0x1] =	stream.indirect_vreg.gather [hbm4b:s6+s28], $0x80, v17, vm0, $0xb8;
	[tilespmem:$0x1C180] =	vst v63  }
0x5a0: {  	s8 =	simm.s32 $0xC900  }
0x5a1: {  	[tilespmem:s8], [sflag:$0x1] =	stream.indirect_vreg.gather [hbm4b:s26+s28], $0x80, v17, vm0, $0xb8;
	[tilespmem:$0x1C180] =	vst v63  }
0x5a2: {  	s8 =	simm.s32 $0xD100  }
0x5a3: {  	[tilespmem:s8], [sflag:$0x1] =	stream.indirect_vreg.gather [hbm4b:s30+s28], $0x80, v17, vm0, $0xb8;
	[tilespmem:$0x1C180] =	vst v63  }
0x5a4: {  	s8 =	simm.s32 $0xD900  }
0x5a5: {  	[tilespmem:s8], [sflag:$0x1] =	stream.indirect_vreg.gather [hbm4b:s31+s28], $0x80, v17, vm0, $0xb8;
	[tilespmem:$0x1C180] =	vst v63  }
0x5a6: {  	v17 =	vld [tilespmem:$0x10];
	_ =	sdelay $0x4  }
0x5a7: {  	v18 =	vshrl.u32 v17, $0x3  }
0x5a8: {  	v18 =	vmul.u32 $0x1870, v18  }
0x5a9: {  	v17 =	vand.u32 $0x7, v17  }
0x5aa: {  	v17 =	vor.u32 v17, v18  }
0x5ab: {  	v18 =	vperm.xlane v17, v12;
	_ =	sdelay $0x1  }
0x5ac: {  	v18 =	vadd.s32 v13, v18;
	_ =	sdelay $0x3  }
0x5ad: {  	s8 =	simm.s32 $0xE100  }
0x5ae: {  	[tilespmem:s8], [sflag:$0x1] =	stream.indirect_vreg.gather [hbm4b:s0+s28], $0x80, v18, vm0, $0xb8;
	[tilespmem:$0x1C180] =	vst v63  }
0x5af: {  	s8 =	simm.s32 $0xE900  }
0x5b0: {  	[tilespmem:s8], [sflag:$0x1] =	stream.indirect_vreg.gather [hbm4b:s2+s28], $0x80, v18, vm0, $0xb8;
	[tilespmem:$0x1C180] =	vst v63  }
0x5b1: {  	s8 =	simm.s32 $0xF100  }
0x5b2: {  	[tilespmem:s8], [sflag:$0x1] =	stream.indirect_vreg.gather [hbm4b:s6+s28], $0x80, v18, vm0, $0xb8;
	[tilespmem:$0x1C180] =	vst v63  }
0x5b3: {  	v17 =	vperm.xlane v17, v14;
	s8 =	simm.s32 $0xF900  }
0x5b4: {  	[tilespmem:s8], [sflag:$0x1] =	stream.indirect_vreg.gather [hbm4b:s26+s28], $0x80, v18, vm0, $0xb8;
	[tilespmem:$0x1C180] =	vst v63  }
0x5b5: {  	v17 =	vadd.s32 v13, v17;
	s8 =	simm.s32 $0x10100  }
0x5b6: {  	[tilespmem:s8], [sflag:$0x1] =	stream.indirect_vreg.gather [hbm4b:s30+s28], $0x80, v18, vm0, $0xb8;
	[tilespmem:$0x1C180] =	vst v63  }
0x5b7: {  	s8 =	simm.s32 $0x10900  }
0x5b8: {  	[tilespmem:s8], [sflag:$0x1] =	stream.indirect_vreg.gather [hbm4b:s31+s28], $0x80, v18, vm0, $0xb8;
	[tilespmem:$0x1C180] =	vst v63  }
0x5b9: {  	s8 =	simm.s32 $0x11100  }
0x5ba: {  	[tilespmem:s8], [sflag:$0x1] =	stream.indirect_vreg.gather [hbm4b:s0+s28], $0x80, v17, vm0, $0xb8;
	[tilespmem:$0x1C180] =	vst v63  }
0x5bb: {  	_ = 	snop  }
0x5bc: {  	[tilespmem:s16], [sflag:$0x1] =	stream.indirect_vreg.gather [hbm4b:s2+s28], $0x80, v17, vm0, $0xb8;
	[tilespmem:$0x1C180] =	vst v63  }
0x5bd: {  	_ = 	snop  }
0x5be: {  	[tilespmem:s14], [sflag:$0x1] =	stream.indirect_vreg.gather [hbm4b:s6+s28], $0x80, v17, vm0, $0xb8;
	[tilespmem:$0x1C180] =	vst v63  }
0x5bf: {  	_ = 	snop  }
0x5c0: {  	[tilespmem:s7], [sflag:$0x1] =	stream.indirect_vreg.gather [hbm4b:s26+s28], $0x80, v17, vm0, $0xb8;
	[tilespmem:$0x1C180] =	vst v63  }
0x5c1: {  	_ = 	snop  }
0x5c2: {  	[tilespmem:s3], [sflag:$0x1] =	stream.indirect_vreg.gather [hbm4b:s30+s28], $0x80, v17, vm0, $0xb8;
	[tilespmem:$0x1C180] =	vst v63  }
.Ltmp28:
0x5c3: {  	_ = 	snop;
	(pc) =	sbr.rel @p1 .LBB2_42-.Ltmp28, $4  }
0x5c4: {  	[tilespmem:s4], [sflag:$0x1] =	stream.indirect_vreg.gather [hbm4b:s31+s28], $0x80, v17, vm0, $0xb8;
	[tilespmem:$0x1C180] =	vst v63  }
0x5c5: {  	_ =	swait.ge [sflag:s17], $0xC000  }
0x5c6: {  	[sflag:s17] =	ssyncset.done $0x0  }
0x5c7: {  	[sflag:s17] =	ssyncadd.s32 $0xFFFF4000  }
0x5c8: {  	p3 =	sne.s32 s24, $0x1  }
.Ltmp29:
0x5c9: {  	_ = 	snop;
	(pc) =	sbr.rel @!p3 .LBB2_37-.Ltmp29, $3  }
0x5ca: {  	_ =	sdelay $0x1  }
0x5cb: {  	s0 =	simm.s32 $0x4100;
	s26 =	simm.s32 $0x5100  }
0x5cc: {  	v17 =	vmov s5;
	v19 =	vmov s29;
	s5 =	simm.s32 $0x0;
	s6 =	sadd.s32 $0xFFFFFFFF, s24;
	p2 =	por $0x0, $0x0;
	v18 =	vld [tilespmem:s0+$0x0]  }
0x5cd: {  	_ =	sdelay $0x2  }
0x5ce: {  	v20 =	vor.u32 s5, v2  }
0x5cf: {  	vm1 =	vlt.s32 v20, v16;
	vm2 =	vlt.s32 v18, v19  }
0x5d0: {  	vm1 =	vmand vm1, vm2;
	vm2 =	vge.s32 v18, v17  }
0x5d1: {  	vm1 =	vmand vm1, vm2  }
0x5d2: {  	v20 =	vmpcnt.ones.xlane vm1;
	_ =	sdelay $0x1  }
0x5d3: {  	v21 =	vld [tilespmem:s26+$0x0];
	(v2sf) =	vpush v20, $0x0  }
0x5d4: {  	p3 =	sne.s32 s6, $0x1  }
.Ltmp30:
0x5d5: {  	p2 =	por $0x1, $0x1;
	s0 =	simm.s32 $0x0;
	(pc) =	sbr.rel @!p3 .LBB2_39-.Ltmp30, $4  }
0x5d6: {  	s0 =	simm.s32 @!p2 $0xFF0  }
0x5d7: {  	[tilespmem:s0+$0x6100] =	vst.msk vm1, v18  }
0x5d8: {  	s31 =	simm.s32 $0x4110;
	s6 =	sadd.s32 $0xFFFFFFFF, s6;
	s30 =	simm.s32 $0x0;
	[tilespmem:s0+$0x7100] =	vst.msk vm1, v21  }
0x5d9: {  	s28 =	simm.s32 $0x5100;
	s29 =	simm.s32 $0x0;
	p2 =	por $0x1, $0x1;
	v18 =	vld [tilespmem:s31+$0x0]  }
.LBB2_40:
0x5da: {  	p3 =	sne.s32 s6, $0x1;
	_ =	sdelay $0x1  }
0x5db: {  	s30 =	sadd.s32 $0x10, s30  }
0x5dc: {  	v20 =	vor.u32 s30, v2  }
0x5dd: {  	vm1 =	vlt.s32 v20, v16;
	vm2 =	vlt.s32 v18, v19  }
0x5de: {  	vm3 =	vge.s32 v18, v17;
	vm1 =	vmand vm1, vm2  }
0x5df: {  	vm1 =	vmand vm1, vm3  }
0x5e0: {  	s28 =	sadd.s32 $0x10, s28;
	v20 =	vmpcnt.ones.xlane vm1  }
0x5e1: {  	v21 =	vld [tilespmem:s28+$0x0];
	s0 =	spop (v2sf)  }
0x5e2: {  	(v2sf) =	vpush v20, $0x0;
	s29 =	sadd.s32 s29, s0  }
0x5e3: {  	p4 =	slt.s32 s29, $0xFF0;
	s0 =	smov.u32 s29  }
.Ltmp31:
0x5e4: {  	s0 =	simm.s32 @!p4 $0xFF0;
	(pc) =	sbr.rel @p3 .LBB2_40-.Ltmp31, $4  }
0x5e5: {  	[tilespmem:s0+$0x6100] =	vst.msk vm1, v18  }
0x5e6: {  	[tilespmem:s0+$0x7100] =	vst.msk vm1, v21  }
0x5e7: {  	s31 =	sadd.s32 $0x10, s31  }
0x5e8: {  	s6 =	sadd.s32 $0xFFFFFFFF, s6;
	v18 =	vld [tilespmem:s31+$0x0]  }
.LBB2_41:
0x5e9: {  	_ = 	snop  }
0x5ea: {  	s0 =	sadd.s32 @p2 $0x10, s30;
	s2 =	simm.s32 $0x0  }
0x5eb: {  	s2 =	smov.u32 @p2 s0  }
0x5ec: {  	v20 =	vor.u32 s2, v2  }
0x5ed: {  	vm1 =	vlt.s32 v20, v16;
	vm2 =	vlt.s32 v18, v19  }
0x5ee: {  	vm3 =	vge.s32 v18, v17;
	vm1 =	vmand vm1, vm2  }
0x5ef: {  	vm1 =	vmand vm1, vm3  }
0x5f0: {  	v17 =	vmpcnt.ones.xlane vm1;
	_ =	sdelay $0x1  }
0x5f1: {  	(v2sf) =	vpush v17, $0x0;
	_ =	sdelay $0x8  }
0x5f2: {  	s0 =	sadd.s32 @p2 $0x10, s28  }
0x5f3: {  	s26 =	smov.u32 @p2 s0;
	s2 =	spop @p2 (v2sf)  }
0x5f4: {  	v17 =	vld [tilespmem:s26+$0x0];
	s0 =	sadd.s32 @p2 s29, s2  }
0x5f5: {  	s5 =	smov.u32 @p2 s0  }
0x5f6: {  	p2 =	slt.s32 s5, $0xFF0;
	s0 =	smov.u32 s5  }
0x5f7: {  	s0 =	simm.s32 @!p2 $0xFF0  }
0x5f8: {  	[tilespmem:s0+$0x6100] =	vst.msk vm1, v18;
	s31 =	spop (v2sf)  }
0x5f9: {  	[tilespmem:s0+$0x7100] =	vst.msk vm1, v17;
	s28 =	sadd.s32 s5, s31  }
.LBB2_42:
0x5fa: {  	s0 =	sadd.s32 $0x7F, s28  }
0x5fb: {  	s2 =	sand.u32 $0x7F, s0  }
0x5fc: {  	s5 =	sshra.s32 s0, $0x1F;
	p2 =	slt.s32 s0, $0x1;
	p3 =	sne.s32 s2, $0x0  }
0x5fd: {  	s31 =	sshrl.u32 s5, $0x19;
	p2 =	por !p2, !p3  }
0x5fe: {  	s2 =	simm.s32 $0x1;
	s0 =	sadd.s32 s31, s0;
	p2 =	por !p2, !p2  }
0x5ff: {  	s0 =	sshra.s32 s0, $0x7;
	s2 =	simm.s32 @!p2 $0x0  }
0x600: {  	s26 =	ssub.s32 s0, s2  }
0x601: {  	p2 =	slt.s32 s26, $0x1  }
.Ltmp32:
0x602: {  	_ = 	snop;
	(pc) =	sbr.rel @p2 .LBB2_47-.Ltmp32, $1  }
0x603: {  	_ =	sdelay $0x3  }
0x604: {  	v17 =	vmov s28;
	v18 =	vmov s1;
	s28 =	simm.s32 $0x0;
	s29 =	simm.s32 $0x0;
	s30 =	simm.s32 $0x0  }
.LBB2_44:
0x605: {  	s0 =	sadd.s32 $0x0, s29  }
0x606: {  	v19 =	vor.u32 s0, v2  }
0x607: {  	vm1 =	vlt.s32 v19, $0xFFF  }
0x608: {  	v20 =	vnsel vm1, $0xFFF, v19;
	_ =	sdelay $0x4  }
0x609: {  	v21 =	vld.idx.msk [tilespmem:v20+s19+$0x0], $0xffff;
	_ =	sdelay $0x4  }
0x60a: {  	v20 =	vld.idx.msk [tilespmem:v20+s20+$0x0], $0xffff;
	v21 =	vsub.s32 v21, v18  }
0x60b: {  	v22 =	vshll.u32 v21, $0x3  }
0x60c: {  	vm1 =	vlt.s32 v19, v17;
	v19 =	vand.u32 $0x7F, v21;
	v21 =	vand.u32 $0xFFFFFC00, v22  }
0x60d: {  	v19 =	vor.u32 v19, v21;
	_ =	sdelay $0x1  }
0x60e: {  	v20 =	vadd.s32 $0x4000, v20  }
0x60f: {  	s31 =	simm.s32 $0x18100;
	v20 =	vnsel vm1, $0xFFFFFFFF, v20;
	v21 =	vmov s28  }
0x610: {  	[tilespmem:s31+$0x0] =	vst v20;
	v20 =	vshll.u32 v21, $0x7  }
0x611: {  	v20 =	vor.u32 v15, v20;
	v21 =	vld.idx.msk [tilespmem:v19+s18+$0x0], vm1  }
0x612: {  	v22 =	vor.u32 $0x80, v19;
	_ =	sdelay $0x3  }
0x613: {  	[tilespmem:v20+s21+$0x0] =	vst.idx.msk vm1, v21  }
0x614: {  	v21 =	vld.idx.msk [tilespmem:v22+s18+$0x0], vm1;
	v22 =	vor.u32 $0x1, v20  }
0x615: {  	v23 =	vor.u32 $0x100, v19;
	_ =	sdelay $0x3  }
0x616: {  	[tilespmem:v22+s21+$0x0] =	vst.idx.msk vm1, v21  }
0x617: {  	v22 =	vor.u32 $0x2, v20;
	v21 =	vld.idx.msk [tilespmem:v23+s18+$0x0], vm1  }
0x618: {  	v23 =	vor.u32 $0x180, v19;
	_ =	sdelay $0x3  }
0x619: {  	[tilespmem:v22+s21+$0x0] =	vst.idx.msk vm1, v21  }
0x61a: {  	v22 =	vor.u32 $0x3, v20;
	v21 =	vld.idx.msk [tilespmem:v23+s18+$0x0], vm1  }
0x61b: {  	v23 =	vor.u32 $0x200, v19;
	_ =	sdelay $0x3  }
0x61c: {  	[tilespmem:v22+s21+$0x0] =	vst.idx.msk vm1, v21  }
0x61d: {  	v22 =	vor.u32 $0x4, v20;
	v21 =	vld.idx.msk [tilespmem:v23+s18+$0x0], vm1  }
0x61e: {  	v23 =	vor.u32 $0x280, v19;
	_ =	sdelay $0x3  }
0x61f: {  	[tilespmem:v22+s21+$0x0] =	vst.idx.msk vm1, v21  }
0x620: {  	v22 =	vor.u32 $0x5, v20;
	v21 =	vld.idx.msk [tilespmem:v23+s18+$0x0], vm1  }
0x621: {  	v23 =	vor.u32 $0x300, v19;
	_ =	sdelay $0x3  }
0x622: {  	[tilespmem:v22+s21+$0x0] =	vst.idx.msk vm1, v21  }
0x623: {  	v22 =	vor.u32 $0x6, v20;
	v21 =	vld.idx.msk [tilespmem:v23+s18+$0x0], vm1  }
0x624: {  	v23 =	vor.u32 $0x380, v19;
	_ =	sdelay $0x3  }
0x625: {  	[tilespmem:v22+s21+$0x0] =	vst.idx.msk vm1, v21  }
0x626: {  	v22 =	vor.u32 $0x7, v20;
	v21 =	vld.idx.msk [tilespmem:v23+s18+$0x0], vm1  }
0x627: {  	v23 =	vadd.s32 $0x3000, v19;
	_ =	sdelay $0x3  }
0x628: {  	[tilespmem:v22+s21+$0x0] =	vst.idx.msk vm1, v21  }
0x629: {  	v22 =	vor.u32 $0x8, v20;
	v21 =	vld.idx.msk [tilespmem:v23+s18+$0x0], vm1  }
0x62a: {  	v23 =	vadd.s32 $0x3080, v19;
	_ =	sdelay $0x3  }
0x62b: {  	[tilespmem:v22+s21+$0x0] =	vst.idx.msk vm1, v21  }
0x62c: {  	v22 =	vor.u32 $0x9, v20;
	v21 =	vld.idx.msk [tilespmem:v23+s18+$0x0], vm1  }
0x62d: {  	v23 =	vadd.s32 $0x3100, v19;
	_ =	sdelay $0x3  }
0x62e: {  	[tilespmem:v22+s21+$0x0] =	vst.idx.msk vm1, v21  }
0x62f: {  	v22 =	vor.u32 $0xA, v20;
	v21 =	vld.idx.msk [tilespmem:v23+s18+$0x0], vm1  }
0x630: {  	v23 =	vadd.s32 $0x3180, v19;
	_ =	sdelay $0x3  }
0x631: {  	[tilespmem:v22+s21+$0x0] =	vst.idx.msk vm1, v21  }
0x632: {  	v22 =	vor.u32 $0xB, v20;
	v21 =	vld.idx.msk [tilespmem:v23+s18+$0x0], vm1  }
0x633: {  	v23 =	vadd.s32 $0x3200, v19;
	_ =	sdelay $0x3  }
0x634: {  	[tilespmem:v22+s21+$0x0] =	vst.idx.msk vm1, v21  }
0x635: {  	v22 =	vor.u32 $0xC, v20;
	v21 =	vld.idx.msk [tilespmem:v23+s18+$0x0], vm1  }
0x636: {  	v23 =	vadd.s32 $0x3280, v19;
	_ =	sdelay $0x3  }
0x637: {  	[tilespmem:v22+s21+$0x0] =	vst.idx.msk vm1, v21  }
0x638: {  	v22 =	vor.u32 $0xD, v20;
	v21 =	vld.idx.msk [tilespmem:v23+s18+$0x0], vm1  }
0x639: {  	v23 =	vadd.s32 $0x3300, v19;
	_ =	sdelay $0x3  }
0x63a: {  	[tilespmem:v22+s21+$0x0] =	vst.idx.msk vm1, v21  }
0x63b: {  	v22 =	vor.u32 $0xE, v20;
	v21 =	vld.idx.msk [tilespmem:v23+s18+$0x0], vm1  }
0x63c: {  	v23 =	vadd.s32 $0x3380, v19;
	_ =	sdelay $0x3  }
0x63d: {  	[tilespmem:v22+s21+$0x0] =	vst.idx.msk vm1, v21  }
0x63e: {  	v22 =	vor.u32 $0xF, v20;
	v21 =	vld.idx.msk [tilespmem:v23+s18+$0x0], vm1  }
0x63f: {  	v23 =	vadd.s32 $0x6000, v19;
	_ =	sdelay $0x3  }
0x640: {  	[tilespmem:v22+s21+$0x0] =	vst.idx.msk vm1, v21  }
0x641: {  	v22 =	vor.u32 $0x10, v20;
	v21 =	vld.idx.msk [tilespmem:v23+s18+$0x0], vm1  }
0x642: {  	v23 =	vadd.s32 $0x6080, v19;
	_ =	sdelay $0x3  }
0x643: {  	[tilespmem:v22+s21+$0x0] =	vst.idx.msk vm1, v21  }
0x644: {  	v22 =	vor.u32 $0x11, v20;
	v21 =	vld.idx.msk [tilespmem:v23+s18+$0x0], vm1  }
0x645: {  	v23 =	vadd.s32 $0x6100, v19;
	_ =	sdelay $0x3  }
0x646: {  	[tilespmem:v22+s21+$0x0] =	vst.idx.msk vm1, v21  }
0x647: {  	v22 =	vor.u32 $0x12, v20;
	v21 =	vld.idx.msk [tilespmem:v23+s18+$0x0], vm1  }
0x648: {  	v23 =	vadd.s32 $0x6180, v19;
	_ =	sdelay $0x3  }
0x649: {  	[tilespmem:v22+s21+$0x0] =	vst.idx.msk vm1, v21  }
0x64a: {  	v22 =	vor.u32 $0x13, v20;
	v21 =	vld.idx.msk [tilespmem:v23+s18+$0x0], vm1  }
0x64b: {  	v23 =	vadd.s32 $0x6200, v19;
	_ =	sdelay $0x3  }
0x64c: {  	[tilespmem:v22+s21+$0x0] =	vst.idx.msk vm1, v21  }
0x64d: {  	v22 =	vor.u32 $0x14, v20;
	v21 =	vld.idx.msk [tilespmem:v23+s18+$0x0], vm1  }
0x64e: {  	v23 =	vadd.s32 $0x6280, v19;
	_ =	sdelay $0x3  }
0x64f: {  	[tilespmem:v22+s21+$0x0] =	vst.idx.msk vm1, v21  }
0x650: {  	v22 =	vor.u32 $0x15, v20;
	v21 =	vld.idx.msk [tilespmem:v23+s18+$0x0], vm1  }
0x651: {  	v23 =	vadd.s32 $0x6300, v19;
	_ =	sdelay $0x3  }
0x652: {  	[tilespmem:v22+s21+$0x0] =	vst.idx.msk vm1, v21  }
0x653: {  	v22 =	vor.u32 $0x16, v20;
	v21 =	vld.idx.msk [tilespmem:v23+s18+$0x0], vm1  }
0x654: {  	v23 =	vadd.s32 $0x6380, v19;
	_ =	sdelay $0x3  }
0x655: {  	[tilespmem:v22+s21+$0x0] =	vst.idx.msk vm1, v21  }
0x656: {  	v22 =	vor.u32 $0x17, v20;
	v21 =	vld.idx.msk [tilespmem:v23+s18+$0x0], vm1  }
0x657: {  	v23 =	vadd.s32 $0x9000, v19;
	_ =	sdelay $0x3  }
0x658: {  	[tilespmem:v22+s21+$0x0] =	vst.idx.msk vm1, v21  }
0x659: {  	v22 =	vor.u32 $0x18, v20;
	v21 =	vld.idx.msk [tilespmem:v23+s18+$0x0], vm1  }
0x65a: {  	v23 =	vadd.s32 $0x9080, v19;
	_ =	sdelay $0x3  }
0x65b: {  	[tilespmem:v22+s21+$0x0] =	vst.idx.msk vm1, v21  }
0x65c: {  	v22 =	vor.u32 $0x19, v20;
	v21 =	vld.idx.msk [tilespmem:v23+s18+$0x0], vm1  }
0x65d: {  	v23 =	vadd.s32 $0x9100, v19;
	_ =	sdelay $0x3  }
0x65e: {  	[tilespmem:v22+s21+$0x0] =	vst.idx.msk vm1, v21  }
0x65f: {  	v22 =	vor.u32 $0x1A, v20;
	v21 =	vld.idx.msk [tilespmem:v23+s18+$0x0], vm1  }
0x660: {  	v23 =	vadd.s32 $0x9180, v19;
	_ =	sdelay $0x3  }
0x661: {  	[tilespmem:v22+s21+$0x0] =	vst.idx.msk vm1, v21  }
0x662: {  	v22 =	vor.u32 $0x1B, v20;
	v21 =	vld.idx.msk [tilespmem:v23+s18+$0x0], vm1  }
0x663: {  	v23 =	vadd.s32 $0x9200, v19;
	_ =	sdelay $0x3  }
0x664: {  	[tilespmem:v22+s21+$0x0] =	vst.idx.msk vm1, v21  }
0x665: {  	v22 =	vor.u32 $0x1C, v20;
	v21 =	vld.idx.msk [tilespmem:v23+s18+$0x0], vm1  }
0x666: {  	v23 =	vadd.s32 $0x9280, v19;
	_ =	sdelay $0x3  }
0x667: {  	[tilespmem:v22+s21+$0x0] =	vst.idx.msk vm1, v21  }
0x668: {  	v22 =	vor.u32 $0x1D, v20;
	v21 =	vld.idx.msk [tilespmem:v23+s18+$0x0], vm1  }
0x669: {  	v23 =	vadd.s32 $0x9300, v19;
	_ =	sdelay $0x3  }
0x66a: {  	[tilespmem:v22+s21+$0x0] =	vst.idx.msk vm1, v21  }
0x66b: {  	v22 =	vor.u32 $0x1E, v20;
	v21 =	vld.idx.msk [tilespmem:v23+s18+$0x0], vm1  }
0x66c: {  	v23 =	vadd.s32 $0x9380, v19;
	_ =	sdelay $0x2  }
0x66d: {  	s8 =	sadd.s32 $0x10, s29  }
0x66e: {  	v19 =	vor.u32 s8, v2;
	[tilespmem:v22+s21+$0x0] =	vst.idx.msk vm1, v21  }
0x66f: {  	vm2 =	vlt.s32 v19, $0xFFF;
	v22 =	vor.u32 $0x1F, v20;
	v21 =	vld.idx.msk [tilespmem:v23+s18+$0x0], vm1  }
0x670: {  	s5 =	simm.s32 $0x10;
	s1 =	simm.s32 $0x20;
	v20 =	vnsel vm2, $0xFFF, v19  }
.LBB2_45:
0x671: {  	_ =	sdelay $0x1  }
0x672: {  	p2 =	sne.s32 s1, $0x70  }
0x673: {  	s31 =	sadd.s32 $0x10, s31;
	s0 =	smov.u32 s1;
	s1 =	sadd.s32 $0x10, s1;
	[tilespmem:v22+s21+$0x0] =	vst.idx.msk vm1, v21  }
0x674: {  	v21 =	vld.idx.msk [tilespmem:v20+s19+$0x0], $0xffff;
	_ =	sdelay $0x4  }
0x675: {  	v20 =	vld.idx.msk [tilespmem:v20+s20+$0x0], $0xffff  }
0x676: {  	v21 =	vsub.s32 v21, v18  }
0x677: {  	v22 =	vshll.u32 v21, $0x3  }
0x678: {  	vm1 =	vlt.s32 v19, v17;
	v19 =	vand.u32 $0x7F, v21;
	v21 =	vand.u32 $0xFFFFFC00, v22  }
0x679: {  	v19 =	vor.u32 v19, v21;
	_ =	sdelay $0x1  }
0x67a: {  	v20 =	vadd.s32 $0x4000, v20  }
0x67b: {  	v20 =	vnsel vm1, $0xFFFFFFFF, v20  }
0x67c: {  	[tilespmem:s31+$0x0] =	vst v20;
	v20 =	vmov s5;
	s5 =	smov.u32 s0  }
0x67d: {  	v20 =	vshll.u32 v20, $0x7;
	v21 =	vld.idx.msk [tilespmem:v19+s18+$0x0], vm1  }
0x67e: {  	v20 =	vor.u32 v15, v20  }
0x67f: {  	v22 =	vor.u32 $0x80, v19;
	_ =	sdelay $0x3  }
0x680: {  	[tilespmem:v20+s21+$0x0] =	vst.idx.msk vm1, v21  }
0x681: {  	v21 =	vld.idx.msk [tilespmem:v22+s18+$0x0], vm1  }
0x682: {  	v22 =	vor.u32 $0x1, v20  }
0x683: {  	v23 =	vor.u32 $0x100, v19;
	_ =	sdelay $0x3  }
0x684: {  	[tilespmem:v22+s21+$0x0] =	vst.idx.msk vm1, v21  }
0x685: {  	v21 =	vld.idx.msk [tilespmem:v23+s18+$0x0], vm1  }
0x686: {  	v22 =	vor.u32 $0x2, v20  }
0x687: {  	v23 =	vor.u32 $0x180, v19;
	_ =	sdelay $0x3  }
0x688: {  	[tilespmem:v22+s21+$0x0] =	vst.idx.msk vm1, v21  }
0x689: {  	v21 =	vld.idx.msk [tilespmem:v23+s18+$0x0], vm1  }
0x68a: {  	v22 =	vor.u32 $0x3, v20  }
0x68b: {  	v23 =	vor.u32 $0x200, v19;
	_ =	sdelay $0x3  }
0x68c: {  	[tilespmem:v22+s21+$0x0] =	vst.idx.msk vm1, v21  }
0x68d: {  	v21 =	vld.idx.msk [tilespmem:v23+s18+$0x0], vm1  }
0x68e: {  	v22 =	vor.u32 $0x4, v20  }
0x68f: {  	v23 =	vor.u32 $0x280, v19;
	_ =	sdelay $0x3  }
0x690: {  	[tilespmem:v22+s21+$0x0] =	vst.idx.msk vm1, v21  }
0x691: {  	v21 =	vld.idx.msk [tilespmem:v23+s18+$0x0], vm1  }
0x692: {  	v22 =	vor.u32 $0x5, v20  }
0x693: {  	v23 =	vor.u32 $0x300, v19;
	_ =	sdelay $0x3  }
0x694: {  	[tilespmem:v22+s21+$0x0] =	vst.idx.msk vm1, v21  }
0x695: {  	v21 =	vld.idx.msk [tilespmem:v23+s18+$0x0], vm1  }
0x696: {  	v22 =	vor.u32 $0x6, v20  }
0x697: {  	v23 =	vor.u32 $0x380, v19;
	_ =	sdelay $0x3  }
0x698: {  	[tilespmem:v22+s21+$0x0] =	vst.idx.msk vm1, v21  }
0x699: {  	v21 =	vld.idx.msk [tilespmem:v23+s18+$0x0], vm1  }
0x69a: {  	v22 =	vor.u32 $0x7, v20  }
0x69b: {  	v23 =	vadd.s32 $0x3000, v19;
	_ =	sdelay $0x3  }
0x69c: {  	[tilespmem:v22+s21+$0x0] =	vst.idx.msk vm1, v21  }
0x69d: {  	v21 =	vld.idx.msk [tilespmem:v23+s18+$0x0], vm1  }
0x69e: {  	v22 =	vor.u32 $0x8, v20  }
0x69f: {  	v23 =	vadd.s32 $0x3080, v19;
	_ =	sdelay $0x3  }
0x6a0: {  	[tilespmem:v22+s21+$0x0] =	vst.idx.msk vm1, v21  }
0x6a1: {  	v21 =	vld.idx.msk [tilespmem:v23+s18+$0x0], vm1  }
0x6a2: {  	v22 =	vor.u32 $0x9, v20  }
0x6a3: {  	v23 =	vadd.s32 $0x3100, v19;
	_ =	sdelay $0x3  }
0x6a4: {  	[tilespmem:v22+s21+$0x0] =	vst.idx.msk vm1, v21  }
0x6a5: {  	v21 =	vld.idx.msk [tilespmem:v23+s18+$0x0], vm1  }
0x6a6: {  	v22 =	vor.u32 $0xA, v20  }
0x6a7: {  	v23 =	vadd.s32 $0x3180, v19;
	_ =	sdelay $0x3  }
0x6a8: {  	[tilespmem:v22+s21+$0x0] =	vst.idx.msk vm1, v21  }
0x6a9: {  	v21 =	vld.idx.msk [tilespmem:v23+s18+$0x0], vm1  }
0x6aa: {  	v22 =	vor.u32 $0xB, v20  }
0x6ab: {  	v23 =	vadd.s32 $0x3200, v19;
	_ =	sdelay $0x3  }
0x6ac: {  	[tilespmem:v22+s21+$0x0] =	vst.idx.msk vm1, v21  }
0x6ad: {  	v21 =	vld.idx.msk [tilespmem:v23+s18+$0x0], vm1  }
0x6ae: {  	v22 =	vor.u32 $0xC, v20  }
0x6af: {  	v23 =	vadd.s32 $0x3280, v19;
	_ =	sdelay $0x3  }
0x6b0: {  	[tilespmem:v22+s21+$0x0] =	vst.idx.msk vm1, v21  }
0x6b1: {  	v21 =	vld.idx.msk [tilespmem:v23+s18+$0x0], vm1  }
0x6b2: {  	v22 =	vor.u32 $0xD, v20  }
0x6b3: {  	v23 =	vadd.s32 $0x3300, v19;
	_ =	sdelay $0x3  }
0x6b4: {  	[tilespmem:v22+s21+$0x0] =	vst.idx.msk vm1, v21  }
0x6b5: {  	v21 =	vld.idx.msk [tilespmem:v23+s18+$0x0], vm1  }
0x6b6: {  	v22 =	vor.u32 $0xE, v20  }
0x6b7: {  	v23 =	vadd.s32 $0x3380, v19;
	_ =	sdelay $0x3  }
0x6b8: {  	[tilespmem:v22+s21+$0x0] =	vst.idx.msk vm1, v21  }
0x6b9: {  	v21 =	vld.idx.msk [tilespmem:v23+s18+$0x0], vm1  }
0x6ba: {  	v22 =	vor.u32 $0xF, v20  }
0x6bb: {  	v23 =	vadd.s32 $0x6000, v19;
	_ =	sdelay $0x3  }
0x6bc: {  	[tilespmem:v22+s21+$0x0] =	vst.idx.msk vm1, v21  }
0x6bd: {  	v21 =	vld.idx.msk [tilespmem:v23+s18+$0x0], vm1  }
0x6be: {  	v22 =	vor.u32 $0x10, v20  }
0x6bf: {  	v23 =	vadd.s32 $0x6080, v19;
	_ =	sdelay $0x3  }
0x6c0: {  	[tilespmem:v22+s21+$0x0] =	vst.idx.msk vm1, v21  }
0x6c1: {  	v21 =	vld.idx.msk [tilespmem:v23+s18+$0x0], vm1  }
0x6c2: {  	v22 =	vor.u32 $0x11, v20  }
0x6c3: {  	v23 =	vadd.s32 $0x6100, v19;
	_ =	sdelay $0x3  }
0x6c4: {  	[tilespmem:v22+s21+$0x0] =	vst.idx.msk vm1, v21  }
0x6c5: {  	v21 =	vld.idx.msk [tilespmem:v23+s18+$0x0], vm1  }
0x6c6: {  	v22 =	vor.u32 $0x12, v20  }
0x6c7: {  	v23 =	vadd.s32 $0x6180, v19;
	_ =	sdelay $0x3  }
0x6c8: {  	[tilespmem:v22+s21+$0x0] =	vst.idx.msk vm1, v21  }
0x6c9: {  	v21 =	vld.idx.msk [tilespmem:v23+s18+$0x0], vm1  }
0x6ca: {  	v22 =	vor.u32 $0x13, v20  }
0x6cb: {  	v23 =	vadd.s32 $0x6200, v19;
	_ =	sdelay $0x3  }
0x6cc: {  	[tilespmem:v22+s21+$0x0] =	vst.idx.msk vm1, v21  }
0x6cd: {  	v21 =	vld.idx.msk [tilespmem:v23+s18+$0x0], vm1  }
0x6ce: {  	v22 =	vor.u32 $0x14, v20  }
0x6cf: {  	v23 =	vadd.s32 $0x6280, v19;
	_ =	sdelay $0x3  }
0x6d0: {  	[tilespmem:v22+s21+$0x0] =	vst.idx.msk vm1, v21  }
0x6d1: {  	v21 =	vld.idx.msk [tilespmem:v23+s18+$0x0], vm1  }
0x6d2: {  	v22 =	vor.u32 $0x15, v20  }
0x6d3: {  	v23 =	vadd.s32 $0x6300, v19;
	_ =	sdelay $0x3  }
0x6d4: {  	[tilespmem:v22+s21+$0x0] =	vst.idx.msk vm1, v21  }
0x6d5: {  	v21 =	vld.idx.msk [tilespmem:v23+s18+$0x0], vm1  }
0x6d6: {  	v22 =	vor.u32 $0x16, v20  }
0x6d7: {  	v23 =	vadd.s32 $0x6380, v19;
	_ =	sdelay $0x3  }
0x6d8: {  	[tilespmem:v22+s21+$0x0] =	vst.idx.msk vm1, v21  }
0x6d9: {  	v21 =	vld.idx.msk [tilespmem:v23+s18+$0x0], vm1  }
0x6da: {  	v22 =	vor.u32 $0x17, v20  }
0x6db: {  	v23 =	vadd.s32 $0x9000, v19;
	_ =	sdelay $0x3  }
0x6dc: {  	[tilespmem:v22+s21+$0x0] =	vst.idx.msk vm1, v21  }
0x6dd: {  	v21 =	vld.idx.msk [tilespmem:v23+s18+$0x0], vm1  }
0x6de: {  	v22 =	vor.u32 $0x18, v20  }
0x6df: {  	v23 =	vadd.s32 $0x9080, v19;
	_ =	sdelay $0x3  }
0x6e0: {  	[tilespmem:v22+s21+$0x0] =	vst.idx.msk vm1, v21  }
0x6e1: {  	v21 =	vld.idx.msk [tilespmem:v23+s18+$0x0], vm1  }
0x6e2: {  	v22 =	vor.u32 $0x19, v20  }
0x6e3: {  	v23 =	vadd.s32 $0x9100, v19;
	_ =	sdelay $0x3  }
0x6e4: {  	[tilespmem:v22+s21+$0x0] =	vst.idx.msk vm1, v21  }
0x6e5: {  	v21 =	vld.idx.msk [tilespmem:v23+s18+$0x0], vm1  }
0x6e6: {  	v22 =	vor.u32 $0x1A, v20  }
0x6e7: {  	v23 =	vadd.s32 $0x9180, v19;
	_ =	sdelay $0x3  }
0x6e8: {  	[tilespmem:v22+s21+$0x0] =	vst.idx.msk vm1, v21  }
0x6e9: {  	v21 =	vld.idx.msk [tilespmem:v23+s18+$0x0], vm1  }
0x6ea: {  	v22 =	vor.u32 $0x1B, v20  }
0x6eb: {  	v23 =	vadd.s32 $0x9200, v19;
	_ =	sdelay $0x3  }
0x6ec: {  	[tilespmem:v22+s21+$0x0] =	vst.idx.msk vm1, v21  }
0x6ed: {  	v21 =	vld.idx.msk [tilespmem:v23+s18+$0x0], vm1  }
0x6ee: {  	v22 =	vor.u32 $0x1C, v20  }
0x6ef: {  	v23 =	vadd.s32 $0x9280, v19;
	_ =	sdelay $0x3  }
0x6f0: {  	[tilespmem:v22+s21+$0x0] =	vst.idx.msk vm1, v21  }
0x6f1: {  	v21 =	vld.idx.msk [tilespmem:v23+s18+$0x0], vm1  }
0x6f2: {  	v22 =	vor.u32 $0x1D, v20  }
0x6f3: {  	v23 =	vadd.s32 $0x9300, v19;
	_ =	sdelay $0x3  }
0x6f4: {  	[tilespmem:v22+s21+$0x0] =	vst.idx.msk vm1, v21  }
0x6f5: {  	v21 =	vld.idx.msk [tilespmem:v23+s18+$0x0], vm1  }
0x6f6: {  	v22 =	vor.u32 $0x1E, v20  }
0x6f7: {  	v23 =	vadd.s32 $0x9380, v19;
	_ =	sdelay $0x2  }
.Ltmp33:
0x6f8: {  	(pc) =	sbr.rel @p2 .LBB2_45-.Ltmp33, $4  }
0x6f9: {  	s0 =	sadd.s32 s5, s29;
	[tilespmem:v22+s21+$0x0] =	vst.idx.msk vm1, v21  }
0x6fa: {  	v19 =	vor.u32 s0, v2;
	v21 =	vld.idx.msk [tilespmem:v23+s18+$0x0], vm1  }
0x6fb: {  	vm2 =	vlt.s32 v19, $0xFFF;
	v22 =	vor.u32 $0x1F, v20  }
0x6fc: {  	v20 =	vnsel vm2, $0xFFF, v19  }
0x6fd: {  	_ =	sdelay $0x4  }
0x6fe: {  	[tilespmem:v22+s21+$0x0] =	vst.idx.msk vm1, v21  }
0x6ff: {  	v21 =	vld.idx.msk [tilespmem:v20+s19+$0x0], $0xffff;
	_ =	sdelay $0x4  }
0x700: {  	v20 =	vld.idx.msk [tilespmem:v20+s20+$0x0], $0xffff;
	v21 =	vsub.s32 v21, v18  }
0x701: {  	v41 =	vshll.u32 v21, $0x3  }
0x702: {  	vm1 =	vlt.s32 v19, v17;
	v19 =	vand.u32 $0x7F, v21;
	v42 =	vand.u32 $0xFFFFFC00, v41  }
0x703: {  	v19 =	vor.u32 v19, v42;
	_ =	sdelay $0x1  }
0x704: {  	v20 =	vadd.s32 $0x4000, v20  }
0x705: {  	s0 =	sadd.s32 $0x10, s31;
	v43 =	vmov s5;
	v20 =	vnsel vm1, $0xFFFFFFFF, v20  }
0x706: {  	[tilespmem:s0+$0x0] =	vst v20;
	v20 =	vshll.u32 v43, $0x7  }
0x707: {  	v20 =	vor.u32 v15, v20;
	v44 =	vld.idx.msk [tilespmem:v19+s18+$0x0], vm1  }
0x708: {  	v45 =	vor.u32 $0x80, v19;
	_ =	sdelay $0x3  }
0x709: {  	[tilespmem:v20+s21+$0x0] =	vst.idx.msk vm1, v44  }
0x70a: {  	v46 =	vor.u32 $0x1, v20;
	v21 =	vld.idx.msk [tilespmem:v45+s18+$0x0], vm1  }
0x70b: {  	v23 =	vor.u32 $0x100, v19;
	_ =	sdelay $0x3  }
0x70c: {  	[tilespmem:v46+s21+$0x0] =	vst.idx.msk vm1, v21  }
0x70d: {  	v47 =	vor.u32 $0x2, v20;
	v21 =	vld.idx.msk [tilespmem:v23+s18+$0x0], vm1  }
0x70e: {  	v48 =	vor.u32 $0x180, v19;
	_ =	sdelay $0x3  }
0x70f: {  	[tilespmem:v47+s21+$0x0] =	vst.idx.msk vm1, v21  }
0x710: {  	v49 =	vor.u32 $0x3, v20;
	v21 =	vld.idx.msk [tilespmem:v48+s18+$0x0], vm1  }
0x711: {  	v50 =	vor.u32 $0x200, v19;
	_ =	sdelay $0x3  }
0x712: {  	[tilespmem:v49+s21+$0x0] =	vst.idx.msk vm1, v21  }
0x713: {  	v51 =	vor.u32 $0x4, v20;
	v21 =	vld.idx.msk [tilespmem:v50+s18+$0x0], vm1  }
0x714: {  	v52 =	vor.u32 $0x280, v19;
	_ =	sdelay $0x3  }
0x715: {  	[tilespmem:v51+s21+$0x0] =	vst.idx.msk vm1, v21  }
0x716: {  	v53 =	vor.u32 $0x5, v20;
	v21 =	vld.idx.msk [tilespmem:v52+s18+$0x0], vm1  }
0x717: {  	v54 =	vor.u32 $0x300, v19;
	_ =	sdelay $0x3  }
0x718: {  	[tilespmem:v53+s21+$0x0] =	vst.idx.msk vm1, v21  }
0x719: {  	v55 =	vor.u32 $0x6, v20;
	v21 =	vld.idx.msk [tilespmem:v54+s18+$0x0], vm1  }
0x71a: {  	v56 =	vor.u32 $0x380, v19;
	_ =	sdelay $0x3  }
0x71b: {  	[tilespmem:v55+s21+$0x0] =	vst.idx.msk vm1, v21  }
0x71c: {  	v57 =	vor.u32 $0x7, v20;
	v21 =	vld.idx.msk [tilespmem:v56+s18+$0x0], vm1  }
0x71d: {  	v58 =	vadd.s32 $0x3000, v19;
	_ =	sdelay $0x3  }
0x71e: {  	[tilespmem:v57+s21+$0x0] =	vst.idx.msk vm1, v21  }
0x71f: {  	v59 =	vor.u32 $0x8, v20;
	v21 =	vld.idx.msk [tilespmem:v58+s18+$0x0], vm1  }
0x720: {  	v60 =	vadd.s32 $0x3080, v19;
	_ =	sdelay $0x3  }
0x721: {  	[tilespmem:v59+s21+$0x0] =	vst.idx.msk vm1, v21  }
0x722: {  	v61 =	vor.u32 $0x9, v20;
	v21 =	vld.idx.msk [tilespmem:v60+s18+$0x0], vm1  }
0x723: {  	v62 =	vadd.s32 $0x3100, v19;
	_ =	sdelay $0x3  }
0x724: {  	[tilespmem:v61+s21+$0x0] =	vst.idx.msk vm1, v21  }
0x725: {  	v63 =	vor.u32 $0xA, v20;
	v21 =	vld.idx.msk [tilespmem:v62+s18+$0x0], vm1  }
0x726: {  	v24 =	vadd.s32 $0x3180, v19;
	_ =	sdelay $0x3  }
0x727: {  	[tilespmem:v63+s21+$0x0] =	vst.idx.msk vm1, v21  }
0x728: {  	v25 =	vor.u32 $0xB, v20;
	v21 =	vld.idx.msk [tilespmem:v24+s18+$0x0], vm1  }
0x729: {  	v26 =	vadd.s32 $0x3200, v19;
	_ =	sdelay $0x3  }
0x72a: {  	[tilespmem:v25+s21+$0x0] =	vst.idx.msk vm1, v21  }
0x72b: {  	v27 =	vor.u32 $0xC, v20;
	v21 =	vld.idx.msk [tilespmem:v26+s18+$0x0], vm1  }
0x72c: {  	v28 =	vadd.s32 $0x3280, v19;
	_ =	sdelay $0x3  }
0x72d: {  	[tilespmem:v27+s21+$0x0] =	vst.idx.msk vm1, v21  }
0x72e: {  	v29 =	vor.u32 $0xD, v20;
	v21 =	vld.idx.msk [tilespmem:v28+s18+$0x0], vm1  }
0x72f: {  	v30 =	vadd.s32 $0x3300, v19;
	_ =	sdelay $0x3  }
0x730: {  	[tilespmem:v29+s21+$0x0] =	vst.idx.msk vm1, v21  }
0x731: {  	v31 =	vor.u32 $0xE, v20;
	v21 =	vld.idx.msk [tilespmem:v30+s18+$0x0], vm1  }
0x732: {  	v32 =	vadd.s32 $0x3380, v19;
	_ =	sdelay $0x3  }
0x733: {  	[tilespmem:v31+s21+$0x0] =	vst.idx.msk vm1, v21  }
0x734: {  	v33 =	vor.u32 $0xF, v20;
	v21 =	vld.idx.msk [tilespmem:v32+s18+$0x0], vm1  }
0x735: {  	v34 =	vadd.s32 $0x6000, v19;
	_ =	sdelay $0x3  }
0x736: {  	[tilespmem:v33+s21+$0x0] =	vst.idx.msk vm1, v21  }
0x737: {  	v35 =	vor.u32 $0x10, v20;
	v21 =	vld.idx.msk [tilespmem:v34+s18+$0x0], vm1  }
0x738: {  	v36 =	vadd.s32 $0x6080, v19;
	_ =	sdelay $0x3  }
0x739: {  	[tilespmem:v35+s21+$0x0] =	vst.idx.msk vm1, v21  }
0x73a: {  	v37 =	vor.u32 $0x11, v20;
	v21 =	vld.idx.msk [tilespmem:v36+s18+$0x0], vm1  }
0x73b: {  	v38 =	vadd.s32 $0x6100, v19;
	_ =	sdelay $0x3  }
0x73c: {  	[tilespmem:v37+s21+$0x0] =	vst.idx.msk vm1, v21  }
0x73d: {  	v39 =	vor.u32 $0x12, v20;
	v21 =	vld.idx.msk [tilespmem:v38+s18+$0x0], vm1  }
0x73e: {  	v40 =	vadd.s32 $0x6180, v19;
	_ =	sdelay $0x3  }
0x73f: {  	[tilespmem:v39+s21+$0x0] =	vst.idx.msk vm1, v21  }
0x740: {  	v41 =	vor.u32 $0x13, v20;
	v21 =	vld.idx.msk [tilespmem:v40+s18+$0x0], vm1  }
0x741: {  	v42 =	vadd.s32 $0x6200, v19;
	_ =	sdelay $0x3  }
0x742: {  	[tilespmem:v41+s21+$0x0] =	vst.idx.msk vm1, v21  }
0x743: {  	v43 =	vor.u32 $0x14, v20;
	v21 =	vld.idx.msk [tilespmem:v42+s18+$0x0], vm1  }
0x744: {  	v44 =	vadd.s32 $0x6280, v19;
	_ =	sdelay $0x3  }
0x745: {  	[tilespmem:v43+s21+$0x0] =	vst.idx.msk vm1, v21  }
0x746: {  	v45 =	vor.u32 $0x15, v20;
	v21 =	vld.idx.msk [tilespmem:v44+s18+$0x0], vm1  }
0x747: {  	v46 =	vadd.s32 $0x6300, v19;
	_ =	sdelay $0x3  }
0x748: {  	[tilespmem:v45+s21+$0x0] =	vst.idx.msk vm1, v21  }
0x749: {  	v47 =	vor.u32 $0x16, v20;
	v21 =	vld.idx.msk [tilespmem:v46+s18+$0x0], vm1  }
0x74a: {  	v48 =	vadd.s32 $0x6380, v19;
	_ =	sdelay $0x3  }
0x74b: {  	[tilespmem:v47+s21+$0x0] =	vst.idx.msk vm1, v21  }
0x74c: {  	v49 =	vor.u32 $0x17, v20;
	v21 =	vld.idx.msk [tilespmem:v48+s18+$0x0], vm1  }
0x74d: {  	v50 =	vadd.s32 $0x9000, v19;
	_ =	sdelay $0x3  }
0x74e: {  	[tilespmem:v49+s21+$0x0] =	vst.idx.msk vm1, v21  }
0x74f: {  	v51 =	vor.u32 $0x18, v20;
	v21 =	vld.idx.msk [tilespmem:v50+s18+$0x0], vm1  }
0x750: {  	v52 =	vadd.s32 $0x9080, v19;
	_ =	sdelay $0x3  }
0x751: {  	[tilespmem:v51+s21+$0x0] =	vst.idx.msk vm1, v21  }
0x752: {  	v53 =	vor.u32 $0x19, v20;
	v21 =	vld.idx.msk [tilespmem:v52+s18+$0x0], vm1  }
0x753: {  	v54 =	vadd.s32 $0x9100, v19;
	_ =	sdelay $0x3  }
0x754: {  	[tilespmem:v53+s21+$0x0] =	vst.idx.msk vm1, v21  }
0x755: {  	v55 =	vor.u32 $0x1A, v20;
	v21 =	vld.idx.msk [tilespmem:v54+s18+$0x0], vm1  }
0x756: {  	v56 =	vadd.s32 $0x9180, v19;
	_ =	sdelay $0x3  }
0x757: {  	[tilespmem:v55+s21+$0x0] =	vst.idx.msk vm1, v21  }
0x758: {  	v57 =	vor.u32 $0x1B, v20;
	v21 =	vld.idx.msk [tilespmem:v56+s18+$0x0], vm1  }
0x759: {  	v58 =	vadd.s32 $0x9200, v19;
	_ =	sdelay $0x3  }
0x75a: {  	[tilespmem:v57+s21+$0x0] =	vst.idx.msk vm1, v21  }
0x75b: {  	v59 =	vor.u32 $0x1C, v20;
	v21 =	vld.idx.msk [tilespmem:v58+s18+$0x0], vm1  }
0x75c: {  	v60 =	vadd.s32 $0x9280, v19;
	_ =	sdelay $0x3  }
0x75d: {  	[tilespmem:v59+s21+$0x0] =	vst.idx.msk vm1, v21  }
0x75e: {  	v61 =	vor.u32 $0x1D, v20;
	v21 =	vld.idx.msk [tilespmem:v60+s18+$0x0], vm1  }
0x75f: {  	v62 =	vadd.s32 $0x9300, v19;
	_ =	sdelay $0x3  }
0x760: {  	[tilespmem:v61+s21+$0x0] =	vst.idx.msk vm1, v21  }
0x761: {  	v63 =	vor.u32 $0x1E, v20;
	v21 =	vld.idx.msk [tilespmem:v62+s18+$0x0], vm1  }
0x762: {  	v19 =	vadd.s32 $0x9380, v19;
	_ =	sdelay $0x3  }
0x763: {  	[tilespmem:v63+s21+$0x0] =	vst.idx.msk vm1, v21  }
0x764: {  	v20 =	vor.u32 $0x1F, v20;
	v19 =	vld.idx.msk [tilespmem:v19+s18+$0x0], vm1;
	_ =	sdelay $0x4  }
0x765: {  	s30 =	sadd.s32 $0x1, s30;
	[tilespmem:v20+s21+$0x0] =	vst.idx.msk vm1, v19;
	(ifvalue) =	ssetifvalue $0xFFFFFFFF  }
0x766: {  	p2 =	sne.s32 s30, s26;
	(ifvalue) =	ssetifvalue $0xFFFFFFFF  }
0x767: {  	[hbm4b:s9+s15] =	stream.indirect.scatter [tilespmem:s21], [sflag:$0x1], $0x80, s22, s15, $0x40b8;
	[tilespmem:$0x1C180] =	vst v63  }
.Ltmp34:
0x768: {  	_ = 	snop;
	(pc) =	sbr.rel @p2 .LBB2_44-.Ltmp34, $4  }
.Ltmp35:
0x769: {  	_ = 	snop;
	(pc) =	sbr.rel @!p2 .LBB2_47-.Ltmp35, $4  }
0x76a: {  	_ =	swait.ge [sflag:s17], $0x4000  }
0x76b: {  	[sflag:s17] =	ssyncset.done $0x0  }
0x76c: {  	s29 =	sadd.s32 $0x80, s29;
	[sflag:s17] =	ssyncadd.s32 $0xFFFFC000  }
0x76d: {  	_ = 	snop  }
.LBB2_37:
.Ltmp36:
0x76e: {  	(pc) =	sbr.rel .LBB2_41-.Ltmp36, $2  }
0x76f: {  	_ =	sdelay $0x2  }
0x770: {  	s30 =	simm.s32 $0x0;
	s28 =	simm.s32 $0x5100;
	s29 =	simm.s32 $0x0  }
.LBB2_39:
.Ltmp37:
0x771: {  	(pc) =	sbr.rel .LBB2_41-.Ltmp37, $2  }
0x772: {  	_ =	sdelay $0x2  }
0x773: {  	s30 =	simm.s32 $0x0;
	s28 =	simm.s32 $0x5100;
	s29 =	simm.s32 $0x0  }
.LBB2_48:
.Ltmp38:
0x774: {  	(pc) =	sbr.rel @p0 .LBB2_61-.Ltmp38, $1  }
0x775: {  	_ =	sdelay $0x3  }
.Ltmp39:
0x776: {  	s0 =	rddreg [dreg:$0x8];
	(pc) =	sbr.rel @p1 .LBB2_56-.Ltmp39, $4  }
0x777: {  	[tilespmem:s23], [sflag:$0x1] =	stream.indirect.gather [hbm4b:s0+s15], $0x80, s15, s15, $0xb8;
	[tilespmem:$0x1C180] =	vst v63  }
0x778: {  	_ =	swait.ge [sflag:s17], $0x4000  }
0x779: {  	[sflag:s17] =	ssyncset.done $0x0  }
0x77a: {  	s1 =	simm.s32 $0x0;
	[sflag:s17] =	ssyncadd.s32 $0xFFFFC000  }
0x77b: {  	p2 =	sne.s32 s24, $0x1  }
.Ltmp40:
0x77c: {  	_ = 	snop;
	(pc) =	sbr.rel @!p2 .LBB2_51-.Ltmp40, $3  }
0x77d: {  	_ =	sdelay $0x1  }
0x77e: {  	s0 =	simm.s32 $0x4100  }
0x77f: {  	s5 =	simm.s32 $0x5100;
	s24 =	sadd.s32 $0xFFFFFFFF, s24;
	p1 =	por $0x0, $0x0;
	v17 =	vld [tilespmem:s0+$0x0]  }
0x780: {  	_ =	sdelay $0x3  }
0x781: {  	v19 =	vor.u32 s1, v2;
	v20 =	vadd.s32 $0xFFFE7980, v17  }
0x782: {  	vm1 =	vlt.s32 v19, v16;
	vm2 =	vlt.u32 v20, $0x3FFE7980  }
0x783: {  	vm1 =	vmand vm1, vm2  }
0x784: {  	v19 =	vmpcnt.ones.xlane vm1;
	_ =	sdelay $0x1  }
0x785: {  	v18 =	vld [tilespmem:s5+$0x0];
	(v2sf) =	vpush v19, $0x0  }
0x786: {  	p2 =	sne.s32 s24, $0x1  }
.Ltmp41:
0x787: {  	p1 =	por $0x1, $0x1;
	s0 =	simm.s32 $0x0;
	(pc) =	sbr.rel @!p2 .LBB2_53-.Ltmp41, $4  }
0x788: {  	s0 =	simm.s32 @!p1 $0xFF0  }
0x789: {  	[tilespmem:s0+$0x6100] =	vst.msk vm1, v17  }
0x78a: {  	s6 =	simm.s32 $0x4110;
	s28 =	sadd.s32 $0xFFFFFFFF, s24;
	s26 =	simm.s32 $0x0;
	[tilespmem:s0+$0x7100] =	vst.msk vm1, v18  }
0x78b: {  	s24 =	simm.s32 $0x5100;
	s25 =	simm.s32 $0x0;
	p1 =	por $0x1, $0x1;
	v17 =	vld [tilespmem:s6+$0x0]  }
.LBB2_54:
0x78c: {  	p2 =	sne.s32 s28, $0x1;
	_ =	sdelay $0x2  }
0x78d: {  	s26 =	sadd.s32 $0x10, s26  }
0x78e: {  	v18 =	vor.u32 s26, v2;
	v19 =	vadd.s32 $0xFFFE7980, v17  }
0x78f: {  	vm1 =	vlt.s32 v18, v16;
	vm2 =	vlt.u32 v19, $0x3FFE7980  }
0x790: {  	vm1 =	vmand vm1, vm2  }
0x791: {  	s24 =	sadd.s32 $0x10, s24;
	v18 =	vmpcnt.ones.xlane vm1  }
0x792: {  	v19 =	vld [tilespmem:s24+$0x0];
	s0 =	spop (v2sf)  }
0x793: {  	(v2sf) =	vpush v18, $0x0;
	s25 =	sadd.s32 s25, s0  }
0x794: {  	p3 =	slt.s32 s25, $0xFF0;
	s0 =	smov.u32 s25  }
.Ltmp42:
0x795: {  	s0 =	simm.s32 @!p3 $0xFF0;
	(pc) =	sbr.rel @p2 .LBB2_54-.Ltmp42, $4  }
0x796: {  	[tilespmem:s0+$0x6100] =	vst.msk vm1, v17  }
0x797: {  	[tilespmem:s0+$0x7100] =	vst.msk vm1, v19  }
0x798: {  	s6 =	sadd.s32 $0x10, s6  }
0x799: {  	s28 =	sadd.s32 $0xFFFFFFFF, s28;
	v17 =	vld [tilespmem:s6+$0x0]  }
.LBB2_55:
0x79a: {  	_ =	sdelay $0x1  }
0x79b: {  	s0 =	sadd.s32 @p1 $0x10, s26;
	s2 =	simm.s32 $0x0  }
0x79c: {  	s2 =	smov.u32 @p1 s0  }
0x79d: {  	v18 =	vor.u32 s2, v2;
	v19 =	vadd.s32 $0xFFFE7980, v17  }
0x79e: {  	vm1 =	vlt.s32 v18, v16;
	vm2 =	vlt.u32 v19, $0x3FFE7980  }
0x79f: {  	vm1 =	vmand vm1, vm2  }
0x7a0: {  	v16 =	vmpcnt.ones.xlane vm1;
	_ =	sdelay $0x1  }
0x7a1: {  	(v2sf) =	vpush v16, $0x0;
	_ =	sdelay $0x8  }
0x7a2: {  	s0 =	sadd.s32 @p1 $0x10, s24  }
0x7a3: {  	s5 =	smov.u32 @p1 s0;
	s2 =	spop @p1 (v2sf)  }
0x7a4: {  	v16 =	vld [tilespmem:s5+$0x0];
	s0 =	sadd.s32 @p1 s25, s2  }
0x7a5: {  	s1 =	smov.u32 @p1 s0  }
0x7a6: {  	p1 =	slt.s32 s1, $0xFF0;
	s0 =	smov.u32 s1  }
0x7a7: {  	s0 =	simm.s32 @!p1 $0xFF0  }
0x7a8: {  	[tilespmem:s0+$0x6100] =	vst.msk vm1, v17;
	s31 =	spop (v2sf)  }
0x7a9: {  	[tilespmem:s0+$0x7100] =	vst.msk vm1, v16;
	s1 =	sadd.s32 s1, s31  }
.LBB2_56:
0x7aa: {  	s0 =	sadd.s32 $0x7F, s1  }
0x7ab: {  	s2 =	sand.u32 $0x7F, s0  }
0x7ac: {  	s5 =	sshra.s32 s0, $0x1F;
	p1 =	slt.s32 s0, $0x1;
	p2 =	sne.s32 s2, $0x0  }
0x7ad: {  	s31 =	sshrl.u32 s5, $0x19;
	p1 =	por !p1, !p2  }
0x7ae: {  	s2 =	simm.s32 $0x1;
	s0 =	sadd.s32 s31, s0;
	p1 =	por !p1, !p1  }
0x7af: {  	s0 =	sshra.s32 s0, $0x7;
	s2 =	simm.s32 @!p1 $0x0  }
0x7b0: {  	s24 =	ssub.s32 s0, s2  }
0x7b1: {  	p1 =	slt.s32 s24, $0x1  }
.Ltmp43:
0x7b2: {  	_ = 	snop;
	(pc) =	sbr.rel @p1 .LBB2_61-.Ltmp43, $1  }
0x7b3: {  	_ =	sdelay $0x3  }
0x7b4: {  	v16 =	vmov s1;
	s25 =	simm.s32 $0x0;
	s26 =	simm.s32 $0x0;
	s28 =	simm.s32 $0x0  }
.LBB2_58:
0x7b5: {  	s0 =	sadd.s32 $0x0, s26  }
0x7b6: {  	v17 =	vor.u32 s0, v2  }
0x7b7: {  	vm1 =	vlt.s32 v17, $0xFFF  }
0x7b8: {  	v18 =	vnsel vm1, $0xFFF, v17;
	_ =	sdelay $0x4  }
0x7b9: {  	v19 =	vld.idx.msk [tilespmem:v18+s19+$0x0], $0xffff;
	_ =	sdelay $0x2  }
0x7ba: {  	v18 =	vld.idx.msk [tilespmem:v18+s20+$0x0], $0xffff;
	_ =	sdelay $0x1  }
0x7bb: {  	vm1 =	vlt.s32 v17, v16;
	v17 =	vshll.u32 v19, $0x7  }
0x7bc: {  	v19 =	vadd.s32 $0xFF3CC000, v17;
	_ =	sdelay $0x1  }
0x7bd: {  	v18 =	vadd.s32 $0x4000, v18  }
0x7be: {  	s29 =	simm.s32 $0x18100;
	v20 =	vmov s25;
	v18 =	vnsel vm1, $0xFFFFFFFF, v18  }
0x7bf: {  	[tilespmem:s29+$0x0] =	vst v18;
	v18 =	vshll.u32 v20, $0x7  }
0x7c0: {  	v18 =	vor.u32 v15, v18;
	v19 =	vld.idx.msk [tilespmem:v19+s23+$0x0], vm1  }
0x7c1: {  	v20 =	vadd.s32 $0xFF3CC001, v17;
	_ =	sdelay $0x3  }
0x7c2: {  	[tilespmem:v18+s21+$0x0] =	vst.idx.msk vm1, v19  }
0x7c3: {  	v19 =	vld.idx.msk [tilespmem:v20+s23+$0x0], vm1;
	v20 =	vor.u32 $0x1, v18  }
0x7c4: {  	v21 =	vadd.s32 $0xFF3CC002, v17;
	_ =	sdelay $0x3  }
0x7c5: {  	[tilespmem:v20+s21+$0x0] =	vst.idx.msk vm1, v19  }
0x7c6: {  	v20 =	vor.u32 $0x2, v18;
	v19 =	vld.idx.msk [tilespmem:v21+s23+$0x0], vm1  }
0x7c7: {  	v21 =	vadd.s32 $0xFF3CC003, v17;
	_ =	sdelay $0x3  }
0x7c8: {  	[tilespmem:v20+s21+$0x0] =	vst.idx.msk vm1, v19  }
0x7c9: {  	v20 =	vor.u32 $0x3, v18;
	v19 =	vld.idx.msk [tilespmem:v21+s23+$0x0], vm1  }
0x7ca: {  	v21 =	vadd.s32 $0xFF3CC004, v17;
	_ =	sdelay $0x3  }
0x7cb: {  	[tilespmem:v20+s21+$0x0] =	vst.idx.msk vm1, v19  }
0x7cc: {  	v20 =	vor.u32 $0x4, v18;
	v19 =	vld.idx.msk [tilespmem:v21+s23+$0x0], vm1  }
0x7cd: {  	v21 =	vadd.s32 $0xFF3CC005, v17;
	_ =	sdelay $0x3  }
0x7ce: {  	[tilespmem:v20+s21+$0x0] =	vst.idx.msk vm1, v19  }
0x7cf: {  	v20 =	vor.u32 $0x5, v18;
	v19 =	vld.idx.msk [tilespmem:v21+s23+$0x0], vm1  }
0x7d0: {  	v21 =	vadd.s32 $0xFF3CC006, v17;
	_ =	sdelay $0x3  }
0x7d1: {  	[tilespmem:v20+s21+$0x0] =	vst.idx.msk vm1, v19  }
0x7d2: {  	v20 =	vor.u32 $0x6, v18;
	v19 =	vld.idx.msk [tilespmem:v21+s23+$0x0], vm1  }
0x7d3: {  	v21 =	vadd.s32 $0xFF3CC007, v17;
	_ =	sdelay $0x3  }
0x7d4: {  	[tilespmem:v20+s21+$0x0] =	vst.idx.msk vm1, v19  }
0x7d5: {  	v20 =	vor.u32 $0x7, v18;
	v19 =	vld.idx.msk [tilespmem:v21+s23+$0x0], vm1  }
0x7d6: {  	v21 =	vadd.s32 $0xFF3CC008, v17;
	_ =	sdelay $0x3  }
0x7d7: {  	[tilespmem:v20+s21+$0x0] =	vst.idx.msk vm1, v19  }
0x7d8: {  	v20 =	vor.u32 $0x8, v18;
	v19 =	vld.idx.msk [tilespmem:v21+s23+$0x0], vm1  }
0x7d9: {  	v21 =	vadd.s32 $0xFF3CC009, v17;
	_ =	sdelay $0x3  }
0x7da: {  	[tilespmem:v20+s21+$0x0] =	vst.idx.msk vm1, v19  }
0x7db: {  	v20 =	vor.u32 $0x9, v18;
	v19 =	vld.idx.msk [tilespmem:v21+s23+$0x0], vm1  }
0x7dc: {  	v21 =	vadd.s32 $0xFF3CC00A, v17;
	_ =	sdelay $0x3  }
0x7dd: {  	[tilespmem:v20+s21+$0x0] =	vst.idx.msk vm1, v19  }
0x7de: {  	v20 =	vor.u32 $0xA, v18;
	v19 =	vld.idx.msk [tilespmem:v21+s23+$0x0], vm1  }
0x7df: {  	v21 =	vadd.s32 $0xFF3CC00B, v17;
	_ =	sdelay $0x3  }
0x7e0: {  	[tilespmem:v20+s21+$0x0] =	vst.idx.msk vm1, v19  }
0x7e1: {  	v20 =	vor.u32 $0xB, v18;
	v19 =	vld.idx.msk [tilespmem:v21+s23+$0x0], vm1  }
0x7e2: {  	v21 =	vadd.s32 $0xFF3CC00C, v17;
	_ =	sdelay $0x3  }
0x7e3: {  	[tilespmem:v20+s21+$0x0] =	vst.idx.msk vm1, v19  }
0x7e4: {  	v20 =	vor.u32 $0xC, v18;
	v19 =	vld.idx.msk [tilespmem:v21+s23+$0x0], vm1  }
0x7e5: {  	v21 =	vadd.s32 $0xFF3CC00D, v17;
	_ =	sdelay $0x3  }
0x7e6: {  	[tilespmem:v20+s21+$0x0] =	vst.idx.msk vm1, v19  }
0x7e7: {  	v20 =	vor.u32 $0xD, v18;
	v19 =	vld.idx.msk [tilespmem:v21+s23+$0x0], vm1  }
0x7e8: {  	v21 =	vadd.s32 $0xFF3CC00E, v17;
	_ =	sdelay $0x3  }
0x7e9: {  	[tilespmem:v20+s21+$0x0] =	vst.idx.msk vm1, v19  }
0x7ea: {  	v20 =	vor.u32 $0xE, v18;
	v19 =	vld.idx.msk [tilespmem:v21+s23+$0x0], vm1  }
0x7eb: {  	v21 =	vadd.s32 $0xFF3CC00F, v17;
	_ =	sdelay $0x3  }
0x7ec: {  	[tilespmem:v20+s21+$0x0] =	vst.idx.msk vm1, v19  }
0x7ed: {  	v20 =	vor.u32 $0xF, v18;
	v19 =	vld.idx.msk [tilespmem:v21+s23+$0x0], vm1  }
0x7ee: {  	v21 =	vadd.s32 $0xFF3CC010, v17;
	_ =	sdelay $0x3  }
0x7ef: {  	[tilespmem:v20+s21+$0x0] =	vst.idx.msk vm1, v19  }
0x7f0: {  	v20 =	vor.u32 $0x10, v18;
	v19 =	vld.idx.msk [tilespmem:v21+s23+$0x0], vm1  }
0x7f1: {  	v21 =	vadd.s32 $0xFF3CC011, v17;
	_ =	sdelay $0x3  }
0x7f2: {  	[tilespmem:v20+s21+$0x0] =	vst.idx.msk vm1, v19  }
0x7f3: {  	v20 =	vor.u32 $0x11, v18;
	v19 =	vld.idx.msk [tilespmem:v21+s23+$0x0], vm1  }
0x7f4: {  	v21 =	vadd.s32 $0xFF3CC012, v17;
	_ =	sdelay $0x3  }
0x7f5: {  	[tilespmem:v20+s21+$0x0] =	vst.idx.msk vm1, v19  }
0x7f6: {  	v20 =	vor.u32 $0x12, v18;
	v19 =	vld.idx.msk [tilespmem:v21+s23+$0x0], vm1  }
0x7f7: {  	v21 =	vadd.s32 $0xFF3CC013, v17;
	_ =	sdelay $0x3  }
0x7f8: {  	[tilespmem:v20+s21+$0x0] =	vst.idx.msk vm1, v19  }
0x7f9: {  	v20 =	vor.u32 $0x13, v18;
	v19 =	vld.idx.msk [tilespmem:v21+s23+$0x0], vm1  }
0x7fa: {  	v21 =	vadd.s32 $0xFF3CC014, v17;
	_ =	sdelay $0x3  }
0x7fb: {  	[tilespmem:v20+s21+$0x0] =	vst.idx.msk vm1, v19  }
0x7fc: {  	v20 =	vor.u32 $0x14, v18;
	v19 =	vld.idx.msk [tilespmem:v21+s23+$0x0], vm1  }
0x7fd: {  	v21 =	vadd.s32 $0xFF3CC015, v17;
	_ =	sdelay $0x3  }
0x7fe: {  	[tilespmem:v20+s21+$0x0] =	vst.idx.msk vm1, v19  }
0x7ff: {  	v20 =	vor.u32 $0x15, v18;
	v19 =	vld.idx.msk [tilespmem:v21+s23+$0x0], vm1  }
0x800: {  	v21 =	vadd.s32 $0xFF3CC016, v17;
	_ =	sdelay $0x3  }
0x801: {  	[tilespmem:v20+s21+$0x0] =	vst.idx.msk vm1, v19  }
0x802: {  	v20 =	vor.u32 $0x16, v18;
	v19 =	vld.idx.msk [tilespmem:v21+s23+$0x0], vm1  }
0x803: {  	v21 =	vadd.s32 $0xFF3CC017, v17;
	_ =	sdelay $0x3  }
0x804: {  	[tilespmem:v20+s21+$0x0] =	vst.idx.msk vm1, v19  }
0x805: {  	v20 =	vor.u32 $0x17, v18;
	v19 =	vld.idx.msk [tilespmem:v21+s23+$0x0], vm1  }
0x806: {  	v21 =	vadd.s32 $0xFF3CC018, v17;
	_ =	sdelay $0x3  }
0x807: {  	[tilespmem:v20+s21+$0x0] =	vst.idx.msk vm1, v19  }
0x808: {  	v20 =	vor.u32 $0x18, v18;
	v19 =	vld.idx.msk [tilespmem:v21+s23+$0x0], vm1  }
0x809: {  	v21 =	vadd.s32 $0xFF3CC019, v17;
	_ =	sdelay $0x3  }
0x80a: {  	[tilespmem:v20+s21+$0x0] =	vst.idx.msk vm1, v19  }
0x80b: {  	v20 =	vor.u32 $0x19, v18;
	v19 =	vld.idx.msk [tilespmem:v21+s23+$0x0], vm1  }
0x80c: {  	v21 =	vadd.s32 $0xFF3CC01A, v17;
	_ =	sdelay $0x3  }
0x80d: {  	[tilespmem:v20+s21+$0x0] =	vst.idx.msk vm1, v19  }
0x80e: {  	v20 =	vor.u32 $0x1A, v18;
	v19 =	vld.idx.msk [tilespmem:v21+s23+$0x0], vm1  }
0x80f: {  	v21 =	vadd.s32 $0xFF3CC01B, v17;
	_ =	sdelay $0x3  }
0x810: {  	[tilespmem:v20+s21+$0x0] =	vst.idx.msk vm1, v19  }
0x811: {  	v20 =	vor.u32 $0x1B, v18;
	v19 =	vld.idx.msk [tilespmem:v21+s23+$0x0], vm1  }
0x812: {  	v21 =	vadd.s32 $0xFF3CC01C, v17;
	_ =	sdelay $0x3  }
0x813: {  	[tilespmem:v20+s21+$0x0] =	vst.idx.msk vm1, v19  }
0x814: {  	v20 =	vor.u32 $0x1C, v18;
	v19 =	vld.idx.msk [tilespmem:v21+s23+$0x0], vm1  }
0x815: {  	v21 =	vadd.s32 $0xFF3CC01D, v17;
	_ =	sdelay $0x3  }
0x816: {  	[tilespmem:v20+s21+$0x0] =	vst.idx.msk vm1, v19  }
0x817: {  	v20 =	vor.u32 $0x1D, v18;
	v19 =	vld.idx.msk [tilespmem:v21+s23+$0x0], vm1  }
0x818: {  	v21 =	vadd.s32 $0xFF3CC01E, v17;
	_ =	sdelay $0x3  }
0x819: {  	[tilespmem:v20+s21+$0x0] =	vst.idx.msk vm1, v19  }
0x81a: {  	v20 =	vor.u32 $0x1E, v18;
	v19 =	vld.idx.msk [tilespmem:v21+s23+$0x0], vm1  }
0x81b: {  	v21 =	vadd.s32 $0xFF3CC01F, v17;
	_ =	sdelay $0x2  }
0x81c: {  	s31 =	sadd.s32 $0x10, s26  }
0x81d: {  	v17 =	vor.u32 s31, v2;
	[tilespmem:v20+s21+$0x0] =	vst.idx.msk vm1, v19  }
0x81e: {  	vm2 =	vlt.s32 v17, $0xFFF;
	v20 =	vor.u32 $0x1F, v18;
	v19 =	vld.idx.msk [tilespmem:v21+s23+$0x0], vm1  }
0x81f: {  	s5 =	simm.s32 $0x10;
	s1 =	simm.s32 $0x20;
	v18 =	vnsel vm2, $0xFFF, v17  }
.LBB2_59:
0x820: {  	_ =	sdelay $0x1  }
0x821: {  	p1 =	sne.s32 s1, $0x70  }
0x822: {  	s29 =	sadd.s32 $0x10, s29;
	s0 =	smov.u32 s1;
	s1 =	sadd.s32 $0x10, s1;
	[tilespmem:v20+s21+$0x0] =	vst.idx.msk vm1, v19  }
0x823: {  	v19 =	vld.idx.msk [tilespmem:v18+s19+$0x0], $0xffff;
	_ =	sdelay $0x2  }
0x824: {  	v18 =	vld.idx.msk [tilespmem:v18+s20+$0x0], $0xffff;
	_ =	sdelay $0x2  }
0x825: {  	vm1 =	vlt.s32 v17, v16;
	v17 =	vshll.u32 v19, $0x7  }
0x826: {  	v19 =	vadd.s32 $0xFF3CC000, v17;
	_ =	sdelay $0x1  }
0x827: {  	v18 =	vadd.s32 $0x4000, v18  }
0x828: {  	v18 =	vnsel vm1, $0xFFFFFFFF, v18  }
0x829: {  	[tilespmem:s29+$0x0] =	vst v18;
	v18 =	vmov s5;
	s5 =	smov.u32 s0  }
0x82a: {  	v18 =	vshll.u32 v18, $0x7;
	v19 =	vld.idx.msk [tilespmem:v19+s23+$0x0], vm1  }
0x82b: {  	v18 =	vor.u32 v15, v18  }
0x82c: {  	v20 =	vadd.s32 $0xFF3CC001, v17;
	_ =	sdelay $0x3  }
0x82d: {  	[tilespmem:v18+s21+$0x0] =	vst.idx.msk vm1, v19  }
0x82e: {  	v19 =	vld.idx.msk [tilespmem:v20+s23+$0x0], vm1  }
0x82f: {  	v20 =	vor.u32 $0x1, v18  }
0x830: {  	v21 =	vadd.s32 $0xFF3CC002, v17;
	_ =	sdelay $0x3  }
0x831: {  	[tilespmem:v20+s21+$0x0] =	vst.idx.msk vm1, v19  }
0x832: {  	v19 =	vld.idx.msk [tilespmem:v21+s23+$0x0], vm1  }
0x833: {  	v20 =	vor.u32 $0x2, v18  }
0x834: {  	v21 =	vadd.s32 $0xFF3CC003, v17;
	_ =	sdelay $0x3  }
0x835: {  	[tilespmem:v20+s21+$0x0] =	vst.idx.msk vm1, v19  }
0x836: {  	v19 =	vld.idx.msk [tilespmem:v21+s23+$0x0], vm1  }
0x837: {  	v20 =	vor.u32 $0x3, v18  }
0x838: {  	v21 =	vadd.s32 $0xFF3CC004, v17;
	_ =	sdelay $0x3  }
0x839: {  	[tilespmem:v20+s21+$0x0] =	vst.idx.msk vm1, v19  }
0x83a: {  	v19 =	vld.idx.msk [tilespmem:v21+s23+$0x0], vm1  }
0x83b: {  	v20 =	vor.u32 $0x4, v18  }
0x83c: {  	v21 =	vadd.s32 $0xFF3CC005, v17;
	_ =	sdelay $0x3  }
0x83d: {  	[tilespmem:v20+s21+$0x0] =	vst.idx.msk vm1, v19  }
0x83e: {  	v19 =	vld.idx.msk [tilespmem:v21+s23+$0x0], vm1  }
0x83f: {  	v20 =	vor.u32 $0x5, v18  }
0x840: {  	v21 =	vadd.s32 $0xFF3CC006, v17;
	_ =	sdelay $0x3  }
0x841: {  	[tilespmem:v20+s21+$0x0] =	vst.idx.msk vm1, v19  }
0x842: {  	v19 =	vld.idx.msk [tilespmem:v21+s23+$0x0], vm1  }
0x843: {  	v20 =	vor.u32 $0x6, v18  }
0x844: {  	v21 =	vadd.s32 $0xFF3CC007, v17;
	_ =	sdelay $0x3  }
0x845: {  	[tilespmem:v20+s21+$0x0] =	vst.idx.msk vm1, v19  }
0x846: {  	v19 =	vld.idx.msk [tilespmem:v21+s23+$0x0], vm1  }
0x847: {  	v20 =	vor.u32 $0x7, v18  }
0x848: {  	v21 =	vadd.s32 $0xFF3CC008, v17;
	_ =	sdelay $0x3  }
0x849: {  	[tilespmem:v20+s21+$0x0] =	vst.idx.msk vm1, v19  }
0x84a: {  	v19 =	vld.idx.msk [tilespmem:v21+s23+$0x0], vm1  }
0x84b: {  	v20 =	vor.u32 $0x8, v18  }
0x84c: {  	v21 =	vadd.s32 $0xFF3CC009, v17;
	_ =	sdelay $0x3  }
0x84d: {  	[tilespmem:v20+s21+$0x0] =	vst.idx.msk vm1, v19  }
0x84e: {  	v19 =	vld.idx.msk [tilespmem:v21+s23+$0x0], vm1  }
0x84f: {  	v20 =	vor.u32 $0x9, v18  }
0x850: {  	v21 =	vadd.s32 $0xFF3CC00A, v17;
	_ =	sdelay $0x3  }
0x851: {  	[tilespmem:v20+s21+$0x0] =	vst.idx.msk vm1, v19  }
0x852: {  	v19 =	vld.idx.msk [tilespmem:v21+s23+$0x0], vm1  }
0x853: {  	v20 =	vor.u32 $0xA, v18  }
0x854: {  	v21 =	vadd.s32 $0xFF3CC00B, v17;
	_ =	sdelay $0x3  }
0x855: {  	[tilespmem:v20+s21+$0x0] =	vst.idx.msk vm1, v19  }
0x856: {  	v19 =	vld.idx.msk [tilespmem:v21+s23+$0x0], vm1  }
0x857: {  	v20 =	vor.u32 $0xB, v18  }
0x858: {  	v21 =	vadd.s32 $0xFF3CC00C, v17;
	_ =	sdelay $0x3  }
0x859: {  	[tilespmem:v20+s21+$0x0] =	vst.idx.msk vm1, v19  }
0x85a: {  	v19 =	vld.idx.msk [tilespmem:v21+s23+$0x0], vm1  }
0x85b: {  	v20 =	vor.u32 $0xC, v18  }
0x85c: {  	v21 =	vadd.s32 $0xFF3CC00D, v17;
	_ =	sdelay $0x3  }
0x85d: {  	[tilespmem:v20+s21+$0x0] =	vst.idx.msk vm1, v19  }
0x85e: {  	v19 =	vld.idx.msk [tilespmem:v21+s23+$0x0], vm1  }
0x85f: {  	v20 =	vor.u32 $0xD, v18  }
0x860: {  	v21 =	vadd.s32 $0xFF3CC00E, v17;
	_ =	sdelay $0x3  }
0x861: {  	[tilespmem:v20+s21+$0x0] =	vst.idx.msk vm1, v19  }
0x862: {  	v19 =	vld.idx.msk [tilespmem:v21+s23+$0x0], vm1  }
0x863: {  	v20 =	vor.u32 $0xE, v18  }
0x864: {  	v21 =	vadd.s32 $0xFF3CC00F, v17;
	_ =	sdelay $0x3  }
0x865: {  	[tilespmem:v20+s21+$0x0] =	vst.idx.msk vm1, v19  }
0x866: {  	v19 =	vld.idx.msk [tilespmem:v21+s23+$0x0], vm1  }
0x867: {  	v20 =	vor.u32 $0xF, v18  }
0x868: {  	v21 =	vadd.s32 $0xFF3CC010, v17;
	_ =	sdelay $0x3  }
0x869: {  	[tilespmem:v20+s21+$0x0] =	vst.idx.msk vm1, v19  }
0x86a: {  	v19 =	vld.idx.msk [tilespmem:v21+s23+$0x0], vm1  }
0x86b: {  	v20 =	vor.u32 $0x10, v18  }
0x86c: {  	v21 =	vadd.s32 $0xFF3CC011, v17;
	_ =	sdelay $0x3  }
0x86d: {  	[tilespmem:v20+s21+$0x0] =	vst.idx.msk vm1, v19  }
0x86e: {  	v19 =	vld.idx.msk [tilespmem:v21+s23+$0x0], vm1  }
0x86f: {  	v20 =	vor.u32 $0x11, v18  }
0x870: {  	v21 =	vadd.s32 $0xFF3CC012, v17;
	_ =	sdelay $0x3  }
0x871: {  	[tilespmem:v20+s21+$0x0] =	vst.idx.msk vm1, v19  }
0x872: {  	v19 =	vld.idx.msk [tilespmem:v21+s23+$0x0], vm1  }
0x873: {  	v20 =	vor.u32 $0x12, v18  }
0x874: {  	v21 =	vadd.s32 $0xFF3CC013, v17;
	_ =	sdelay $0x3  }
0x875: {  	[tilespmem:v20+s21+$0x0] =	vst.idx.msk vm1, v19  }
0x876: {  	v19 =	vld.idx.msk [tilespmem:v21+s23+$0x0], vm1  }
0x877: {  	v20 =	vor.u32 $0x13, v18  }
0x878: {  	v21 =	vadd.s32 $0xFF3CC014, v17;
	_ =	sdelay $0x3  }
0x879: {  	[tilespmem:v20+s21+$0x0] =	vst.idx.msk vm1, v19  }
0x87a: {  	v19 =	vld.idx.msk [tilespmem:v21+s23+$0x0], vm1  }
0x87b: {  	v20 =	vor.u32 $0x14, v18  }
0x87c: {  	v21 =	vadd.s32 $0xFF3CC015, v17;
	_ =	sdelay $0x3  }
0x87d: {  	[tilespmem:v20+s21+$0x0] =	vst.idx.msk vm1, v19  }
0x87e: {  	v19 =	vld.idx.msk [tilespmem:v21+s23+$0x0], vm1  }
0x87f: {  	v20 =	vor.u32 $0x15, v18  }
0x880: {  	v21 =	vadd.s32 $0xFF3CC016, v17;
	_ =	sdelay $0x3  }
0x881: {  	[tilespmem:v20+s21+$0x0] =	vst.idx.msk vm1, v19  }
0x882: {  	v19 =	vld.idx.msk [tilespmem:v21+s23+$0x0], vm1  }
0x883: {  	v20 =	vor.u32 $0x16, v18  }
0x884: {  	v21 =	vadd.s32 $0xFF3CC017, v17;
	_ =	sdelay $0x3  }
0x885: {  	[tilespmem:v20+s21+$0x0] =	vst.idx.msk vm1, v19  }
0x886: {  	v19 =	vld.idx.msk [tilespmem:v21+s23+$0x0], vm1  }
0x887: {  	v20 =	vor.u32 $0x17, v18  }
0x888: {  	v21 =	vadd.s32 $0xFF3CC018, v17;
	_ =	sdelay $0x3  }
0x889: {  	[tilespmem:v20+s21+$0x0] =	vst.idx.msk vm1, v19  }
0x88a: {  	v19 =	vld.idx.msk [tilespmem:v21+s23+$0x0], vm1  }
0x88b: {  	v20 =	vor.u32 $0x18, v18  }
0x88c: {  	v21 =	vadd.s32 $0xFF3CC019, v17;
	_ =	sdelay $0x3  }
0x88d: {  	[tilespmem:v20+s21+$0x0] =	vst.idx.msk vm1, v19  }
0x88e: {  	v19 =	vld.idx.msk [tilespmem:v21+s23+$0x0], vm1  }
0x88f: {  	v20 =	vor.u32 $0x19, v18  }
0x890: {  	v21 =	vadd.s32 $0xFF3CC01A, v17;
	_ =	sdelay $0x3  }
0x891: {  	[tilespmem:v20+s21+$0x0] =	vst.idx.msk vm1, v19  }
0x892: {  	v19 =	vld.idx.msk [tilespmem:v21+s23+$0x0], vm1  }
0x893: {  	v20 =	vor.u32 $0x1A, v18  }
0x894: {  	v21 =	vadd.s32 $0xFF3CC01B, v17;
	_ =	sdelay $0x3  }
0x895: {  	[tilespmem:v20+s21+$0x0] =	vst.idx.msk vm1, v19  }
0x896: {  	v19 =	vld.idx.msk [tilespmem:v21+s23+$0x0], vm1  }
0x897: {  	v20 =	vor.u32 $0x1B, v18  }
0x898: {  	v21 =	vadd.s32 $0xFF3CC01C, v17;
	_ =	sdelay $0x3  }
0x899: {  	[tilespmem:v20+s21+$0x0] =	vst.idx.msk vm1, v19  }
0x89a: {  	v19 =	vld.idx.msk [tilespmem:v21+s23+$0x0], vm1  }
0x89b: {  	v20 =	vor.u32 $0x1C, v18  }
0x89c: {  	v21 =	vadd.s32 $0xFF3CC01D, v17;
	_ =	sdelay $0x3  }
0x89d: {  	[tilespmem:v20+s21+$0x0] =	vst.idx.msk vm1, v19  }
0x89e: {  	v19 =	vld.idx.msk [tilespmem:v21+s23+$0x0], vm1  }
0x89f: {  	v20 =	vor.u32 $0x1D, v18  }
0x8a0: {  	v21 =	vadd.s32 $0xFF3CC01E, v17;
	_ =	sdelay $0x3  }
0x8a1: {  	[tilespmem:v20+s21+$0x0] =	vst.idx.msk vm1, v19  }
0x8a2: {  	v19 =	vld.idx.msk [tilespmem:v21+s23+$0x0], vm1  }
0x8a3: {  	v20 =	vor.u32 $0x1E, v18  }
0x8a4: {  	v21 =	vadd.s32 $0xFF3CC01F, v17;
	_ =	sdelay $0x2  }
.Ltmp44:
0x8a5: {  	(pc) =	sbr.rel @p1 .LBB2_59-.Ltmp44, $4  }
0x8a6: {  	s0 =	sadd.s32 s5, s26;
	[tilespmem:v20+s21+$0x0] =	vst.idx.msk vm1, v19  }
0x8a7: {  	v17 =	vor.u32 s0, v2;
	v19 =	vld.idx.msk [tilespmem:v21+s23+$0x0], vm1  }
0x8a8: {  	vm2 =	vlt.s32 v17, $0xFFF;
	v20 =	vor.u32 $0x1F, v18  }
0x8a9: {  	v18 =	vnsel vm2, $0xFFF, v17  }
0x8aa: {  	_ =	sdelay $0x4  }
0x8ab: {  	[tilespmem:v20+s21+$0x0] =	vst.idx.msk vm1, v19  }
0x8ac: {  	v19 =	vld.idx.msk [tilespmem:v18+s19+$0x0], $0xffff;
	_ =	sdelay $0x2  }
0x8ad: {  	v18 =	vld.idx.msk [tilespmem:v18+s20+$0x0], $0xffff;
	_ =	sdelay $0x1  }
0x8ae: {  	vm1 =	vlt.s32 v17, v16;
	v17 =	vshll.u32 v19, $0x7  }
0x8af: {  	v19 =	vadd.s32 $0xFF3CC000, v17;
	_ =	sdelay $0x1  }
0x8b0: {  	v18 =	vadd.s32 $0x4000, v18  }
0x8b1: {  	s0 =	sadd.s32 $0x10, s29;
	v44 =	vmov s5;
	v18 =	vnsel vm1, $0xFFFFFFFF, v18  }
0x8b2: {  	[tilespmem:s0+$0x0] =	vst v18;
	v18 =	vshll.u32 v44, $0x7  }
0x8b3: {  	v18 =	vor.u32 v15, v18;
	v19 =	vld.idx.msk [tilespmem:v19+s23+$0x0], vm1  }
0x8b4: {  	v45 =	vadd.s32 $0xFF3CC001, v17;
	_ =	sdelay $0x3  }
0x8b5: {  	[tilespmem:v18+s21+$0x0] =	vst.idx.msk vm1, v19  }
0x8b6: {  	v46 =	vor.u32 $0x1, v18;
	v19 =	vld.idx.msk [tilespmem:v45+s23+$0x0], vm1  }
0x8b7: {  	v21 =	vadd.s32 $0xFF3CC002, v17;
	_ =	sdelay $0x3  }
0x8b8: {  	[tilespmem:v46+s21+$0x0] =	vst.idx.msk vm1, v19  }
0x8b9: {  	v47 =	vor.u32 $0x2, v18;
	v19 =	vld.idx.msk [tilespmem:v21+s23+$0x0], vm1  }
0x8ba: {  	v48 =	vadd.s32 $0xFF3CC003, v17;
	_ =	sdelay $0x3  }
0x8bb: {  	[tilespmem:v47+s21+$0x0] =	vst.idx.msk vm1, v19  }
0x8bc: {  	v49 =	vor.u32 $0x3, v18;
	v19 =	vld.idx.msk [tilespmem:v48+s23+$0x0], vm1  }
0x8bd: {  	v50 =	vadd.s32 $0xFF3CC004, v17;
	_ =	sdelay $0x3  }
0x8be: {  	[tilespmem:v49+s21+$0x0] =	vst.idx.msk vm1, v19  }
0x8bf: {  	v51 =	vor.u32 $0x4, v18;
	v19 =	vld.idx.msk [tilespmem:v50+s23+$0x0], vm1  }
0x8c0: {  	v52 =	vadd.s32 $0xFF3CC005, v17;
	_ =	sdelay $0x3  }
0x8c1: {  	[tilespmem:v51+s21+$0x0] =	vst.idx.msk vm1, v19  }
0x8c2: {  	v53 =	vor.u32 $0x5, v18;
	v19 =	vld.idx.msk [tilespmem:v52+s23+$0x0], vm1  }
0x8c3: {  	v54 =	vadd.s32 $0xFF3CC006, v17;
	_ =	sdelay $0x3  }
0x8c4: {  	[tilespmem:v53+s21+$0x0] =	vst.idx.msk vm1, v19  }
0x8c5: {  	v55 =	vor.u32 $0x6, v18;
	v19 =	vld.idx.msk [tilespmem:v54+s23+$0x0], vm1  }
0x8c6: {  	v56 =	vadd.s32 $0xFF3CC007, v17;
	_ =	sdelay $0x3  }
0x8c7: {  	[tilespmem:v55+s21+$0x0] =	vst.idx.msk vm1, v19  }
0x8c8: {  	v57 =	vor.u32 $0x7, v18;
	v19 =	vld.idx.msk [tilespmem:v56+s23+$0x0], vm1  }
0x8c9: {  	v58 =	vadd.s32 $0xFF3CC008, v17;
	_ =	sdelay $0x3  }
0x8ca: {  	[tilespmem:v57+s21+$0x0] =	vst.idx.msk vm1, v19  }
0x8cb: {  	v59 =	vor.u32 $0x8, v18;
	v19 =	vld.idx.msk [tilespmem:v58+s23+$0x0], vm1  }
0x8cc: {  	v60 =	vadd.s32 $0xFF3CC009, v17;
	_ =	sdelay $0x3  }
0x8cd: {  	[tilespmem:v59+s21+$0x0] =	vst.idx.msk vm1, v19  }
0x8ce: {  	v61 =	vor.u32 $0x9, v18;
	v19 =	vld.idx.msk [tilespmem:v60+s23+$0x0], vm1  }
0x8cf: {  	v62 =	vadd.s32 $0xFF3CC00A, v17;
	_ =	sdelay $0x3  }
0x8d0: {  	[tilespmem:v61+s21+$0x0] =	vst.idx.msk vm1, v19  }
0x8d1: {  	v63 =	vor.u32 $0xA, v18;
	v19 =	vld.idx.msk [tilespmem:v62+s23+$0x0], vm1  }
0x8d2: {  	v24 =	vadd.s32 $0xFF3CC00B, v17;
	_ =	sdelay $0x3  }
0x8d3: {  	[tilespmem:v63+s21+$0x0] =	vst.idx.msk vm1, v19  }
0x8d4: {  	v25 =	vor.u32 $0xB, v18;
	v19 =	vld.idx.msk [tilespmem:v24+s23+$0x0], vm1  }
0x8d5: {  	v26 =	vadd.s32 $0xFF3CC00C, v17;
	_ =	sdelay $0x3  }
0x8d6: {  	[tilespmem:v25+s21+$0x0] =	vst.idx.msk vm1, v19  }
0x8d7: {  	v27 =	vor.u32 $0xC, v18;
	v19 =	vld.idx.msk [tilespmem:v26+s23+$0x0], vm1  }
0x8d8: {  	v28 =	vadd.s32 $0xFF3CC00D, v17;
	_ =	sdelay $0x3  }
0x8d9: {  	[tilespmem:v27+s21+$0x0] =	vst.idx.msk vm1, v19  }
0x8da: {  	v29 =	vor.u32 $0xD, v18;
	v19 =	vld.idx.msk [tilespmem:v28+s23+$0x0], vm1  }
0x8db: {  	v30 =	vadd.s32 $0xFF3CC00E, v17;
	_ =	sdelay $0x3  }
0x8dc: {  	[tilespmem:v29+s21+$0x0] =	vst.idx.msk vm1, v19  }
0x8dd: {  	v31 =	vor.u32 $0xE, v18;
	v19 =	vld.idx.msk [tilespmem:v30+s23+$0x0], vm1  }
0x8de: {  	v32 =	vadd.s32 $0xFF3CC00F, v17;
	_ =	sdelay $0x3  }
0x8df: {  	[tilespmem:v31+s21+$0x0] =	vst.idx.msk vm1, v19  }
0x8e0: {  	v33 =	vor.u32 $0xF, v18;
	v19 =	vld.idx.msk [tilespmem:v32+s23+$0x0], vm1  }
0x8e1: {  	v34 =	vadd.s32 $0xFF3CC010, v17;
	_ =	sdelay $0x3  }
0x8e2: {  	[tilespmem:v33+s21+$0x0] =	vst.idx.msk vm1, v19  }
0x8e3: {  	v35 =	vor.u32 $0x10, v18;
	v19 =	vld.idx.msk [tilespmem:v34+s23+$0x0], vm1  }
0x8e4: {  	v36 =	vadd.s32 $0xFF3CC011, v17;
	_ =	sdelay $0x3  }
0x8e5: {  	[tilespmem:v35+s21+$0x0] =	vst.idx.msk vm1, v19  }
0x8e6: {  	v37 =	vor.u32 $0x11, v18;
	v19 =	vld.idx.msk [tilespmem:v36+s23+$0x0], vm1  }
0x8e7: {  	v38 =	vadd.s32 $0xFF3CC012, v17;
	_ =	sdelay $0x3  }
0x8e8: {  	[tilespmem:v37+s21+$0x0] =	vst.idx.msk vm1, v19  }
0x8e9: {  	v39 =	vor.u32 $0x12, v18;
	v19 =	vld.idx.msk [tilespmem:v38+s23+$0x0], vm1  }
0x8ea: {  	v40 =	vadd.s32 $0xFF3CC013, v17;
	_ =	sdelay $0x3  }
0x8eb: {  	[tilespmem:v39+s21+$0x0] =	vst.idx.msk vm1, v19  }
0x8ec: {  	v41 =	vor.u32 $0x13, v18;
	v19 =	vld.idx.msk [tilespmem:v40+s23+$0x0], vm1  }
0x8ed: {  	v42 =	vadd.s32 $0xFF3CC014, v17;
	_ =	sdelay $0x3  }
0x8ee: {  	[tilespmem:v41+s21+$0x0] =	vst.idx.msk vm1, v19  }
0x8ef: {  	v43 =	vor.u32 $0x14, v18;
	v19 =	vld.idx.msk [tilespmem:v42+s23+$0x0], vm1  }
0x8f0: {  	v44 =	vadd.s32 $0xFF3CC015, v17;
	_ =	sdelay $0x3  }
0x8f1: {  	[tilespmem:v43+s21+$0x0] =	vst.idx.msk vm1, v19  }
0x8f2: {  	v45 =	vor.u32 $0x15, v18;
	v19 =	vld.idx.msk [tilespmem:v44+s23+$0x0], vm1  }
0x8f3: {  	v46 =	vadd.s32 $0xFF3CC016, v17;
	_ =	sdelay $0x3  }
0x8f4: {  	[tilespmem:v45+s21+$0x0] =	vst.idx.msk vm1, v19  }
0x8f5: {  	v47 =	vor.u32 $0x16, v18;
	v19 =	vld.idx.msk [tilespmem:v46+s23+$0x0], vm1  }
0x8f6: {  	v48 =	vadd.s32 $0xFF3CC017, v17;
	_ =	sdelay $0x3  }
0x8f7: {  	[tilespmem:v47+s21+$0x0] =	vst.idx.msk vm1, v19  }
0x8f8: {  	v49 =	vor.u32 $0x17, v18;
	v19 =	vld.idx.msk [tilespmem:v48+s23+$0x0], vm1  }
0x8f9: {  	v50 =	vadd.s32 $0xFF3CC018, v17;
	_ =	sdelay $0x3  }
0x8fa: {  	[tilespmem:v49+s21+$0x0] =	vst.idx.msk vm1, v19  }
0x8fb: {  	v51 =	vor.u32 $0x18, v18;
	v19 =	vld.idx.msk [tilespmem:v50+s23+$0x0], vm1  }
0x8fc: {  	v52 =	vadd.s32 $0xFF3CC019, v17;
	_ =	sdelay $0x3  }
0x8fd: {  	[tilespmem:v51+s21+$0x0] =	vst.idx.msk vm1, v19  }
0x8fe: {  	v53 =	vor.u32 $0x19, v18;
	v19 =	vld.idx.msk [tilespmem:v52+s23+$0x0], vm1  }
0x8ff: {  	v54 =	vadd.s32 $0xFF3CC01A, v17;
	_ =	sdelay $0x3  }
0x900: {  	[tilespmem:v53+s21+$0x0] =	vst.idx.msk vm1, v19  }
0x901: {  	v55 =	vor.u32 $0x1A, v18;
	v19 =	vld.idx.msk [tilespmem:v54+s23+$0x0], vm1  }
0x902: {  	v56 =	vadd.s32 $0xFF3CC01B, v17;
	_ =	sdelay $0x3  }
0x903: {  	[tilespmem:v55+s21+$0x0] =	vst.idx.msk vm1, v19  }
0x904: {  	v57 =	vor.u32 $0x1B, v18;
	v19 =	vld.idx.msk [tilespmem:v56+s23+$0x0], vm1  }
0x905: {  	v58 =	vadd.s32 $0xFF3CC01C, v17;
	_ =	sdelay $0x3  }
0x906: {  	[tilespmem:v57+s21+$0x0] =	vst.idx.msk vm1, v19  }
0x907: {  	v59 =	vor.u32 $0x1C, v18;
	v19 =	vld.idx.msk [tilespmem:v58+s23+$0x0], vm1  }
0x908: {  	v60 =	vadd.s32 $0xFF3CC01D, v17;
	_ =	sdelay $0x3  }
0x909: {  	[tilespmem:v59+s21+$0x0] =	vst.idx.msk vm1, v19  }
0x90a: {  	v61 =	vor.u32 $0x1D, v18;
	v19 =	vld.idx.msk [tilespmem:v60+s23+$0x0], vm1  }
0x90b: {  	v62 =	vadd.s32 $0xFF3CC01E, v17;
	_ =	sdelay $0x3  }
0x90c: {  	[tilespmem:v61+s21+$0x0] =	vst.idx.msk vm1, v19  }
0x90d: {  	v63 =	vor.u32 $0x1E, v18;
	v19 =	vld.idx.msk [tilespmem:v62+s23+$0x0], vm1  }
0x90e: {  	v17 =	vadd.s32 $0xFF3CC01F, v17;
	_ =	sdelay $0x3  }
0x90f: {  	[tilespmem:v63+s21+$0x0] =	vst.idx.msk vm1, v19  }
0x910: {  	v18 =	vor.u32 $0x1F, v18;
	v17 =	vld.idx.msk [tilespmem:v17+s23+$0x0], vm1;
	_ =	sdelay $0x4  }
0x911: {  	s28 =	sadd.s32 $0x1, s28;
	[tilespmem:v18+s21+$0x0] =	vst.idx.msk vm1, v17;
	(ifvalue) =	ssetifvalue $0xFFFFFFFF  }
0x912: {  	p1 =	sne.s32 s28, s24;
	(ifvalue) =	ssetifvalue $0xFFFFFFFF  }
0x913: {  	[hbm4b:s9+s15] =	stream.indirect.scatter [tilespmem:s21], [sflag:$0x1], $0x80, s22, s15, $0x40b8;
	[tilespmem:$0x1C180] =	vst v63  }
.Ltmp45:
0x914: {  	_ = 	snop;
	(pc) =	sbr.rel @p1 .LBB2_58-.Ltmp45, $4  }
.Ltmp46:
0x915: {  	_ = 	snop;
	(pc) =	sbr.rel @!p1 .LBB2_61-.Ltmp46, $4  }
0x916: {  	_ =	swait.ge [sflag:s17], $0x4000  }
0x917: {  	[sflag:s17] =	ssyncset.done $0x0  }
0x918: {  	s26 =	sadd.s32 $0x80, s26;
	[sflag:s17] =	ssyncadd.s32 $0xFFFFC000  }
0x919: {  	_ = 	snop  }
.LBB2_21:
.Ltmp47:
0x91a: {  	(pc) =	sbr.rel .LBB2_25-.Ltmp47, $2  }
0x91b: {  	_ =	sdelay $0x2  }
0x91c: {  	s26 =	simm.s32 $0x0;
	s24 =	simm.s32 $0x5100;
	s25 =	simm.s32 $0x0  }
.LBB2_51:
.Ltmp48:
0x91d: {  	(pc) =	sbr.rel .LBB2_55-.Ltmp48, $2  }
0x91e: {  	_ =	sdelay $0x2  }
0x91f: {  	s26 =	simm.s32 $0x0;
	s24 =	simm.s32 $0x5100;
	s25 =	simm.s32 $0x0  }
.LBB2_23:
.Ltmp49:
0x920: {  	(pc) =	sbr.rel .LBB2_25-.Ltmp49, $2  }
0x921: {  	_ =	sdelay $0x2  }
0x922: {  	s26 =	simm.s32 $0x0;
	s24 =	simm.s32 $0x5100;
	s25 =	simm.s32 $0x0  }
.LBB2_53:
.Ltmp50:
0x923: {  	(pc) =	sbr.rel .LBB2_55-.Ltmp50, $2  }
0x924: {  	_ =	sdelay $0x2  }
0x925: {  	s26 =	simm.s32 $0x0;
	s24 =	simm.s32 $0x5100;
	s25 =	simm.s32 $0x0  }
.LBB2_62:
0x926: {  	_ =	sfence.sel $0x180000  }
0x927: {  	[bflag:$0x0] =	sbarrier.arrive $0xFFFF  }
0x928: {  	_ =	strace $0x90000047  }
0x929: {  	s0 =	stileid.u32;
	[bflag:$0x2] =	sbarrier.arrive $0xFFFF  }
0x92a: {  	p0 =	sne.s32 s0, $0x0;
	s0 =	rddreg [dreg:$0x6]  }
0x92b: {  	s0 =	sadd.s32 @!p0 $0x100000, s0  }
0x92c: {  	[sflag:s0] =	ssyncadd.tile.s32 @!p0 $0x1;
	_ =	shalt  }
.Lfunc_end2:
_tile_overlayer_lowered:
.L_overlay_start_2:
0x92d: {  	(tag) =	ssettag $0x2  }
0x92e: {  	s0 =	rddreg [dreg:$0x0];
	s2 =	stileid.u32  }
0x92f: {  	s1 =	rddreg [dreg:$0x1];
	p0 =	sne.s32 s2, $0x0  }
0x930: {  	s3 =	rddreg [dreg:$0x2];
	[bflag:$0x3] =	sbarrier.arrive $0xFFFF;
	s2 =	simm.s32 @!p0 $0x1C02  }
0x931: {  	[timem:s3], [sflag:s2] =	dma.local @!p0 [hbm:s0], s1  }
0x932: {  	s0 =	simm.s32 @!p0 $0x2  }
0x933: {  	_ =	swait.ge @!p0 [sflag:s0], s1  }
0x934: {  	s1 =	ssub.s32 @!p0 $0x0, s1;
	[sflag:s0] =	ssyncset.done @!p0 $0x0  }
0x935: {  	[sflag:s0] =	ssyncadd.s32 @!p0 s1  }
0x936: {  	[bflag:$0x3] =	sbarrier.arrive $0xFFFF  }
0x937: {  	_ =	shalt  }

</sc_bundles>
